<compile_context>
chip_gen: v7x
topology: tpu7x:2x2x1
jax: 0.10.2.dev20260603
libtpu: 0.0.44.dev20260713+nightly
codegen_flags: <defaults>
</compile_context>

<pallas_src>
import dataclasses
import functools

import jax
import jax.numpy as jnp
from jax import lax
from jax.experimental import pallas as pl
from jax.experimental.pallas import tpu as pltpu
from jax.experimental.pallas import tpu_sc as plsc

B = 128
Q = 900
C = 80
N = Q * C
K = 300
KPAD = 304
L = 16
NV = N // L
NHALF = N // 2
NVH = NHALF // L
NP = 72192
NVP = NP // L
NGR = NVP // L
CAP = 4096
CAP2 = 512
NCORES = 2
NSUB = 16
NW = NCORES * NSUB
NCHUNK = 1
BCH = B // NCHUNK
ROWS_PER_W = BCH // NW
I32MIN = -2147483648
SPEC_THR = 2.0


def _mono(bits):
    return bits ^ (lax.shift_right_arithmetic(bits, 31) | jnp.int32(I32MIN))


def _sc_body(logits_hbm, boxes_hbm, lab_hbm, box_hbm, sco_hbm,
             row_v, boxrow_v, hist_v, shist_v,
             cand_f, cand_i, cand2_k, cand2_i, sort_k, sort_i,
             out_lab, out_box, out_sco):
    wid = lax.axis_index("c") * NSUB + lax.axis_index("s")
    lanes = lax.iota(jnp.int32, L)
    ones = jnp.ones((L,), jnp.int32)
    zeros = jnp.zeros((L,), jnp.int32)
    lane0 = lanes == 0
    dbias = plsc.scan_count(zeros)[0][0]

    @pl.loop(0, ROWS_PER_W)
    def _row(k):
        r = wid * ROWS_PER_W + k
        pltpu.sync_copy(logits_hbm.at[r], row_v)
        pltpu.sync_copy(boxes_hbm.at[r], boxrow_v)

        @plsc.parallel_loop(0, NV, carry=jnp.int32(0), unroll=16)
        def _scan(i, off):
            x = row_v[pl.ds(i * L, L)]
            m = x >= SPEC_THR
            idxv = i * L + lanes
            plsc.store_compressed(cand_i.at[pl.ds(off, L)], idxv, mask=m)
            cnt = plsc.all_reduce_population_count(m)[0]
            return jnp.minimum(off + cnt, CAP)

        n_spec = _scan

        def _fastpath(_):
            return n_spec

        def _fallback(_):
            @pl.loop(0, 256)
            def _z(j):
                hist_v[pl.ds(j * L, L)] = zeros

            @pl.loop(0, NV)
            def _p1(i):
                x = row_v[pl.ds(i * L, L)]
                mono = _mono(plsc.bitcast(x, jnp.int32))
                digit = lax.shift_right_logical(mono, 24)
                addr = lax.shift_left(digit, 4) | lanes
                plsc.addupdate_scatter(hist_v, [addr], ones)

            def _w_cond(c):
                return c[1] < K

            def _w_body(c):
                d, acc = c
                d = d - 1
                t = jnp.sum(hist_v[pl.ds(d * L, L)])
                return (d, acc + t)

            d0, _ = lax.while_loop(
                _w_cond, _w_body, (jnp.int32(256), jnp.int32(0)))

            def _p2(i, o):
                x = row_v[pl.ds(i * L, L)]
                mono = _mono(plsc.bitcast(x, jnp.int32))
                msk = lax.shift_right_logical(mono, 24) >= d0
                idxv = i * L + lanes
                plsc.store_compressed(cand_i.at[pl.ds(o, L)], idxv,
                                      mask=msk)
                cnt = plsc.all_reduce_population_count(msk)[0]
                return jnp.minimum(o + cnt, CAP)

            return lax.fori_loop(0, NV, _p2, jnp.int32(0))

        ok = (n_spec >= K) & (n_spec < CAP)
        n_cand = lax.cond(ok, _fastpath, _fallback, None)
        nv2 = lax.div(n_cand + (L - 1), jnp.int32(L))

        def _walk_cond(c):
            return c[1] < K

        def _boundary(acc_init):
            def _wa(c):
                g, acc, _ = c
                g = g - 1
                t = jnp.sum(shist_v[pl.ds(g * L, L)])
                return (g, acc + t, t)

            g0, accA, tg = lax.while_loop(
                _walk_cond, _wa, (jnp.int32(16), acc_init, jnp.int32(0)))

            def _wb(c):
                d, acc, _ = c
                d = d - 1
                t = jnp.sum(hist_v[pl.ds(d * L, L)])
                return (d, acc + t, t)

            return lax.while_loop(
                _walk_cond, _wb,
                (g0 * L + L, accA - tg, jnp.int32(0)))

        @plsc.parallel_loop(0, 256, unroll=8)
        def _z0(j):
            hist_v[pl.ds(j * L, L)] = zeros

        for j in range(16):
            shist_v[pl.ds(j * L, L)] = zeros

        @plsc.parallel_loop(0, nv2, unroll=4)
        def _h0(j):
            valid = (j * L + lanes) < n_cand
            idxg = jnp.clip(cand_i[pl.ds(j * L, L)], 0, N - 1)
            x = plsc.load_gather(row_v, [idxg], mask=valid)
            mono = _mono(plsc.bitcast(x, jnp.int32))
            cand_f[pl.ds(j * L, L)] = plsc.bitcast(mono, jnp.float32)
            digit = lax.shift_right_logical(mono, 24)
            addr = lax.shift_left(digit, 4) | lanes
            plsc.addupdate_scatter(hist_v, [addr], ones, mask=valid)
            addrc = (digit & 0xF0) | lanes
            plsc.addupdate_scatter(shist_v, [addrc], ones, mask=valid)

        d0, acc0, t_last = _boundary(jnp.int32(0))
        n_above0 = acc0 - t_last

        @plsc.parallel_loop(0, 256, unroll=8)
        def _z1(j):
            hist_v[pl.ds(j * L, L)] = zeros

        for j in range(16):
            shist_v[pl.ds(j * L, L)] = zeros

        @plsc.parallel_loop(0, nv2, unroll=4)
        def _h1(j):
            mono = plsc.bitcast(cand_f[pl.ds(j * L, L)], jnp.int32)
            valid = (j * L + lanes) < n_cand
            msk = (lax.shift_right_logical(mono, 24) == d0) & valid
            d1 = lax.shift_right_logical(mono, 16) & 255
            addr = lax.shift_left(d1, 4) | lanes
            plsc.addupdate_scatter(hist_v, [addr], ones, mask=msk)
            addrc = (d1 & 0xF0) | lanes
            plsc.addupdate_scatter(shist_v, [addrc], ones, mask=msk)

        d1f, _, _ = _boundary(n_above0)
        b16 = d0 * 256 + d1f

        @plsc.parallel_loop(0, nv2, carry=jnp.int32(0), unroll=4)
        def _p3(j, off):
            mono = plsc.bitcast(cand_f[pl.ds(j * L, L)], jnp.int32)
            idxv = cand_i[pl.ds(j * L, L)]
            valid = (j * L + lanes) < n_cand
            msk = (lax.shift_right_logical(mono, 16) >= b16) & valid
            plsc.store_compressed(cand2_k.at[pl.ds(off, L)], mono, mask=msk)
            plsc.store_compressed(cand2_i.at[pl.ds(off, L)], idxv, mask=msk)
            cnt = plsc.all_reduce_population_count(msk)[0]
            return jnp.minimum(off + cnt, CAP2)

        n2 = _p3
        nv3 = lax.div(n2 + (L - 1), jnp.int32(L))

        @plsc.parallel_loop(0, nv3, unroll=2)
        def _sig(j):
            mono = cand2_k[pl.ds(j * L, L)]
            t = lax.shift_right_arithmetic(mono, 31)
            bits = mono ^ ((t ^ jnp.int32(-1)) | jnp.int32(I32MIN))
            x = plsc.bitcast(bits, jnp.float32)
            s = 1.0 / (1.0 + jnp.exp(-x))
            cand2_k[pl.ds(j * L, L)] = plsc.bitcast(s, jnp.int32)

        def _mmx(j, c):
            u = cand2_k[pl.ds(j * L, L)]
            valid = (j * L + lanes) < n2
            b3 = lax.shift_right_logical(u, 24) & 255
            mn = jnp.min(jnp.where(valid, b3, 255))
            mx = jnp.max(jnp.where(valid, b3, 0))
            return (jnp.minimum(c[0], mn), jnp.maximum(c[1], mx))

        b3mn, b3mx = lax.fori_loop(0, nv3, _mmx,
                                   (jnp.int32(255), jnp.int32(0)))

        def _radix_pass(src_k, src_i, dst_k, dst_i, sh):
            @pl.loop(0, 16)
            def _zs(j):
                shist_v[pl.ds(j * L, L)] = zeros

            @pl.loop(0, nv3)
            def _hist(j):
                u = src_k[pl.ds(j * L, L)]
                valid = (j * L + lanes) < n2
                d = 255 - (lax.shift_right_logical(u, sh) & 255)
                dup, last = plsc.scan_count(d, mask=valid)
                base = plsc.load_gather(shist_v, [d])
                plsc.store_scatter(shist_v, [d], base + dup - dbias + 1,
                                   mask=valid & last)

            carry = jnp.int32(0)
            for g in range(16):
                v = shist_v[pl.ds(g * L, L)]
                incl = plsc.cumsum(v)
                shist_v[pl.ds(g * L, L)] = incl - v + carry
                carry = carry + jnp.sum(v)

            @pl.loop(0, nv3)
            def _scat(j):
                u = src_k[pl.ds(j * L, L)]
                ix = src_i[pl.ds(j * L, L)]
                valid = (j * L + lanes) < n2
                d = 255 - (lax.shift_right_logical(u, sh) & 255)
                dup, last = plsc.scan_count(d, mask=valid)
                base = plsc.load_gather(shist_v, [d])
                pos = base + dup - dbias
                plsc.store_scatter(dst_k, [pos], u, mask=valid)
                plsc.store_scatter(dst_i, [pos], ix, mask=valid)
                plsc.store_scatter(shist_v, [d], pos + 1, mask=valid & last)

        for p in range(4):
            src_k, src_i = (cand2_k, cand2_i) if p % 2 == 0 else (sort_k, sort_i)
            dst_k, dst_i = (sort_k, sort_i) if p % 2 == 0 else (cand2_k, cand2_i)
            if p < 3:
                _radix_pass(src_k, src_i, dst_k, dst_i, 8 * p)
            else:
                def _do(_):
                    _radix_pass(src_k, src_i, dst_k, dst_i, 24)
                    return jnp.int32(0)

                def _copy(_):
                    @plsc.parallel_loop(0, nv3, unroll=4)
                    def _cp(j):
                        dst_k[pl.ds(j * L, L)] = src_k[pl.ds(j * L, L)]
                        dst_i[pl.ds(j * L, L)] = src_i[pl.ds(j * L, L)]
                    return jnp.int32(0)

                lax.cond(b3mn == b3mx, _copy, _do, None)

        @plsc.parallel_loop(0, KPAD // L, unroll=2)
        def _out(j):
            sbits = cand2_k[pl.ds(j * L, L)]
            idxv = cand2_i[pl.ds(j * L, L)]
            score = plsc.bitcast(sbits, jnp.float32)
            qidx = lax.div(idxv, jnp.int32(C))
            labv = idxv - qidx * C
            qc = jnp.clip(qidx, 0, Q - 1)
            a0 = qc * 4
            cx = plsc.load_gather(boxrow_v, [a0])
            cy = plsc.load_gather(boxrow_v, [a0 + 1])
            w = plsc.load_gather(boxrow_v, [a0 + 2])
            h = plsc.load_gather(boxrow_v, [a0 + 3])
            out_sco[pl.ds(j * L, L)] = score
            out_lab[pl.ds(j * L, L)] = labv
            e4 = (j * L + lanes) * 4
            plsc.store_scatter(out_box, [e4], cx - 0.5 * w)
            plsc.store_scatter(out_box, [e4 + 1], cy - 0.5 * h)
            plsc.store_scatter(out_box, [e4 + 2], cx + 0.5 * w)
            plsc.store_scatter(out_box, [e4 + 3], cy + 0.5 * h)

        pltpu.sync_copy(out_lab, lab_hbm.at[r])
        pltpu.sync_copy(out_box, box_hbm.at[r])
        pltpu.sync_copy(out_sco, sco_hbm.at[r])


@jax.jit
def _sc_topk(logits_flat, boxes_flat):
    mesh = plsc.VectorSubcoreMesh(core_axis_name="c", subcore_axis_name="s")
    cp = pltpu.CompilerParams()
    if "needs_layout_passes" in pltpu.CompilerParams.__dataclass_fields__:
        cp = dataclasses.replace(cp, needs_layout_passes=False)
    f = pl.kernel(
        _sc_body,
        out_type=(
            jax.ShapeDtypeStruct((BCH, KPAD), jnp.int32),
            jax.ShapeDtypeStruct((BCH, KPAD * 4), jnp.float32),
            jax.ShapeDtypeStruct((BCH, KPAD), jnp.float32),
        ),
        mesh=mesh,
        scratch_types=[
            pltpu.VMEM((N,), jnp.float32),
            pltpu.VMEM((4 * Q,), jnp.float32),
            pltpu.VMEM((256 * L,), jnp.int32),
            pltpu.VMEM((256,), jnp.int32),
            pltpu.VMEM((CAP + L,), jnp.float32),
            pltpu.VMEM((CAP + L,), jnp.int32),
            pltpu.VMEM((CAP2 + L,), jnp.int32),
            pltpu.VMEM((CAP2 + L,), jnp.int32),
            pltpu.VMEM((CAP2 + L,), jnp.int32),
            pltpu.VMEM((CAP2 + L,), jnp.int32),
            pltpu.VMEM((KPAD,), jnp.int32),
            pltpu.VMEM((KPAD * 4,), jnp.float32),
            pltpu.VMEM((KPAD,), jnp.float32),
        ],
        compiler_params=cp,
    )
    return f(logits_flat, boxes_flat)


def kernel(pred_logits, pred_boxes):
    outs = []
    for c in range(NCHUNK):
        lo = c * BCH
        lp = pred_logits[lo:lo + BCH].reshape(BCH, N)
        bp = pred_boxes[lo:lo + BCH].reshape(BCH, 4 * Q)
        outs.append(_sc_topk(lp, bp))
    lab_p = jnp.concatenate([o[0] for o in outs], axis=0)
    box_p = jnp.concatenate([o[1] for o in outs], axis=0)
    sco_p = jnp.concatenate([o[2] for o in outs], axis=0)
    labels = lab_p[:, :K]
    boxes = box_p.reshape(B, KPAD, 4)[:, :K, :]
    scores = sco_p[:, :K]
    return (labels, boxes, scores)

# --- scband reference (transcript-rebuilt; emitter-appended) ---
"""Pipeline reference for scband-deploy-post-processor-47021301957490 (READ-ONLY COPY).

The authoritative reference and input builder live on the scoring server;
editing this copy changes nothing except your own understanding.
"""

import jax, jax.numpy as jnp
import numpy as np

NUM_CLASSES = 80
NUM_TOP_QUERIES = 300

def setup_inputs(seed: int = 0) -> dict:
    key = jax.random.key(seed)
    k1, k2 = jax.random.split(key)
    pred_logits = jax.random.normal(k1, (128, 900, 80), dtype=jnp.float32)
    pred_boxes = jax.random.uniform(k2, (128, 900, 4), dtype=jnp.float32)
    return {"pred_logits": pred_logits, "pred_boxes": pred_boxes}

def _box_cxcywh_to_xyxy(boxes):
    cx = boxes[..., 0]
    cy = boxes[..., 1]
    w = boxes[..., 2]
    h = boxes[..., 3]
    return jnp.stack([cx - 0.5 * w, cy - 0.5 * h, cx + 0.5 * w, cy + 0.5 * h], axis=-1)

def reference(pred_logits, pred_boxes):
    # use_focal_loss=True branch
    bbox_pred = _box_cxcywh_to_xyxy(pred_boxes)
    scores = jax.nn.sigmoid(pred_logits)
    B = scores.shape[0]
    flat = scores.reshape(B, -1)  # [B, Q*C]
    scores_topk, index = jax.lax.top_k(flat, NUM_TOP_QUERIES)  # [B, 300]
    # mod(a,b) = a - a//b*b for non-negative ints == a % b
    labels = index - (index // NUM_CLASSES) * NUM_CLASSES
    qidx = index // NUM_CLASSES  # [B, 300], query index
    # gather boxes: torch gather with index repeated on last dim
    boxes = jnp.take_along_axis(bbox_pred, qidx[..., None], axis=1)  # [B, 300, 4]
    return (labels, boxes, scores_topk)

if __name__ == "__main__":
    import jax
    _d = setup_inputs()
    print(jax.jit(kernel)(*tuple(_d.values())))

</pallas_src>

<mosaic_0001>
#map = affine_map<(d0, d1) -> (0, 0)>
module attributes {stable_mosaic.version = 14 : i64} {
  func.func @_sc_body(%arg0: i32, %arg1: i32, %arg2: memref<128x72000xf32, #tpu.memory_space<hbm>>, %arg3: memref<128x3600xf32, #tpu.memory_space<hbm>>, %arg4: memref<128x304xi32, #tpu.memory_space<hbm>>, %arg5: memref<128x1216xf32, #tpu.memory_space<hbm>>, %arg6: memref<128x304xf32, #tpu.memory_space<hbm>>, %arg7: memref<72000xf32, #tpu.memory_space<vmem>>, %arg8: memref<3600xf32, #tpu.memory_space<vmem>>, %arg9: memref<4096xi32, #tpu.memory_space<vmem>>, %arg10: memref<256xi32, #tpu.memory_space<vmem>>, %arg11: memref<4112xf32, #tpu.memory_space<vmem>>, %arg12: memref<4112xi32, #tpu.memory_space<vmem>>, %arg13: memref<528xi32, #tpu.memory_space<vmem>>, %arg14: memref<528xi32, #tpu.memory_space<vmem>>, %arg15: memref<528xi32, #tpu.memory_space<vmem>>, %arg16: memref<528xi32, #tpu.memory_space<vmem>>, %arg17: memref<304xi32, #tpu.memory_space<vmem>>, %arg18: memref<1216xf32, #tpu.memory_space<vmem>>, %arg19: memref<304xf32, #tpu.memory_space<vmem>>) attributes {dimension_semantics = [#tpu.dimension_semantics<core_parallel>, #tpu.dimension_semantics<subcore_parallel>], iteration_bounds = array<i64: 2, 16>, scalar_prefetch = 0 : i64, scratch_operands = 13 : i64, tpu.core_type = #tpu.core_type<sc_vector_subcore>, window_params = [{transform_indices = #map}, {transform_indices = #map}, {transform_indices = #map}, {transform_indices = #map}, {transform_indices = #map}]} {
    %mul3A = arith.constant 16 : i32
    %mul3A_0 = arith.muli %arg0, %mul3A : i32
    %add3A = arith.addi %mul3A_0, %arg1 : i32
    %iota3A = tpu.iota {dimensions = array<i32: 0>} : vector<16xi32>
    %broadcast_in_dim3A = arith.constant 1 : i32
    %broadcast_in_dim3A_1 = vector.broadcast %broadcast_in_dim3A : i32 to vector<16xi32>
    %broadcast_in_dim3A_2 = arith.constant 0 : i32
    %broadcast_in_dim3A_3 = vector.broadcast %broadcast_in_dim3A_2 : i32 to vector<16xi32>
    %eq3A = arith.constant 0 : i32
    %eq3A_4 = vector.broadcast %eq3A : i32 to vector<16xi32>
    %eq3A_5 = arith.cmpi eq, %iota3A, %eq3A_4 : vector<16xi32>
    %broadcast_in_dim3A_6 = arith.constant true
    %broadcast_in_dim3A_7 = vector.broadcast %broadcast_in_dim3A_6 : i1 to vector<16xi1>
    %unique3A, %unique3A_8 = tpu.scan_count mask(%broadcast_in_dim3A_7 : vector<16xi1>) value(%broadcast_in_dim3A_3 : vector<16xi32>) : vector<16xi1>, vector<16xi32>
    %slice3A = vector.extract_strided_slice %unique3A_8 {offsets = [0], sizes = [1], strides = [1]} : vector<16xi32> to vector<1xi32>
    %squeeze3A = vector.extract %slice3A[0] : i32 from vector<1xi32>
    %scan3A = arith.constant 0 : i32
    %scan3A_9 = arith.constant 4 : i32
    %scan3A_10 = arith.addi %scan3A, %scan3A_9 : i32
    %scan3A_11 = arith.constant 1 : i32
    scf.for %scan3A_13 = %scan3A to %scan3A_10 step %scan3A_11  : i32 {
      %mul3A_14 = arith.constant 1 : i32
      %mul3A_15 = arith.muli %scan3A_13, %mul3A_14 : i32
      %add3A_16 = arith.constant 0 : i32
      %add3A_17 = arith.addi %add3A_16, %mul3A_15 : i32
      %mul3A_18 = arith.constant 4 : i32
      %mul3A_19 = arith.muli %add3A, %mul3A_18 : i32
      %add3A_20 = arith.addi %mul3A_19, %add3A_17 : i32
      "tpu.region"() ({
        %run_scoped3A = tpu.sem_alloc : memref<!tpu.dma_semaphore, #tpu.memory_space<semaphore_mem>>
        %dma_start3A = arith.constant 0 : i32
        %dma_start3A_1011 = tpu.memref_slice %arg2[%add3A_20, %dma_start3A] : memref<128x72000xf32, #tpu.memory_space<hbm>> -> memref<1x72000xf32, #tpu.memory_space<hbm>>
        %dma_start3A_1012 = tpu.memref_squeeze %dma_start3A_1011 : memref<1x72000xf32, #tpu.memory_space<hbm>> -> memref<72000xf32, #tpu.memory_space<hbm>>
        %dma_start3A_1013 = arith.constant 0 : i32
        %dma_start3A_1014 = tpu.memref_slice %arg2[%add3A_20, %dma_start3A_1013] : memref<128x72000xf32, #tpu.memory_space<hbm>> -> memref<1x72000xf32, #tpu.memory_space<hbm>>
        %dma_start3A_1015 = tpu.memref_squeeze %dma_start3A_1014 : memref<1x72000xf32, #tpu.memory_space<hbm>> -> memref<72000xf32, #tpu.memory_space<hbm>>
        tpu.enqueue_dma source(%dma_start3A_1015 : memref<72000xf32, #tpu.memory_space<hbm>>) target(%arg7 : memref<72000xf32, #tpu.memory_space<vmem>>) target_semaphore(%run_scoped3A : memref<!tpu.dma_semaphore, #tpu.memory_space<semaphore_mem>>)
        %dma_wait3A = arith.constant 0 : i32
        %dma_wait3A_1016 = tpu.memref_slice %arg2[%add3A_20, %dma_wait3A] : memref<128x72000xf32, #tpu.memory_space<hbm>> -> memref<1x72000xf32, #tpu.memory_space<hbm>>
        %dma_wait3A_1017 = tpu.memref_squeeze %dma_wait3A_1016 : memref<1x72000xf32, #tpu.memory_space<hbm>> -> memref<72000xf32, #tpu.memory_space<hbm>>
        %dma_wait3A_1018 = arith.constant 0 : i32
        %dma_wait3A_1019 = tpu.memref_slice %arg2[%add3A_20, %dma_wait3A_1018] : memref<128x72000xf32, #tpu.memory_space<hbm>> -> memref<1x72000xf32, #tpu.memory_space<hbm>>
        %dma_wait3A_1020 = tpu.memref_squeeze %dma_wait3A_1019 : memref<1x72000xf32, #tpu.memory_space<hbm>> -> memref<72000xf32, #tpu.memory_space<hbm>>
        tpu.wait_dma2 semaphore(%run_scoped3A : memref<!tpu.dma_semaphore, #tpu.memory_space<semaphore_mem>>) src(%dma_wait3A_1020 : memref<72000xf32, #tpu.memory_space<hbm>>) dst(%arg7 : memref<72000xf32, #tpu.memory_space<vmem>>)
        tpu.yield
      }) : () -> ()
      "tpu.region"() ({
        %run_scoped3A = tpu.sem_alloc : memref<!tpu.dma_semaphore, #tpu.memory_space<semaphore_mem>>
        %dma_start3A = arith.constant 0 : i32
        %dma_start3A_1011 = tpu.memref_slice %arg3[%add3A_20, %dma_start3A] : memref<128x3600xf32, #tpu.memory_space<hbm>> -> memref<1x3600xf32, #tpu.memory_space<hbm>>
        %dma_start3A_1012 = tpu.memref_squeeze %dma_start3A_1011 : memref<1x3600xf32, #tpu.memory_space<hbm>> -> memref<3600xf32, #tpu.memory_space<hbm>>
        %dma_start3A_1013 = arith.constant 0 : i32
        %dma_start3A_1014 = tpu.memref_slice %arg3[%add3A_20, %dma_start3A_1013] : memref<128x3600xf32, #tpu.memory_space<hbm>> -> memref<1x3600xf32, #tpu.memory_space<hbm>>
        %dma_start3A_1015 = tpu.memref_squeeze %dma_start3A_1014 : memref<1x3600xf32, #tpu.memory_space<hbm>> -> memref<3600xf32, #tpu.memory_space<hbm>>
        tpu.enqueue_dma source(%dma_start3A_1015 : memref<3600xf32, #tpu.memory_space<hbm>>) target(%arg8 : memref<3600xf32, #tpu.memory_space<vmem>>) target_semaphore(%run_scoped3A : memref<!tpu.dma_semaphore, #tpu.memory_space<semaphore_mem>>)
        %dma_wait3A = arith.constant 0 : i32
        %dma_wait3A_1016 = tpu.memref_slice %arg3[%add3A_20, %dma_wait3A] : memref<128x3600xf32, #tpu.memory_space<hbm>> -> memref<1x3600xf32, #tpu.memory_space<hbm>>
        %dma_wait3A_1017 = tpu.memref_squeeze %dma_wait3A_1016 : memref<1x3600xf32, #tpu.memory_space<hbm>> -> memref<3600xf32, #tpu.memory_space<hbm>>
        %dma_wait3A_1018 = arith.constant 0 : i32
        %dma_wait3A_1019 = tpu.memref_slice %arg3[%add3A_20, %dma_wait3A_1018] : memref<128x3600xf32, #tpu.memory_space<hbm>> -> memref<1x3600xf32, #tpu.memory_space<hbm>>
        %dma_wait3A_1020 = tpu.memref_squeeze %dma_wait3A_1019 : memref<1x3600xf32, #tpu.memory_space<hbm>> -> memref<3600xf32, #tpu.memory_space<hbm>>
        tpu.wait_dma2 semaphore(%run_scoped3A : memref<!tpu.dma_semaphore, #tpu.memory_space<semaphore_mem>>) src(%dma_wait3A_1020 : memref<3600xf32, #tpu.memory_space<hbm>>) dst(%arg8 : memref<3600xf32, #tpu.memory_space<vmem>>)
        tpu.yield
      }) : () -> ()
      %parallel_loop3A = arith.constant 0 : i32
      %parallel_loop3A_21 = arith.constant 4500 : i32
      %parallel_loop3A_22 = arith.constant 1 : i32
      %parallel_loop3A_23 = arith.constant 0 : i32
      %parallel_loop3A_24 = scf.for %parallel_loop3A_1011 = %parallel_loop3A to %parallel_loop3A_21 step %parallel_loop3A_22 iter_args(%parallel_loop3A_1012 = %parallel_loop3A_23) -> (i32)  : i32 {
        %parallel_loop3A_1013 = arith.constant 16 : i32
        %parallel_loop3A_1014 = arith.muli %parallel_loop3A_1011, %parallel_loop3A_1013 : i32
        %parallel_loop3A_1015 = arith.index_cast %parallel_loop3A_1014 : i32 to index
        %parallel_loop3A_1016 = tpu.vector_load %arg7[%parallel_loop3A_1015] {strides = array<i32>} : memref<72000xf32, #tpu.memory_space<vmem>>, vector<16xf32>,
        %parallel_loop3A_1017 = arith.constant 2.000000e+00 : f32
        %parallel_loop3A_1018 = vector.broadcast %parallel_loop3A_1017 : f32 to vector<16xf32>
        %parallel_loop3A_1019 = arith.cmpf oge, %parallel_loop3A_1016, %parallel_loop3A_1018 : vector<16xf32>
        %parallel_loop3A_1020 = arith.constant 16 : i32
        %parallel_loop3A_1021 = arith.muli %parallel_loop3A_1011, %parallel_loop3A_1020 : i32
        %parallel_loop3A_1022 = vector.broadcast %parallel_loop3A_1021 : i32 to vector<16xi32>
        %parallel_loop3A_1023 = arith.addi %parallel_loop3A_1022, %iota3A : vector<16xi32>
        %parallel_loop3A_1024 = arith.index_cast %parallel_loop3A_1012 : i32 to index
        %parallel_loop3A_1025 = tpu.vector_load %arg12[%parallel_loop3A_1024] masked %parallel_loop3A_1019 {strides = array<i32>} : memref<4112xi32, #tpu.memory_space<vmem>>, vector<16xi32>, vector<16xi1>
        tpu.vector_store %arg12[%parallel_loop3A_1024], %parallel_loop3A_1023 masked %parallel_loop3A_1019 {strides = array<i32>} : memref<4112xi32, #tpu.memory_space<vmem>>, vector<16xi32>, vector<16xi1>
        %parallel_loop3A_1026 = tpu.all_reduce %parallel_loop3A_1019 {dim = 0 : i64, kind = #tpu.reduction_kind<sum>} : vector<16xi1> -> vector<16xi32>
        %parallel_loop3A_1027 = vector.extract_strided_slice %parallel_loop3A_1026 {offsets = [0], sizes = [1], strides = [1]} : vector<16xi32> to vector<1xi32>
        %parallel_loop3A_1028 = vector.extract %parallel_loop3A_1027[0] : i32 from vector<1xi32>
        %parallel_loop3A_1029 = arith.addi %parallel_loop3A_1012, %parallel_loop3A_1028 : i32
        %parallel_loop3A_1030 = arith.constant 4096 : i32
        %parallel_loop3A_1031 = arith.minsi %parallel_loop3A_1029, %parallel_loop3A_1030 : i32
        scf.yield %parallel_loop3A_1031 : i32
      } {sc.loop_unroll_factor = 16 : i64, sc.parallel_access}
      %ge3A = arith.constant 300 : i32
      %ge3A_25 = arith.cmpi sge, %parallel_loop3A_24, %ge3A : i32
      %lt3A = arith.constant 4096 : i32
      %lt3A_26 = arith.cmpi slt, %parallel_loop3A_24, %lt3A : i32
      %and3A = arith.andi %ge3A_25, %lt3A_26 : i1
      %convert_element_type3A = arith.extui %and3A : i1 to i32
      %cond3A = arith.constant 0 : i32
      %cond3A_27 = arith.cmpi ne, %convert_element_type3A, %cond3A : i32
      %cond3A_28 = scf.if %cond3A_27 -> (i32) {
        scf.yield %parallel_loop3A_24 : i32
      } else {
        %scan3A_1011 = arith.constant 0 : i32
        %scan3A_1012 = arith.constant 256 : i32
        %scan3A_1013 = arith.addi %scan3A_1011, %scan3A_1012 : i32
        %scan3A_1014 = arith.constant 1 : i32
        scf.for %scan3A_1031 = %scan3A_1011 to %scan3A_1013 step %scan3A_1014  : i32 {
          %mul3A_1032 = arith.constant 1 : i32
          %mul3A_1033 = arith.muli %scan3A_1031, %mul3A_1032 : i32
          %add3A_1034 = arith.constant 0 : i32
          %add3A_1035 = arith.addi %add3A_1034, %mul3A_1033 : i32
          %mul3A_1036 = arith.constant 16 : i32
          %mul3A_1037 = arith.muli %add3A_1035, %mul3A_1036 : i32
          %swap3A_1038 = arith.index_cast %mul3A_1037 : i32 to index
          %swap3A_1039 = tpu.vector_load %arg9[%swap3A_1038] {strides = array<i32>} : memref<4096xi32, #tpu.memory_space<vmem>>, vector<16xi32>,
          tpu.vector_store %arg9[%swap3A_1038], %broadcast_in_dim3A_3 {strides = array<i32>} : memref<4096xi32, #tpu.memory_space<vmem>>, vector<16xi32>,
        }
        %scan3A_1015 = arith.constant 256 : i32
        %scan3A_1016 = arith.constant 0 : i32
        %scan3A_1017 = arith.constant 4500 : i32
        %scan3A_1018 = arith.addi %scan3A_1016, %scan3A_1017 : i32
        %scan3A_1019 = arith.constant 1 : i32
        scf.for %scan3A_1031 = %scan3A_1016 to %scan3A_1018 step %scan3A_1019  : i32 {
          %mul3A_1032 = arith.constant 1 : i32
          %mul3A_1033 = arith.muli %scan3A_1031, %mul3A_1032 : i32
          %add3A_1034 = arith.constant 0 : i32
          %add3A_1035 = arith.addi %add3A_1034, %mul3A_1033 : i32
          %mul3A_1036 = arith.constant 16 : i32
          %mul3A_1037 = arith.muli %add3A_1035, %mul3A_1036 : i32
          %get3A_1038 = arith.index_cast %mul3A_1037 : i32 to index
          %get3A_1039 = tpu.vector_load %arg7[%get3A_1038] {strides = array<i32>} : memref<72000xf32, #tpu.memory_space<vmem>>, vector<16xf32>,
          %bitcast3A = vector.bitcast %get3A_1039 : vector<16xf32> to vector<16xi32>
          %shift_right_arithmetic3A = arith.constant 31 : i32
          %shift_right_arithmetic3A_1040 = vector.broadcast %shift_right_arithmetic3A : i32 to vector<16xi32>
          %shift_right_arithmetic3A_1041 = arith.shrsi %bitcast3A, %shift_right_arithmetic3A_1040 : vector<16xi32>
          %or3A = arith.constant -2147483648 : i32
          %or3A_1042 = vector.broadcast %or3A : i32 to vector<16xi32>
          %or3A_1043 = arith.ori %shift_right_arithmetic3A_1041, %or3A_1042 : vector<16xi32>
          %xor3A = arith.xori %bitcast3A, %or3A_1043 : vector<16xi32>
          %shift_right_logical3A = arith.constant 24 : i32
          %shift_right_logical3A_1044 = vector.broadcast %shift_right_logical3A : i32 to vector<16xi32>
          %shift_right_logical3A_1045 = arith.shrui %xor3A, %shift_right_logical3A_1044 : vector<16xi32>
          %shift_left3A = arith.constant 4 : i32
          %shift_left3A_1046 = vector.broadcast %shift_left3A : i32 to vector<16xi32>
          %shift_left3A_1047 = arith.shli %shift_right_logical3A_1045, %shift_left3A_1046 : vector<16xi32>
          %or3A_1048 = arith.ori %shift_left3A_1047, %iota3A : vector<16xi32>
          tpu.vector_store_idx %arg9[%or3A_1048], %broadcast_in_dim3A_1 {add = true} : memref<4096xi32, #tpu.memory_space<vmem>>[vector<16xi32>], vector<16xi32>,
        }
        %scan3A_1020 = arith.constant 4500 : i32
        %while3A_1021 = arith.constant 256 : i32
        %while3A_1022 = arith.constant 0 : i32
        %while3A_1023:2 = scf.while (%while3A_1031 = %while3A_1021, %while3A_1032 = %while3A_1022) : (i32, i32) -> (i32, i32) {
          %lt3A_1033 = arith.constant 300 : i32
          %lt3A_1034 = arith.cmpi slt, %while3A_1032, %lt3A_1033 : i32
          scf.condition(%lt3A_1034) %while3A_1031, %while3A_1032 : i32, i32
        } do {
        ^bb0(%while3A_1031: i32, %while3A_1032: i32):
          %sub3A_1033 = arith.constant 1 : i32
          %sub3A_1034 = arith.subi %while3A_1031, %sub3A_1033 : i32
          %mul3A_1035 = arith.constant 16 : i32
          %mul3A_1036 = arith.muli %sub3A_1034, %mul3A_1035 : i32
          %get3A_1037 = arith.index_cast %mul3A_1036 : i32 to index
          %get3A_1038 = tpu.vector_load %arg9[%get3A_1037] {strides = array<i32>} : memref<4096xi32, #tpu.memory_space<vmem>>, vector<16xi32>,
          %reduce_sum3A_1039 = arith.constant true
          %reduce_sum3A_1040 = vector.broadcast %reduce_sum3A_1039 : i1 to vector<16xi1>
          %reduce_sum3A_1041 = tpu.scan <sum>, %get3A_1038 masked %reduce_sum3A_1040 : vector<16xi32>, vector<16xi1> -> vector<16xi32>
          %reduce_sum3A_1042 = vector.extract %reduce_sum3A_1041[15] : i32 from vector<16xi32>
          %add3A_1043 = arith.addi %while3A_1032, %reduce_sum3A_1042 : i32
          scf.yield %sub3A_1034, %add3A_1043 : i32, i32
        }
        %scan3A_1024 = arith.constant 0 : i32
        %scan3A_1025 = arith.constant 0 : i32
        %scan3A_1026 = arith.constant 4500 : i32
        %scan3A_1027 = arith.addi %scan3A_1025, %scan3A_1026 : i32
        %scan3A_1028 = arith.constant 1 : i32
        %scan3A_1029 = scf.for %scan3A_1031 = %scan3A_1025 to %scan3A_1027 step %scan3A_1028 iter_args(%scan3A_1032 = %scan3A_1024) -> (i32)  : i32 {
          %mul3A_1033 = arith.constant 16 : i32
          %mul3A_1034 = arith.muli %scan3A_1031, %mul3A_1033 : i32
          %get3A_1035 = arith.index_cast %mul3A_1034 : i32 to index
          %get3A_1036 = tpu.vector_load %arg7[%get3A_1035] {strides = array<i32>} : memref<72000xf32, #tpu.memory_space<vmem>>, vector<16xf32>,
          %bitcast3A = vector.bitcast %get3A_1036 : vector<16xf32> to vector<16xi32>
          %shift_right_arithmetic3A = arith.constant 31 : i32
          %shift_right_arithmetic3A_1037 = vector.broadcast %shift_right_arithmetic3A : i32 to vector<16xi32>
          %shift_right_arithmetic3A_1038 = arith.shrsi %bitcast3A, %shift_right_arithmetic3A_1037 : vector<16xi32>
          %or3A = arith.constant -2147483648 : i32
          %or3A_1039 = vector.broadcast %or3A : i32 to vector<16xi32>
          %or3A_1040 = arith.ori %shift_right_arithmetic3A_1038, %or3A_1039 : vector<16xi32>
          %xor3A = arith.xori %bitcast3A, %or3A_1040 : vector<16xi32>
          %shift_right_logical3A = arith.constant 24 : i32
          %shift_right_logical3A_1041 = vector.broadcast %shift_right_logical3A : i32 to vector<16xi32>
          %shift_right_logical3A_1042 = arith.shrui %xor3A, %shift_right_logical3A_1041 : vector<16xi32>
          %ge3A_1043 = vector.broadcast %while3A_1023#0 : i32 to vector<16xi32>
          %ge3A_1044 = arith.cmpi sge, %shift_right_logical3A_1042, %ge3A_1043 : vector<16xi32>
          %mul3A_1045 = arith.constant 16 : i32
          %mul3A_1046 = arith.muli %scan3A_1031, %mul3A_1045 : i32
          %add3A_1047 = vector.broadcast %mul3A_1046 : i32 to vector<16xi32>
          %add3A_1048 = arith.addi %add3A_1047, %iota3A : vector<16xi32>
          %swap3A_1049 = arith.index_cast %scan3A_1032 : i32 to index
          %swap3A_1050 = tpu.vector_load %arg12[%swap3A_1049] masked %ge3A_1044 {strides = array<i32>} : memref<4112xi32, #tpu.memory_space<vmem>>, vector<16xi32>, vector<16xi1>
          tpu.vector_store %arg12[%swap3A_1049], %add3A_1048 masked %ge3A_1044 {strides = array<i32>} : memref<4112xi32, #tpu.memory_space<vmem>>, vector<16xi32>, vector<16xi1>
          %all_reduce_population_count3A = tpu.all_reduce %ge3A_1044 {dim = 0 : i64, kind = #tpu.reduction_kind<sum>} : vector<16xi1> -> vector<16xi32>
          %slice3A_1051 = vector.extract_strided_slice %all_reduce_population_count3A {offsets = [0], sizes = [1], strides = [1]} : vector<16xi32> to vector<1xi32>
          %squeeze3A_1052 = vector.extract %slice3A_1051[0] : i32 from vector<1xi32>
          %add3A_1053 = arith.addi %scan3A_1032, %squeeze3A_1052 : i32
          %min3A = arith.constant 4096 : i32
          %min3A_1054 = arith.minsi %add3A_1053, %min3A : i32
          scf.yield %min3A_1054 : i32
        }
        %scan3A_1030 = arith.constant 4500 : i32
        scf.yield %scan3A_1029 : i32
      }
      %add3A_29 = arith.constant 15 : i32
      %add3A_30 = arith.addi %cond3A_28, %add3A_29 : i32
      %div3A = arith.constant 16 : i32
      %div3A_31 = arith.divsi %add3A_30, %div3A : i32
      %parallel_loop3A_32 = arith.constant 0 : i32
      %parallel_loop3A_33 = arith.constant 256 : i32
      %parallel_loop3A_34 = arith.constant 1 : i32
      scf.for %parallel_loop3A_1011 = %parallel_loop3A_32 to %parallel_loop3A_33 step %parallel_loop3A_34  : i32 {
        %parallel_loop3A_1012 = arith.constant 16 : i32
        %parallel_loop3A_1013 = arith.muli %parallel_loop3A_1011, %parallel_loop3A_1012 : i32
        %parallel_loop3A_1014 = arith.index_cast %parallel_loop3A_1013 : i32 to index
        %parallel_loop3A_1015 = tpu.vector_load %arg9[%parallel_loop3A_1014] {strides = array<i32>} : memref<4096xi32, #tpu.memory_space<vmem>>, vector<16xi32>,
        tpu.vector_store %arg9[%parallel_loop3A_1014], %broadcast_in_dim3A_3 {strides = array<i32>} : memref<4096xi32, #tpu.memory_space<vmem>>, vector<16xi32>,
      } {sc.loop_unroll_factor = 8 : i64, sc.parallel_access}
      %swap3A = arith.constant 0 : index
      %swap3A_35 = tpu.vector_load %arg10[%swap3A] {strides = array<i32>} : memref<256xi32, #tpu.memory_space<vmem>>, vector<16xi32>,
      tpu.vector_store %arg10[%swap3A], %broadcast_in_dim3A_3 {strides = array<i32>} : memref<256xi32, #tpu.memory_space<vmem>>, vector<16xi32>,
      %swap3A_36 = arith.constant 16 : index
      %swap3A_37 = tpu.vector_load %arg10[%swap3A_36] {strides = array<i32>} : memref<256xi32, #tpu.memory_space<vmem>>, vector<16xi32>,
      tpu.vector_store %arg10[%swap3A_36], %broadcast_in_dim3A_3 {strides = array<i32>} : memref<256xi32, #tpu.memory_space<vmem>>, vector<16xi32>,
      %swap3A_38 = arith.constant 32 : index
      %swap3A_39 = tpu.vector_load %arg10[%swap3A_38] {strides = array<i32>} : memref<256xi32, #tpu.memory_space<vmem>>, vector<16xi32>,
      tpu.vector_store %arg10[%swap3A_38], %broadcast_in_dim3A_3 {strides = array<i32>} : memref<256xi32, #tpu.memory_space<vmem>>, vector<16xi32>,
      %swap3A_40 = arith.constant 48 : index
      %swap3A_41 = tpu.vector_load %arg10[%swap3A_40] {strides = array<i32>} : memref<256xi32, #tpu.memory_space<vmem>>, vector<16xi32>,
      tpu.vector_store %arg10[%swap3A_40], %broadcast_in_dim3A_3 {strides = array<i32>} : memref<256xi32, #tpu.memory_space<vmem>>, vector<16xi32>,
      %swap3A_42 = arith.constant 64 : index
      %swap3A_43 = tpu.vector_load %arg10[%swap3A_42] {strides = array<i32>} : memref<256xi32, #tpu.memory_space<vmem>>, vector<16xi32>,
      tpu.vector_store %arg10[%swap3A_42], %broadcast_in_dim3A_3 {strides = array<i32>} : memref<256xi32, #tpu.memory_space<vmem>>, vector<16xi32>,
      %swap3A_44 = arith.constant 80 : index
      %swap3A_45 = tpu.vector_load %arg10[%swap3A_44] {strides = array<i32>} : memref<256xi32, #tpu.memory_space<vmem>>, vector<16xi32>,
      tpu.vector_store %arg10[%swap3A_44], %broadcast_in_dim3A_3 {strides = array<i32>} : memref<256xi32, #tpu.memory_space<vmem>>, vector<16xi32>,
      %swap3A_46 = arith.constant 96 : index
      %swap3A_47 = tpu.vector_load %arg10[%swap3A_46] {strides = array<i32>} : memref<256xi32, #tpu.memory_space<vmem>>, vector<16xi32>,
      tpu.vector_store %arg10[%swap3A_46], %broadcast_in_dim3A_3 {strides = array<i32>} : memref<256xi32, #tpu.memory_space<vmem>>, vector<16xi32>,
      %swap3A_48 = arith.constant 112 : index
      %swap3A_49 = tpu.vector_load %arg10[%swap3A_48] {strides = array<i32>} : memref<256xi32, #tpu.memory_space<vmem>>, vector<16xi32>,
      tpu.vector_store %arg10[%swap3A_48], %broadcast_in_dim3A_3 {strides = array<i32>} : memref<256xi32, #tpu.memory_space<vmem>>, vector<16xi32>,
      %swap3A_50 = arith.constant 128 : index
      %swap3A_51 = tpu.vector_load %arg10[%swap3A_50] {strides = array<i32>} : memref<256xi32, #tpu.memory_space<vmem>>, vector<16xi32>,
      tpu.vector_store %arg10[%swap3A_50], %broadcast_in_dim3A_3 {strides = array<i32>} : memref<256xi32, #tpu.memory_space<vmem>>, vector<16xi32>,
      %swap3A_52 = arith.constant 144 : index
      %swap3A_53 = tpu.vector_load %arg10[%swap3A_52] {strides = array<i32>} : memref<256xi32, #tpu.memory_space<vmem>>, vector<16xi32>,
      tpu.vector_store %arg10[%swap3A_52], %broadcast_in_dim3A_3 {strides = array<i32>} : memref<256xi32, #tpu.memory_space<vmem>>, vector<16xi32>,
      %swap3A_54 = arith.constant 160 : index
      %swap3A_55 = tpu.vector_load %arg10[%swap3A_54] {strides = array<i32>} : memref<256xi32, #tpu.memory_space<vmem>>, vector<16xi32>,
      tpu.vector_store %arg10[%swap3A_54], %broadcast_in_dim3A_3 {strides = array<i32>} : memref<256xi32, #tpu.memory_space<vmem>>, vector<16xi32>,
      %swap3A_56 = arith.constant 176 : index
      %swap3A_57 = tpu.vector_load %arg10[%swap3A_56] {strides = array<i32>} : memref<256xi32, #tpu.memory_space<vmem>>, vector<16xi32>,
      tpu.vector_store %arg10[%swap3A_56], %broadcast_in_dim3A_3 {strides = array<i32>} : memref<256xi32, #tpu.memory_space<vmem>>, vector<16xi32>,
      %swap3A_58 = arith.constant 192 : index
      %swap3A_59 = tpu.vector_load %arg10[%swap3A_58] {strides = array<i32>} : memref<256xi32, #tpu.memory_space<vmem>>, vector<16xi32>,
      tpu.vector_store %arg10[%swap3A_58], %broadcast_in_dim3A_3 {strides = array<i32>} : memref<256xi32, #tpu.memory_space<vmem>>, vector<16xi32>,
      %swap3A_60 = arith.constant 208 : index
      %swap3A_61 = tpu.vector_load %arg10[%swap3A_60] {strides = array<i32>} : memref<256xi32, #tpu.memory_space<vmem>>, vector<16xi32>,
      tpu.vector_store %arg10[%swap3A_60], %broadcast_in_dim3A_3 {strides = array<i32>} : memref<256xi32, #tpu.memory_space<vmem>>, vector<16xi32>,
      %swap3A_62 = arith.constant 224 : index
      %swap3A_63 = tpu.vector_load %arg10[%swap3A_62] {strides = array<i32>} : memref<256xi32, #tpu.memory_space<vmem>>, vector<16xi32>,
      tpu.vector_store %arg10[%swap3A_62], %broadcast_in_dim3A_3 {strides = array<i32>} : memref<256xi32, #tpu.memory_space<vmem>>, vector<16xi32>,
      %swap3A_64 = arith.constant 240 : index
      %swap3A_65 = tpu.vector_load %arg10[%swap3A_64] {strides = array<i32>} : memref<256xi32, #tpu.memory_space<vmem>>, vector<16xi32>,
      tpu.vector_store %arg10[%swap3A_64], %broadcast_in_dim3A_3 {strides = array<i32>} : memref<256xi32, #tpu.memory_space<vmem>>, vector<16xi32>,
      %parallel_loop3A_66 = arith.constant 0 : i32
      %parallel_loop3A_67 = arith.constant 1 : i32
      scf.for %parallel_loop3A_1011 = %parallel_loop3A_66 to %div3A_31 step %parallel_loop3A_67  : i32 {
        %parallel_loop3A_1012 = arith.constant 16 : i32
        %parallel_loop3A_1013 = arith.muli %parallel_loop3A_1011, %parallel_loop3A_1012 : i32
        %parallel_loop3A_1014 = vector.broadcast %parallel_loop3A_1013 : i32 to vector<16xi32>
        %parallel_loop3A_1015 = arith.addi %parallel_loop3A_1014, %iota3A : vector<16xi32>
        %parallel_loop3A_1016 = vector.broadcast %cond3A_28 : i32 to vector<16xi32>
        %parallel_loop3A_1017 = arith.cmpi slt, %parallel_loop3A_1015, %parallel_loop3A_1016 : vector<16xi32>
        %parallel_loop3A_1018 = arith.constant 16 : i32
        %parallel_loop3A_1019 = arith.muli %parallel_loop3A_1011, %parallel_loop3A_1018 : i32
        %parallel_loop3A_1020 = arith.index_cast %parallel_loop3A_1019 : i32 to index
        %parallel_loop3A_1021 = tpu.vector_load %arg12[%parallel_loop3A_1020] {strides = array<i32>} : memref<4112xi32, #tpu.memory_space<vmem>>, vector<16xi32>,
        %parallel_loop3A_1022 = arith.constant 0 : i32
        %parallel_loop3A_1023 = arith.constant 71999 : i32
        %parallel_loop3A_1024 = vector.broadcast %parallel_loop3A_1022 : i32 to vector<16xi32>
        %parallel_loop3A_1025 = arith.maxsi %parallel_loop3A_1024, %parallel_loop3A_1021 : vector<16xi32>
        %parallel_loop3A_1026 = vector.broadcast %parallel_loop3A_1023 : i32 to vector<16xi32>
        %parallel_loop3A_1027 = arith.minsi %parallel_loop3A_1026, %parallel_loop3A_1025 : vector<16xi32>
        %parallel_loop3A_1028 = tpu.vector_load_idx %arg7[%parallel_loop3A_1027] masked %parallel_loop3A_1017 : memref<72000xf32, #tpu.memory_space<vmem>>[vector<16xi32>], vector<16xf32>, vector<16xi1>
        %parallel_loop3A_1029 = vector.bitcast %parallel_loop3A_1028 : vector<16xf32> to vector<16xi32>
        %parallel_loop3A_1030 = arith.constant 31 : i32
        %parallel_loop3A_1031 = vector.broadcast %parallel_loop3A_1030 : i32 to vector<16xi32>
        %parallel_loop3A_1032 = arith.shrsi %parallel_loop3A_1029, %parallel_loop3A_1031 : vector<16xi32>
        %parallel_loop3A_1033 = arith.constant -2147483648 : i32
        %parallel_loop3A_1034 = vector.broadcast %parallel_loop3A_1033 : i32 to vector<16xi32>
        %parallel_loop3A_1035 = arith.ori %parallel_loop3A_1032, %parallel_loop3A_1034 : vector<16xi32>
        %parallel_loop3A_1036 = arith.xori %parallel_loop3A_1029, %parallel_loop3A_1035 : vector<16xi32>
        %parallel_loop3A_1037 = vector.bitcast %parallel_loop3A_1036 : vector<16xi32> to vector<16xf32>
        %parallel_loop3A_1038 = arith.constant 16 : i32
        %parallel_loop3A_1039 = arith.muli %parallel_loop3A_1011, %parallel_loop3A_1038 : i32
        %parallel_loop3A_1040 = arith.index_cast %parallel_loop3A_1039 : i32 to index
        %parallel_loop3A_1041 = tpu.vector_load %arg11[%parallel_loop3A_1040] {strides = array<i32>} : memref<4112xf32, #tpu.memory_space<vmem>>, vector<16xf32>,
        tpu.vector_store %arg11[%parallel_loop3A_1040], %parallel_loop3A_1037 {strides = array<i32>} : memref<4112xf32, #tpu.memory_space<vmem>>, vector<16xf32>,
        %parallel_loop3A_1042 = arith.constant 24 : i32
        %parallel_loop3A_1043 = vector.broadcast %parallel_loop3A_1042 : i32 to vector<16xi32>
        %parallel_loop3A_1044 = arith.shrui %parallel_loop3A_1036, %parallel_loop3A_1043 : vector<16xi32>
        %parallel_loop3A_1045 = arith.constant 4 : i32
        %parallel_loop3A_1046 = vector.broadcast %parallel_loop3A_1045 : i32 to vector<16xi32>
        %parallel_loop3A_1047 = arith.shli %parallel_loop3A_1044, %parallel_loop3A_1046 : vector<16xi32>
        %parallel_loop3A_1048 = arith.ori %parallel_loop3A_1047, %iota3A : vector<16xi32>
        tpu.vector_store_idx %arg9[%parallel_loop3A_1048], %broadcast_in_dim3A_1 masked %parallel_loop3A_1017 {add = true} : memref<4096xi32, #tpu.memory_space<vmem>>[vector<16xi32>], vector<16xi32>, vector<16xi1>
        %parallel_loop3A_1049 = arith.constant 240 : i32
        %parallel_loop3A_1050 = vector.broadcast %parallel_loop3A_1049 : i32 to vector<16xi32>
        %parallel_loop3A_1051 = arith.andi %parallel_loop3A_1044, %parallel_loop3A_1050 : vector<16xi32>
        %parallel_loop3A_1052 = arith.ori %parallel_loop3A_1051, %iota3A : vector<16xi32>
        tpu.vector_store_idx %arg10[%parallel_loop3A_1052], %broadcast_in_dim3A_1 masked %parallel_loop3A_1017 {add = true} : memref<256xi32, #tpu.memory_space<vmem>>[vector<16xi32>], vector<16xi32>, vector<16xi1>
      } {sc.loop_unroll_factor = 4 : i64, sc.parallel_access}
      %while3A = arith.constant 16 : i32
      %while3A_68 = arith.constant 0 : i32
      %while3A_69 = arith.constant 0 : i32
      %while3A_70:3 = scf.while (%while3A_1011 = %while3A, %while3A_1012 = %while3A_68, %while3A_1013 = %while3A_69) : (i32, i32, i32) -> (i32, i32, i32) {
        %lt3A_1014 = arith.constant 300 : i32
        %lt3A_1015 = arith.cmpi slt, %while3A_1012, %lt3A_1014 : i32
        scf.condition(%lt3A_1015) %while3A_1011, %while3A_1012, %while3A_1013 : i32, i32, i32
      } do {
      ^bb0(%while3A_1011: i32, %while3A_1012: i32, %while3A_1013: i32):
        %sub3A_1014 = arith.constant 1 : i32
        %sub3A_1015 = arith.subi %while3A_1011, %sub3A_1014 : i32
        %mul3A_1016 = arith.constant 16 : i32
        %mul3A_1017 = arith.muli %sub3A_1015, %mul3A_1016 : i32
        %get3A_1018 = arith.index_cast %mul3A_1017 : i32 to index
        %get3A_1019 = tpu.vector_load %arg10[%get3A_1018] {strides = array<i32>} : memref<256xi32, #tpu.memory_space<vmem>>, vector<16xi32>,
        %reduce_sum3A_1020 = arith.constant true
        %reduce_sum3A_1021 = vector.broadcast %reduce_sum3A_1020 : i1 to vector<16xi1>
        %reduce_sum3A_1022 = tpu.scan <sum>, %get3A_1019 masked %reduce_sum3A_1021 : vector<16xi32>, vector<16xi1> -> vector<16xi32>
        %reduce_sum3A_1023 = vector.extract %reduce_sum3A_1022[15] : i32 from vector<16xi32>
        %add3A_1024 = arith.addi %while3A_1012, %reduce_sum3A_1023 : i32
        scf.yield %sub3A_1015, %add3A_1024, %reduce_sum3A_1023 : i32, i32, i32
      }
      %mul3A_71 = arith.constant 16 : i32
      %mul3A_72 = arith.muli %while3A_70#0, %mul3A_71 : i32
      %add3A_73 = arith.constant 16 : i32
      %add3A_74 = arith.addi %mul3A_72, %add3A_73 : i32
      %sub3A = arith.subi %while3A_70#1, %while3A_70#2 : i32
      %while3A_75 = arith.constant 0 : i32
      %while3A_76:3 = scf.while (%while3A_1011 = %add3A_74, %while3A_1012 = %sub3A, %while3A_1013 = %while3A_75) : (i32, i32, i32) -> (i32, i32, i32) {
        %lt3A_1014 = arith.constant 300 : i32
        %lt3A_1015 = arith.cmpi slt, %while3A_1012, %lt3A_1014 : i32
        scf.condition(%lt3A_1015) %while3A_1011, %while3A_1012, %while3A_1013 : i32, i32, i32
      } do {
      ^bb0(%while3A_1011: i32, %while3A_1012: i32, %while3A_1013: i32):
        %sub3A_1014 = arith.constant 1 : i32
        %sub3A_1015 = arith.subi %while3A_1011, %sub3A_1014 : i32
        %mul3A_1016 = arith.constant 16 : i32
        %mul3A_1017 = arith.muli %sub3A_1015, %mul3A_1016 : i32
        %get3A_1018 = arith.index_cast %mul3A_1017 : i32 to index
        %get3A_1019 = tpu.vector_load %arg9[%get3A_1018] {strides = array<i32>} : memref<4096xi32, #tpu.memory_space<vmem>>, vector<16xi32>,
        %reduce_sum3A_1020 = arith.constant true
        %reduce_sum3A_1021 = vector.broadcast %reduce_sum3A_1020 : i1 to vector<16xi1>
        %reduce_sum3A_1022 = tpu.scan <sum>, %get3A_1019 masked %reduce_sum3A_1021 : vector<16xi32>, vector<16xi1> -> vector<16xi32>
        %reduce_sum3A_1023 = vector.extract %reduce_sum3A_1022[15] : i32 from vector<16xi32>
        %add3A_1024 = arith.addi %while3A_1012, %reduce_sum3A_1023 : i32
        scf.yield %sub3A_1015, %add3A_1024, %reduce_sum3A_1023 : i32, i32, i32
      }
      %sub3A_77 = arith.subi %while3A_76#1, %while3A_76#2 : i32
      %parallel_loop3A_78 = arith.constant 0 : i32
      %parallel_loop3A_79 = arith.constant 256 : i32
      %parallel_loop3A_80 = arith.constant 1 : i32
      scf.for %parallel_loop3A_1011 = %parallel_loop3A_78 to %parallel_loop3A_79 step %parallel_loop3A_80  : i32 {
        %parallel_loop3A_1012 = arith.constant 16 : i32
        %parallel_loop3A_1013 = arith.muli %parallel_loop3A_1011, %parallel_loop3A_1012 : i32
        %parallel_loop3A_1014 = arith.index_cast %parallel_loop3A_1013 : i32 to index
        %parallel_loop3A_1015 = tpu.vector_load %arg9[%parallel_loop3A_1014] {strides = array<i32>} : memref<4096xi32, #tpu.memory_space<vmem>>, vector<16xi32>,
        tpu.vector_store %arg9[%parallel_loop3A_1014], %broadcast_in_dim3A_3 {strides = array<i32>} : memref<4096xi32, #tpu.memory_space<vmem>>, vector<16xi32>,
      } {sc.loop_unroll_factor = 8 : i64, sc.parallel_access}
      %swap3A_81 = arith.constant 0 : index
      %swap3A_82 = tpu.vector_load %arg10[%swap3A_81] {strides = array<i32>} : memref<256xi32, #tpu.memory_space<vmem>>, vector<16xi32>,
      tpu.vector_store %arg10[%swap3A_81], %broadcast_in_dim3A_3 {strides = array<i32>} : memref<256xi32, #tpu.memory_space<vmem>>, vector<16xi32>,
      %swap3A_83 = arith.constant 16 : index
      %swap3A_84 = tpu.vector_load %arg10[%swap3A_83] {strides = array<i32>} : memref<256xi32, #tpu.memory_space<vmem>>, vector<16xi32>,
      tpu.vector_store %arg10[%swap3A_83], %broadcast_in_dim3A_3 {strides = array<i32>} : memref<256xi32, #tpu.memory_space<vmem>>, vector<16xi32>,
      %swap3A_85 = arith.constant 32 : index
      %swap3A_86 = tpu.vector_load %arg10[%swap3A_85] {strides = array<i32>} : memref<256xi32, #tpu.memory_space<vmem>>, vector<16xi32>,
      tpu.vector_store %arg10[%swap3A_85], %broadcast_in_dim3A_3 {strides = array<i32>} : memref<256xi32, #tpu.memory_space<vmem>>, vector<16xi32>,
      %swap3A_87 = arith.constant 48 : index
      %swap3A_88 = tpu.vector_load %arg10[%swap3A_87] {strides = array<i32>} : memref<256xi32, #tpu.memory_space<vmem>>, vector<16xi32>,
      tpu.vector_store %arg10[%swap3A_87], %broadcast_in_dim3A_3 {strides = array<i32>} : memref<256xi32, #tpu.memory_space<vmem>>, vector<16xi32>,
      %swap3A_89 = arith.constant 64 : index
      %swap3A_90 = tpu.vector_load %arg10[%swap3A_89] {strides = array<i32>} : memref<256xi32, #tpu.memory_space<vmem>>, vector<16xi32>,
      tpu.vector_store %arg10[%swap3A_89], %broadcast_in_dim3A_3 {strides = array<i32>} : memref<256xi32, #tpu.memory_space<vmem>>, vector<16xi32>,
      %swap3A_91 = arith.constant 80 : index
      %swap3A_92 = tpu.vector_load %arg10[%swap3A_91] {strides = array<i32>} : memref<256xi32, #tpu.memory_space<vmem>>, vector<16xi32>,
      tpu.vector_store %arg10[%swap3A_91], %broadcast_in_dim3A_3 {strides = array<i32>} : memref<256xi32, #tpu.memory_space<vmem>>, vector<16xi32>,
      %swap3A_93 = arith.constant 96 : index
      %swap3A_94 = tpu.vector_load %arg10[%swap3A_93] {strides = array<i32>} : memref<256xi32, #tpu.memory_space<vmem>>, vector<16xi32>,
      tpu.vector_store %arg10[%swap3A_93], %broadcast_in_dim3A_3 {strides = array<i32>} : memref<256xi32, #tpu.memory_space<vmem>>, vector<16xi32>,
      %swap3A_95 = arith.constant 112 : index
      %swap3A_96 = tpu.vector_load %arg10[%swap3A_95] {strides = array<i32>} : memref<256xi32, #tpu.memory_space<vmem>>, vector<16xi32>,
      tpu.vector_store %arg10[%swap3A_95], %broadcast_in_dim3A_3 {strides = array<i32>} : memref<256xi32, #tpu.memory_space<vmem>>, vector<16xi32>,
      %swap3A_97 = arith.constant 128 : index
      %swap3A_98 = tpu.vector_load %arg10[%swap3A_97] {strides = array<i32>} : memref<256xi32, #tpu.memory_space<vmem>>, vector<16xi32>,
      tpu.vector_store %arg10[%swap3A_97], %broadcast_in_dim3A_3 {strides = array<i32>} : memref<256xi32, #tpu.memory_space<vmem>>, vector<16xi32>,
      %swap3A_99 = arith.constant 144 : index
      %swap3A_100 = tpu.vector_load %arg10[%swap3A_99] {strides = array<i32>} : memref<256xi32, #tpu.memory_space<vmem>>, vector<16xi32>,
      tpu.vector_store %arg10[%swap3A_99], %broadcast_in_dim3A_3 {strides = array<i32>} : memref<256xi32, #tpu.memory_space<vmem>>, vector<16xi32>,
      %swap3A_101 = arith.constant 160 : index
      %swap3A_102 = tpu.vector_load %arg10[%swap3A_101] {strides = array<i32>} : memref<256xi32, #tpu.memory_space<vmem>>, vector<16xi32>,
      tpu.vector_store %arg10[%swap3A_101], %broadcast_in_dim3A_3 {strides = array<i32>} : memref<256xi32, #tpu.memory_space<vmem>>, vector<16xi32>,
      %swap3A_103 = arith.constant 176 : index
      %swap3A_104 = tpu.vector_load %arg10[%swap3A_103] {strides = array<i32>} : memref<256xi32, #tpu.memory_space<vmem>>, vector<16xi32>,
      tpu.vector_store %arg10[%swap3A_103], %broadcast_in_dim3A_3 {strides = array<i32>} : memref<256xi32, #tpu.memory_space<vmem>>, vector<16xi32>,
      %swap3A_105 = arith.constant 192 : index
      %swap3A_106 = tpu.vector_load %arg10[%swap3A_105] {strides = array<i32>} : memref<256xi32, #tpu.memory_space<vmem>>, vector<16xi32>,
      tpu.vector_store %arg10[%swap3A_105], %broadcast_in_dim3A_3 {strides = array<i32>} : memref<256xi32, #tpu.memory_space<vmem>>, vector<16xi32>,
      %swap3A_107 = arith.constant 208 : index
      %swap3A_108 = tpu.vector_load %arg10[%swap3A_107] {strides = array<i32>} : memref<256xi32, #tpu.memory_space<vmem>>, vector<16xi32>,
      tpu.vector_store %arg10[%swap3A_107], %broadcast_in_dim3A_3 {strides = array<i32>} : memref<256xi32, #tpu.memory_space<vmem>>, vector<16xi32>,
      %swap3A_109 = arith.constant 224 : index
      %swap3A_110 = tpu.vector_load %arg10[%swap3A_109] {strides = array<i32>} : memref<256xi32, #tpu.memory_space<vmem>>, vector<16xi32>,
      tpu.vector_store %arg10[%swap3A_109], %broadcast_in_dim3A_3 {strides = array<i32>} : memref<256xi32, #tpu.memory_space<vmem>>, vector<16xi32>,
      %swap3A_111 = arith.constant 240 : index
      %swap3A_112 = tpu.vector_load %arg10[%swap3A_111] {strides = array<i32>} : memref<256xi32, #tpu.memory_space<vmem>>, vector<16xi32>,
      tpu.vector_store %arg10[%swap3A_111], %broadcast_in_dim3A_3 {strides = array<i32>} : memref<256xi32, #tpu.memory_space<vmem>>, vector<16xi32>,
      %parallel_loop3A_113 = arith.constant 0 : i32
      %parallel_loop3A_114 = arith.constant 1 : i32
      scf.for %parallel_loop3A_1011 = %parallel_loop3A_113 to %div3A_31 step %parallel_loop3A_114  : i32 {
        %parallel_loop3A_1012 = arith.constant 16 : i32
        %parallel_loop3A_1013 = arith.muli %parallel_loop3A_1011, %parallel_loop3A_1012 : i32
        %parallel_loop3A_1014 = arith.index_cast %parallel_loop3A_1013 : i32 to index
        %parallel_loop3A_1015 = tpu.vector_load %arg11[%parallel_loop3A_1014] {strides = array<i32>} : memref<4112xf32, #tpu.memory_space<vmem>>, vector<16xf32>,
        %parallel_loop3A_1016 = vector.bitcast %parallel_loop3A_1015 : vector<16xf32> to vector<16xi32>
        %parallel_loop3A_1017 = arith.constant 16 : i32
        %parallel_loop3A_1018 = arith.muli %parallel_loop3A_1011, %parallel_loop3A_1017 : i32
        %parallel_loop3A_1019 = vector.broadcast %parallel_loop3A_1018 : i32 to vector<16xi32>
        %parallel_loop3A_1020 = arith.addi %parallel_loop3A_1019, %iota3A : vector<16xi32>
        %parallel_loop3A_1021 = vector.broadcast %cond3A_28 : i32 to vector<16xi32>
        %parallel_loop3A_1022 = arith.cmpi slt, %parallel_loop3A_1020, %parallel_loop3A_1021 : vector<16xi32>
        %parallel_loop3A_1023 = arith.constant 24 : i32
        %parallel_loop3A_1024 = vector.broadcast %parallel_loop3A_1023 : i32 to vector<16xi32>
        %parallel_loop3A_1025 = arith.shrui %parallel_loop3A_1016, %parallel_loop3A_1024 : vector<16xi32>
        %parallel_loop3A_1026 = vector.broadcast %while3A_76#0 : i32 to vector<16xi32>
        %parallel_loop3A_1027 = arith.cmpi eq, %parallel_loop3A_1025, %parallel_loop3A_1026 : vector<16xi32>
        %parallel_loop3A_1028 = arith.andi %parallel_loop3A_1027, %parallel_loop3A_1022 : vector<16xi1>
        %parallel_loop3A_1029 = arith.constant 16 : i32
        %parallel_loop3A_1030 = vector.broadcast %parallel_loop3A_1029 : i32 to vector<16xi32>
        %parallel_loop3A_1031 = arith.shrui %parallel_loop3A_1016, %parallel_loop3A_1030 : vector<16xi32>
        %parallel_loop3A_1032 = arith.constant 255 : i32
        %parallel_loop3A_1033 = vector.broadcast %parallel_loop3A_1032 : i32 to vector<16xi32>
        %parallel_loop3A_1034 = arith.andi %parallel_loop3A_1031, %parallel_loop3A_1033 : vector<16xi32>
        %parallel_loop3A_1035 = arith.constant 4 : i32
        %parallel_loop3A_1036 = vector.broadcast %parallel_loop3A_1035 : i32 to vector<16xi32>
        %parallel_loop3A_1037 = arith.shli %parallel_loop3A_1034, %parallel_loop3A_1036 : vector<16xi32>
        %parallel_loop3A_1038 = arith.ori %parallel_loop3A_1037, %iota3A : vector<16xi32>
        tpu.vector_store_idx %arg9[%parallel_loop3A_1038], %broadcast_in_dim3A_1 masked %parallel_loop3A_1028 {add = true} : memref<4096xi32, #tpu.memory_space<vmem>>[vector<16xi32>], vector<16xi32>, vector<16xi1>
        %parallel_loop3A_1039 = arith.constant 240 : i32
        %parallel_loop3A_1040 = vector.broadcast %parallel_loop3A_1039 : i32 to vector<16xi32>
        %parallel_loop3A_1041 = arith.andi %parallel_loop3A_1034, %parallel_loop3A_1040 : vector<16xi32>
        %parallel_loop3A_1042 = arith.ori %parallel_loop3A_1041, %iota3A : vector<16xi32>
        tpu.vector_store_idx %arg10[%parallel_loop3A_1042], %broadcast_in_dim3A_1 masked %parallel_loop3A_1028 {add = true} : memref<256xi32, #tpu.memory_space<vmem>>[vector<16xi32>], vector<16xi32>, vector<16xi1>
      } {sc.loop_unroll_factor = 4 : i64, sc.parallel_access}
      %while3A_115 = arith.constant 16 : i32
      %while3A_116 = arith.constant 0 : i32
      %while3A_117:3 = scf.while (%while3A_1011 = %while3A_115, %while3A_1012 = %sub3A_77, %while3A_1013 = %while3A_116) : (i32, i32, i32) -> (i32, i32, i32) {
        %lt3A_1014 = arith.constant 300 : i32
        %lt3A_1015 = arith.cmpi slt, %while3A_1012, %lt3A_1014 : i32
        scf.condition(%lt3A_1015) %while3A_1011, %while3A_1012, %while3A_1013 : i32, i32, i32
      } do {
      ^bb0(%while3A_1011: i32, %while3A_1012: i32, %while3A_1013: i32):
        %sub3A_1014 = arith.constant 1 : i32
        %sub3A_1015 = arith.subi %while3A_1011, %sub3A_1014 : i32
        %mul3A_1016 = arith.constant 16 : i32
        %mul3A_1017 = arith.muli %sub3A_1015, %mul3A_1016 : i32
        %get3A_1018 = arith.index_cast %mul3A_1017 : i32 to index
        %get3A_1019 = tpu.vector_load %arg10[%get3A_1018] {strides = array<i32>} : memref<256xi32, #tpu.memory_space<vmem>>, vector<16xi32>,
        %reduce_sum3A_1020 = arith.constant true
        %reduce_sum3A_1021 = vector.broadcast %reduce_sum3A_1020 : i1 to vector<16xi1>
        %reduce_sum3A_1022 = tpu.scan <sum>, %get3A_1019 masked %reduce_sum3A_1021 : vector<16xi32>, vector<16xi1> -> vector<16xi32>
        %reduce_sum3A_1023 = vector.extract %reduce_sum3A_1022[15] : i32 from vector<16xi32>
        %add3A_1024 = arith.addi %while3A_1012, %reduce_sum3A_1023 : i32
        scf.yield %sub3A_1015, %add3A_1024, %reduce_sum3A_1023 : i32, i32, i32
      }
      %mul3A_118 = arith.constant 16 : i32
      %mul3A_119 = arith.muli %while3A_117#0, %mul3A_118 : i32
      %add3A_120 = arith.constant 16 : i32
      %add3A_121 = arith.addi %mul3A_119, %add3A_120 : i32
      %sub3A_122 = arith.subi %while3A_117#1, %while3A_117#2 : i32
      %while3A_123 = arith.constant 0 : i32
      %while3A_124:3 = scf.while (%while3A_1011 = %add3A_121, %while3A_1012 = %sub3A_122, %while3A_1013 = %while3A_123) : (i32, i32, i32) -> (i32, i32, i32) {
        %lt3A_1014 = arith.constant 300 : i32
        %lt3A_1015 = arith.cmpi slt, %while3A_1012, %lt3A_1014 : i32
        scf.condition(%lt3A_1015) %while3A_1011, %while3A_1012, %while3A_1013 : i32, i32, i32
      } do {
      ^bb0(%while3A_1011: i32, %while3A_1012: i32, %while3A_1013: i32):
        %sub3A_1014 = arith.constant 1 : i32
        %sub3A_1015 = arith.subi %while3A_1011, %sub3A_1014 : i32
        %mul3A_1016 = arith.constant 16 : i32
        %mul3A_1017 = arith.muli %sub3A_1015, %mul3A_1016 : i32
        %get3A_1018 = arith.index_cast %mul3A_1017 : i32 to index
        %get3A_1019 = tpu.vector_load %arg9[%get3A_1018] {strides = array<i32>} : memref<4096xi32, #tpu.memory_space<vmem>>, vector<16xi32>,
        %reduce_sum3A_1020 = arith.constant true
        %reduce_sum3A_1021 = vector.broadcast %reduce_sum3A_1020 : i1 to vector<16xi1>
        %reduce_sum3A_1022 = tpu.scan <sum>, %get3A_1019 masked %reduce_sum3A_1021 : vector<16xi32>, vector<16xi1> -> vector<16xi32>
        %reduce_sum3A_1023 = vector.extract %reduce_sum3A_1022[15] : i32 from vector<16xi32>
        %add3A_1024 = arith.addi %while3A_1012, %reduce_sum3A_1023 : i32
        scf.yield %sub3A_1015, %add3A_1024, %reduce_sum3A_1023 : i32, i32, i32
      }
      %mul3A_125 = arith.constant 256 : i32
      %mul3A_126 = arith.muli %while3A_76#0, %mul3A_125 : i32
      %add3A_127 = arith.addi %mul3A_126, %while3A_124#0 : i32
      %parallel_loop3A_128 = arith.constant 0 : i32
      %parallel_loop3A_129 = arith.constant 1 : i32
      %parallel_loop3A_130 = arith.constant 0 : i32
      %parallel_loop3A_131 = scf.for %parallel_loop3A_1011 = %parallel_loop3A_128 to %div3A_31 step %parallel_loop3A_129 iter_args(%parallel_loop3A_1012 = %parallel_loop3A_130) -> (i32)  : i32 {
        %parallel_loop3A_1013 = arith.constant 16 : i32
        %parallel_loop3A_1014 = arith.muli %parallel_loop3A_1011, %parallel_loop3A_1013 : i32
        %parallel_loop3A_1015 = arith.index_cast %parallel_loop3A_1014 : i32 to index
        %parallel_loop3A_1016 = tpu.vector_load %arg11[%parallel_loop3A_1015] {strides = array<i32>} : memref<4112xf32, #tpu.memory_space<vmem>>, vector<16xf32>,
        %parallel_loop3A_1017 = vector.bitcast %parallel_loop3A_1016 : vector<16xf32> to vector<16xi32>
        %parallel_loop3A_1018 = arith.constant 16 : i32
        %parallel_loop3A_1019 = arith.muli %parallel_loop3A_1011, %parallel_loop3A_1018 : i32
        %parallel_loop3A_1020 = arith.index_cast %parallel_loop3A_1019 : i32 to index
        %parallel_loop3A_1021 = tpu.vector_load %arg12[%parallel_loop3A_1020] {strides = array<i32>} : memref<4112xi32, #tpu.memory_space<vmem>>, vector<16xi32>,
        %parallel_loop3A_1022 = arith.constant 16 : i32
        %parallel_loop3A_1023 = arith.muli %parallel_loop3A_1011, %parallel_loop3A_1022 : i32
        %parallel_loop3A_1024 = vector.broadcast %parallel_loop3A_1023 : i32 to vector<16xi32>
        %parallel_loop3A_1025 = arith.addi %parallel_loop3A_1024, %iota3A : vector<16xi32>
        %parallel_loop3A_1026 = vector.broadcast %cond3A_28 : i32 to vector<16xi32>
        %parallel_loop3A_1027 = arith.cmpi slt, %parallel_loop3A_1025, %parallel_loop3A_1026 : vector<16xi32>
        %parallel_loop3A_1028 = arith.constant 16 : i32
        %parallel_loop3A_1029 = vector.broadcast %parallel_loop3A_1028 : i32 to vector<16xi32>
        %parallel_loop3A_1030 = arith.shrui %parallel_loop3A_1017, %parallel_loop3A_1029 : vector<16xi32>
        %parallel_loop3A_1031 = vector.broadcast %add3A_127 : i32 to vector<16xi32>
        %parallel_loop3A_1032 = arith.cmpi sge, %parallel_loop3A_1030, %parallel_loop3A_1031 : vector<16xi32>
        %parallel_loop3A_1033 = arith.andi %parallel_loop3A_1032, %parallel_loop3A_1027 : vector<16xi1>
        %parallel_loop3A_1034 = arith.index_cast %parallel_loop3A_1012 : i32 to index
        %parallel_loop3A_1035 = tpu.vector_load %arg13[%parallel_loop3A_1034] masked %parallel_loop3A_1033 {strides = array<i32>} : memref<528xi32, #tpu.memory_space<vmem>>, vector<16xi32>, vector<16xi1>
        tpu.vector_store %arg13[%parallel_loop3A_1034], %parallel_loop3A_1017 masked %parallel_loop3A_1033 {strides = array<i32>} : memref<528xi32, #tpu.memory_space<vmem>>, vector<16xi32>, vector<16xi1>
        %parallel_loop3A_1036 = arith.index_cast %parallel_loop3A_1012 : i32 to index
        %parallel_loop3A_1037 = tpu.vector_load %arg14[%parallel_loop3A_1036] masked %parallel_loop3A_1033 {strides = array<i32>} : memref<528xi32, #tpu.memory_space<vmem>>, vector<16xi32>, vector<16xi1>
        tpu.vector_store %arg14[%parallel_loop3A_1036], %parallel_loop3A_1021 masked %parallel_loop3A_1033 {strides = array<i32>} : memref<528xi32, #tpu.memory_space<vmem>>, vector<16xi32>, vector<16xi1>
        %parallel_loop3A_1038 = tpu.all_reduce %parallel_loop3A_1033 {dim = 0 : i64, kind = #tpu.reduction_kind<sum>} : vector<16xi1> -> vector<16xi32>
        %parallel_loop3A_1039 = vector.extract_strided_slice %parallel_loop3A_1038 {offsets = [0], sizes = [1], strides = [1]} : vector<16xi32> to vector<1xi32>
        %parallel_loop3A_1040 = vector.extract %parallel_loop3A_1039[0] : i32 from vector<1xi32>
        %parallel_loop3A_1041 = arith.addi %parallel_loop3A_1012, %parallel_loop3A_1040 : i32
        %parallel_loop3A_1042 = arith.constant 512 : i32
        %parallel_loop3A_1043 = arith.minsi %parallel_loop3A_1041, %parallel_loop3A_1042 : i32
        scf.yield %parallel_loop3A_1043 : i32
      } {sc.loop_unroll_factor = 4 : i64, sc.parallel_access}
      %add3A_132 = arith.constant 15 : i32
      %add3A_133 = arith.addi %parallel_loop3A_131, %add3A_132 : i32
      %div3A_134 = arith.constant 16 : i32
      %div3A_135 = arith.divsi %add3A_133, %div3A_134 : i32
      %parallel_loop3A_136 = arith.constant 0 : i32
      %parallel_loop3A_137 = arith.constant 1 : i32
      scf.for %parallel_loop3A_1011 = %parallel_loop3A_136 to %div3A_135 step %parallel_loop3A_137  : i32 {
        %parallel_loop3A_1012 = arith.constant 16 : i32
        %parallel_loop3A_1013 = arith.muli %parallel_loop3A_1011, %parallel_loop3A_1012 : i32
        %parallel_loop3A_1014 = arith.index_cast %parallel_loop3A_1013 : i32 to index
        %parallel_loop3A_1015 = tpu.vector_load %arg13[%parallel_loop3A_1014] {strides = array<i32>} : memref<528xi32, #tpu.memory_space<vmem>>, vector<16xi32>,
        %parallel_loop3A_1016 = arith.constant 31 : i32
        %parallel_loop3A_1017 = vector.broadcast %parallel_loop3A_1016 : i32 to vector<16xi32>
        %parallel_loop3A_1018 = arith.shrsi %parallel_loop3A_1015, %parallel_loop3A_1017 : vector<16xi32>
        %parallel_loop3A_1019 = arith.constant -1 : i32
        %parallel_loop3A_1020 = vector.broadcast %parallel_loop3A_1019 : i32 to vector<16xi32>
        %parallel_loop3A_1021 = arith.xori %parallel_loop3A_1018, %parallel_loop3A_1020 : vector<16xi32>
        %parallel_loop3A_1022 = arith.constant -2147483648 : i32
        %parallel_loop3A_1023 = vector.broadcast %parallel_loop3A_1022 : i32 to vector<16xi32>
        %parallel_loop3A_1024 = arith.ori %parallel_loop3A_1021, %parallel_loop3A_1023 : vector<16xi32>
        %parallel_loop3A_1025 = arith.xori %parallel_loop3A_1015, %parallel_loop3A_1024 : vector<16xi32>
        %parallel_loop3A_1026 = vector.bitcast %parallel_loop3A_1025 : vector<16xi32> to vector<16xf32>
        %parallel_loop3A_1027 = arith.constant 0.000000e+00 : f32
        %parallel_loop3A_1028 = vector.broadcast %parallel_loop3A_1027 : f32 to vector<16xf32>
        %parallel_loop3A_1029 = arith.subf %parallel_loop3A_1028, %parallel_loop3A_1026 : vector<16xf32>
        %parallel_loop3A_1030 = math.exp %parallel_loop3A_1029 : vector<16xf32>
        %parallel_loop3A_1031 = arith.constant 1.000000e+00 : f32
        %parallel_loop3A_1032 = vector.broadcast %parallel_loop3A_1031 : f32 to vector<16xf32>
        %parallel_loop3A_1033 = arith.addf %parallel_loop3A_1032, %parallel_loop3A_1030 : vector<16xf32>
        %parallel_loop3A_1034 = arith.constant 1.000000e+00 : f32
        %parallel_loop3A_1035 = vector.broadcast %parallel_loop3A_1034 : f32 to vector<16xf32>
        %parallel_loop3A_1036 = arith.divf %parallel_loop3A_1035, %parallel_loop3A_1033 : vector<16xf32>
        %parallel_loop3A_1037 = vector.bitcast %parallel_loop3A_1036 : vector<16xf32> to vector<16xi32>
        %parallel_loop3A_1038 = arith.constant 16 : i32
        %parallel_loop3A_1039 = arith.muli %parallel_loop3A_1011, %parallel_loop3A_1038 : i32
        %parallel_loop3A_1040 = arith.index_cast %parallel_loop3A_1039 : i32 to index
        %parallel_loop3A_1041 = tpu.vector_load %arg13[%parallel_loop3A_1040] {strides = array<i32>} : memref<528xi32, #tpu.memory_space<vmem>>, vector<16xi32>,
        tpu.vector_store %arg13[%parallel_loop3A_1040], %parallel_loop3A_1037 {strides = array<i32>} : memref<528xi32, #tpu.memory_space<vmem>>, vector<16xi32>,
      } {sc.loop_unroll_factor = 2 : i64, sc.parallel_access}
      %while3A_138 = arith.constant 0 : i32
      %while3A_139 = arith.constant 255 : i32
      %while3A_140 = arith.constant 0 : i32
      %while3A_141 = arith.subi %div3A_135, %while3A_138 : i32
      %while3A_142 = arith.addi %while3A_138, %while3A_141 : i32
      %while3A_143 = arith.constant 1 : i32
      %while3A_144 = arith.divsi %while3A_141, %while3A_143 : i32
      %while3A_145 = arith.muli %while3A_144, %while3A_143 : i32
      %while3A_146 = arith.addi %while3A_138, %while3A_145 : i32
      %while3A_147 = arith.constant 1 : i32
      %while3A_148:2 = scf.for %while3A_1011 = %while3A_138 to %while3A_146 step %while3A_147 iter_args(%while3A_1012 = %while3A_139, %while3A_1013 = %while3A_140) -> (i32, i32)  : i32 {
        %mul3A_1014 = arith.constant 16 : i32
        %mul3A_1015 = arith.muli %while3A_1011, %mul3A_1014 : i32
        %get3A_1016 = arith.index_cast %mul3A_1015 : i32 to index
        %get3A_1017 = tpu.vector_load %arg13[%get3A_1016] {strides = array<i32>} : memref<528xi32, #tpu.memory_space<vmem>>, vector<16xi32>,
        %mul3A_1018 = arith.constant 16 : i32
        %mul3A_1019 = arith.muli %while3A_1011, %mul3A_1018 : i32
        %add3A_1020 = vector.broadcast %mul3A_1019 : i32 to vector<16xi32>
        %add3A_1021 = arith.addi %add3A_1020, %iota3A : vector<16xi32>
        %lt3A_1022 = vector.broadcast %parallel_loop3A_131 : i32 to vector<16xi32>
        %lt3A_1023 = arith.cmpi slt, %add3A_1021, %lt3A_1022 : vector<16xi32>
        %shift_right_logical3A = arith.constant 24 : i32
        %shift_right_logical3A_1024 = vector.broadcast %shift_right_logical3A : i32 to vector<16xi32>
        %shift_right_logical3A_1025 = arith.shrui %get3A_1017, %shift_right_logical3A_1024 : vector<16xi32>
        %and3A_1026 = arith.constant 255 : i32
        %and3A_1027 = vector.broadcast %and3A_1026 : i32 to vector<16xi32>
        %and3A_1028 = arith.andi %shift_right_logical3A_1025, %and3A_1027 : vector<16xi32>
        %jit3A = arith.constant 255 : i32
        %broadcast_in_dim3A_1029 = vector.broadcast %jit3A : i32 to vector<16xi32>
        %select_n3A = arith.select %lt3A_1023, %and3A_1028, %broadcast_in_dim3A_1029 : vector<16xi1>, vector<16xi32>
        %reduce_min3A = arith.constant true
        %reduce_min3A_1030 = vector.broadcast %reduce_min3A : i1 to vector<16xi1>
        %reduce_min3A_1031 = arith.constant -2147483648 : i32
        %reduce_min3A_1032 = vector.broadcast %reduce_min3A_1031 : i32 to vector<16xi32>
        %reduce_min3A_1033 = arith.xori %select_n3A, %reduce_min3A_1032 : vector<16xi32>
        %reduce_min3A_1034 = tpu.scan <min>, %reduce_min3A_1033 masked %reduce_min3A_1030 : vector<16xi32>, vector<16xi1> -> vector<16xi32>
        %reduce_min3A_1035 = arith.xori %reduce_min3A_1034, %reduce_min3A_1032 : vector<16xi32>
        %reduce_min3A_1036 = vector.extract %reduce_min3A_1035[15] : i32 from vector<16xi32>
        %jit3A_1037 = arith.constant 0 : i32
        %broadcast_in_dim3A_1038 = vector.broadcast %jit3A_1037 : i32 to vector<16xi32>
        %select_n3A_1039 = arith.select %lt3A_1023, %and3A_1028, %broadcast_in_dim3A_1038 : vector<16xi1>, vector<16xi32>
        %reduce_max3A = arith.constant true
        %reduce_max3A_1040 = vector.broadcast %reduce_max3A : i1 to vector<16xi1>
        %reduce_max3A_1041 = arith.constant -2147483648 : i32
        %reduce_max3A_1042 = vector.broadcast %reduce_max3A_1041 : i32 to vector<16xi32>
        %reduce_max3A_1043 = arith.xori %select_n3A_1039, %reduce_max3A_1042 : vector<16xi32>
        %reduce_max3A_1044 = tpu.scan <max>, %reduce_max3A_1043 masked %reduce_max3A_1040 : vector<16xi32>, vector<16xi1> -> vector<16xi32>
        %reduce_max3A_1045 = arith.xori %reduce_max3A_1044, %reduce_max3A_1042 : vector<16xi32>
        %reduce_max3A_1046 = vector.extract %reduce_max3A_1045[15] : i32 from vector<16xi32>
        %min3A = arith.minsi %while3A_1012, %reduce_min3A_1036 : i32
        %max3A = arith.maxsi %while3A_1013, %reduce_max3A_1046 : i32
        scf.yield %min3A, %max3A : i32, i32
      }
      %while3A_149 = arith.constant 1 : i32
      %while3A_150:2 = scf.for %while3A_1011 = %while3A_146 to %while3A_142 step %while3A_149 iter_args(%while3A_1012 = %while3A_148#0, %while3A_1013 = %while3A_148#1) -> (i32, i32)  : i32 {
        %mul3A_1014 = arith.constant 16 : i32
        %mul3A_1015 = arith.muli %while3A_1011, %mul3A_1014 : i32
        %get3A_1016 = arith.index_cast %mul3A_1015 : i32 to index
        %get3A_1017 = tpu.vector_load %arg13[%get3A_1016] {strides = array<i32>} : memref<528xi32, #tpu.memory_space<vmem>>, vector<16xi32>,
        %mul3A_1018 = arith.constant 16 : i32
        %mul3A_1019 = arith.muli %while3A_1011, %mul3A_1018 : i32
        %add3A_1020 = vector.broadcast %mul3A_1019 : i32 to vector<16xi32>
        %add3A_1021 = arith.addi %add3A_1020, %iota3A : vector<16xi32>
        %lt3A_1022 = vector.broadcast %parallel_loop3A_131 : i32 to vector<16xi32>
        %lt3A_1023 = arith.cmpi slt, %add3A_1021, %lt3A_1022 : vector<16xi32>
        %shift_right_logical3A = arith.constant 24 : i32
        %shift_right_logical3A_1024 = vector.broadcast %shift_right_logical3A : i32 to vector<16xi32>
        %shift_right_logical3A_1025 = arith.shrui %get3A_1017, %shift_right_logical3A_1024 : vector<16xi32>
        %and3A_1026 = arith.constant 255 : i32
        %and3A_1027 = vector.broadcast %and3A_1026 : i32 to vector<16xi32>
        %and3A_1028 = arith.andi %shift_right_logical3A_1025, %and3A_1027 : vector<16xi32>
        %jit3A = arith.constant 255 : i32
        %broadcast_in_dim3A_1029 = vector.broadcast %jit3A : i32 to vector<16xi32>
        %select_n3A = arith.select %lt3A_1023, %and3A_1028, %broadcast_in_dim3A_1029 : vector<16xi1>, vector<16xi32>
        %reduce_min3A = arith.constant true
        %reduce_min3A_1030 = vector.broadcast %reduce_min3A : i1 to vector<16xi1>
        %reduce_min3A_1031 = arith.constant -2147483648 : i32
        %reduce_min3A_1032 = vector.broadcast %reduce_min3A_1031 : i32 to vector<16xi32>
        %reduce_min3A_1033 = arith.xori %select_n3A, %reduce_min3A_1032 : vector<16xi32>
        %reduce_min3A_1034 = tpu.scan <min>, %reduce_min3A_1033 masked %reduce_min3A_1030 : vector<16xi32>, vector<16xi1> -> vector<16xi32>
        %reduce_min3A_1035 = arith.xori %reduce_min3A_1034, %reduce_min3A_1032 : vector<16xi32>
        %reduce_min3A_1036 = vector.extract %reduce_min3A_1035[15] : i32 from vector<16xi32>
        %jit3A_1037 = arith.constant 0 : i32
        %broadcast_in_dim3A_1038 = vector.broadcast %jit3A_1037 : i32 to vector<16xi32>
        %select_n3A_1039 = arith.select %lt3A_1023, %and3A_1028, %broadcast_in_dim3A_1038 : vector<16xi1>, vector<16xi32>
        %reduce_max3A = arith.constant true
        %reduce_max3A_1040 = vector.broadcast %reduce_max3A : i1 to vector<16xi1>
        %reduce_max3A_1041 = arith.constant -2147483648 : i32
        %reduce_max3A_1042 = vector.broadcast %reduce_max3A_1041 : i32 to vector<16xi32>
        %reduce_max3A_1043 = arith.xori %select_n3A_1039, %reduce_max3A_1042 : vector<16xi32>
        %reduce_max3A_1044 = tpu.scan <max>, %reduce_max3A_1043 masked %reduce_max3A_1040 : vector<16xi32>, vector<16xi1> -> vector<16xi32>
        %reduce_max3A_1045 = arith.xori %reduce_max3A_1044, %reduce_max3A_1042 : vector<16xi32>
        %reduce_max3A_1046 = vector.extract %reduce_max3A_1045[15] : i32 from vector<16xi32>
        %min3A = arith.minsi %while3A_1012, %reduce_min3A_1036 : i32
        %max3A = arith.maxsi %while3A_1013, %reduce_max3A_1046 : i32
        scf.yield %min3A, %max3A : i32, i32
      }
      %scan3A_151 = arith.constant 0 : i32
      %scan3A_152 = arith.constant 16 : i32
      %scan3A_153 = arith.addi %scan3A_151, %scan3A_152 : i32
      %scan3A_154 = arith.constant 1 : i32
      scf.for %scan3A_1011 = %scan3A_151 to %scan3A_153 step %scan3A_154  : i32 {
        %mul3A_1012 = arith.constant 1 : i32
        %mul3A_1013 = arith.muli %scan3A_1011, %mul3A_1012 : i32
        %add3A_1014 = arith.constant 0 : i32
        %add3A_1015 = arith.addi %add3A_1014, %mul3A_1013 : i32
        %mul3A_1016 = arith.constant 16 : i32
        %mul3A_1017 = arith.muli %add3A_1015, %mul3A_1016 : i32
        %swap3A_1018 = arith.index_cast %mul3A_1017 : i32 to index
        %swap3A_1019 = tpu.vector_load %arg10[%swap3A_1018] {strides = array<i32>} : memref<256xi32, #tpu.memory_space<vmem>>, vector<16xi32>,
        tpu.vector_store %arg10[%swap3A_1018], %broadcast_in_dim3A_3 {strides = array<i32>} : memref<256xi32, #tpu.memory_space<vmem>>, vector<16xi32>,
      }
      %scan3A_155 = arith.constant 16 : i32
      %sub3A_156 = arith.constant 0 : i32
      %sub3A_157 = arith.subi %div3A_135, %sub3A_156 : i32
      %sub3A_158 = arith.constant 1 : i32
      %sub3A_159 = arith.constant 1 : i32
      %sub3A_160 = arith.subi %sub3A_158, %sub3A_159 : i32
      %add3A_161 = arith.addi %sub3A_157, %sub3A_160 : i32
      %div3A_162 = arith.constant 1 : i32
      %div3A_163 = arith.divsi %add3A_161, %div3A_162 : i32
      %while3A_164 = arith.constant 1 : i32
      %while3A_165 = arith.constant 0 : i32
      %while3A_166 = arith.constant 0 : i32
      %while3A_167 = arith.subi %div3A_163, %while3A_166 : i32
      %while3A_168 = arith.addi %while3A_166, %while3A_167 : i32
      %while3A_169 = arith.constant 1 : i32
      %while3A_170 = arith.divsi %while3A_167, %while3A_169 : i32
      %while3A_171 = arith.muli %while3A_170, %while3A_169 : i32
      %while3A_172 = arith.addi %while3A_166, %while3A_171 : i32
      %while3A_173 = arith.constant 1 : i32
      scf.for %while3A_1011 = %while3A_166 to %while3A_172 step %while3A_173  : i32 {
        %mul3A_1012 = arith.muli %while3A_1011, %while3A_164 : i32
        %add3A_1013 = arith.addi %while3A_165, %mul3A_1012 : i32
        %mul3A_1014 = arith.constant 16 : i32
        %mul3A_1015 = arith.muli %add3A_1013, %mul3A_1014 : i32
        %get3A_1016 = arith.index_cast %mul3A_1015 : i32 to index
        %get3A_1017 = tpu.vector_load %arg13[%get3A_1016] {strides = array<i32>} : memref<528xi32, #tpu.memory_space<vmem>>, vector<16xi32>,
        %mul3A_1018 = arith.constant 16 : i32
        %mul3A_1019 = arith.muli %add3A_1013, %mul3A_1018 : i32
        %add3A_1020 = vector.broadcast %mul3A_1019 : i32 to vector<16xi32>
        %add3A_1021 = arith.addi %add3A_1020, %iota3A : vector<16xi32>
        %lt3A_1022 = vector.broadcast %parallel_loop3A_131 : i32 to vector<16xi32>
        %lt3A_1023 = arith.cmpi slt, %add3A_1021, %lt3A_1022 : vector<16xi32>
        %shift_right_logical3A = arith.constant 0 : i32
        %shift_right_logical3A_1024 = vector.broadcast %shift_right_logical3A : i32 to vector<16xi32>
        %shift_right_logical3A_1025 = arith.shrui %get3A_1017, %shift_right_logical3A_1024 : vector<16xi32>
        %and3A_1026 = arith.constant 255 : i32
        %and3A_1027 = vector.broadcast %and3A_1026 : i32 to vector<16xi32>
        %and3A_1028 = arith.andi %shift_right_logical3A_1025, %and3A_1027 : vector<16xi32>
        %sub3A_1029 = arith.constant 255 : i32
        %sub3A_1030 = vector.broadcast %sub3A_1029 : i32 to vector<16xi32>
        %sub3A_1031 = arith.subi %sub3A_1030, %and3A_1028 : vector<16xi32>
        %unique3A_1032, %unique3A_1033 = tpu.scan_count mask(%lt3A_1023 : vector<16xi1>) value(%sub3A_1031 : vector<16xi32>) : vector<16xi1>, vector<16xi32>
        %gather3A = tpu.vector_load_idx %arg10[%sub3A_1031] : memref<256xi32, #tpu.memory_space<vmem>>[vector<16xi32>], vector<16xi32>,
        %add3A_1034 = arith.addi %gather3A, %unique3A_1033 : vector<16xi32>
        %sub3A_1035 = vector.broadcast %squeeze3A : i32 to vector<16xi32>
        %sub3A_1036 = arith.subi %add3A_1034, %sub3A_1035 : vector<16xi32>
        %add3A_1037 = arith.constant 1 : i32
        %add3A_1038 = vector.broadcast %add3A_1037 : i32 to vector<16xi32>
        %add3A_1039 = arith.addi %sub3A_1036, %add3A_1038 : vector<16xi32>
        %and3A_1040 = arith.andi %lt3A_1023, %unique3A_1032 : vector<16xi1>
        tpu.vector_store_idx %arg10[%sub3A_1031], %add3A_1039 masked %and3A_1040 : memref<256xi32, #tpu.memory_space<vmem>>[vector<16xi32>], vector<16xi32>, vector<16xi1>
      }
      %while3A_174 = arith.constant 1 : i32
      scf.for %while3A_1011 = %while3A_172 to %while3A_168 step %while3A_174  : i32 {
        %mul3A_1012 = arith.muli %while3A_1011, %while3A_164 : i32
        %add3A_1013 = arith.addi %while3A_165, %mul3A_1012 : i32
        %mul3A_1014 = arith.constant 16 : i32
        %mul3A_1015 = arith.muli %add3A_1013, %mul3A_1014 : i32
        %get3A_1016 = arith.index_cast %mul3A_1015 : i32 to index
        %get3A_1017 = tpu.vector_load %arg13[%get3A_1016] {strides = array<i32>} : memref<528xi32, #tpu.memory_space<vmem>>, vector<16xi32>,
        %mul3A_1018 = arith.constant 16 : i32
        %mul3A_1019 = arith.muli %add3A_1013, %mul3A_1018 : i32
        %add3A_1020 = vector.broadcast %mul3A_1019 : i32 to vector<16xi32>
        %add3A_1021 = arith.addi %add3A_1020, %iota3A : vector<16xi32>
        %lt3A_1022 = vector.broadcast %parallel_loop3A_131 : i32 to vector<16xi32>
        %lt3A_1023 = arith.cmpi slt, %add3A_1021, %lt3A_1022 : vector<16xi32>
        %shift_right_logical3A = arith.constant 0 : i32
        %shift_right_logical3A_1024 = vector.broadcast %shift_right_logical3A : i32 to vector<16xi32>
        %shift_right_logical3A_1025 = arith.shrui %get3A_1017, %shift_right_logical3A_1024 : vector<16xi32>
        %and3A_1026 = arith.constant 255 : i32
        %and3A_1027 = vector.broadcast %and3A_1026 : i32 to vector<16xi32>
        %and3A_1028 = arith.andi %shift_right_logical3A_1025, %and3A_1027 : vector<16xi32>
        %sub3A_1029 = arith.constant 255 : i32
        %sub3A_1030 = vector.broadcast %sub3A_1029 : i32 to vector<16xi32>
        %sub3A_1031 = arith.subi %sub3A_1030, %and3A_1028 : vector<16xi32>
        %unique3A_1032, %unique3A_1033 = tpu.scan_count mask(%lt3A_1023 : vector<16xi1>) value(%sub3A_1031 : vector<16xi32>) : vector<16xi1>, vector<16xi32>
        %gather3A = tpu.vector_load_idx %arg10[%sub3A_1031] : memref<256xi32, #tpu.memory_space<vmem>>[vector<16xi32>], vector<16xi32>,
        %add3A_1034 = arith.addi %gather3A, %unique3A_1033 : vector<16xi32>
        %sub3A_1035 = vector.broadcast %squeeze3A : i32 to vector<16xi32>
        %sub3A_1036 = arith.subi %add3A_1034, %sub3A_1035 : vector<16xi32>
        %add3A_1037 = arith.constant 1 : i32
        %add3A_1038 = vector.broadcast %add3A_1037 : i32 to vector<16xi32>
        %add3A_1039 = arith.addi %sub3A_1036, %add3A_1038 : vector<16xi32>
        %and3A_1040 = arith.andi %lt3A_1023, %unique3A_1032 : vector<16xi1>
        tpu.vector_store_idx %arg10[%sub3A_1031], %add3A_1039 masked %and3A_1040 : memref<256xi32, #tpu.memory_space<vmem>>[vector<16xi32>], vector<16xi32>, vector<16xi1>
      }
      %get3A = arith.constant 0 : index
      %get3A_175 = tpu.vector_load %arg10[%get3A] {strides = array<i32>} : memref<256xi32, #tpu.memory_space<vmem>>, vector<16xi32>,
      %broadcast_in_dim3A_176 = arith.constant true
      %broadcast_in_dim3A_177 = vector.broadcast %broadcast_in_dim3A_176 : i1 to vector<16xi1>
      %masked_cumsum3A = tpu.scan <sum>, %get3A_175 masked %broadcast_in_dim3A_177 : vector<16xi32>, vector<16xi1> -> vector<16xi32>
      %sub3A_178 = arith.subi %masked_cumsum3A, %get3A_175 : vector<16xi32>
      %add3A_179 = arith.constant 0 : i32
      %add3A_180 = vector.broadcast %add3A_179 : i32 to vector<16xi32>
      %add3A_181 = arith.addi %sub3A_178, %add3A_180 : vector<16xi32>
      %swap3A_182 = arith.constant 0 : index
      %swap3A_183 = tpu.vector_load %arg10[%swap3A_182] {strides = array<i32>} : memref<256xi32, #tpu.memory_space<vmem>>, vector<16xi32>,
      tpu.vector_store %arg10[%swap3A_182], %add3A_181 {strides = array<i32>} : memref<256xi32, #tpu.memory_space<vmem>>, vector<16xi32>,
      %reduce_sum3A = arith.constant true
      %reduce_sum3A_184 = vector.broadcast %reduce_sum3A : i1 to vector<16xi1>
      %reduce_sum3A_185 = tpu.scan <sum>, %get3A_175 masked %reduce_sum3A_184 : vector<16xi32>, vector<16xi1> -> vector<16xi32>
      %reduce_sum3A_186 = vector.extract %reduce_sum3A_185[15] : i32 from vector<16xi32>
      %add3A_187 = arith.constant 0 : i32
      %add3A_188 = arith.addi %add3A_187, %reduce_sum3A_186 : i32
      %get3A_189 = arith.constant 16 : index
      %get3A_190 = tpu.vector_load %arg10[%get3A_189] {strides = array<i32>} : memref<256xi32, #tpu.memory_space<vmem>>, vector<16xi32>,
      %broadcast_in_dim3A_191 = arith.constant true
      %broadcast_in_dim3A_192 = vector.broadcast %broadcast_in_dim3A_191 : i1 to vector<16xi1>
      %masked_cumsum3A_193 = tpu.scan <sum>, %get3A_190 masked %broadcast_in_dim3A_192 : vector<16xi32>, vector<16xi1> -> vector<16xi32>
      %sub3A_194 = arith.subi %masked_cumsum3A_193, %get3A_190 : vector<16xi32>
      %add3A_195 = vector.broadcast %add3A_188 : i32 to vector<16xi32>
      %add3A_196 = arith.addi %sub3A_194, %add3A_195 : vector<16xi32>
      %swap3A_197 = arith.constant 16 : index
      %swap3A_198 = tpu.vector_load %arg10[%swap3A_197] {strides = array<i32>} : memref<256xi32, #tpu.memory_space<vmem>>, vector<16xi32>,
      tpu.vector_store %arg10[%swap3A_197], %add3A_196 {strides = array<i32>} : memref<256xi32, #tpu.memory_space<vmem>>, vector<16xi32>,
      %reduce_sum3A_199 = arith.constant true
      %reduce_sum3A_200 = vector.broadcast %reduce_sum3A_199 : i1 to vector<16xi1>
      %reduce_sum3A_201 = tpu.scan <sum>, %get3A_190 masked %reduce_sum3A_200 : vector<16xi32>, vector<16xi1> -> vector<16xi32>
      %reduce_sum3A_202 = vector.extract %reduce_sum3A_201[15] : i32 from vector<16xi32>
      %add3A_203 = arith.addi %add3A_188, %reduce_sum3A_202 : i32
      %get3A_204 = arith.constant 32 : index
      %get3A_205 = tpu.vector_load %arg10[%get3A_204] {strides = array<i32>} : memref<256xi32, #tpu.memory_space<vmem>>, vector<16xi32>,
      %broadcast_in_dim3A_206 = arith.constant true
      %broadcast_in_dim3A_207 = vector.broadcast %broadcast_in_dim3A_206 : i1 to vector<16xi1>
      %masked_cumsum3A_208 = tpu.scan <sum>, %get3A_205 masked %broadcast_in_dim3A_207 : vector<16xi32>, vector<16xi1> -> vector<16xi32>
      %sub3A_209 = arith.subi %masked_cumsum3A_208, %get3A_205 : vector<16xi32>
      %add3A_210 = vector.broadcast %add3A_203 : i32 to vector<16xi32>
      %add3A_211 = arith.addi %sub3A_209, %add3A_210 : vector<16xi32>
      %swap3A_212 = arith.constant 32 : index
      %swap3A_213 = tpu.vector_load %arg10[%swap3A_212] {strides = array<i32>} : memref<256xi32, #tpu.memory_space<vmem>>, vector<16xi32>,
      tpu.vector_store %arg10[%swap3A_212], %add3A_211 {strides = array<i32>} : memref<256xi32, #tpu.memory_space<vmem>>, vector<16xi32>,
      %reduce_sum3A_214 = arith.constant true
      %reduce_sum3A_215 = vector.broadcast %reduce_sum3A_214 : i1 to vector<16xi1>
      %reduce_sum3A_216 = tpu.scan <sum>, %get3A_205 masked %reduce_sum3A_215 : vector<16xi32>, vector<16xi1> -> vector<16xi32>
      %reduce_sum3A_217 = vector.extract %reduce_sum3A_216[15] : i32 from vector<16xi32>
      %add3A_218 = arith.addi %add3A_203, %reduce_sum3A_217 : i32
      %get3A_219 = arith.constant 48 : index
      %get3A_220 = tpu.vector_load %arg10[%get3A_219] {strides = array<i32>} : memref<256xi32, #tpu.memory_space<vmem>>, vector<16xi32>,
      %broadcast_in_dim3A_221 = arith.constant true
      %broadcast_in_dim3A_222 = vector.broadcast %broadcast_in_dim3A_221 : i1 to vector<16xi1>
      %masked_cumsum3A_223 = tpu.scan <sum>, %get3A_220 masked %broadcast_in_dim3A_222 : vector<16xi32>, vector<16xi1> -> vector<16xi32>
      %sub3A_224 = arith.subi %masked_cumsum3A_223, %get3A_220 : vector<16xi32>
      %add3A_225 = vector.broadcast %add3A_218 : i32 to vector<16xi32>
      %add3A_226 = arith.addi %sub3A_224, %add3A_225 : vector<16xi32>
      %swap3A_227 = arith.constant 48 : index
      %swap3A_228 = tpu.vector_load %arg10[%swap3A_227] {strides = array<i32>} : memref<256xi32, #tpu.memory_space<vmem>>, vector<16xi32>,
      tpu.vector_store %arg10[%swap3A_227], %add3A_226 {strides = array<i32>} : memref<256xi32, #tpu.memory_space<vmem>>, vector<16xi32>,
      %reduce_sum3A_229 = arith.constant true
      %reduce_sum3A_230 = vector.broadcast %reduce_sum3A_229 : i1 to vector<16xi1>
      %reduce_sum3A_231 = tpu.scan <sum>, %get3A_220 masked %reduce_sum3A_230 : vector<16xi32>, vector<16xi1> -> vector<16xi32>
      %reduce_sum3A_232 = vector.extract %reduce_sum3A_231[15] : i32 from vector<16xi32>
      %add3A_233 = arith.addi %add3A_218, %reduce_sum3A_232 : i32
      %get3A_234 = arith.constant 64 : index
      %get3A_235 = tpu.vector_load %arg10[%get3A_234] {strides = array<i32>} : memref<256xi32, #tpu.memory_space<vmem>>, vector<16xi32>,
      %broadcast_in_dim3A_236 = arith.constant true
      %broadcast_in_dim3A_237 = vector.broadcast %broadcast_in_dim3A_236 : i1 to vector<16xi1>
      %masked_cumsum3A_238 = tpu.scan <sum>, %get3A_235 masked %broadcast_in_dim3A_237 : vector<16xi32>, vector<16xi1> -> vector<16xi32>
      %sub3A_239 = arith.subi %masked_cumsum3A_238, %get3A_235 : vector<16xi32>
      %add3A_240 = vector.broadcast %add3A_233 : i32 to vector<16xi32>
      %add3A_241 = arith.addi %sub3A_239, %add3A_240 : vector<16xi32>
      %swap3A_242 = arith.constant 64 : index
      %swap3A_243 = tpu.vector_load %arg10[%swap3A_242] {strides = array<i32>} : memref<256xi32, #tpu.memory_space<vmem>>, vector<16xi32>,
      tpu.vector_store %arg10[%swap3A_242], %add3A_241 {strides = array<i32>} : memref<256xi32, #tpu.memory_space<vmem>>, vector<16xi32>,
      %reduce_sum3A_244 = arith.constant true
      %reduce_sum3A_245 = vector.broadcast %reduce_sum3A_244 : i1 to vector<16xi1>
      %reduce_sum3A_246 = tpu.scan <sum>, %get3A_235 masked %reduce_sum3A_245 : vector<16xi32>, vector<16xi1> -> vector<16xi32>
      %reduce_sum3A_247 = vector.extract %reduce_sum3A_246[15] : i32 from vector<16xi32>
      %add3A_248 = arith.addi %add3A_233, %reduce_sum3A_247 : i32
      %get3A_249 = arith.constant 80 : index
      %get3A_250 = tpu.vector_load %arg10[%get3A_249] {strides = array<i32>} : memref<256xi32, #tpu.memory_space<vmem>>, vector<16xi32>,
      %broadcast_in_dim3A_251 = arith.constant true
      %broadcast_in_dim3A_252 = vector.broadcast %broadcast_in_dim3A_251 : i1 to vector<16xi1>
      %masked_cumsum3A_253 = tpu.scan <sum>, %get3A_250 masked %broadcast_in_dim3A_252 : vector<16xi32>, vector<16xi1> -> vector<16xi32>
      %sub3A_254 = arith.subi %masked_cumsum3A_253, %get3A_250 : vector<16xi32>
      %add3A_255 = vector.broadcast %add3A_248 : i32 to vector<16xi32>
      %add3A_256 = arith.addi %sub3A_254, %add3A_255 : vector<16xi32>
      %swap3A_257 = arith.constant 80 : index
      %swap3A_258 = tpu.vector_load %arg10[%swap3A_257] {strides = array<i32>} : memref<256xi32, #tpu.memory_space<vmem>>, vector<16xi32>,
      tpu.vector_store %arg10[%swap3A_257], %add3A_256 {strides = array<i32>} : memref<256xi32, #tpu.memory_space<vmem>>, vector<16xi32>,
      %reduce_sum3A_259 = arith.constant true
      %reduce_sum3A_260 = vector.broadcast %reduce_sum3A_259 : i1 to vector<16xi1>
      %reduce_sum3A_261 = tpu.scan <sum>, %get3A_250 masked %reduce_sum3A_260 : vector<16xi32>, vector<16xi1> -> vector<16xi32>
      %reduce_sum3A_262 = vector.extract %reduce_sum3A_261[15] : i32 from vector<16xi32>
      %add3A_263 = arith.addi %add3A_248, %reduce_sum3A_262 : i32
      %get3A_264 = arith.constant 96 : index
      %get3A_265 = tpu.vector_load %arg10[%get3A_264] {strides = array<i32>} : memref<256xi32, #tpu.memory_space<vmem>>, vector<16xi32>,
      %broadcast_in_dim3A_266 = arith.constant true
      %broadcast_in_dim3A_267 = vector.broadcast %broadcast_in_dim3A_266 : i1 to vector<16xi1>
      %masked_cumsum3A_268 = tpu.scan <sum>, %get3A_265 masked %broadcast_in_dim3A_267 : vector<16xi32>, vector<16xi1> -> vector<16xi32>
      %sub3A_269 = arith.subi %masked_cumsum3A_268, %get3A_265 : vector<16xi32>
      %add3A_270 = vector.broadcast %add3A_263 : i32 to vector<16xi32>
      %add3A_271 = arith.addi %sub3A_269, %add3A_270 : vector<16xi32>
      %swap3A_272 = arith.constant 96 : index
      %swap3A_273 = tpu.vector_load %arg10[%swap3A_272] {strides = array<i32>} : memref<256xi32, #tpu.memory_space<vmem>>, vector<16xi32>,
      tpu.vector_store %arg10[%swap3A_272], %add3A_271 {strides = array<i32>} : memref<256xi32, #tpu.memory_space<vmem>>, vector<16xi32>,
      %reduce_sum3A_274 = arith.constant true
      %reduce_sum3A_275 = vector.broadcast %reduce_sum3A_274 : i1 to vector<16xi1>
      %reduce_sum3A_276 = tpu.scan <sum>, %get3A_265 masked %reduce_sum3A_275 : vector<16xi32>, vector<16xi1> -> vector<16xi32>
      %reduce_sum3A_277 = vector.extract %reduce_sum3A_276[15] : i32 from vector<16xi32>
      %add3A_278 = arith.addi %add3A_263, %reduce_sum3A_277 : i32
      %get3A_279 = arith.constant 112 : index
      %get3A_280 = tpu.vector_load %arg10[%get3A_279] {strides = array<i32>} : memref<256xi32, #tpu.memory_space<vmem>>, vector<16xi32>,
      %broadcast_in_dim3A_281 = arith.constant true
      %broadcast_in_dim3A_282 = vector.broadcast %broadcast_in_dim3A_281 : i1 to vector<16xi1>
      %masked_cumsum3A_283 = tpu.scan <sum>, %get3A_280 masked %broadcast_in_dim3A_282 : vector<16xi32>, vector<16xi1> -> vector<16xi32>
      %sub3A_284 = arith.subi %masked_cumsum3A_283, %get3A_280 : vector<16xi32>
      %add3A_285 = vector.broadcast %add3A_278 : i32 to vector<16xi32>
      %add3A_286 = arith.addi %sub3A_284, %add3A_285 : vector<16xi32>
      %swap3A_287 = arith.constant 112 : index
      %swap3A_288 = tpu.vector_load %arg10[%swap3A_287] {strides = array<i32>} : memref<256xi32, #tpu.memory_space<vmem>>, vector<16xi32>,
      tpu.vector_store %arg10[%swap3A_287], %add3A_286 {strides = array<i32>} : memref<256xi32, #tpu.memory_space<vmem>>, vector<16xi32>,
      %reduce_sum3A_289 = arith.constant true
      %reduce_sum3A_290 = vector.broadcast %reduce_sum3A_289 : i1 to vector<16xi1>
      %reduce_sum3A_291 = tpu.scan <sum>, %get3A_280 masked %reduce_sum3A_290 : vector<16xi32>, vector<16xi1> -> vector<16xi32>
      %reduce_sum3A_292 = vector.extract %reduce_sum3A_291[15] : i32 from vector<16xi32>
      %add3A_293 = arith.addi %add3A_278, %reduce_sum3A_292 : i32
      %get3A_294 = arith.constant 128 : index
      %get3A_295 = tpu.vector_load %arg10[%get3A_294] {strides = array<i32>} : memref<256xi32, #tpu.memory_space<vmem>>, vector<16xi32>,
      %broadcast_in_dim3A_296 = arith.constant true
      %broadcast_in_dim3A_297 = vector.broadcast %broadcast_in_dim3A_296 : i1 to vector<16xi1>
      %masked_cumsum3A_298 = tpu.scan <sum>, %get3A_295 masked %broadcast_in_dim3A_297 : vector<16xi32>, vector<16xi1> -> vector<16xi32>
      %sub3A_299 = arith.subi %masked_cumsum3A_298, %get3A_295 : vector<16xi32>
      %add3A_300 = vector.broadcast %add3A_293 : i32 to vector<16xi32>
      %add3A_301 = arith.addi %sub3A_299, %add3A_300 : vector<16xi32>
      %swap3A_302 = arith.constant 128 : index
      %swap3A_303 = tpu.vector_load %arg10[%swap3A_302] {strides = array<i32>} : memref<256xi32, #tpu.memory_space<vmem>>, vector<16xi32>,
      tpu.vector_store %arg10[%swap3A_302], %add3A_301 {strides = array<i32>} : memref<256xi32, #tpu.memory_space<vmem>>, vector<16xi32>,
      %reduce_sum3A_304 = arith.constant true
      %reduce_sum3A_305 = vector.broadcast %reduce_sum3A_304 : i1 to vector<16xi1>
      %reduce_sum3A_306 = tpu.scan <sum>, %get3A_295 masked %reduce_sum3A_305 : vector<16xi32>, vector<16xi1> -> vector<16xi32>
      %reduce_sum3A_307 = vector.extract %reduce_sum3A_306[15] : i32 from vector<16xi32>
      %add3A_308 = arith.addi %add3A_293, %reduce_sum3A_307 : i32
      %get3A_309 = arith.constant 144 : index
      %get3A_310 = tpu.vector_load %arg10[%get3A_309] {strides = array<i32>} : memref<256xi32, #tpu.memory_space<vmem>>, vector<16xi32>,
      %broadcast_in_dim3A_311 = arith.constant true
      %broadcast_in_dim3A_312 = vector.broadcast %broadcast_in_dim3A_311 : i1 to vector<16xi1>
      %masked_cumsum3A_313 = tpu.scan <sum>, %get3A_310 masked %broadcast_in_dim3A_312 : vector<16xi32>, vector<16xi1> -> vector<16xi32>
      %sub3A_314 = arith.subi %masked_cumsum3A_313, %get3A_310 : vector<16xi32>
      %add3A_315 = vector.broadcast %add3A_308 : i32 to vector<16xi32>
      %add3A_316 = arith.addi %sub3A_314, %add3A_315 : vector<16xi32>
      %swap3A_317 = arith.constant 144 : index
      %swap3A_318 = tpu.vector_load %arg10[%swap3A_317] {strides = array<i32>} : memref<256xi32, #tpu.memory_space<vmem>>, vector<16xi32>,
      tpu.vector_store %arg10[%swap3A_317], %add3A_316 {strides = array<i32>} : memref<256xi32, #tpu.memory_space<vmem>>, vector<16xi32>,
      %reduce_sum3A_319 = arith.constant true
      %reduce_sum3A_320 = vector.broadcast %reduce_sum3A_319 : i1 to vector<16xi1>
      %reduce_sum3A_321 = tpu.scan <sum>, %get3A_310 masked %reduce_sum3A_320 : vector<16xi32>, vector<16xi1> -> vector<16xi32>
      %reduce_sum3A_322 = vector.extract %reduce_sum3A_321[15] : i32 from vector<16xi32>
      %add3A_323 = arith.addi %add3A_308, %reduce_sum3A_322 : i32
      %get3A_324 = arith.constant 160 : index
      %get3A_325 = tpu.vector_load %arg10[%get3A_324] {strides = array<i32>} : memref<256xi32, #tpu.memory_space<vmem>>, vector<16xi32>,
      %broadcast_in_dim3A_326 = arith.constant true
      %broadcast_in_dim3A_327 = vector.broadcast %broadcast_in_dim3A_326 : i1 to vector<16xi1>
      %masked_cumsum3A_328 = tpu.scan <sum>, %get3A_325 masked %broadcast_in_dim3A_327 : vector<16xi32>, vector<16xi1> -> vector<16xi32>
      %sub3A_329 = arith.subi %masked_cumsum3A_328, %get3A_325 : vector<16xi32>
      %add3A_330 = vector.broadcast %add3A_323 : i32 to vector<16xi32>
      %add3A_331 = arith.addi %sub3A_329, %add3A_330 : vector<16xi32>
      %swap3A_332 = arith.constant 160 : index
      %swap3A_333 = tpu.vector_load %arg10[%swap3A_332] {strides = array<i32>} : memref<256xi32, #tpu.memory_space<vmem>>, vector<16xi32>,
      tpu.vector_store %arg10[%swap3A_332], %add3A_331 {strides = array<i32>} : memref<256xi32, #tpu.memory_space<vmem>>, vector<16xi32>,
      %reduce_sum3A_334 = arith.constant true
      %reduce_sum3A_335 = vector.broadcast %reduce_sum3A_334 : i1 to vector<16xi1>
      %reduce_sum3A_336 = tpu.scan <sum>, %get3A_325 masked %reduce_sum3A_335 : vector<16xi32>, vector<16xi1> -> vector<16xi32>
      %reduce_sum3A_337 = vector.extract %reduce_sum3A_336[15] : i32 from vector<16xi32>
      %add3A_338 = arith.addi %add3A_323, %reduce_sum3A_337 : i32
      %get3A_339 = arith.constant 176 : index
      %get3A_340 = tpu.vector_load %arg10[%get3A_339] {strides = array<i32>} : memref<256xi32, #tpu.memory_space<vmem>>, vector<16xi32>,
      %broadcast_in_dim3A_341 = arith.constant true
      %broadcast_in_dim3A_342 = vector.broadcast %broadcast_in_dim3A_341 : i1 to vector<16xi1>
      %masked_cumsum3A_343 = tpu.scan <sum>, %get3A_340 masked %broadcast_in_dim3A_342 : vector<16xi32>, vector<16xi1> -> vector<16xi32>
      %sub3A_344 = arith.subi %masked_cumsum3A_343, %get3A_340 : vector<16xi32>
      %add3A_345 = vector.broadcast %add3A_338 : i32 to vector<16xi32>
      %add3A_346 = arith.addi %sub3A_344, %add3A_345 : vector<16xi32>
      %swap3A_347 = arith.constant 176 : index
      %swap3A_348 = tpu.vector_load %arg10[%swap3A_347] {strides = array<i32>} : memref<256xi32, #tpu.memory_space<vmem>>, vector<16xi32>,
      tpu.vector_store %arg10[%swap3A_347], %add3A_346 {strides = array<i32>} : memref<256xi32, #tpu.memory_space<vmem>>, vector<16xi32>,
      %reduce_sum3A_349 = arith.constant true
      %reduce_sum3A_350 = vector.broadcast %reduce_sum3A_349 : i1 to vector<16xi1>
      %reduce_sum3A_351 = tpu.scan <sum>, %get3A_340 masked %reduce_sum3A_350 : vector<16xi32>, vector<16xi1> -> vector<16xi32>
      %reduce_sum3A_352 = vector.extract %reduce_sum3A_351[15] : i32 from vector<16xi32>
      %add3A_353 = arith.addi %add3A_338, %reduce_sum3A_352 : i32
      %get3A_354 = arith.constant 192 : index
      %get3A_355 = tpu.vector_load %arg10[%get3A_354] {strides = array<i32>} : memref<256xi32, #tpu.memory_space<vmem>>, vector<16xi32>,
      %broadcast_in_dim3A_356 = arith.constant true
      %broadcast_in_dim3A_357 = vector.broadcast %broadcast_in_dim3A_356 : i1 to vector<16xi1>
      %masked_cumsum3A_358 = tpu.scan <sum>, %get3A_355 masked %broadcast_in_dim3A_357 : vector<16xi32>, vector<16xi1> -> vector<16xi32>
      %sub3A_359 = arith.subi %masked_cumsum3A_358, %get3A_355 : vector<16xi32>
      %add3A_360 = vector.broadcast %add3A_353 : i32 to vector<16xi32>
      %add3A_361 = arith.addi %sub3A_359, %add3A_360 : vector<16xi32>
      %swap3A_362 = arith.constant 192 : index
      %swap3A_363 = tpu.vector_load %arg10[%swap3A_362] {strides = array<i32>} : memref<256xi32, #tpu.memory_space<vmem>>, vector<16xi32>,
      tpu.vector_store %arg10[%swap3A_362], %add3A_361 {strides = array<i32>} : memref<256xi32, #tpu.memory_space<vmem>>, vector<16xi32>,
      %reduce_sum3A_364 = arith.constant true
      %reduce_sum3A_365 = vector.broadcast %reduce_sum3A_364 : i1 to vector<16xi1>
      %reduce_sum3A_366 = tpu.scan <sum>, %get3A_355 masked %reduce_sum3A_365 : vector<16xi32>, vector<16xi1> -> vector<16xi32>
      %reduce_sum3A_367 = vector.extract %reduce_sum3A_366[15] : i32 from vector<16xi32>
      %add3A_368 = arith.addi %add3A_353, %reduce_sum3A_367 : i32
      %get3A_369 = arith.constant 208 : index
      %get3A_370 = tpu.vector_load %arg10[%get3A_369] {strides = array<i32>} : memref<256xi32, #tpu.memory_space<vmem>>, vector<16xi32>,
      %broadcast_in_dim3A_371 = arith.constant true
      %broadcast_in_dim3A_372 = vector.broadcast %broadcast_in_dim3A_371 : i1 to vector<16xi1>
      %masked_cumsum3A_373 = tpu.scan <sum>, %get3A_370 masked %broadcast_in_dim3A_372 : vector<16xi32>, vector<16xi1> -> vector<16xi32>
      %sub3A_374 = arith.subi %masked_cumsum3A_373, %get3A_370 : vector<16xi32>
      %add3A_375 = vector.broadcast %add3A_368 : i32 to vector<16xi32>
      %add3A_376 = arith.addi %sub3A_374, %add3A_375 : vector<16xi32>
      %swap3A_377 = arith.constant 208 : index
      %swap3A_378 = tpu.vector_load %arg10[%swap3A_377] {strides = array<i32>} : memref<256xi32, #tpu.memory_space<vmem>>, vector<16xi32>,
      tpu.vector_store %arg10[%swap3A_377], %add3A_376 {strides = array<i32>} : memref<256xi32, #tpu.memory_space<vmem>>, vector<16xi32>,
      %reduce_sum3A_379 = arith.constant true
      %reduce_sum3A_380 = vector.broadcast %reduce_sum3A_379 : i1 to vector<16xi1>
      %reduce_sum3A_381 = tpu.scan <sum>, %get3A_370 masked %reduce_sum3A_380 : vector<16xi32>, vector<16xi1> -> vector<16xi32>
      %reduce_sum3A_382 = vector.extract %reduce_sum3A_381[15] : i32 from vector<16xi32>
      %add3A_383 = arith.addi %add3A_368, %reduce_sum3A_382 : i32
      %get3A_384 = arith.constant 224 : index
      %get3A_385 = tpu.vector_load %arg10[%get3A_384] {strides = array<i32>} : memref<256xi32, #tpu.memory_space<vmem>>, vector<16xi32>,
      %broadcast_in_dim3A_386 = arith.constant true
      %broadcast_in_dim3A_387 = vector.broadcast %broadcast_in_dim3A_386 : i1 to vector<16xi1>
      %masked_cumsum3A_388 = tpu.scan <sum>, %get3A_385 masked %broadcast_in_dim3A_387 : vector<16xi32>, vector<16xi1> -> vector<16xi32>
      %sub3A_389 = arith.subi %masked_cumsum3A_388, %get3A_385 : vector<16xi32>
      %add3A_390 = vector.broadcast %add3A_383 : i32 to vector<16xi32>
      %add3A_391 = arith.addi %sub3A_389, %add3A_390 : vector<16xi32>
      %swap3A_392 = arith.constant 224 : index
      %swap3A_393 = tpu.vector_load %arg10[%swap3A_392] {strides = array<i32>} : memref<256xi32, #tpu.memory_space<vmem>>, vector<16xi32>,
      tpu.vector_store %arg10[%swap3A_392], %add3A_391 {strides = array<i32>} : memref<256xi32, #tpu.memory_space<vmem>>, vector<16xi32>,
      %reduce_sum3A_394 = arith.constant true
      %reduce_sum3A_395 = vector.broadcast %reduce_sum3A_394 : i1 to vector<16xi1>
      %reduce_sum3A_396 = tpu.scan <sum>, %get3A_385 masked %reduce_sum3A_395 : vector<16xi32>, vector<16xi1> -> vector<16xi32>
      %reduce_sum3A_397 = vector.extract %reduce_sum3A_396[15] : i32 from vector<16xi32>
      %add3A_398 = arith.addi %add3A_383, %reduce_sum3A_397 : i32
      %get3A_399 = arith.constant 240 : index
      %get3A_400 = tpu.vector_load %arg10[%get3A_399] {strides = array<i32>} : memref<256xi32, #tpu.memory_space<vmem>>, vector<16xi32>,
      %broadcast_in_dim3A_401 = arith.constant true
      %broadcast_in_dim3A_402 = vector.broadcast %broadcast_in_dim3A_401 : i1 to vector<16xi1>
      %masked_cumsum3A_403 = tpu.scan <sum>, %get3A_400 masked %broadcast_in_dim3A_402 : vector<16xi32>, vector<16xi1> -> vector<16xi32>
      %sub3A_404 = arith.subi %masked_cumsum3A_403, %get3A_400 : vector<16xi32>
      %add3A_405 = vector.broadcast %add3A_398 : i32 to vector<16xi32>
      %add3A_406 = arith.addi %sub3A_404, %add3A_405 : vector<16xi32>
      %swap3A_407 = arith.constant 240 : index
      %swap3A_408 = tpu.vector_load %arg10[%swap3A_407] {strides = array<i32>} : memref<256xi32, #tpu.memory_space<vmem>>, vector<16xi32>,
      tpu.vector_store %arg10[%swap3A_407], %add3A_406 {strides = array<i32>} : memref<256xi32, #tpu.memory_space<vmem>>, vector<16xi32>,
      %reduce_sum3A_409 = arith.constant true
      %reduce_sum3A_410 = vector.broadcast %reduce_sum3A_409 : i1 to vector<16xi1>
      %reduce_sum3A_411 = tpu.scan <sum>, %get3A_400 masked %reduce_sum3A_410 : vector<16xi32>, vector<16xi1> -> vector<16xi32>
      %reduce_sum3A_412 = vector.extract %reduce_sum3A_411[15] : i32 from vector<16xi32>
      %add3A_413 = arith.addi %add3A_398, %reduce_sum3A_412 : i32
      %sub3A_414 = arith.constant 0 : i32
      %sub3A_415 = arith.subi %div3A_135, %sub3A_414 : i32
      %sub3A_416 = arith.constant 1 : i32
      %sub3A_417 = arith.constant 1 : i32
      %sub3A_418 = arith.subi %sub3A_416, %sub3A_417 : i32
      %add3A_419 = arith.addi %sub3A_415, %sub3A_418 : i32
      %div3A_420 = arith.constant 1 : i32
      %div3A_421 = arith.divsi %add3A_419, %div3A_420 : i32
      %while3A_422 = arith.constant 1 : i32
      %while3A_423 = arith.constant 0 : i32
      %while3A_424 = arith.constant 0 : i32
      %while3A_425 = arith.subi %div3A_421, %while3A_424 : i32
      %while3A_426 = arith.addi %while3A_424, %while3A_425 : i32
      %while3A_427 = arith.constant 1 : i32
      %while3A_428 = arith.divsi %while3A_425, %while3A_427 : i32
      %while3A_429 = arith.muli %while3A_428, %while3A_427 : i32
      %while3A_430 = arith.addi %while3A_424, %while3A_429 : i32
      %while3A_431 = arith.constant 1 : i32
      scf.for %while3A_1011 = %while3A_424 to %while3A_430 step %while3A_431  : i32 {
        %mul3A_1012 = arith.muli %while3A_1011, %while3A_422 : i32
        %add3A_1013 = arith.addi %while3A_423, %mul3A_1012 : i32
        %mul3A_1014 = arith.constant 16 : i32
        %mul3A_1015 = arith.muli %add3A_1013, %mul3A_1014 : i32
        %get3A_1016 = arith.index_cast %mul3A_1015 : i32 to index
        %get3A_1017 = tpu.vector_load %arg13[%get3A_1016] {strides = array<i32>} : memref<528xi32, #tpu.memory_space<vmem>>, vector<16xi32>,
        %mul3A_1018 = arith.constant 16 : i32
        %mul3A_1019 = arith.muli %add3A_1013, %mul3A_1018 : i32
        %get3A_1020 = arith.index_cast %mul3A_1019 : i32 to index
        %get3A_1021 = tpu.vector_load %arg14[%get3A_1020] {strides = array<i32>} : memref<528xi32, #tpu.memory_space<vmem>>, vector<16xi32>,
        %mul3A_1022 = arith.constant 16 : i32
        %mul3A_1023 = arith.muli %add3A_1013, %mul3A_1022 : i32
        %add3A_1024 = vector.broadcast %mul3A_1023 : i32 to vector<16xi32>
        %add3A_1025 = arith.addi %add3A_1024, %iota3A : vector<16xi32>
        %lt3A_1026 = vector.broadcast %parallel_loop3A_131 : i32 to vector<16xi32>
        %lt3A_1027 = arith.cmpi slt, %add3A_1025, %lt3A_1026 : vector<16xi32>
        %shift_right_logical3A = arith.constant 0 : i32
        %shift_right_logical3A_1028 = vector.broadcast %shift_right_logical3A : i32 to vector<16xi32>
        %shift_right_logical3A_1029 = arith.shrui %get3A_1017, %shift_right_logical3A_1028 : vector<16xi32>
        %and3A_1030 = arith.constant 255 : i32
        %and3A_1031 = vector.broadcast %and3A_1030 : i32 to vector<16xi32>
        %and3A_1032 = arith.andi %shift_right_logical3A_1029, %and3A_1031 : vector<16xi32>
        %sub3A_1033 = arith.constant 255 : i32
        %sub3A_1034 = vector.broadcast %sub3A_1033 : i32 to vector<16xi32>
        %sub3A_1035 = arith.subi %sub3A_1034, %and3A_1032 : vector<16xi32>
        %unique3A_1036, %unique3A_1037 = tpu.scan_count mask(%lt3A_1027 : vector<16xi1>) value(%sub3A_1035 : vector<16xi32>) : vector<16xi1>, vector<16xi32>
        %gather3A = tpu.vector_load_idx %arg10[%sub3A_1035] : memref<256xi32, #tpu.memory_space<vmem>>[vector<16xi32>], vector<16xi32>,
        %add3A_1038 = arith.addi %gather3A, %unique3A_1037 : vector<16xi32>
        %sub3A_1039 = vector.broadcast %squeeze3A : i32 to vector<16xi32>
        %sub3A_1040 = arith.subi %add3A_1038, %sub3A_1039 : vector<16xi32>
        tpu.vector_store_idx %arg15[%sub3A_1040], %get3A_1017 masked %lt3A_1027 : memref<528xi32, #tpu.memory_space<vmem>>[vector<16xi32>], vector<16xi32>, vector<16xi1>
        tpu.vector_store_idx %arg16[%sub3A_1040], %get3A_1021 masked %lt3A_1027 : memref<528xi32, #tpu.memory_space<vmem>>[vector<16xi32>], vector<16xi32>, vector<16xi1>
        %add3A_1041 = arith.constant 1 : i32
        %add3A_1042 = vector.broadcast %add3A_1041 : i32 to vector<16xi32>
        %add3A_1043 = arith.addi %sub3A_1040, %add3A_1042 : vector<16xi32>
        %and3A_1044 = arith.andi %lt3A_1027, %unique3A_1036 : vector<16xi1>
        tpu.vector_store_idx %arg10[%sub3A_1035], %add3A_1043 masked %and3A_1044 : memref<256xi32, #tpu.memory_space<vmem>>[vector<16xi32>], vector<16xi32>, vector<16xi1>
      }
      %while3A_432 = arith.constant 1 : i32
      scf.for %while3A_1011 = %while3A_430 to %while3A_426 step %while3A_432  : i32 {
        %mul3A_1012 = arith.muli %while3A_1011, %while3A_422 : i32
        %add3A_1013 = arith.addi %while3A_423, %mul3A_1012 : i32
        %mul3A_1014 = arith.constant 16 : i32
        %mul3A_1015 = arith.muli %add3A_1013, %mul3A_1014 : i32
        %get3A_1016 = arith.index_cast %mul3A_1015 : i32 to index
        %get3A_1017 = tpu.vector_load %arg13[%get3A_1016] {strides = array<i32>} : memref<528xi32, #tpu.memory_space<vmem>>, vector<16xi32>,
        %mul3A_1018 = arith.constant 16 : i32
        %mul3A_1019 = arith.muli %add3A_1013, %mul3A_1018 : i32
        %get3A_1020 = arith.index_cast %mul3A_1019 : i32 to index
        %get3A_1021 = tpu.vector_load %arg14[%get3A_1020] {strides = array<i32>} : memref<528xi32, #tpu.memory_space<vmem>>, vector<16xi32>,
        %mul3A_1022 = arith.constant 16 : i32
        %mul3A_1023 = arith.muli %add3A_1013, %mul3A_1022 : i32
        %add3A_1024 = vector.broadcast %mul3A_1023 : i32 to vector<16xi32>
        %add3A_1025 = arith.addi %add3A_1024, %iota3A : vector<16xi32>
        %lt3A_1026 = vector.broadcast %parallel_loop3A_131 : i32 to vector<16xi32>
        %lt3A_1027 = arith.cmpi slt, %add3A_1025, %lt3A_1026 : vector<16xi32>
        %shift_right_logical3A = arith.constant 0 : i32
        %shift_right_logical3A_1028 = vector.broadcast %shift_right_logical3A : i32 to vector<16xi32>
        %shift_right_logical3A_1029 = arith.shrui %get3A_1017, %shift_right_logical3A_1028 : vector<16xi32>
        %and3A_1030 = arith.constant 255 : i32
        %and3A_1031 = vector.broadcast %and3A_1030 : i32 to vector<16xi32>
        %and3A_1032 = arith.andi %shift_right_logical3A_1029, %and3A_1031 : vector<16xi32>
        %sub3A_1033 = arith.constant 255 : i32
        %sub3A_1034 = vector.broadcast %sub3A_1033 : i32 to vector<16xi32>
        %sub3A_1035 = arith.subi %sub3A_1034, %and3A_1032 : vector<16xi32>
        %unique3A_1036, %unique3A_1037 = tpu.scan_count mask(%lt3A_1027 : vector<16xi1>) value(%sub3A_1035 : vector<16xi32>) : vector<16xi1>, vector<16xi32>
        %gather3A = tpu.vector_load_idx %arg10[%sub3A_1035] : memref<256xi32, #tpu.memory_space<vmem>>[vector<16xi32>], vector<16xi32>,
        %add3A_1038 = arith.addi %gather3A, %unique3A_1037 : vector<16xi32>
        %sub3A_1039 = vector.broadcast %squeeze3A : i32 to vector<16xi32>
        %sub3A_1040 = arith.subi %add3A_1038, %sub3A_1039 : vector<16xi32>
        tpu.vector_store_idx %arg15[%sub3A_1040], %get3A_1017 masked %lt3A_1027 : memref<528xi32, #tpu.memory_space<vmem>>[vector<16xi32>], vector<16xi32>, vector<16xi1>
        tpu.vector_store_idx %arg16[%sub3A_1040], %get3A_1021 masked %lt3A_1027 : memref<528xi32, #tpu.memory_space<vmem>>[vector<16xi32>], vector<16xi32>, vector<16xi1>
        %add3A_1041 = arith.constant 1 : i32
        %add3A_1042 = vector.broadcast %add3A_1041 : i32 to vector<16xi32>
        %add3A_1043 = arith.addi %sub3A_1040, %add3A_1042 : vector<16xi32>
        %and3A_1044 = arith.andi %lt3A_1027, %unique3A_1036 : vector<16xi1>
        tpu.vector_store_idx %arg10[%sub3A_1035], %add3A_1043 masked %and3A_1044 : memref<256xi32, #tpu.memory_space<vmem>>[vector<16xi32>], vector<16xi32>, vector<16xi1>
      }
      %scan3A_433 = arith.constant 0 : i32
      %scan3A_434 = arith.constant 16 : i32
      %scan3A_435 = arith.addi %scan3A_433, %scan3A_434 : i32
      %scan3A_436 = arith.constant 1 : i32
      scf.for %scan3A_1011 = %scan3A_433 to %scan3A_435 step %scan3A_436  : i32 {
        %mul3A_1012 = arith.constant 1 : i32
        %mul3A_1013 = arith.muli %scan3A_1011, %mul3A_1012 : i32
        %add3A_1014 = arith.constant 0 : i32
        %add3A_1015 = arith.addi %add3A_1014, %mul3A_1013 : i32
        %mul3A_1016 = arith.constant 16 : i32
        %mul3A_1017 = arith.muli %add3A_1015, %mul3A_1016 : i32
        %swap3A_1018 = arith.index_cast %mul3A_1017 : i32 to index
        %swap3A_1019 = tpu.vector_load %arg10[%swap3A_1018] {strides = array<i32>} : memref<256xi32, #tpu.memory_space<vmem>>, vector<16xi32>,
        tpu.vector_store %arg10[%swap3A_1018], %broadcast_in_dim3A_3 {strides = array<i32>} : memref<256xi32, #tpu.memory_space<vmem>>, vector<16xi32>,
      }
      %scan3A_437 = arith.constant 16 : i32
      %sub3A_438 = arith.constant 0 : i32
      %sub3A_439 = arith.subi %div3A_135, %sub3A_438 : i32
      %sub3A_440 = arith.constant 1 : i32
      %sub3A_441 = arith.constant 1 : i32
      %sub3A_442 = arith.subi %sub3A_440, %sub3A_441 : i32
      %add3A_443 = arith.addi %sub3A_439, %sub3A_442 : i32
      %div3A_444 = arith.constant 1 : i32
      %div3A_445 = arith.divsi %add3A_443, %div3A_444 : i32
      %while3A_446 = arith.constant 1 : i32
      %while3A_447 = arith.constant 0 : i32
      %while3A_448 = arith.constant 0 : i32
      %while3A_449 = arith.subi %div3A_445, %while3A_448 : i32
      %while3A_450 = arith.addi %while3A_448, %while3A_449 : i32
      %while3A_451 = arith.constant 1 : i32
      %while3A_452 = arith.divsi %while3A_449, %while3A_451 : i32
      %while3A_453 = arith.muli %while3A_452, %while3A_451 : i32
      %while3A_454 = arith.addi %while3A_448, %while3A_453 : i32
      %while3A_455 = arith.constant 1 : i32
      scf.for %while3A_1011 = %while3A_448 to %while3A_454 step %while3A_455  : i32 {
        %mul3A_1012 = arith.muli %while3A_1011, %while3A_446 : i32
        %add3A_1013 = arith.addi %while3A_447, %mul3A_1012 : i32
        %mul3A_1014 = arith.constant 16 : i32
        %mul3A_1015 = arith.muli %add3A_1013, %mul3A_1014 : i32
        %get3A_1016 = arith.index_cast %mul3A_1015 : i32 to index
        %get3A_1017 = tpu.vector_load %arg15[%get3A_1016] {strides = array<i32>} : memref<528xi32, #tpu.memory_space<vmem>>, vector<16xi32>,
        %mul3A_1018 = arith.constant 16 : i32
        %mul3A_1019 = arith.muli %add3A_1013, %mul3A_1018 : i32
        %add3A_1020 = vector.broadcast %mul3A_1019 : i32 to vector<16xi32>
        %add3A_1021 = arith.addi %add3A_1020, %iota3A : vector<16xi32>
        %lt3A_1022 = vector.broadcast %parallel_loop3A_131 : i32 to vector<16xi32>
        %lt3A_1023 = arith.cmpi slt, %add3A_1021, %lt3A_1022 : vector<16xi32>
        %shift_right_logical3A = arith.constant 8 : i32
        %shift_right_logical3A_1024 = vector.broadcast %shift_right_logical3A : i32 to vector<16xi32>
        %shift_right_logical3A_1025 = arith.shrui %get3A_1017, %shift_right_logical3A_1024 : vector<16xi32>
        %and3A_1026 = arith.constant 255 : i32
        %and3A_1027 = vector.broadcast %and3A_1026 : i32 to vector<16xi32>
        %and3A_1028 = arith.andi %shift_right_logical3A_1025, %and3A_1027 : vector<16xi32>
        %sub3A_1029 = arith.constant 255 : i32
        %sub3A_1030 = vector.broadcast %sub3A_1029 : i32 to vector<16xi32>
        %sub3A_1031 = arith.subi %sub3A_1030, %and3A_1028 : vector<16xi32>
        %unique3A_1032, %unique3A_1033 = tpu.scan_count mask(%lt3A_1023 : vector<16xi1>) value(%sub3A_1031 : vector<16xi32>) : vector<16xi1>, vector<16xi32>
        %gather3A = tpu.vector_load_idx %arg10[%sub3A_1031] : memref<256xi32, #tpu.memory_space<vmem>>[vector<16xi32>], vector<16xi32>,
        %add3A_1034 = arith.addi %gather3A, %unique3A_1033 : vector<16xi32>
        %sub3A_1035 = vector.broadcast %squeeze3A : i32 to vector<16xi32>
        %sub3A_1036 = arith.subi %add3A_1034, %sub3A_1035 : vector<16xi32>
        %add3A_1037 = arith.constant 1 : i32
        %add3A_1038 = vector.broadcast %add3A_1037 : i32 to vector<16xi32>
        %add3A_1039 = arith.addi %sub3A_1036, %add3A_1038 : vector<16xi32>
        %and3A_1040 = arith.andi %lt3A_1023, %unique3A_1032 : vector<16xi1>
        tpu.vector_store_idx %arg10[%sub3A_1031], %add3A_1039 masked %and3A_1040 : memref<256xi32, #tpu.memory_space<vmem>>[vector<16xi32>], vector<16xi32>, vector<16xi1>
      }
      %while3A_456 = arith.constant 1 : i32
      scf.for %while3A_1011 = %while3A_454 to %while3A_450 step %while3A_456  : i32 {
        %mul3A_1012 = arith.muli %while3A_1011, %while3A_446 : i32
        %add3A_1013 = arith.addi %while3A_447, %mul3A_1012 : i32
        %mul3A_1014 = arith.constant 16 : i32
        %mul3A_1015 = arith.muli %add3A_1013, %mul3A_1014 : i32
        %get3A_1016 = arith.index_cast %mul3A_1015 : i32 to index
        %get3A_1017 = tpu.vector_load %arg15[%get3A_1016] {strides = array<i32>} : memref<528xi32, #tpu.memory_space<vmem>>, vector<16xi32>,
        %mul3A_1018 = arith.constant 16 : i32
        %mul3A_1019 = arith.muli %add3A_1013, %mul3A_1018 : i32
        %add3A_1020 = vector.broadcast %mul3A_1019 : i32 to vector<16xi32>
        %add3A_1021 = arith.addi %add3A_1020, %iota3A : vector<16xi32>
        %lt3A_1022 = vector.broadcast %parallel_loop3A_131 : i32 to vector<16xi32>
        %lt3A_1023 = arith.cmpi slt, %add3A_1021, %lt3A_1022 : vector<16xi32>
        %shift_right_logical3A = arith.constant 8 : i32
        %shift_right_logical3A_1024 = vector.broadcast %shift_right_logical3A : i32 to vector<16xi32>
        %shift_right_logical3A_1025 = arith.shrui %get3A_1017, %shift_right_logical3A_1024 : vector<16xi32>
        %and3A_1026 = arith.constant 255 : i32
        %and3A_1027 = vector.broadcast %and3A_1026 : i32 to vector<16xi32>
        %and3A_1028 = arith.andi %shift_right_logical3A_1025, %and3A_1027 : vector<16xi32>
        %sub3A_1029 = arith.constant 255 : i32
        %sub3A_1030 = vector.broadcast %sub3A_1029 : i32 to vector<16xi32>
        %sub3A_1031 = arith.subi %sub3A_1030, %and3A_1028 : vector<16xi32>
        %unique3A_1032, %unique3A_1033 = tpu.scan_count mask(%lt3A_1023 : vector<16xi1>) value(%sub3A_1031 : vector<16xi32>) : vector<16xi1>, vector<16xi32>
        %gather3A = tpu.vector_load_idx %arg10[%sub3A_1031] : memref<256xi32, #tpu.memory_space<vmem>>[vector<16xi32>], vector<16xi32>,
        %add3A_1034 = arith.addi %gather3A, %unique3A_1033 : vector<16xi32>
        %sub3A_1035 = vector.broadcast %squeeze3A : i32 to vector<16xi32>
        %sub3A_1036 = arith.subi %add3A_1034, %sub3A_1035 : vector<16xi32>
        %add3A_1037 = arith.constant 1 : i32
        %add3A_1038 = vector.broadcast %add3A_1037 : i32 to vector<16xi32>
        %add3A_1039 = arith.addi %sub3A_1036, %add3A_1038 : vector<16xi32>
        %and3A_1040 = arith.andi %lt3A_1023, %unique3A_1032 : vector<16xi1>
        tpu.vector_store_idx %arg10[%sub3A_1031], %add3A_1039 masked %and3A_1040 : memref<256xi32, #tpu.memory_space<vmem>>[vector<16xi32>], vector<16xi32>, vector<16xi1>
      }
      %get3A_457 = arith.constant 0 : index
      %get3A_458 = tpu.vector_load %arg10[%get3A_457] {strides = array<i32>} : memref<256xi32, #tpu.memory_space<vmem>>, vector<16xi32>,
      %broadcast_in_dim3A_459 = arith.constant true
      %broadcast_in_dim3A_460 = vector.broadcast %broadcast_in_dim3A_459 : i1 to vector<16xi1>
      %masked_cumsum3A_461 = tpu.scan <sum>, %get3A_458 masked %broadcast_in_dim3A_460 : vector<16xi32>, vector<16xi1> -> vector<16xi32>
      %sub3A_462 = arith.subi %masked_cumsum3A_461, %get3A_458 : vector<16xi32>
      %add3A_463 = arith.constant 0 : i32
      %add3A_464 = vector.broadcast %add3A_463 : i32 to vector<16xi32>
      %add3A_465 = arith.addi %sub3A_462, %add3A_464 : vector<16xi32>
      %swap3A_466 = arith.constant 0 : index
      %swap3A_467 = tpu.vector_load %arg10[%swap3A_466] {strides = array<i32>} : memref<256xi32, #tpu.memory_space<vmem>>, vector<16xi32>,
      tpu.vector_store %arg10[%swap3A_466], %add3A_465 {strides = array<i32>} : memref<256xi32, #tpu.memory_space<vmem>>, vector<16xi32>,
      %reduce_sum3A_468 = arith.constant true
      %reduce_sum3A_469 = vector.broadcast %reduce_sum3A_468 : i1 to vector<16xi1>
      %reduce_sum3A_470 = tpu.scan <sum>, %get3A_458 masked %reduce_sum3A_469 : vector<16xi32>, vector<16xi1> -> vector<16xi32>
      %reduce_sum3A_471 = vector.extract %reduce_sum3A_470[15] : i32 from vector<16xi32>
      %add3A_472 = arith.constant 0 : i32
      %add3A_473 = arith.addi %add3A_472, %reduce_sum3A_471 : i32
      %get3A_474 = arith.constant 16 : index
      %get3A_475 = tpu.vector_load %arg10[%get3A_474] {strides = array<i32>} : memref<256xi32, #tpu.memory_space<vmem>>, vector<16xi32>,
      %broadcast_in_dim3A_476 = arith.constant true
      %broadcast_in_dim3A_477 = vector.broadcast %broadcast_in_dim3A_476 : i1 to vector<16xi1>
      %masked_cumsum3A_478 = tpu.scan <sum>, %get3A_475 masked %broadcast_in_dim3A_477 : vector<16xi32>, vector<16xi1> -> vector<16xi32>
      %sub3A_479 = arith.subi %masked_cumsum3A_478, %get3A_475 : vector<16xi32>
      %add3A_480 = vector.broadcast %add3A_473 : i32 to vector<16xi32>
      %add3A_481 = arith.addi %sub3A_479, %add3A_480 : vector<16xi32>
      %swap3A_482 = arith.constant 16 : index
      %swap3A_483 = tpu.vector_load %arg10[%swap3A_482] {strides = array<i32>} : memref<256xi32, #tpu.memory_space<vmem>>, vector<16xi32>,
      tpu.vector_store %arg10[%swap3A_482], %add3A_481 {strides = array<i32>} : memref<256xi32, #tpu.memory_space<vmem>>, vector<16xi32>,
      %reduce_sum3A_484 = arith.constant true
      %reduce_sum3A_485 = vector.broadcast %reduce_sum3A_484 : i1 to vector<16xi1>
      %reduce_sum3A_486 = tpu.scan <sum>, %get3A_475 masked %reduce_sum3A_485 : vector<16xi32>, vector<16xi1> -> vector<16xi32>
      %reduce_sum3A_487 = vector.extract %reduce_sum3A_486[15] : i32 from vector<16xi32>
      %add3A_488 = arith.addi %add3A_473, %reduce_sum3A_487 : i32
      %get3A_489 = arith.constant 32 : index
      %get3A_490 = tpu.vector_load %arg10[%get3A_489] {strides = array<i32>} : memref<256xi32, #tpu.memory_space<vmem>>, vector<16xi32>,
      %broadcast_in_dim3A_491 = arith.constant true
      %broadcast_in_dim3A_492 = vector.broadcast %broadcast_in_dim3A_491 : i1 to vector<16xi1>
      %masked_cumsum3A_493 = tpu.scan <sum>, %get3A_490 masked %broadcast_in_dim3A_492 : vector<16xi32>, vector<16xi1> -> vector<16xi32>
      %sub3A_494 = arith.subi %masked_cumsum3A_493, %get3A_490 : vector<16xi32>
      %add3A_495 = vector.broadcast %add3A_488 : i32 to vector<16xi32>
      %add3A_496 = arith.addi %sub3A_494, %add3A_495 : vector<16xi32>
      %swap3A_497 = arith.constant 32 : index
      %swap3A_498 = tpu.vector_load %arg10[%swap3A_497] {strides = array<i32>} : memref<256xi32, #tpu.memory_space<vmem>>, vector<16xi32>,
      tpu.vector_store %arg10[%swap3A_497], %add3A_496 {strides = array<i32>} : memref<256xi32, #tpu.memory_space<vmem>>, vector<16xi32>,
      %reduce_sum3A_499 = arith.constant true
      %reduce_sum3A_500 = vector.broadcast %reduce_sum3A_499 : i1 to vector<16xi1>
      %reduce_sum3A_501 = tpu.scan <sum>, %get3A_490 masked %reduce_sum3A_500 : vector<16xi32>, vector<16xi1> -> vector<16xi32>
      %reduce_sum3A_502 = vector.extract %reduce_sum3A_501[15] : i32 from vector<16xi32>
      %add3A_503 = arith.addi %add3A_488, %reduce_sum3A_502 : i32
      %get3A_504 = arith.constant 48 : index
      %get3A_505 = tpu.vector_load %arg10[%get3A_504] {strides = array<i32>} : memref<256xi32, #tpu.memory_space<vmem>>, vector<16xi32>,
      %broadcast_in_dim3A_506 = arith.constant true
      %broadcast_in_dim3A_507 = vector.broadcast %broadcast_in_dim3A_506 : i1 to vector<16xi1>
      %masked_cumsum3A_508 = tpu.scan <sum>, %get3A_505 masked %broadcast_in_dim3A_507 : vector<16xi32>, vector<16xi1> -> vector<16xi32>
      %sub3A_509 = arith.subi %masked_cumsum3A_508, %get3A_505 : vector<16xi32>
      %add3A_510 = vector.broadcast %add3A_503 : i32 to vector<16xi32>
      %add3A_511 = arith.addi %sub3A_509, %add3A_510 : vector<16xi32>
      %swap3A_512 = arith.constant 48 : index
      %swap3A_513 = tpu.vector_load %arg10[%swap3A_512] {strides = array<i32>} : memref<256xi32, #tpu.memory_space<vmem>>, vector<16xi32>,
      tpu.vector_store %arg10[%swap3A_512], %add3A_511 {strides = array<i32>} : memref<256xi32, #tpu.memory_space<vmem>>, vector<16xi32>,
      %reduce_sum3A_514 = arith.constant true
      %reduce_sum3A_515 = vector.broadcast %reduce_sum3A_514 : i1 to vector<16xi1>
      %reduce_sum3A_516 = tpu.scan <sum>, %get3A_505 masked %reduce_sum3A_515 : vector<16xi32>, vector<16xi1> -> vector<16xi32>
      %reduce_sum3A_517 = vector.extract %reduce_sum3A_516[15] : i32 from vector<16xi32>
      %add3A_518 = arith.addi %add3A_503, %reduce_sum3A_517 : i32
      %get3A_519 = arith.constant 64 : index
      %get3A_520 = tpu.vector_load %arg10[%get3A_519] {strides = array<i32>} : memref<256xi32, #tpu.memory_space<vmem>>, vector<16xi32>,
      %broadcast_in_dim3A_521 = arith.constant true
      %broadcast_in_dim3A_522 = vector.broadcast %broadcast_in_dim3A_521 : i1 to vector<16xi1>
      %masked_cumsum3A_523 = tpu.scan <sum>, %get3A_520 masked %broadcast_in_dim3A_522 : vector<16xi32>, vector<16xi1> -> vector<16xi32>
      %sub3A_524 = arith.subi %masked_cumsum3A_523, %get3A_520 : vector<16xi32>
      %add3A_525 = vector.broadcast %add3A_518 : i32 to vector<16xi32>
      %add3A_526 = arith.addi %sub3A_524, %add3A_525 : vector<16xi32>
      %swap3A_527 = arith.constant 64 : index
      %swap3A_528 = tpu.vector_load %arg10[%swap3A_527] {strides = array<i32>} : memref<256xi32, #tpu.memory_space<vmem>>, vector<16xi32>,
      tpu.vector_store %arg10[%swap3A_527], %add3A_526 {strides = array<i32>} : memref<256xi32, #tpu.memory_space<vmem>>, vector<16xi32>,
      %reduce_sum3A_529 = arith.constant true
      %reduce_sum3A_530 = vector.broadcast %reduce_sum3A_529 : i1 to vector<16xi1>
      %reduce_sum3A_531 = tpu.scan <sum>, %get3A_520 masked %reduce_sum3A_530 : vector<16xi32>, vector<16xi1> -> vector<16xi32>
      %reduce_sum3A_532 = vector.extract %reduce_sum3A_531[15] : i32 from vector<16xi32>
      %add3A_533 = arith.addi %add3A_518, %reduce_sum3A_532 : i32
      %get3A_534 = arith.constant 80 : index
      %get3A_535 = tpu.vector_load %arg10[%get3A_534] {strides = array<i32>} : memref<256xi32, #tpu.memory_space<vmem>>, vector<16xi32>,
      %broadcast_in_dim3A_536 = arith.constant true
      %broadcast_in_dim3A_537 = vector.broadcast %broadcast_in_dim3A_536 : i1 to vector<16xi1>
      %masked_cumsum3A_538 = tpu.scan <sum>, %get3A_535 masked %broadcast_in_dim3A_537 : vector<16xi32>, vector<16xi1> -> vector<16xi32>
      %sub3A_539 = arith.subi %masked_cumsum3A_538, %get3A_535 : vector<16xi32>
      %add3A_540 = vector.broadcast %add3A_533 : i32 to vector<16xi32>
      %add3A_541 = arith.addi %sub3A_539, %add3A_540 : vector<16xi32>
      %swap3A_542 = arith.constant 80 : index
      %swap3A_543 = tpu.vector_load %arg10[%swap3A_542] {strides = array<i32>} : memref<256xi32, #tpu.memory_space<vmem>>, vector<16xi32>,
      tpu.vector_store %arg10[%swap3A_542], %add3A_541 {strides = array<i32>} : memref<256xi32, #tpu.memory_space<vmem>>, vector<16xi32>,
      %reduce_sum3A_544 = arith.constant true
      %reduce_sum3A_545 = vector.broadcast %reduce_sum3A_544 : i1 to vector<16xi1>
      %reduce_sum3A_546 = tpu.scan <sum>, %get3A_535 masked %reduce_sum3A_545 : vector<16xi32>, vector<16xi1> -> vector<16xi32>
      %reduce_sum3A_547 = vector.extract %reduce_sum3A_546[15] : i32 from vector<16xi32>
      %add3A_548 = arith.addi %add3A_533, %reduce_sum3A_547 : i32
      %get3A_549 = arith.constant 96 : index
      %get3A_550 = tpu.vector_load %arg10[%get3A_549] {strides = array<i32>} : memref<256xi32, #tpu.memory_space<vmem>>, vector<16xi32>,
      %broadcast_in_dim3A_551 = arith.constant true
      %broadcast_in_dim3A_552 = vector.broadcast %broadcast_in_dim3A_551 : i1 to vector<16xi1>
      %masked_cumsum3A_553 = tpu.scan <sum>, %get3A_550 masked %broadcast_in_dim3A_552 : vector<16xi32>, vector<16xi1> -> vector<16xi32>
      %sub3A_554 = arith.subi %masked_cumsum3A_553, %get3A_550 : vector<16xi32>
      %add3A_555 = vector.broadcast %add3A_548 : i32 to vector<16xi32>
      %add3A_556 = arith.addi %sub3A_554, %add3A_555 : vector<16xi32>
      %swap3A_557 = arith.constant 96 : index
      %swap3A_558 = tpu.vector_load %arg10[%swap3A_557] {strides = array<i32>} : memref<256xi32, #tpu.memory_space<vmem>>, vector<16xi32>,
      tpu.vector_store %arg10[%swap3A_557], %add3A_556 {strides = array<i32>} : memref<256xi32, #tpu.memory_space<vmem>>, vector<16xi32>,
      %reduce_sum3A_559 = arith.constant true
      %reduce_sum3A_560 = vector.broadcast %reduce_sum3A_559 : i1 to vector<16xi1>
      %reduce_sum3A_561 = tpu.scan <sum>, %get3A_550 masked %reduce_sum3A_560 : vector<16xi32>, vector<16xi1> -> vector<16xi32>
      %reduce_sum3A_562 = vector.extract %reduce_sum3A_561[15] : i32 from vector<16xi32>
      %add3A_563 = arith.addi %add3A_548, %reduce_sum3A_562 : i32
      %get3A_564 = arith.constant 112 : index
      %get3A_565 = tpu.vector_load %arg10[%get3A_564] {strides = array<i32>} : memref<256xi32, #tpu.memory_space<vmem>>, vector<16xi32>,
      %broadcast_in_dim3A_566 = arith.constant true
      %broadcast_in_dim3A_567 = vector.broadcast %broadcast_in_dim3A_566 : i1 to vector<16xi1>
      %masked_cumsum3A_568 = tpu.scan <sum>, %get3A_565 masked %broadcast_in_dim3A_567 : vector<16xi32>, vector<16xi1> -> vector<16xi32>
      %sub3A_569 = arith.subi %masked_cumsum3A_568, %get3A_565 : vector<16xi32>
      %add3A_570 = vector.broadcast %add3A_563 : i32 to vector<16xi32>
      %add3A_571 = arith.addi %sub3A_569, %add3A_570 : vector<16xi32>
      %swap3A_572 = arith.constant 112 : index
      %swap3A_573 = tpu.vector_load %arg10[%swap3A_572] {strides = array<i32>} : memref<256xi32, #tpu.memory_space<vmem>>, vector<16xi32>,
      tpu.vector_store %arg10[%swap3A_572], %add3A_571 {strides = array<i32>} : memref<256xi32, #tpu.memory_space<vmem>>, vector<16xi32>,
      %reduce_sum3A_574 = arith.constant true
      %reduce_sum3A_575 = vector.broadcast %reduce_sum3A_574 : i1 to vector<16xi1>
      %reduce_sum3A_576 = tpu.scan <sum>, %get3A_565 masked %reduce_sum3A_575 : vector<16xi32>, vector<16xi1> -> vector<16xi32>
      %reduce_sum3A_577 = vector.extract %reduce_sum3A_576[15] : i32 from vector<16xi32>
      %add3A_578 = arith.addi %add3A_563, %reduce_sum3A_577 : i32
      %get3A_579 = arith.constant 128 : index
      %get3A_580 = tpu.vector_load %arg10[%get3A_579] {strides = array<i32>} : memref<256xi32, #tpu.memory_space<vmem>>, vector<16xi32>,
      %broadcast_in_dim3A_581 = arith.constant true
      %broadcast_in_dim3A_582 = vector.broadcast %broadcast_in_dim3A_581 : i1 to vector<16xi1>
      %masked_cumsum3A_583 = tpu.scan <sum>, %get3A_580 masked %broadcast_in_dim3A_582 : vector<16xi32>, vector<16xi1> -> vector<16xi32>
      %sub3A_584 = arith.subi %masked_cumsum3A_583, %get3A_580 : vector<16xi32>
      %add3A_585 = vector.broadcast %add3A_578 : i32 to vector<16xi32>
      %add3A_586 = arith.addi %sub3A_584, %add3A_585 : vector<16xi32>
      %swap3A_587 = arith.constant 128 : index
      %swap3A_588 = tpu.vector_load %arg10[%swap3A_587] {strides = array<i32>} : memref<256xi32, #tpu.memory_space<vmem>>, vector<16xi32>,
      tpu.vector_store %arg10[%swap3A_587], %add3A_586 {strides = array<i32>} : memref<256xi32, #tpu.memory_space<vmem>>, vector<16xi32>,
      %reduce_sum3A_589 = arith.constant true
      %reduce_sum3A_590 = vector.broadcast %reduce_sum3A_589 : i1 to vector<16xi1>
      %reduce_sum3A_591 = tpu.scan <sum>, %get3A_580 masked %reduce_sum3A_590 : vector<16xi32>, vector<16xi1> -> vector<16xi32>
      %reduce_sum3A_592 = vector.extract %reduce_sum3A_591[15] : i32 from vector<16xi32>
      %add3A_593 = arith.addi %add3A_578, %reduce_sum3A_592 : i32
      %get3A_594 = arith.constant 144 : index
      %get3A_595 = tpu.vector_load %arg10[%get3A_594] {strides = array<i32>} : memref<256xi32, #tpu.memory_space<vmem>>, vector<16xi32>,
      %broadcast_in_dim3A_596 = arith.constant true
      %broadcast_in_dim3A_597 = vector.broadcast %broadcast_in_dim3A_596 : i1 to vector<16xi1>
      %masked_cumsum3A_598 = tpu.scan <sum>, %get3A_595 masked %broadcast_in_dim3A_597 : vector<16xi32>, vector<16xi1> -> vector<16xi32>
      %sub3A_599 = arith.subi %masked_cumsum3A_598, %get3A_595 : vector<16xi32>
      %add3A_600 = vector.broadcast %add3A_593 : i32 to vector<16xi32>
      %add3A_601 = arith.addi %sub3A_599, %add3A_600 : vector<16xi32>
      %swap3A_602 = arith.constant 144 : index
      %swap3A_603 = tpu.vector_load %arg10[%swap3A_602] {strides = array<i32>} : memref<256xi32, #tpu.memory_space<vmem>>, vector<16xi32>,
      tpu.vector_store %arg10[%swap3A_602], %add3A_601 {strides = array<i32>} : memref<256xi32, #tpu.memory_space<vmem>>, vector<16xi32>,
      %reduce_sum3A_604 = arith.constant true
      %reduce_sum3A_605 = vector.broadcast %reduce_sum3A_604 : i1 to vector<16xi1>
      %reduce_sum3A_606 = tpu.scan <sum>, %get3A_595 masked %reduce_sum3A_605 : vector<16xi32>, vector<16xi1> -> vector<16xi32>
      %reduce_sum3A_607 = vector.extract %reduce_sum3A_606[15] : i32 from vector<16xi32>
      %add3A_608 = arith.addi %add3A_593, %reduce_sum3A_607 : i32
      %get3A_609 = arith.constant 160 : index
      %get3A_610 = tpu.vector_load %arg10[%get3A_609] {strides = array<i32>} : memref<256xi32, #tpu.memory_space<vmem>>, vector<16xi32>,
      %broadcast_in_dim3A_611 = arith.constant true
      %broadcast_in_dim3A_612 = vector.broadcast %broadcast_in_dim3A_611 : i1 to vector<16xi1>
      %masked_cumsum3A_613 = tpu.scan <sum>, %get3A_610 masked %broadcast_in_dim3A_612 : vector<16xi32>, vector<16xi1> -> vector<16xi32>
      %sub3A_614 = arith.subi %masked_cumsum3A_613, %get3A_610 : vector<16xi32>
      %add3A_615 = vector.broadcast %add3A_608 : i32 to vector<16xi32>
      %add3A_616 = arith.addi %sub3A_614, %add3A_615 : vector<16xi32>
      %swap3A_617 = arith.constant 160 : index
      %swap3A_618 = tpu.vector_load %arg10[%swap3A_617] {strides = array<i32>} : memref<256xi32, #tpu.memory_space<vmem>>, vector<16xi32>,
      tpu.vector_store %arg10[%swap3A_617], %add3A_616 {strides = array<i32>} : memref<256xi32, #tpu.memory_space<vmem>>, vector<16xi32>,
      %reduce_sum3A_619 = arith.constant true
      %reduce_sum3A_620 = vector.broadcast %reduce_sum3A_619 : i1 to vector<16xi1>
      %reduce_sum3A_621 = tpu.scan <sum>, %get3A_610 masked %reduce_sum3A_620 : vector<16xi32>, vector<16xi1> -> vector<16xi32>
      %reduce_sum3A_622 = vector.extract %reduce_sum3A_621[15] : i32 from vector<16xi32>
      %add3A_623 = arith.addi %add3A_608, %reduce_sum3A_622 : i32
      %get3A_624 = arith.constant 176 : index
      %get3A_625 = tpu.vector_load %arg10[%get3A_624] {strides = array<i32>} : memref<256xi32, #tpu.memory_space<vmem>>, vector<16xi32>,
      %broadcast_in_dim3A_626 = arith.constant true
      %broadcast_in_dim3A_627 = vector.broadcast %broadcast_in_dim3A_626 : i1 to vector<16xi1>
      %masked_cumsum3A_628 = tpu.scan <sum>, %get3A_625 masked %broadcast_in_dim3A_627 : vector<16xi32>, vector<16xi1> -> vector<16xi32>
      %sub3A_629 = arith.subi %masked_cumsum3A_628, %get3A_625 : vector<16xi32>
      %add3A_630 = vector.broadcast %add3A_623 : i32 to vector<16xi32>
      %add3A_631 = arith.addi %sub3A_629, %add3A_630 : vector<16xi32>
      %swap3A_632 = arith.constant 176 : index
      %swap3A_633 = tpu.vector_load %arg10[%swap3A_632] {strides = array<i32>} : memref<256xi32, #tpu.memory_space<vmem>>, vector<16xi32>,
      tpu.vector_store %arg10[%swap3A_632], %add3A_631 {strides = array<i32>} : memref<256xi32, #tpu.memory_space<vmem>>, vector<16xi32>,
      %reduce_sum3A_634 = arith.constant true
      %reduce_sum3A_635 = vector.broadcast %reduce_sum3A_634 : i1 to vector<16xi1>
      %reduce_sum3A_636 = tpu.scan <sum>, %get3A_625 masked %reduce_sum3A_635 : vector<16xi32>, vector<16xi1> -> vector<16xi32>
      %reduce_sum3A_637 = vector.extract %reduce_sum3A_636[15] : i32 from vector<16xi32>
      %add3A_638 = arith.addi %add3A_623, %reduce_sum3A_637 : i32
      %get3A_639 = arith.constant 192 : index
      %get3A_640 = tpu.vector_load %arg10[%get3A_639] {strides = array<i32>} : memref<256xi32, #tpu.memory_space<vmem>>, vector<16xi32>,
      %broadcast_in_dim3A_641 = arith.constant true
      %broadcast_in_dim3A_642 = vector.broadcast %broadcast_in_dim3A_641 : i1 to vector<16xi1>
      %masked_cumsum3A_643 = tpu.scan <sum>, %get3A_640 masked %broadcast_in_dim3A_642 : vector<16xi32>, vector<16xi1> -> vector<16xi32>
      %sub3A_644 = arith.subi %masked_cumsum3A_643, %get3A_640 : vector<16xi32>
      %add3A_645 = vector.broadcast %add3A_638 : i32 to vector<16xi32>
      %add3A_646 = arith.addi %sub3A_644, %add3A_645 : vector<16xi32>
      %swap3A_647 = arith.constant 192 : index
      %swap3A_648 = tpu.vector_load %arg10[%swap3A_647] {strides = array<i32>} : memref<256xi32, #tpu.memory_space<vmem>>, vector<16xi32>,
      tpu.vector_store %arg10[%swap3A_647], %add3A_646 {strides = array<i32>} : memref<256xi32, #tpu.memory_space<vmem>>, vector<16xi32>,
      %reduce_sum3A_649 = arith.constant true
      %reduce_sum3A_650 = vector.broadcast %reduce_sum3A_649 : i1 to vector<16xi1>
      %reduce_sum3A_651 = tpu.scan <sum>, %get3A_640 masked %reduce_sum3A_650 : vector<16xi32>, vector<16xi1> -> vector<16xi32>
      %reduce_sum3A_652 = vector.extract %reduce_sum3A_651[15] : i32 from vector<16xi32>
      %add3A_653 = arith.addi %add3A_638, %reduce_sum3A_652 : i32
      %get3A_654 = arith.constant 208 : index
      %get3A_655 = tpu.vector_load %arg10[%get3A_654] {strides = array<i32>} : memref<256xi32, #tpu.memory_space<vmem>>, vector<16xi32>,
      %broadcast_in_dim3A_656 = arith.constant true
      %broadcast_in_dim3A_657 = vector.broadcast %broadcast_in_dim3A_656 : i1 to vector<16xi1>
      %masked_cumsum3A_658 = tpu.scan <sum>, %get3A_655 masked %broadcast_in_dim3A_657 : vector<16xi32>, vector<16xi1> -> vector<16xi32>
      %sub3A_659 = arith.subi %masked_cumsum3A_658, %get3A_655 : vector<16xi32>
      %add3A_660 = vector.broadcast %add3A_653 : i32 to vector<16xi32>
      %add3A_661 = arith.addi %sub3A_659, %add3A_660 : vector<16xi32>
      %swap3A_662 = arith.constant 208 : index
      %swap3A_663 = tpu.vector_load %arg10[%swap3A_662] {strides = array<i32>} : memref<256xi32, #tpu.memory_space<vmem>>, vector<16xi32>,
      tpu.vector_store %arg10[%swap3A_662], %add3A_661 {strides = array<i32>} : memref<256xi32, #tpu.memory_space<vmem>>, vector<16xi32>,
      %reduce_sum3A_664 = arith.constant true
      %reduce_sum3A_665 = vector.broadcast %reduce_sum3A_664 : i1 to vector<16xi1>
      %reduce_sum3A_666 = tpu.scan <sum>, %get3A_655 masked %reduce_sum3A_665 : vector<16xi32>, vector<16xi1> -> vector<16xi32>
      %reduce_sum3A_667 = vector.extract %reduce_sum3A_666[15] : i32 from vector<16xi32>
      %add3A_668 = arith.addi %add3A_653, %reduce_sum3A_667 : i32
      %get3A_669 = arith.constant 224 : index
      %get3A_670 = tpu.vector_load %arg10[%get3A_669] {strides = array<i32>} : memref<256xi32, #tpu.memory_space<vmem>>, vector<16xi32>,
      %broadcast_in_dim3A_671 = arith.constant true
      %broadcast_in_dim3A_672 = vector.broadcast %broadcast_in_dim3A_671 : i1 to vector<16xi1>
      %masked_cumsum3A_673 = tpu.scan <sum>, %get3A_670 masked %broadcast_in_dim3A_672 : vector<16xi32>, vector<16xi1> -> vector<16xi32>
      %sub3A_674 = arith.subi %masked_cumsum3A_673, %get3A_670 : vector<16xi32>
      %add3A_675 = vector.broadcast %add3A_668 : i32 to vector<16xi32>
      %add3A_676 = arith.addi %sub3A_674, %add3A_675 : vector<16xi32>
      %swap3A_677 = arith.constant 224 : index
      %swap3A_678 = tpu.vector_load %arg10[%swap3A_677] {strides = array<i32>} : memref<256xi32, #tpu.memory_space<vmem>>, vector<16xi32>,
      tpu.vector_store %arg10[%swap3A_677], %add3A_676 {strides = array<i32>} : memref<256xi32, #tpu.memory_space<vmem>>, vector<16xi32>,
      %reduce_sum3A_679 = arith.constant true
      %reduce_sum3A_680 = vector.broadcast %reduce_sum3A_679 : i1 to vector<16xi1>
      %reduce_sum3A_681 = tpu.scan <sum>, %get3A_670 masked %reduce_sum3A_680 : vector<16xi32>, vector<16xi1> -> vector<16xi32>
      %reduce_sum3A_682 = vector.extract %reduce_sum3A_681[15] : i32 from vector<16xi32>
      %add3A_683 = arith.addi %add3A_668, %reduce_sum3A_682 : i32
      %get3A_684 = arith.constant 240 : index
      %get3A_685 = tpu.vector_load %arg10[%get3A_684] {strides = array<i32>} : memref<256xi32, #tpu.memory_space<vmem>>, vector<16xi32>,
      %broadcast_in_dim3A_686 = arith.constant true
      %broadcast_in_dim3A_687 = vector.broadcast %broadcast_in_dim3A_686 : i1 to vector<16xi1>
      %masked_cumsum3A_688 = tpu.scan <sum>, %get3A_685 masked %broadcast_in_dim3A_687 : vector<16xi32>, vector<16xi1> -> vector<16xi32>
      %sub3A_689 = arith.subi %masked_cumsum3A_688, %get3A_685 : vector<16xi32>
      %add3A_690 = vector.broadcast %add3A_683 : i32 to vector<16xi32>
      %add3A_691 = arith.addi %sub3A_689, %add3A_690 : vector<16xi32>
      %swap3A_692 = arith.constant 240 : index
      %swap3A_693 = tpu.vector_load %arg10[%swap3A_692] {strides = array<i32>} : memref<256xi32, #tpu.memory_space<vmem>>, vector<16xi32>,
      tpu.vector_store %arg10[%swap3A_692], %add3A_691 {strides = array<i32>} : memref<256xi32, #tpu.memory_space<vmem>>, vector<16xi32>,
      %reduce_sum3A_694 = arith.constant true
      %reduce_sum3A_695 = vector.broadcast %reduce_sum3A_694 : i1 to vector<16xi1>
      %reduce_sum3A_696 = tpu.scan <sum>, %get3A_685 masked %reduce_sum3A_695 : vector<16xi32>, vector<16xi1> -> vector<16xi32>
      %reduce_sum3A_697 = vector.extract %reduce_sum3A_696[15] : i32 from vector<16xi32>
      %add3A_698 = arith.addi %add3A_683, %reduce_sum3A_697 : i32
      %sub3A_699 = arith.constant 0 : i32
      %sub3A_700 = arith.subi %div3A_135, %sub3A_699 : i32
      %sub3A_701 = arith.constant 1 : i32
      %sub3A_702 = arith.constant 1 : i32
      %sub3A_703 = arith.subi %sub3A_701, %sub3A_702 : i32
      %add3A_704 = arith.addi %sub3A_700, %sub3A_703 : i32
      %div3A_705 = arith.constant 1 : i32
      %div3A_706 = arith.divsi %add3A_704, %div3A_705 : i32
      %while3A_707 = arith.constant 1 : i32
      %while3A_708 = arith.constant 0 : i32
      %while3A_709 = arith.constant 0 : i32
      %while3A_710 = arith.subi %div3A_706, %while3A_709 : i32
      %while3A_711 = arith.addi %while3A_709, %while3A_710 : i32
      %while3A_712 = arith.constant 1 : i32
      %while3A_713 = arith.divsi %while3A_710, %while3A_712 : i32
      %while3A_714 = arith.muli %while3A_713, %while3A_712 : i32
      %while3A_715 = arith.addi %while3A_709, %while3A_714 : i32
      %while3A_716 = arith.constant 1 : i32
      scf.for %while3A_1011 = %while3A_709 to %while3A_715 step %while3A_716  : i32 {
        %mul3A_1012 = arith.muli %while3A_1011, %while3A_707 : i32
        %add3A_1013 = arith.addi %while3A_708, %mul3A_1012 : i32
        %mul3A_1014 = arith.constant 16 : i32
        %mul3A_1015 = arith.muli %add3A_1013, %mul3A_1014 : i32
        %get3A_1016 = arith.index_cast %mul3A_1015 : i32 to index
        %get3A_1017 = tpu.vector_load %arg15[%get3A_1016] {strides = array<i32>} : memref<528xi32, #tpu.memory_space<vmem>>, vector<16xi32>,
        %mul3A_1018 = arith.constant 16 : i32
        %mul3A_1019 = arith.muli %add3A_1013, %mul3A_1018 : i32
        %get3A_1020 = arith.index_cast %mul3A_1019 : i32 to index
        %get3A_1021 = tpu.vector_load %arg16[%get3A_1020] {strides = array<i32>} : memref<528xi32, #tpu.memory_space<vmem>>, vector<16xi32>,
        %mul3A_1022 = arith.constant 16 : i32
        %mul3A_1023 = arith.muli %add3A_1013, %mul3A_1022 : i32
        %add3A_1024 = vector.broadcast %mul3A_1023 : i32 to vector<16xi32>
        %add3A_1025 = arith.addi %add3A_1024, %iota3A : vector<16xi32>
        %lt3A_1026 = vector.broadcast %parallel_loop3A_131 : i32 to vector<16xi32>
        %lt3A_1027 = arith.cmpi slt, %add3A_1025, %lt3A_1026 : vector<16xi32>
        %shift_right_logical3A = arith.constant 8 : i32
        %shift_right_logical3A_1028 = vector.broadcast %shift_right_logical3A : i32 to vector<16xi32>
        %shift_right_logical3A_1029 = arith.shrui %get3A_1017, %shift_right_logical3A_1028 : vector<16xi32>
        %and3A_1030 = arith.constant 255 : i32
        %and3A_1031 = vector.broadcast %and3A_1030 : i32 to vector<16xi32>
        %and3A_1032 = arith.andi %shift_right_logical3A_1029, %and3A_1031 : vector<16xi32>
        %sub3A_1033 = arith.constant 255 : i32
        %sub3A_1034 = vector.broadcast %sub3A_1033 : i32 to vector<16xi32>
        %sub3A_1035 = arith.subi %sub3A_1034, %and3A_1032 : vector<16xi32>
        %unique3A_1036, %unique3A_1037 = tpu.scan_count mask(%lt3A_1027 : vector<16xi1>) value(%sub3A_1035 : vector<16xi32>) : vector<16xi1>, vector<16xi32>
        %gather3A = tpu.vector_load_idx %arg10[%sub3A_1035] : memref<256xi32, #tpu.memory_space<vmem>>[vector<16xi32>], vector<16xi32>,
        %add3A_1038 = arith.addi %gather3A, %unique3A_1037 : vector<16xi32>
        %sub3A_1039 = vector.broadcast %squeeze3A : i32 to vector<16xi32>
        %sub3A_1040 = arith.subi %add3A_1038, %sub3A_1039 : vector<16xi32>
        tpu.vector_store_idx %arg13[%sub3A_1040], %get3A_1017 masked %lt3A_1027 : memref<528xi32, #tpu.memory_space<vmem>>[vector<16xi32>], vector<16xi32>, vector<16xi1>
        tpu.vector_store_idx %arg14[%sub3A_1040], %get3A_1021 masked %lt3A_1027 : memref<528xi32, #tpu.memory_space<vmem>>[vector<16xi32>], vector<16xi32>, vector<16xi1>
        %add3A_1041 = arith.constant 1 : i32
        %add3A_1042 = vector.broadcast %add3A_1041 : i32 to vector<16xi32>
        %add3A_1043 = arith.addi %sub3A_1040, %add3A_1042 : vector<16xi32>
        %and3A_1044 = arith.andi %lt3A_1027, %unique3A_1036 : vector<16xi1>
        tpu.vector_store_idx %arg10[%sub3A_1035], %add3A_1043 masked %and3A_1044 : memref<256xi32, #tpu.memory_space<vmem>>[vector<16xi32>], vector<16xi32>, vector<16xi1>
      }
      %while3A_717 = arith.constant 1 : i32
      scf.for %while3A_1011 = %while3A_715 to %while3A_711 step %while3A_717  : i32 {
        %mul3A_1012 = arith.muli %while3A_1011, %while3A_707 : i32
        %add3A_1013 = arith.addi %while3A_708, %mul3A_1012 : i32
        %mul3A_1014 = arith.constant 16 : i32
        %mul3A_1015 = arith.muli %add3A_1013, %mul3A_1014 : i32
        %get3A_1016 = arith.index_cast %mul3A_1015 : i32 to index
        %get3A_1017 = tpu.vector_load %arg15[%get3A_1016] {strides = array<i32>} : memref<528xi32, #tpu.memory_space<vmem>>, vector<16xi32>,
        %mul3A_1018 = arith.constant 16 : i32
        %mul3A_1019 = arith.muli %add3A_1013, %mul3A_1018 : i32
        %get3A_1020 = arith.index_cast %mul3A_1019 : i32 to index
        %get3A_1021 = tpu.vector_load %arg16[%get3A_1020] {strides = array<i32>} : memref<528xi32, #tpu.memory_space<vmem>>, vector<16xi32>,
        %mul3A_1022 = arith.constant 16 : i32
        %mul3A_1023 = arith.muli %add3A_1013, %mul3A_1022 : i32
        %add3A_1024 = vector.broadcast %mul3A_1023 : i32 to vector<16xi32>
        %add3A_1025 = arith.addi %add3A_1024, %iota3A : vector<16xi32>
        %lt3A_1026 = vector.broadcast %parallel_loop3A_131 : i32 to vector<16xi32>
        %lt3A_1027 = arith.cmpi slt, %add3A_1025, %lt3A_1026 : vector<16xi32>
        %shift_right_logical3A = arith.constant 8 : i32
        %shift_right_logical3A_1028 = vector.broadcast %shift_right_logical3A : i32 to vector<16xi32>
        %shift_right_logical3A_1029 = arith.shrui %get3A_1017, %shift_right_logical3A_1028 : vector<16xi32>
        %and3A_1030 = arith.constant 255 : i32
        %and3A_1031 = vector.broadcast %and3A_1030 : i32 to vector<16xi32>
        %and3A_1032 = arith.andi %shift_right_logical3A_1029, %and3A_1031 : vector<16xi32>
        %sub3A_1033 = arith.constant 255 : i32
        %sub3A_1034 = vector.broadcast %sub3A_1033 : i32 to vector<16xi32>
        %sub3A_1035 = arith.subi %sub3A_1034, %and3A_1032 : vector<16xi32>
        %unique3A_1036, %unique3A_1037 = tpu.scan_count mask(%lt3A_1027 : vector<16xi1>) value(%sub3A_1035 : vector<16xi32>) : vector<16xi1>, vector<16xi32>
        %gather3A = tpu.vector_load_idx %arg10[%sub3A_1035] : memref<256xi32, #tpu.memory_space<vmem>>[vector<16xi32>], vector<16xi32>,
        %add3A_1038 = arith.addi %gather3A, %unique3A_1037 : vector<16xi32>
        %sub3A_1039 = vector.broadcast %squeeze3A : i32 to vector<16xi32>
        %sub3A_1040 = arith.subi %add3A_1038, %sub3A_1039 : vector<16xi32>
        tpu.vector_store_idx %arg13[%sub3A_1040], %get3A_1017 masked %lt3A_1027 : memref<528xi32, #tpu.memory_space<vmem>>[vector<16xi32>], vector<16xi32>, vector<16xi1>
        tpu.vector_store_idx %arg14[%sub3A_1040], %get3A_1021 masked %lt3A_1027 : memref<528xi32, #tpu.memory_space<vmem>>[vector<16xi32>], vector<16xi32>, vector<16xi1>
        %add3A_1041 = arith.constant 1 : i32
        %add3A_1042 = vector.broadcast %add3A_1041 : i32 to vector<16xi32>
        %add3A_1043 = arith.addi %sub3A_1040, %add3A_1042 : vector<16xi32>
        %and3A_1044 = arith.andi %lt3A_1027, %unique3A_1036 : vector<16xi1>
        tpu.vector_store_idx %arg10[%sub3A_1035], %add3A_1043 masked %and3A_1044 : memref<256xi32, #tpu.memory_space<vmem>>[vector<16xi32>], vector<16xi32>, vector<16xi1>
      }
      %scan3A_718 = arith.constant 0 : i32
      %scan3A_719 = arith.constant 16 : i32
      %scan3A_720 = arith.addi %scan3A_718, %scan3A_719 : i32
      %scan3A_721 = arith.constant 1 : i32
      scf.for %scan3A_1011 = %scan3A_718 to %scan3A_720 step %scan3A_721  : i32 {
        %mul3A_1012 = arith.constant 1 : i32
        %mul3A_1013 = arith.muli %scan3A_1011, %mul3A_1012 : i32
        %add3A_1014 = arith.constant 0 : i32
        %add3A_1015 = arith.addi %add3A_1014, %mul3A_1013 : i32
        %mul3A_1016 = arith.constant 16 : i32
        %mul3A_1017 = arith.muli %add3A_1015, %mul3A_1016 : i32
        %swap3A_1018 = arith.index_cast %mul3A_1017 : i32 to index
        %swap3A_1019 = tpu.vector_load %arg10[%swap3A_1018] {strides = array<i32>} : memref<256xi32, #tpu.memory_space<vmem>>, vector<16xi32>,
        tpu.vector_store %arg10[%swap3A_1018], %broadcast_in_dim3A_3 {strides = array<i32>} : memref<256xi32, #tpu.memory_space<vmem>>, vector<16xi32>,
      }
      %scan3A_722 = arith.constant 16 : i32
      %sub3A_723 = arith.constant 0 : i32
      %sub3A_724 = arith.subi %div3A_135, %sub3A_723 : i32
      %sub3A_725 = arith.constant 1 : i32
      %sub3A_726 = arith.constant 1 : i32
      %sub3A_727 = arith.subi %sub3A_725, %sub3A_726 : i32
      %add3A_728 = arith.addi %sub3A_724, %sub3A_727 : i32
      %div3A_729 = arith.constant 1 : i32
      %div3A_730 = arith.divsi %add3A_728, %div3A_729 : i32
      %while3A_731 = arith.constant 1 : i32
      %while3A_732 = arith.constant 0 : i32
      %while3A_733 = arith.constant 0 : i32
      %while3A_734 = arith.subi %div3A_730, %while3A_733 : i32
      %while3A_735 = arith.addi %while3A_733, %while3A_734 : i32
      %while3A_736 = arith.constant 1 : i32
      %while3A_737 = arith.divsi %while3A_734, %while3A_736 : i32
      %while3A_738 = arith.muli %while3A_737, %while3A_736 : i32
      %while3A_739 = arith.addi %while3A_733, %while3A_738 : i32
      %while3A_740 = arith.constant 1 : i32
      scf.for %while3A_1011 = %while3A_733 to %while3A_739 step %while3A_740  : i32 {
        %mul3A_1012 = arith.muli %while3A_1011, %while3A_731 : i32
        %add3A_1013 = arith.addi %while3A_732, %mul3A_1012 : i32
        %mul3A_1014 = arith.constant 16 : i32
        %mul3A_1015 = arith.muli %add3A_1013, %mul3A_1014 : i32
        %get3A_1016 = arith.index_cast %mul3A_1015 : i32 to index
        %get3A_1017 = tpu.vector_load %arg13[%get3A_1016] {strides = array<i32>} : memref<528xi32, #tpu.memory_space<vmem>>, vector<16xi32>,
        %mul3A_1018 = arith.constant 16 : i32
        %mul3A_1019 = arith.muli %add3A_1013, %mul3A_1018 : i32
        %add3A_1020 = vector.broadcast %mul3A_1019 : i32 to vector<16xi32>
        %add3A_1021 = arith.addi %add3A_1020, %iota3A : vector<16xi32>
        %lt3A_1022 = vector.broadcast %parallel_loop3A_131 : i32 to vector<16xi32>
        %lt3A_1023 = arith.cmpi slt, %add3A_1021, %lt3A_1022 : vector<16xi32>
        %shift_right_logical3A = arith.constant 16 : i32
        %shift_right_logical3A_1024 = vector.broadcast %shift_right_logical3A : i32 to vector<16xi32>
        %shift_right_logical3A_1025 = arith.shrui %get3A_1017, %shift_right_logical3A_1024 : vector<16xi32>
        %and3A_1026 = arith.constant 255 : i32
        %and3A_1027 = vector.broadcast %and3A_1026 : i32 to vector<16xi32>
        %and3A_1028 = arith.andi %shift_right_logical3A_1025, %and3A_1027 : vector<16xi32>
        %sub3A_1029 = arith.constant 255 : i32
        %sub3A_1030 = vector.broadcast %sub3A_1029 : i32 to vector<16xi32>
        %sub3A_1031 = arith.subi %sub3A_1030, %and3A_1028 : vector<16xi32>
        %unique3A_1032, %unique3A_1033 = tpu.scan_count mask(%lt3A_1023 : vector<16xi1>) value(%sub3A_1031 : vector<16xi32>) : vector<16xi1>, vector<16xi32>
        %gather3A = tpu.vector_load_idx %arg10[%sub3A_1031] : memref<256xi32, #tpu.memory_space<vmem>>[vector<16xi32>], vector<16xi32>,
        %add3A_1034 = arith.addi %gather3A, %unique3A_1033 : vector<16xi32>
        %sub3A_1035 = vector.broadcast %squeeze3A : i32 to vector<16xi32>
        %sub3A_1036 = arith.subi %add3A_1034, %sub3A_1035 : vector<16xi32>
        %add3A_1037 = arith.constant 1 : i32
        %add3A_1038 = vector.broadcast %add3A_1037 : i32 to vector<16xi32>
        %add3A_1039 = arith.addi %sub3A_1036, %add3A_1038 : vector<16xi32>
        %and3A_1040 = arith.andi %lt3A_1023, %unique3A_1032 : vector<16xi1>
        tpu.vector_store_idx %arg10[%sub3A_1031], %add3A_1039 masked %and3A_1040 : memref<256xi32, #tpu.memory_space<vmem>>[vector<16xi32>], vector<16xi32>, vector<16xi1>
      }
      %while3A_741 = arith.constant 1 : i32
      scf.for %while3A_1011 = %while3A_739 to %while3A_735 step %while3A_741  : i32 {
        %mul3A_1012 = arith.muli %while3A_1011, %while3A_731 : i32
        %add3A_1013 = arith.addi %while3A_732, %mul3A_1012 : i32
        %mul3A_1014 = arith.constant 16 : i32
        %mul3A_1015 = arith.muli %add3A_1013, %mul3A_1014 : i32
        %get3A_1016 = arith.index_cast %mul3A_1015 : i32 to index
        %get3A_1017 = tpu.vector_load %arg13[%get3A_1016] {strides = array<i32>} : memref<528xi32, #tpu.memory_space<vmem>>, vector<16xi32>,
        %mul3A_1018 = arith.constant 16 : i32
        %mul3A_1019 = arith.muli %add3A_1013, %mul3A_1018 : i32
        %add3A_1020 = vector.broadcast %mul3A_1019 : i32 to vector<16xi32>
        %add3A_1021 = arith.addi %add3A_1020, %iota3A : vector<16xi32>
        %lt3A_1022 = vector.broadcast %parallel_loop3A_131 : i32 to vector<16xi32>
        %lt3A_1023 = arith.cmpi slt, %add3A_1021, %lt3A_1022 : vector<16xi32>
        %shift_right_logical3A = arith.constant 16 : i32
        %shift_right_logical3A_1024 = vector.broadcast %shift_right_logical3A : i32 to vector<16xi32>
        %shift_right_logical3A_1025 = arith.shrui %get3A_1017, %shift_right_logical3A_1024 : vector<16xi32>
        %and3A_1026 = arith.constant 255 : i32
        %and3A_1027 = vector.broadcast %and3A_1026 : i32 to vector<16xi32>
        %and3A_1028 = arith.andi %shift_right_logical3A_1025, %and3A_1027 : vector<16xi32>
        %sub3A_1029 = arith.constant 255 : i32
        %sub3A_1030 = vector.broadcast %sub3A_1029 : i32 to vector<16xi32>
        %sub3A_1031 = arith.subi %sub3A_1030, %and3A_1028 : vector<16xi32>
        %unique3A_1032, %unique3A_1033 = tpu.scan_count mask(%lt3A_1023 : vector<16xi1>) value(%sub3A_1031 : vector<16xi32>) : vector<16xi1>, vector<16xi32>
        %gather3A = tpu.vector_load_idx %arg10[%sub3A_1031] : memref<256xi32, #tpu.memory_space<vmem>>[vector<16xi32>], vector<16xi32>,
        %add3A_1034 = arith.addi %gather3A, %unique3A_1033 : vector<16xi32>
        %sub3A_1035 = vector.broadcast %squeeze3A : i32 to vector<16xi32>
        %sub3A_1036 = arith.subi %add3A_1034, %sub3A_1035 : vector<16xi32>
        %add3A_1037 = arith.constant 1 : i32
        %add3A_1038 = vector.broadcast %add3A_1037 : i32 to vector<16xi32>
        %add3A_1039 = arith.addi %sub3A_1036, %add3A_1038 : vector<16xi32>
        %and3A_1040 = arith.andi %lt3A_1023, %unique3A_1032 : vector<16xi1>
        tpu.vector_store_idx %arg10[%sub3A_1031], %add3A_1039 masked %and3A_1040 : memref<256xi32, #tpu.memory_space<vmem>>[vector<16xi32>], vector<16xi32>, vector<16xi1>
      }
      %get3A_742 = arith.constant 0 : index
      %get3A_743 = tpu.vector_load %arg10[%get3A_742] {strides = array<i32>} : memref<256xi32, #tpu.memory_space<vmem>>, vector<16xi32>,
      %broadcast_in_dim3A_744 = arith.constant true
      %broadcast_in_dim3A_745 = vector.broadcast %broadcast_in_dim3A_744 : i1 to vector<16xi1>
      %masked_cumsum3A_746 = tpu.scan <sum>, %get3A_743 masked %broadcast_in_dim3A_745 : vector<16xi32>, vector<16xi1> -> vector<16xi32>
      %sub3A_747 = arith.subi %masked_cumsum3A_746, %get3A_743 : vector<16xi32>
      %add3A_748 = arith.constant 0 : i32
      %add3A_749 = vector.broadcast %add3A_748 : i32 to vector<16xi32>
      %add3A_750 = arith.addi %sub3A_747, %add3A_749 : vector<16xi32>
      %swap3A_751 = arith.constant 0 : index
      %swap3A_752 = tpu.vector_load %arg10[%swap3A_751] {strides = array<i32>} : memref<256xi32, #tpu.memory_space<vmem>>, vector<16xi32>,
      tpu.vector_store %arg10[%swap3A_751], %add3A_750 {strides = array<i32>} : memref<256xi32, #tpu.memory_space<vmem>>, vector<16xi32>,
      %reduce_sum3A_753 = arith.constant true
      %reduce_sum3A_754 = vector.broadcast %reduce_sum3A_753 : i1 to vector<16xi1>
      %reduce_sum3A_755 = tpu.scan <sum>, %get3A_743 masked %reduce_sum3A_754 : vector<16xi32>, vector<16xi1> -> vector<16xi32>
      %reduce_sum3A_756 = vector.extract %reduce_sum3A_755[15] : i32 from vector<16xi32>
      %add3A_757 = arith.constant 0 : i32
      %add3A_758 = arith.addi %add3A_757, %reduce_sum3A_756 : i32
      %get3A_759 = arith.constant 16 : index
      %get3A_760 = tpu.vector_load %arg10[%get3A_759] {strides = array<i32>} : memref<256xi32, #tpu.memory_space<vmem>>, vector<16xi32>,
      %broadcast_in_dim3A_761 = arith.constant true
      %broadcast_in_dim3A_762 = vector.broadcast %broadcast_in_dim3A_761 : i1 to vector<16xi1>
      %masked_cumsum3A_763 = tpu.scan <sum>, %get3A_760 masked %broadcast_in_dim3A_762 : vector<16xi32>, vector<16xi1> -> vector<16xi32>
      %sub3A_764 = arith.subi %masked_cumsum3A_763, %get3A_760 : vector<16xi32>
      %add3A_765 = vector.broadcast %add3A_758 : i32 to vector<16xi32>
      %add3A_766 = arith.addi %sub3A_764, %add3A_765 : vector<16xi32>
      %swap3A_767 = arith.constant 16 : index
      %swap3A_768 = tpu.vector_load %arg10[%swap3A_767] {strides = array<i32>} : memref<256xi32, #tpu.memory_space<vmem>>, vector<16xi32>,
      tpu.vector_store %arg10[%swap3A_767], %add3A_766 {strides = array<i32>} : memref<256xi32, #tpu.memory_space<vmem>>, vector<16xi32>,
      %reduce_sum3A_769 = arith.constant true
      %reduce_sum3A_770 = vector.broadcast %reduce_sum3A_769 : i1 to vector<16xi1>
      %reduce_sum3A_771 = tpu.scan <sum>, %get3A_760 masked %reduce_sum3A_770 : vector<16xi32>, vector<16xi1> -> vector<16xi32>
      %reduce_sum3A_772 = vector.extract %reduce_sum3A_771[15] : i32 from vector<16xi32>
      %add3A_773 = arith.addi %add3A_758, %reduce_sum3A_772 : i32
      %get3A_774 = arith.constant 32 : index
      %get3A_775 = tpu.vector_load %arg10[%get3A_774] {strides = array<i32>} : memref<256xi32, #tpu.memory_space<vmem>>, vector<16xi32>,
      %broadcast_in_dim3A_776 = arith.constant true
      %broadcast_in_dim3A_777 = vector.broadcast %broadcast_in_dim3A_776 : i1 to vector<16xi1>
      %masked_cumsum3A_778 = tpu.scan <sum>, %get3A_775 masked %broadcast_in_dim3A_777 : vector<16xi32>, vector<16xi1> -> vector<16xi32>
      %sub3A_779 = arith.subi %masked_cumsum3A_778, %get3A_775 : vector<16xi32>
      %add3A_780 = vector.broadcast %add3A_773 : i32 to vector<16xi32>
      %add3A_781 = arith.addi %sub3A_779, %add3A_780 : vector<16xi32>
      %swap3A_782 = arith.constant 32 : index
      %swap3A_783 = tpu.vector_load %arg10[%swap3A_782] {strides = array<i32>} : memref<256xi32, #tpu.memory_space<vmem>>, vector<16xi32>,
      tpu.vector_store %arg10[%swap3A_782], %add3A_781 {strides = array<i32>} : memref<256xi32, #tpu.memory_space<vmem>>, vector<16xi32>,
      %reduce_sum3A_784 = arith.constant true
      %reduce_sum3A_785 = vector.broadcast %reduce_sum3A_784 : i1 to vector<16xi1>
      %reduce_sum3A_786 = tpu.scan <sum>, %get3A_775 masked %reduce_sum3A_785 : vector<16xi32>, vector<16xi1> -> vector<16xi32>
      %reduce_sum3A_787 = vector.extract %reduce_sum3A_786[15] : i32 from vector<16xi32>
      %add3A_788 = arith.addi %add3A_773, %reduce_sum3A_787 : i32
      %get3A_789 = arith.constant 48 : index
      %get3A_790 = tpu.vector_load %arg10[%get3A_789] {strides = array<i32>} : memref<256xi32, #tpu.memory_space<vmem>>, vector<16xi32>,
      %broadcast_in_dim3A_791 = arith.constant true
      %broadcast_in_dim3A_792 = vector.broadcast %broadcast_in_dim3A_791 : i1 to vector<16xi1>
      %masked_cumsum3A_793 = tpu.scan <sum>, %get3A_790 masked %broadcast_in_dim3A_792 : vector<16xi32>, vector<16xi1> -> vector<16xi32>
      %sub3A_794 = arith.subi %masked_cumsum3A_793, %get3A_790 : vector<16xi32>
      %add3A_795 = vector.broadcast %add3A_788 : i32 to vector<16xi32>
      %add3A_796 = arith.addi %sub3A_794, %add3A_795 : vector<16xi32>
      %swap3A_797 = arith.constant 48 : index
      %swap3A_798 = tpu.vector_load %arg10[%swap3A_797] {strides = array<i32>} : memref<256xi32, #tpu.memory_space<vmem>>, vector<16xi32>,
      tpu.vector_store %arg10[%swap3A_797], %add3A_796 {strides = array<i32>} : memref<256xi32, #tpu.memory_space<vmem>>, vector<16xi32>,
      %reduce_sum3A_799 = arith.constant true
      %reduce_sum3A_800 = vector.broadcast %reduce_sum3A_799 : i1 to vector<16xi1>
      %reduce_sum3A_801 = tpu.scan <sum>, %get3A_790 masked %reduce_sum3A_800 : vector<16xi32>, vector<16xi1> -> vector<16xi32>
      %reduce_sum3A_802 = vector.extract %reduce_sum3A_801[15] : i32 from vector<16xi32>
      %add3A_803 = arith.addi %add3A_788, %reduce_sum3A_802 : i32
      %get3A_804 = arith.constant 64 : index
      %get3A_805 = tpu.vector_load %arg10[%get3A_804] {strides = array<i32>} : memref<256xi32, #tpu.memory_space<vmem>>, vector<16xi32>,
      %broadcast_in_dim3A_806 = arith.constant true
      %broadcast_in_dim3A_807 = vector.broadcast %broadcast_in_dim3A_806 : i1 to vector<16xi1>
      %masked_cumsum3A_808 = tpu.scan <sum>, %get3A_805 masked %broadcast_in_dim3A_807 : vector<16xi32>, vector<16xi1> -> vector<16xi32>
      %sub3A_809 = arith.subi %masked_cumsum3A_808, %get3A_805 : vector<16xi32>
      %add3A_810 = vector.broadcast %add3A_803 : i32 to vector<16xi32>
      %add3A_811 = arith.addi %sub3A_809, %add3A_810 : vector<16xi32>
      %swap3A_812 = arith.constant 64 : index
      %swap3A_813 = tpu.vector_load %arg10[%swap3A_812] {strides = array<i32>} : memref<256xi32, #tpu.memory_space<vmem>>, vector<16xi32>,
      tpu.vector_store %arg10[%swap3A_812], %add3A_811 {strides = array<i32>} : memref<256xi32, #tpu.memory_space<vmem>>, vector<16xi32>,
      %reduce_sum3A_814 = arith.constant true
      %reduce_sum3A_815 = vector.broadcast %reduce_sum3A_814 : i1 to vector<16xi1>
      %reduce_sum3A_816 = tpu.scan <sum>, %get3A_805 masked %reduce_sum3A_815 : vector<16xi32>, vector<16xi1> -> vector<16xi32>
      %reduce_sum3A_817 = vector.extract %reduce_sum3A_816[15] : i32 from vector<16xi32>
      %add3A_818 = arith.addi %add3A_803, %reduce_sum3A_817 : i32
      %get3A_819 = arith.constant 80 : index
      %get3A_820 = tpu.vector_load %arg10[%get3A_819] {strides = array<i32>} : memref<256xi32, #tpu.memory_space<vmem>>, vector<16xi32>,
      %broadcast_in_dim3A_821 = arith.constant true
      %broadcast_in_dim3A_822 = vector.broadcast %broadcast_in_dim3A_821 : i1 to vector<16xi1>
      %masked_cumsum3A_823 = tpu.scan <sum>, %get3A_820 masked %broadcast_in_dim3A_822 : vector<16xi32>, vector<16xi1> -> vector<16xi32>
      %sub3A_824 = arith.subi %masked_cumsum3A_823, %get3A_820 : vector<16xi32>
      %add3A_825 = vector.broadcast %add3A_818 : i32 to vector<16xi32>
      %add3A_826 = arith.addi %sub3A_824, %add3A_825 : vector<16xi32>
      %swap3A_827 = arith.constant 80 : index
      %swap3A_828 = tpu.vector_load %arg10[%swap3A_827] {strides = array<i32>} : memref<256xi32, #tpu.memory_space<vmem>>, vector<16xi32>,
      tpu.vector_store %arg10[%swap3A_827], %add3A_826 {strides = array<i32>} : memref<256xi32, #tpu.memory_space<vmem>>, vector<16xi32>,
      %reduce_sum3A_829 = arith.constant true
      %reduce_sum3A_830 = vector.broadcast %reduce_sum3A_829 : i1 to vector<16xi1>
      %reduce_sum3A_831 = tpu.scan <sum>, %get3A_820 masked %reduce_sum3A_830 : vector<16xi32>, vector<16xi1> -> vector<16xi32>
      %reduce_sum3A_832 = vector.extract %reduce_sum3A_831[15] : i32 from vector<16xi32>
      %add3A_833 = arith.addi %add3A_818, %reduce_sum3A_832 : i32
      %get3A_834 = arith.constant 96 : index
      %get3A_835 = tpu.vector_load %arg10[%get3A_834] {strides = array<i32>} : memref<256xi32, #tpu.memory_space<vmem>>, vector<16xi32>,
      %broadcast_in_dim3A_836 = arith.constant true
      %broadcast_in_dim3A_837 = vector.broadcast %broadcast_in_dim3A_836 : i1 to vector<16xi1>
      %masked_cumsum3A_838 = tpu.scan <sum>, %get3A_835 masked %broadcast_in_dim3A_837 : vector<16xi32>, vector<16xi1> -> vector<16xi32>
      %sub3A_839 = arith.subi %masked_cumsum3A_838, %get3A_835 : vector<16xi32>
      %add3A_840 = vector.broadcast %add3A_833 : i32 to vector<16xi32>
      %add3A_841 = arith.addi %sub3A_839, %add3A_840 : vector<16xi32>
      %swap3A_842 = arith.constant 96 : index
      %swap3A_843 = tpu.vector_load %arg10[%swap3A_842] {strides = array<i32>} : memref<256xi32, #tpu.memory_space<vmem>>, vector<16xi32>,
      tpu.vector_store %arg10[%swap3A_842], %add3A_841 {strides = array<i32>} : memref<256xi32, #tpu.memory_space<vmem>>, vector<16xi32>,
      %reduce_sum3A_844 = arith.constant true
      %reduce_sum3A_845 = vector.broadcast %reduce_sum3A_844 : i1 to vector<16xi1>
      %reduce_sum3A_846 = tpu.scan <sum>, %get3A_835 masked %reduce_sum3A_845 : vector<16xi32>, vector<16xi1> -> vector<16xi32>
      %reduce_sum3A_847 = vector.extract %reduce_sum3A_846[15] : i32 from vector<16xi32>
      %add3A_848 = arith.addi %add3A_833, %reduce_sum3A_847 : i32
      %get3A_849 = arith.constant 112 : index
      %get3A_850 = tpu.vector_load %arg10[%get3A_849] {strides = array<i32>} : memref<256xi32, #tpu.memory_space<vmem>>, vector<16xi32>,
      %broadcast_in_dim3A_851 = arith.constant true
      %broadcast_in_dim3A_852 = vector.broadcast %broadcast_in_dim3A_851 : i1 to vector<16xi1>
      %masked_cumsum3A_853 = tpu.scan <sum>, %get3A_850 masked %broadcast_in_dim3A_852 : vector<16xi32>, vector<16xi1> -> vector<16xi32>
      %sub3A_854 = arith.subi %masked_cumsum3A_853, %get3A_850 : vector<16xi32>
      %add3A_855 = vector.broadcast %add3A_848 : i32 to vector<16xi32>
      %add3A_856 = arith.addi %sub3A_854, %add3A_855 : vector<16xi32>
      %swap3A_857 = arith.constant 112 : index
      %swap3A_858 = tpu.vector_load %arg10[%swap3A_857] {strides = array<i32>} : memref<256xi32, #tpu.memory_space<vmem>>, vector<16xi32>,
      tpu.vector_store %arg10[%swap3A_857], %add3A_856 {strides = array<i32>} : memref<256xi32, #tpu.memory_space<vmem>>, vector<16xi32>,
      %reduce_sum3A_859 = arith.constant true
      %reduce_sum3A_860 = vector.broadcast %reduce_sum3A_859 : i1 to vector<16xi1>
      %reduce_sum3A_861 = tpu.scan <sum>, %get3A_850 masked %reduce_sum3A_860 : vector<16xi32>, vector<16xi1> -> vector<16xi32>
      %reduce_sum3A_862 = vector.extract %reduce_sum3A_861[15] : i32 from vector<16xi32>
      %add3A_863 = arith.addi %add3A_848, %reduce_sum3A_862 : i32
      %get3A_864 = arith.constant 128 : index
      %get3A_865 = tpu.vector_load %arg10[%get3A_864] {strides = array<i32>} : memref<256xi32, #tpu.memory_space<vmem>>, vector<16xi32>,
      %broadcast_in_dim3A_866 = arith.constant true
      %broadcast_in_dim3A_867 = vector.broadcast %broadcast_in_dim3A_866 : i1 to vector<16xi1>
      %masked_cumsum3A_868 = tpu.scan <sum>, %get3A_865 masked %broadcast_in_dim3A_867 : vector<16xi32>, vector<16xi1> -> vector<16xi32>
      %sub3A_869 = arith.subi %masked_cumsum3A_868, %get3A_865 : vector<16xi32>
      %add3A_870 = vector.broadcast %add3A_863 : i32 to vector<16xi32>
      %add3A_871 = arith.addi %sub3A_869, %add3A_870 : vector<16xi32>
      %swap3A_872 = arith.constant 128 : index
      %swap3A_873 = tpu.vector_load %arg10[%swap3A_872] {strides = array<i32>} : memref<256xi32, #tpu.memory_space<vmem>>, vector<16xi32>,
      tpu.vector_store %arg10[%swap3A_872], %add3A_871 {strides = array<i32>} : memref<256xi32, #tpu.memory_space<vmem>>, vector<16xi32>,
      %reduce_sum3A_874 = arith.constant true
      %reduce_sum3A_875 = vector.broadcast %reduce_sum3A_874 : i1 to vector<16xi1>
      %reduce_sum3A_876 = tpu.scan <sum>, %get3A_865 masked %reduce_sum3A_875 : vector<16xi32>, vector<16xi1> -> vector<16xi32>
      %reduce_sum3A_877 = vector.extract %reduce_sum3A_876[15] : i32 from vector<16xi32>
      %add3A_878 = arith.addi %add3A_863, %reduce_sum3A_877 : i32
      %get3A_879 = arith.constant 144 : index
      %get3A_880 = tpu.vector_load %arg10[%get3A_879] {strides = array<i32>} : memref<256xi32, #tpu.memory_space<vmem>>, vector<16xi32>,
      %broadcast_in_dim3A_881 = arith.constant true
      %broadcast_in_dim3A_882 = vector.broadcast %broadcast_in_dim3A_881 : i1 to vector<16xi1>
      %masked_cumsum3A_883 = tpu.scan <sum>, %get3A_880 masked %broadcast_in_dim3A_882 : vector<16xi32>, vector<16xi1> -> vector<16xi32>
      %sub3A_884 = arith.subi %masked_cumsum3A_883, %get3A_880 : vector<16xi32>
      %add3A_885 = vector.broadcast %add3A_878 : i32 to vector<16xi32>
      %add3A_886 = arith.addi %sub3A_884, %add3A_885 : vector<16xi32>
      %swap3A_887 = arith.constant 144 : index
      %swap3A_888 = tpu.vector_load %arg10[%swap3A_887] {strides = array<i32>} : memref<256xi32, #tpu.memory_space<vmem>>, vector<16xi32>,
      tpu.vector_store %arg10[%swap3A_887], %add3A_886 {strides = array<i32>} : memref<256xi32, #tpu.memory_space<vmem>>, vector<16xi32>,
      %reduce_sum3A_889 = arith.constant true
      %reduce_sum3A_890 = vector.broadcast %reduce_sum3A_889 : i1 to vector<16xi1>
      %reduce_sum3A_891 = tpu.scan <sum>, %get3A_880 masked %reduce_sum3A_890 : vector<16xi32>, vector<16xi1> -> vector<16xi32>
      %reduce_sum3A_892 = vector.extract %reduce_sum3A_891[15] : i32 from vector<16xi32>
      %add3A_893 = arith.addi %add3A_878, %reduce_sum3A_892 : i32
      %get3A_894 = arith.constant 160 : index
      %get3A_895 = tpu.vector_load %arg10[%get3A_894] {strides = array<i32>} : memref<256xi32, #tpu.memory_space<vmem>>, vector<16xi32>,
      %broadcast_in_dim3A_896 = arith.constant true
      %broadcast_in_dim3A_897 = vector.broadcast %broadcast_in_dim3A_896 : i1 to vector<16xi1>
      %masked_cumsum3A_898 = tpu.scan <sum>, %get3A_895 masked %broadcast_in_dim3A_897 : vector<16xi32>, vector<16xi1> -> vector<16xi32>
      %sub3A_899 = arith.subi %masked_cumsum3A_898, %get3A_895 : vector<16xi32>
      %add3A_900 = vector.broadcast %add3A_893 : i32 to vector<16xi32>
      %add3A_901 = arith.addi %sub3A_899, %add3A_900 : vector<16xi32>
      %swap3A_902 = arith.constant 160 : index
      %swap3A_903 = tpu.vector_load %arg10[%swap3A_902] {strides = array<i32>} : memref<256xi32, #tpu.memory_space<vmem>>, vector<16xi32>,
      tpu.vector_store %arg10[%swap3A_902], %add3A_901 {strides = array<i32>} : memref<256xi32, #tpu.memory_space<vmem>>, vector<16xi32>,
      %reduce_sum3A_904 = arith.constant true
      %reduce_sum3A_905 = vector.broadcast %reduce_sum3A_904 : i1 to vector<16xi1>
      %reduce_sum3A_906 = tpu.scan <sum>, %get3A_895 masked %reduce_sum3A_905 : vector<16xi32>, vector<16xi1> -> vector<16xi32>
      %reduce_sum3A_907 = vector.extract %reduce_sum3A_906[15] : i32 from vector<16xi32>
      %add3A_908 = arith.addi %add3A_893, %reduce_sum3A_907 : i32
      %get3A_909 = arith.constant 176 : index
      %get3A_910 = tpu.vector_load %arg10[%get3A_909] {strides = array<i32>} : memref<256xi32, #tpu.memory_space<vmem>>, vector<16xi32>,
      %broadcast_in_dim3A_911 = arith.constant true
      %broadcast_in_dim3A_912 = vector.broadcast %broadcast_in_dim3A_911 : i1 to vector<16xi1>
      %masked_cumsum3A_913 = tpu.scan <sum>, %get3A_910 masked %broadcast_in_dim3A_912 : vector<16xi32>, vector<16xi1> -> vector<16xi32>
      %sub3A_914 = arith.subi %masked_cumsum3A_913, %get3A_910 : vector<16xi32>
      %add3A_915 = vector.broadcast %add3A_908 : i32 to vector<16xi32>
      %add3A_916 = arith.addi %sub3A_914, %add3A_915 : vector<16xi32>
      %swap3A_917 = arith.constant 176 : index
      %swap3A_918 = tpu.vector_load %arg10[%swap3A_917] {strides = array<i32>} : memref<256xi32, #tpu.memory_space<vmem>>, vector<16xi32>,
      tpu.vector_store %arg10[%swap3A_917], %add3A_916 {strides = array<i32>} : memref<256xi32, #tpu.memory_space<vmem>>, vector<16xi32>,
      %reduce_sum3A_919 = arith.constant true
      %reduce_sum3A_920 = vector.broadcast %reduce_sum3A_919 : i1 to vector<16xi1>
      %reduce_sum3A_921 = tpu.scan <sum>, %get3A_910 masked %reduce_sum3A_920 : vector<16xi32>, vector<16xi1> -> vector<16xi32>
      %reduce_sum3A_922 = vector.extract %reduce_sum3A_921[15] : i32 from vector<16xi32>
      %add3A_923 = arith.addi %add3A_908, %reduce_sum3A_922 : i32
      %get3A_924 = arith.constant 192 : index
      %get3A_925 = tpu.vector_load %arg10[%get3A_924] {strides = array<i32>} : memref<256xi32, #tpu.memory_space<vmem>>, vector<16xi32>,
      %broadcast_in_dim3A_926 = arith.constant true
      %broadcast_in_dim3A_927 = vector.broadcast %broadcast_in_dim3A_926 : i1 to vector<16xi1>
      %masked_cumsum3A_928 = tpu.scan <sum>, %get3A_925 masked %broadcast_in_dim3A_927 : vector<16xi32>, vector<16xi1> -> vector<16xi32>
      %sub3A_929 = arith.subi %masked_cumsum3A_928, %get3A_925 : vector<16xi32>
      %add3A_930 = vector.broadcast %add3A_923 : i32 to vector<16xi32>
      %add3A_931 = arith.addi %sub3A_929, %add3A_930 : vector<16xi32>
      %swap3A_932 = arith.constant 192 : index
      %swap3A_933 = tpu.vector_load %arg10[%swap3A_932] {strides = array<i32>} : memref<256xi32, #tpu.memory_space<vmem>>, vector<16xi32>,
      tpu.vector_store %arg10[%swap3A_932], %add3A_931 {strides = array<i32>} : memref<256xi32, #tpu.memory_space<vmem>>, vector<16xi32>,
      %reduce_sum3A_934 = arith.constant true
      %reduce_sum3A_935 = vector.broadcast %reduce_sum3A_934 : i1 to vector<16xi1>
      %reduce_sum3A_936 = tpu.scan <sum>, %get3A_925 masked %reduce_sum3A_935 : vector<16xi32>, vector<16xi1> -> vector<16xi32>
      %reduce_sum3A_937 = vector.extract %reduce_sum3A_936[15] : i32 from vector<16xi32>
      %add3A_938 = arith.addi %add3A_923, %reduce_sum3A_937 : i32
      %get3A_939 = arith.constant 208 : index
      %get3A_940 = tpu.vector_load %arg10[%get3A_939] {strides = array<i32>} : memref<256xi32, #tpu.memory_space<vmem>>, vector<16xi32>,
      %broadcast_in_dim3A_941 = arith.constant true
      %broadcast_in_dim3A_942 = vector.broadcast %broadcast_in_dim3A_941 : i1 to vector<16xi1>
      %masked_cumsum3A_943 = tpu.scan <sum>, %get3A_940 masked %broadcast_in_dim3A_942 : vector<16xi32>, vector<16xi1> -> vector<16xi32>
      %sub3A_944 = arith.subi %masked_cumsum3A_943, %get3A_940 : vector<16xi32>
      %add3A_945 = vector.broadcast %add3A_938 : i32 to vector<16xi32>
      %add3A_946 = arith.addi %sub3A_944, %add3A_945 : vector<16xi32>
      %swap3A_947 = arith.constant 208 : index
      %swap3A_948 = tpu.vector_load %arg10[%swap3A_947] {strides = array<i32>} : memref<256xi32, #tpu.memory_space<vmem>>, vector<16xi32>,
      tpu.vector_store %arg10[%swap3A_947], %add3A_946 {strides = array<i32>} : memref<256xi32, #tpu.memory_space<vmem>>, vector<16xi32>,
      %reduce_sum3A_949 = arith.constant true
      %reduce_sum3A_950 = vector.broadcast %reduce_sum3A_949 : i1 to vector<16xi1>
      %reduce_sum3A_951 = tpu.scan <sum>, %get3A_940 masked %reduce_sum3A_950 : vector<16xi32>, vector<16xi1> -> vector<16xi32>
      %reduce_sum3A_952 = vector.extract %reduce_sum3A_951[15] : i32 from vector<16xi32>
      %add3A_953 = arith.addi %add3A_938, %reduce_sum3A_952 : i32
      %get3A_954 = arith.constant 224 : index
      %get3A_955 = tpu.vector_load %arg10[%get3A_954] {strides = array<i32>} : memref<256xi32, #tpu.memory_space<vmem>>, vector<16xi32>,
      %broadcast_in_dim3A_956 = arith.constant true
      %broadcast_in_dim3A_957 = vector.broadcast %broadcast_in_dim3A_956 : i1 to vector<16xi1>
      %masked_cumsum3A_958 = tpu.scan <sum>, %get3A_955 masked %broadcast_in_dim3A_957 : vector<16xi32>, vector<16xi1> -> vector<16xi32>
      %sub3A_959 = arith.subi %masked_cumsum3A_958, %get3A_955 : vector<16xi32>
      %add3A_960 = vector.broadcast %add3A_953 : i32 to vector<16xi32>
      %add3A_961 = arith.addi %sub3A_959, %add3A_960 : vector<16xi32>
      %swap3A_962 = arith.constant 224 : index
      %swap3A_963 = tpu.vector_load %arg10[%swap3A_962] {strides = array<i32>} : memref<256xi32, #tpu.memory_space<vmem>>, vector<16xi32>,
      tpu.vector_store %arg10[%swap3A_962], %add3A_961 {strides = array<i32>} : memref<256xi32, #tpu.memory_space<vmem>>, vector<16xi32>,
      %reduce_sum3A_964 = arith.constant true
      %reduce_sum3A_965 = vector.broadcast %reduce_sum3A_964 : i1 to vector<16xi1>
      %reduce_sum3A_966 = tpu.scan <sum>, %get3A_955 masked %reduce_sum3A_965 : vector<16xi32>, vector<16xi1> -> vector<16xi32>
      %reduce_sum3A_967 = vector.extract %reduce_sum3A_966[15] : i32 from vector<16xi32>
      %add3A_968 = arith.addi %add3A_953, %reduce_sum3A_967 : i32
      %get3A_969 = arith.constant 240 : index
      %get3A_970 = tpu.vector_load %arg10[%get3A_969] {strides = array<i32>} : memref<256xi32, #tpu.memory_space<vmem>>, vector<16xi32>,
      %broadcast_in_dim3A_971 = arith.constant true
      %broadcast_in_dim3A_972 = vector.broadcast %broadcast_in_dim3A_971 : i1 to vector<16xi1>
      %masked_cumsum3A_973 = tpu.scan <sum>, %get3A_970 masked %broadcast_in_dim3A_972 : vector<16xi32>, vector<16xi1> -> vector<16xi32>
      %sub3A_974 = arith.subi %masked_cumsum3A_973, %get3A_970 : vector<16xi32>
      %add3A_975 = vector.broadcast %add3A_968 : i32 to vector<16xi32>
      %add3A_976 = arith.addi %sub3A_974, %add3A_975 : vector<16xi32>
      %swap3A_977 = arith.constant 240 : index
      %swap3A_978 = tpu.vector_load %arg10[%swap3A_977] {strides = array<i32>} : memref<256xi32, #tpu.memory_space<vmem>>, vector<16xi32>,
      tpu.vector_store %arg10[%swap3A_977], %add3A_976 {strides = array<i32>} : memref<256xi32, #tpu.memory_space<vmem>>, vector<16xi32>,
      %reduce_sum3A_979 = arith.constant true
      %reduce_sum3A_980 = vector.broadcast %reduce_sum3A_979 : i1 to vector<16xi1>
      %reduce_sum3A_981 = tpu.scan <sum>, %get3A_970 masked %reduce_sum3A_980 : vector<16xi32>, vector<16xi1> -> vector<16xi32>
      %reduce_sum3A_982 = vector.extract %reduce_sum3A_981[15] : i32 from vector<16xi32>
      %add3A_983 = arith.addi %add3A_968, %reduce_sum3A_982 : i32
      %sub3A_984 = arith.constant 0 : i32
      %sub3A_985 = arith.subi %div3A_135, %sub3A_984 : i32
      %sub3A_986 = arith.constant 1 : i32
      %sub3A_987 = arith.constant 1 : i32
      %sub3A_988 = arith.subi %sub3A_986, %sub3A_987 : i32
      %add3A_989 = arith.addi %sub3A_985, %sub3A_988 : i32
      %div3A_990 = arith.constant 1 : i32
      %div3A_991 = arith.divsi %add3A_989, %div3A_990 : i32
      %while3A_992 = arith.constant 1 : i32
      %while3A_993 = arith.constant 0 : i32
      %while3A_994 = arith.constant 0 : i32
      %while3A_995 = arith.subi %div3A_991, %while3A_994 : i32
      %while3A_996 = arith.addi %while3A_994, %while3A_995 : i32
      %while3A_997 = arith.constant 1 : i32
      %while3A_998 = arith.divsi %while3A_995, %while3A_997 : i32
      %while3A_999 = arith.muli %while3A_998, %while3A_997 : i32
      %while3A_1000 = arith.addi %while3A_994, %while3A_999 : i32
      %while3A_1001 = arith.constant 1 : i32
      scf.for %while3A_1011 = %while3A_994 to %while3A_1000 step %while3A_1001  : i32 {
        %mul3A_1012 = arith.muli %while3A_1011, %while3A_992 : i32
        %add3A_1013 = arith.addi %while3A_993, %mul3A_1012 : i32
        %mul3A_1014 = arith.constant 16 : i32
        %mul3A_1015 = arith.muli %add3A_1013, %mul3A_1014 : i32
        %get3A_1016 = arith.index_cast %mul3A_1015 : i32 to index
        %get3A_1017 = tpu.vector_load %arg13[%get3A_1016] {strides = array<i32>} : memref<528xi32, #tpu.memory_space<vmem>>, vector<16xi32>,
        %mul3A_1018 = arith.constant 16 : i32
        %mul3A_1019 = arith.muli %add3A_1013, %mul3A_1018 : i32
        %get3A_1020 = arith.index_cast %mul3A_1019 : i32 to index
        %get3A_1021 = tpu.vector_load %arg14[%get3A_1020] {strides = array<i32>} : memref<528xi32, #tpu.memory_space<vmem>>, vector<16xi32>,
        %mul3A_1022 = arith.constant 16 : i32
        %mul3A_1023 = arith.muli %add3A_1013, %mul3A_1022 : i32
        %add3A_1024 = vector.broadcast %mul3A_1023 : i32 to vector<16xi32>
        %add3A_1025 = arith.addi %add3A_1024, %iota3A : vector<16xi32>
        %lt3A_1026 = vector.broadcast %parallel_loop3A_131 : i32 to vector<16xi32>
        %lt3A_1027 = arith.cmpi slt, %add3A_1025, %lt3A_1026 : vector<16xi32>
        %shift_right_logical3A = arith.constant 16 : i32
        %shift_right_logical3A_1028 = vector.broadcast %shift_right_logical3A : i32 to vector<16xi32>
        %shift_right_logical3A_1029 = arith.shrui %get3A_1017, %shift_right_logical3A_1028 : vector<16xi32>
        %and3A_1030 = arith.constant 255 : i32
        %and3A_1031 = vector.broadcast %and3A_1030 : i32 to vector<16xi32>
        %and3A_1032 = arith.andi %shift_right_logical3A_1029, %and3A_1031 : vector<16xi32>
        %sub3A_1033 = arith.constant 255 : i32
        %sub3A_1034 = vector.broadcast %sub3A_1033 : i32 to vector<16xi32>
        %sub3A_1035 = arith.subi %sub3A_1034, %and3A_1032 : vector<16xi32>
        %unique3A_1036, %unique3A_1037 = tpu.scan_count mask(%lt3A_1027 : vector<16xi1>) value(%sub3A_1035 : vector<16xi32>) : vector<16xi1>, vector<16xi32>
        %gather3A = tpu.vector_load_idx %arg10[%sub3A_1035] : memref<256xi32, #tpu.memory_space<vmem>>[vector<16xi32>], vector<16xi32>,
        %add3A_1038 = arith.addi %gather3A, %unique3A_1037 : vector<16xi32>
        %sub3A_1039 = vector.broadcast %squeeze3A : i32 to vector<16xi32>
        %sub3A_1040 = arith.subi %add3A_1038, %sub3A_1039 : vector<16xi32>
        tpu.vector_store_idx %arg15[%sub3A_1040], %get3A_1017 masked %lt3A_1027 : memref<528xi32, #tpu.memory_space<vmem>>[vector<16xi32>], vector<16xi32>, vector<16xi1>
        tpu.vector_store_idx %arg16[%sub3A_1040], %get3A_1021 masked %lt3A_1027 : memref<528xi32, #tpu.memory_space<vmem>>[vector<16xi32>], vector<16xi32>, vector<16xi1>
        %add3A_1041 = arith.constant 1 : i32
        %add3A_1042 = vector.broadcast %add3A_1041 : i32 to vector<16xi32>
        %add3A_1043 = arith.addi %sub3A_1040, %add3A_1042 : vector<16xi32>
        %and3A_1044 = arith.andi %lt3A_1027, %unique3A_1036 : vector<16xi1>
        tpu.vector_store_idx %arg10[%sub3A_1035], %add3A_1043 masked %and3A_1044 : memref<256xi32, #tpu.memory_space<vmem>>[vector<16xi32>], vector<16xi32>, vector<16xi1>
      }
      %while3A_1002 = arith.constant 1 : i32
      scf.for %while3A_1011 = %while3A_1000 to %while3A_996 step %while3A_1002  : i32 {
        %mul3A_1012 = arith.muli %while3A_1011, %while3A_992 : i32
        %add3A_1013 = arith.addi %while3A_993, %mul3A_1012 : i32
        %mul3A_1014 = arith.constant 16 : i32
        %mul3A_1015 = arith.muli %add3A_1013, %mul3A_1014 : i32
        %get3A_1016 = arith.index_cast %mul3A_1015 : i32 to index
        %get3A_1017 = tpu.vector_load %arg13[%get3A_1016] {strides = array<i32>} : memref<528xi32, #tpu.memory_space<vmem>>, vector<16xi32>,
        %mul3A_1018 = arith.constant 16 : i32
        %mul3A_1019 = arith.muli %add3A_1013, %mul3A_1018 : i32
        %get3A_1020 = arith.index_cast %mul3A_1019 : i32 to index
        %get3A_1021 = tpu.vector_load %arg14[%get3A_1020] {strides = array<i32>} : memref<528xi32, #tpu.memory_space<vmem>>, vector<16xi32>,
        %mul3A_1022 = arith.constant 16 : i32
        %mul3A_1023 = arith.muli %add3A_1013, %mul3A_1022 : i32
        %add3A_1024 = vector.broadcast %mul3A_1023 : i32 to vector<16xi32>
        %add3A_1025 = arith.addi %add3A_1024, %iota3A : vector<16xi32>
        %lt3A_1026 = vector.broadcast %parallel_loop3A_131 : i32 to vector<16xi32>
        %lt3A_1027 = arith.cmpi slt, %add3A_1025, %lt3A_1026 : vector<16xi32>
        %shift_right_logical3A = arith.constant 16 : i32
        %shift_right_logical3A_1028 = vector.broadcast %shift_right_logical3A : i32 to vector<16xi32>
        %shift_right_logical3A_1029 = arith.shrui %get3A_1017, %shift_right_logical3A_1028 : vector<16xi32>
        %and3A_1030 = arith.constant 255 : i32
        %and3A_1031 = vector.broadcast %and3A_1030 : i32 to vector<16xi32>
        %and3A_1032 = arith.andi %shift_right_logical3A_1029, %and3A_1031 : vector<16xi32>
        %sub3A_1033 = arith.constant 255 : i32
        %sub3A_1034 = vector.broadcast %sub3A_1033 : i32 to vector<16xi32>
        %sub3A_1035 = arith.subi %sub3A_1034, %and3A_1032 : vector<16xi32>
        %unique3A_1036, %unique3A_1037 = tpu.scan_count mask(%lt3A_1027 : vector<16xi1>) value(%sub3A_1035 : vector<16xi32>) : vector<16xi1>, vector<16xi32>
        %gather3A = tpu.vector_load_idx %arg10[%sub3A_1035] : memref<256xi32, #tpu.memory_space<vmem>>[vector<16xi32>], vector<16xi32>,
        %add3A_1038 = arith.addi %gather3A, %unique3A_1037 : vector<16xi32>
        %sub3A_1039 = vector.broadcast %squeeze3A : i32 to vector<16xi32>
        %sub3A_1040 = arith.subi %add3A_1038, %sub3A_1039 : vector<16xi32>
        tpu.vector_store_idx %arg15[%sub3A_1040], %get3A_1017 masked %lt3A_1027 : memref<528xi32, #tpu.memory_space<vmem>>[vector<16xi32>], vector<16xi32>, vector<16xi1>
        tpu.vector_store_idx %arg16[%sub3A_1040], %get3A_1021 masked %lt3A_1027 : memref<528xi32, #tpu.memory_space<vmem>>[vector<16xi32>], vector<16xi32>, vector<16xi1>
        %add3A_1041 = arith.constant 1 : i32
        %add3A_1042 = vector.broadcast %add3A_1041 : i32 to vector<16xi32>
        %add3A_1043 = arith.addi %sub3A_1040, %add3A_1042 : vector<16xi32>
        %and3A_1044 = arith.andi %lt3A_1027, %unique3A_1036 : vector<16xi1>
        tpu.vector_store_idx %arg10[%sub3A_1035], %add3A_1043 masked %and3A_1044 : memref<256xi32, #tpu.memory_space<vmem>>[vector<16xi32>], vector<16xi32>, vector<16xi1>
      }
      %eq3A_1003 = arith.cmpi eq, %while3A_150#0, %while3A_150#1 : i32
      %convert_element_type3A_1004 = arith.extui %eq3A_1003 : i1 to i32
      %cond3A_1005 = arith.constant 0 : i32
      %cond3A_1006 = arith.cmpi ne, %convert_element_type3A_1004, %cond3A_1005 : i32
      %cond3A_1007 = scf.if %cond3A_1006 -> (i32) {
        %parallel_loop3A_1011 = arith.constant 0 : i32
        %parallel_loop3A_1012 = arith.constant 1 : i32
        scf.for %parallel_loop3A_1014 = %parallel_loop3A_1011 to %div3A_135 step %parallel_loop3A_1012  : i32 {
          %parallel_loop3A_1015 = arith.constant 16 : i32
          %parallel_loop3A_1016 = arith.muli %parallel_loop3A_1014, %parallel_loop3A_1015 : i32
          %parallel_loop3A_1017 = arith.index_cast %parallel_loop3A_1016 : i32 to index
          %parallel_loop3A_1018 = tpu.vector_load %arg15[%parallel_loop3A_1017] {strides = array<i32>} : memref<528xi32, #tpu.memory_space<vmem>>, vector<16xi32>,
          %parallel_loop3A_1019 = arith.constant 16 : i32
          %parallel_loop3A_1020 = arith.muli %parallel_loop3A_1014, %parallel_loop3A_1019 : i32
          %parallel_loop3A_1021 = arith.index_cast %parallel_loop3A_1020 : i32 to index
          %parallel_loop3A_1022 = tpu.vector_load %arg13[%parallel_loop3A_1021] {strides = array<i32>} : memref<528xi32, #tpu.memory_space<vmem>>, vector<16xi32>,
          tpu.vector_store %arg13[%parallel_loop3A_1021], %parallel_loop3A_1018 {strides = array<i32>} : memref<528xi32, #tpu.memory_space<vmem>>, vector<16xi32>,
          %parallel_loop3A_1023 = arith.constant 16 : i32
          %parallel_loop3A_1024 = arith.muli %parallel_loop3A_1014, %parallel_loop3A_1023 : i32
          %parallel_loop3A_1025 = arith.index_cast %parallel_loop3A_1024 : i32 to index
          %parallel_loop3A_1026 = tpu.vector_load %arg16[%parallel_loop3A_1025] {strides = array<i32>} : memref<528xi32, #tpu.memory_space<vmem>>, vector<16xi32>,
          %parallel_loop3A_1027 = arith.constant 16 : i32
          %parallel_loop3A_1028 = arith.muli %parallel_loop3A_1014, %parallel_loop3A_1027 : i32
          %parallel_loop3A_1029 = arith.index_cast %parallel_loop3A_1028 : i32 to index
          %parallel_loop3A_1030 = tpu.vector_load %arg14[%parallel_loop3A_1029] {strides = array<i32>} : memref<528xi32, #tpu.memory_space<vmem>>, vector<16xi32>,
          tpu.vector_store %arg14[%parallel_loop3A_1029], %parallel_loop3A_1026 {strides = array<i32>} : memref<528xi32, #tpu.memory_space<vmem>>, vector<16xi32>,
        } {sc.loop_unroll_factor = 4 : i64, sc.parallel_access}
        %cond3A_1013 = arith.constant 0 : i32
        scf.yield %cond3A_1013 : i32
      } else {
        %scan3A_1011 = arith.constant 0 : i32
        %scan3A_1012 = arith.constant 16 : i32
        %scan3A_1013 = arith.addi %scan3A_1011, %scan3A_1012 : i32
        %scan3A_1014 = arith.constant 1 : i32
        scf.for %scan3A_1297 = %scan3A_1011 to %scan3A_1013 step %scan3A_1014  : i32 {
          %mul3A_1298 = arith.constant 1 : i32
          %mul3A_1299 = arith.muli %scan3A_1297, %mul3A_1298 : i32
          %add3A_1300 = arith.constant 0 : i32
          %add3A_1301 = arith.addi %add3A_1300, %mul3A_1299 : i32
          %mul3A_1302 = arith.constant 16 : i32
          %mul3A_1303 = arith.muli %add3A_1301, %mul3A_1302 : i32
          %swap3A_1304 = arith.index_cast %mul3A_1303 : i32 to index
          %swap3A_1305 = tpu.vector_load %arg10[%swap3A_1304] {strides = array<i32>} : memref<256xi32, #tpu.memory_space<vmem>>, vector<16xi32>,
          tpu.vector_store %arg10[%swap3A_1304], %broadcast_in_dim3A_3 {strides = array<i32>} : memref<256xi32, #tpu.memory_space<vmem>>, vector<16xi32>,
        }
        %scan3A_1015 = arith.constant 16 : i32
        %sub3A_1016 = arith.constant 0 : i32
        %sub3A_1017 = arith.subi %div3A_135, %sub3A_1016 : i32
        %sub3A_1018 = arith.constant 1 : i32
        %sub3A_1019 = arith.constant 1 : i32
        %sub3A_1020 = arith.subi %sub3A_1018, %sub3A_1019 : i32
        %add3A_1021 = arith.addi %sub3A_1017, %sub3A_1020 : i32
        %div3A_1022 = arith.constant 1 : i32
        %div3A_1023 = arith.divsi %add3A_1021, %div3A_1022 : i32
        %while3A_1024 = arith.constant 1 : i32
        %while3A_1025 = arith.constant 0 : i32
        %while3A_1026 = arith.constant 0 : i32
        %while3A_1027 = arith.subi %div3A_1023, %while3A_1026 : i32
        %while3A_1028 = arith.addi %while3A_1026, %while3A_1027 : i32
        %while3A_1029 = arith.constant 1 : i32
        %while3A_1030 = arith.divsi %while3A_1027, %while3A_1029 : i32
        %while3A_1031 = arith.muli %while3A_1030, %while3A_1029 : i32
        %while3A_1032 = arith.addi %while3A_1026, %while3A_1031 : i32
        %while3A_1033 = arith.constant 1 : i32
        scf.for %while3A_1297 = %while3A_1026 to %while3A_1032 step %while3A_1033  : i32 {
          %mul3A_1298 = arith.muli %while3A_1297, %while3A_1024 : i32
          %add3A_1299 = arith.addi %while3A_1025, %mul3A_1298 : i32
          %mul3A_1300 = arith.constant 16 : i32
          %mul3A_1301 = arith.muli %add3A_1299, %mul3A_1300 : i32
          %get3A_1302 = arith.index_cast %mul3A_1301 : i32 to index
          %get3A_1303 = tpu.vector_load %arg15[%get3A_1302] {strides = array<i32>} : memref<528xi32, #tpu.memory_space<vmem>>, vector<16xi32>,
          %mul3A_1304 = arith.constant 16 : i32
          %mul3A_1305 = arith.muli %add3A_1299, %mul3A_1304 : i32
          %add3A_1306 = vector.broadcast %mul3A_1305 : i32 to vector<16xi32>
          %add3A_1307 = arith.addi %add3A_1306, %iota3A : vector<16xi32>
          %lt3A_1308 = vector.broadcast %parallel_loop3A_131 : i32 to vector<16xi32>
          %lt3A_1309 = arith.cmpi slt, %add3A_1307, %lt3A_1308 : vector<16xi32>
          %shift_right_logical3A = arith.constant 24 : i32
          %shift_right_logical3A_1310 = vector.broadcast %shift_right_logical3A : i32 to vector<16xi32>
          %shift_right_logical3A_1311 = arith.shrui %get3A_1303, %shift_right_logical3A_1310 : vector<16xi32>
          %and3A_1312 = arith.constant 255 : i32
          %and3A_1313 = vector.broadcast %and3A_1312 : i32 to vector<16xi32>
          %and3A_1314 = arith.andi %shift_right_logical3A_1311, %and3A_1313 : vector<16xi32>
          %sub3A_1315 = arith.constant 255 : i32
          %sub3A_1316 = vector.broadcast %sub3A_1315 : i32 to vector<16xi32>
          %sub3A_1317 = arith.subi %sub3A_1316, %and3A_1314 : vector<16xi32>
          %unique3A_1318, %unique3A_1319 = tpu.scan_count mask(%lt3A_1309 : vector<16xi1>) value(%sub3A_1317 : vector<16xi32>) : vector<16xi1>, vector<16xi32>
          %gather3A = tpu.vector_load_idx %arg10[%sub3A_1317] : memref<256xi32, #tpu.memory_space<vmem>>[vector<16xi32>], vector<16xi32>,
          %add3A_1320 = arith.addi %gather3A, %unique3A_1319 : vector<16xi32>
          %sub3A_1321 = vector.broadcast %squeeze3A : i32 to vector<16xi32>
          %sub3A_1322 = arith.subi %add3A_1320, %sub3A_1321 : vector<16xi32>
          %add3A_1323 = arith.constant 1 : i32
          %add3A_1324 = vector.broadcast %add3A_1323 : i32 to vector<16xi32>
          %add3A_1325 = arith.addi %sub3A_1322, %add3A_1324 : vector<16xi32>
          %and3A_1326 = arith.andi %lt3A_1309, %unique3A_1318 : vector<16xi1>
          tpu.vector_store_idx %arg10[%sub3A_1317], %add3A_1325 masked %and3A_1326 : memref<256xi32, #tpu.memory_space<vmem>>[vector<16xi32>], vector<16xi32>, vector<16xi1>
        }
        %while3A_1034 = arith.constant 1 : i32
        scf.for %while3A_1297 = %while3A_1032 to %while3A_1028 step %while3A_1034  : i32 {
          %mul3A_1298 = arith.muli %while3A_1297, %while3A_1024 : i32
          %add3A_1299 = arith.addi %while3A_1025, %mul3A_1298 : i32
          %mul3A_1300 = arith.constant 16 : i32
          %mul3A_1301 = arith.muli %add3A_1299, %mul3A_1300 : i32
          %get3A_1302 = arith.index_cast %mul3A_1301 : i32 to index
          %get3A_1303 = tpu.vector_load %arg15[%get3A_1302] {strides = array<i32>} : memref<528xi32, #tpu.memory_space<vmem>>, vector<16xi32>,
          %mul3A_1304 = arith.constant 16 : i32
          %mul3A_1305 = arith.muli %add3A_1299, %mul3A_1304 : i32
          %add3A_1306 = vector.broadcast %mul3A_1305 : i32 to vector<16xi32>
          %add3A_1307 = arith.addi %add3A_1306, %iota3A : vector<16xi32>
          %lt3A_1308 = vector.broadcast %parallel_loop3A_131 : i32 to vector<16xi32>
          %lt3A_1309 = arith.cmpi slt, %add3A_1307, %lt3A_1308 : vector<16xi32>
          %shift_right_logical3A = arith.constant 24 : i32
          %shift_right_logical3A_1310 = vector.broadcast %shift_right_logical3A : i32 to vector<16xi32>
          %shift_right_logical3A_1311 = arith.shrui %get3A_1303, %shift_right_logical3A_1310 : vector<16xi32>
          %and3A_1312 = arith.constant 255 : i32
          %and3A_1313 = vector.broadcast %and3A_1312 : i32 to vector<16xi32>
          %and3A_1314 = arith.andi %shift_right_logical3A_1311, %and3A_1313 : vector<16xi32>
          %sub3A_1315 = arith.constant 255 : i32
          %sub3A_1316 = vector.broadcast %sub3A_1315 : i32 to vector<16xi32>
          %sub3A_1317 = arith.subi %sub3A_1316, %and3A_1314 : vector<16xi32>
          %unique3A_1318, %unique3A_1319 = tpu.scan_count mask(%lt3A_1309 : vector<16xi1>) value(%sub3A_1317 : vector<16xi32>) : vector<16xi1>, vector<16xi32>
          %gather3A = tpu.vector_load_idx %arg10[%sub3A_1317] : memref<256xi32, #tpu.memory_space<vmem>>[vector<16xi32>], vector<16xi32>,
          %add3A_1320 = arith.addi %gather3A, %unique3A_1319 : vector<16xi32>
          %sub3A_1321 = vector.broadcast %squeeze3A : i32 to vector<16xi32>
          %sub3A_1322 = arith.subi %add3A_1320, %sub3A_1321 : vector<16xi32>
          %add3A_1323 = arith.constant 1 : i32
          %add3A_1324 = vector.broadcast %add3A_1323 : i32 to vector<16xi32>
          %add3A_1325 = arith.addi %sub3A_1322, %add3A_1324 : vector<16xi32>
          %and3A_1326 = arith.andi %lt3A_1309, %unique3A_1318 : vector<16xi1>
          tpu.vector_store_idx %arg10[%sub3A_1317], %add3A_1325 masked %and3A_1326 : memref<256xi32, #tpu.memory_space<vmem>>[vector<16xi32>], vector<16xi32>, vector<16xi1>
        }
        %get3A_1035 = arith.constant 0 : index
        %get3A_1036 = tpu.vector_load %arg10[%get3A_1035] {strides = array<i32>} : memref<256xi32, #tpu.memory_space<vmem>>, vector<16xi32>,
        %broadcast_in_dim3A_1037 = arith.constant true
        %broadcast_in_dim3A_1038 = vector.broadcast %broadcast_in_dim3A_1037 : i1 to vector<16xi1>
        %masked_cumsum3A_1039 = tpu.scan <sum>, %get3A_1036 masked %broadcast_in_dim3A_1038 : vector<16xi32>, vector<16xi1> -> vector<16xi32>
        %sub3A_1040 = arith.subi %masked_cumsum3A_1039, %get3A_1036 : vector<16xi32>
        %add3A_1041 = arith.constant 0 : i32
        %add3A_1042 = vector.broadcast %add3A_1041 : i32 to vector<16xi32>
        %add3A_1043 = arith.addi %sub3A_1040, %add3A_1042 : vector<16xi32>
        %swap3A_1044 = arith.constant 0 : index
        %swap3A_1045 = tpu.vector_load %arg10[%swap3A_1044] {strides = array<i32>} : memref<256xi32, #tpu.memory_space<vmem>>, vector<16xi32>,
        tpu.vector_store %arg10[%swap3A_1044], %add3A_1043 {strides = array<i32>} : memref<256xi32, #tpu.memory_space<vmem>>, vector<16xi32>,
        %reduce_sum3A_1046 = arith.constant true
        %reduce_sum3A_1047 = vector.broadcast %reduce_sum3A_1046 : i1 to vector<16xi1>
        %reduce_sum3A_1048 = tpu.scan <sum>, %get3A_1036 masked %reduce_sum3A_1047 : vector<16xi32>, vector<16xi1> -> vector<16xi32>
        %reduce_sum3A_1049 = vector.extract %reduce_sum3A_1048[15] : i32 from vector<16xi32>
        %add3A_1050 = arith.constant 0 : i32
        %add3A_1051 = arith.addi %add3A_1050, %reduce_sum3A_1049 : i32
        %get3A_1052 = arith.constant 16 : index
        %get3A_1053 = tpu.vector_load %arg10[%get3A_1052] {strides = array<i32>} : memref<256xi32, #tpu.memory_space<vmem>>, vector<16xi32>,
        %broadcast_in_dim3A_1054 = arith.constant true
        %broadcast_in_dim3A_1055 = vector.broadcast %broadcast_in_dim3A_1054 : i1 to vector<16xi1>
        %masked_cumsum3A_1056 = tpu.scan <sum>, %get3A_1053 masked %broadcast_in_dim3A_1055 : vector<16xi32>, vector<16xi1> -> vector<16xi32>
        %sub3A_1057 = arith.subi %masked_cumsum3A_1056, %get3A_1053 : vector<16xi32>
        %add3A_1058 = vector.broadcast %add3A_1051 : i32 to vector<16xi32>
        %add3A_1059 = arith.addi %sub3A_1057, %add3A_1058 : vector<16xi32>
        %swap3A_1060 = arith.constant 16 : index
        %swap3A_1061 = tpu.vector_load %arg10[%swap3A_1060] {strides = array<i32>} : memref<256xi32, #tpu.memory_space<vmem>>, vector<16xi32>,
        tpu.vector_store %arg10[%swap3A_1060], %add3A_1059 {strides = array<i32>} : memref<256xi32, #tpu.memory_space<vmem>>, vector<16xi32>,
        %reduce_sum3A_1062 = arith.constant true
        %reduce_sum3A_1063 = vector.broadcast %reduce_sum3A_1062 : i1 to vector<16xi1>
        %reduce_sum3A_1064 = tpu.scan <sum>, %get3A_1053 masked %reduce_sum3A_1063 : vector<16xi32>, vector<16xi1> -> vector<16xi32>
        %reduce_sum3A_1065 = vector.extract %reduce_sum3A_1064[15] : i32 from vector<16xi32>
        %add3A_1066 = arith.addi %add3A_1051, %reduce_sum3A_1065 : i32
        %get3A_1067 = arith.constant 32 : index
        %get3A_1068 = tpu.vector_load %arg10[%get3A_1067] {strides = array<i32>} : memref<256xi32, #tpu.memory_space<vmem>>, vector<16xi32>,
        %broadcast_in_dim3A_1069 = arith.constant true
        %broadcast_in_dim3A_1070 = vector.broadcast %broadcast_in_dim3A_1069 : i1 to vector<16xi1>
        %masked_cumsum3A_1071 = tpu.scan <sum>, %get3A_1068 masked %broadcast_in_dim3A_1070 : vector<16xi32>, vector<16xi1> -> vector<16xi32>
        %sub3A_1072 = arith.subi %masked_cumsum3A_1071, %get3A_1068 : vector<16xi32>
        %add3A_1073 = vector.broadcast %add3A_1066 : i32 to vector<16xi32>
        %add3A_1074 = arith.addi %sub3A_1072, %add3A_1073 : vector<16xi32>
        %swap3A_1075 = arith.constant 32 : index
        %swap3A_1076 = tpu.vector_load %arg10[%swap3A_1075] {strides = array<i32>} : memref<256xi32, #tpu.memory_space<vmem>>, vector<16xi32>,
        tpu.vector_store %arg10[%swap3A_1075], %add3A_1074 {strides = array<i32>} : memref<256xi32, #tpu.memory_space<vmem>>, vector<16xi32>,
        %reduce_sum3A_1077 = arith.constant true
        %reduce_sum3A_1078 = vector.broadcast %reduce_sum3A_1077 : i1 to vector<16xi1>
        %reduce_sum3A_1079 = tpu.scan <sum>, %get3A_1068 masked %reduce_sum3A_1078 : vector<16xi32>, vector<16xi1> -> vector<16xi32>
        %reduce_sum3A_1080 = vector.extract %reduce_sum3A_1079[15] : i32 from vector<16xi32>
        %add3A_1081 = arith.addi %add3A_1066, %reduce_sum3A_1080 : i32
        %get3A_1082 = arith.constant 48 : index
        %get3A_1083 = tpu.vector_load %arg10[%get3A_1082] {strides = array<i32>} : memref<256xi32, #tpu.memory_space<vmem>>, vector<16xi32>,
        %broadcast_in_dim3A_1084 = arith.constant true
        %broadcast_in_dim3A_1085 = vector.broadcast %broadcast_in_dim3A_1084 : i1 to vector<16xi1>
        %masked_cumsum3A_1086 = tpu.scan <sum>, %get3A_1083 masked %broadcast_in_dim3A_1085 : vector<16xi32>, vector<16xi1> -> vector<16xi32>
        %sub3A_1087 = arith.subi %masked_cumsum3A_1086, %get3A_1083 : vector<16xi32>
        %add3A_1088 = vector.broadcast %add3A_1081 : i32 to vector<16xi32>
        %add3A_1089 = arith.addi %sub3A_1087, %add3A_1088 : vector<16xi32>
        %swap3A_1090 = arith.constant 48 : index
        %swap3A_1091 = tpu.vector_load %arg10[%swap3A_1090] {strides = array<i32>} : memref<256xi32, #tpu.memory_space<vmem>>, vector<16xi32>,
        tpu.vector_store %arg10[%swap3A_1090], %add3A_1089 {strides = array<i32>} : memref<256xi32, #tpu.memory_space<vmem>>, vector<16xi32>,
        %reduce_sum3A_1092 = arith.constant true
        %reduce_sum3A_1093 = vector.broadcast %reduce_sum3A_1092 : i1 to vector<16xi1>
        %reduce_sum3A_1094 = tpu.scan <sum>, %get3A_1083 masked %reduce_sum3A_1093 : vector<16xi32>, vector<16xi1> -> vector<16xi32>
        %reduce_sum3A_1095 = vector.extract %reduce_sum3A_1094[15] : i32 from vector<16xi32>
        %add3A_1096 = arith.addi %add3A_1081, %reduce_sum3A_1095 : i32
        %get3A_1097 = arith.constant 64 : index
        %get3A_1098 = tpu.vector_load %arg10[%get3A_1097] {strides = array<i32>} : memref<256xi32, #tpu.memory_space<vmem>>, vector<16xi32>,
        %broadcast_in_dim3A_1099 = arith.constant true
        %broadcast_in_dim3A_1100 = vector.broadcast %broadcast_in_dim3A_1099 : i1 to vector<16xi1>
        %masked_cumsum3A_1101 = tpu.scan <sum>, %get3A_1098 masked %broadcast_in_dim3A_1100 : vector<16xi32>, vector<16xi1> -> vector<16xi32>
        %sub3A_1102 = arith.subi %masked_cumsum3A_1101, %get3A_1098 : vector<16xi32>
        %add3A_1103 = vector.broadcast %add3A_1096 : i32 to vector<16xi32>
        %add3A_1104 = arith.addi %sub3A_1102, %add3A_1103 : vector<16xi32>
        %swap3A_1105 = arith.constant 64 : index
        %swap3A_1106 = tpu.vector_load %arg10[%swap3A_1105] {strides = array<i32>} : memref<256xi32, #tpu.memory_space<vmem>>, vector<16xi32>,
        tpu.vector_store %arg10[%swap3A_1105], %add3A_1104 {strides = array<i32>} : memref<256xi32, #tpu.memory_space<vmem>>, vector<16xi32>,
        %reduce_sum3A_1107 = arith.constant true
        %reduce_sum3A_1108 = vector.broadcast %reduce_sum3A_1107 : i1 to vector<16xi1>
        %reduce_sum3A_1109 = tpu.scan <sum>, %get3A_1098 masked %reduce_sum3A_1108 : vector<16xi32>, vector<16xi1> -> vector<16xi32>
        %reduce_sum3A_1110 = vector.extract %reduce_sum3A_1109[15] : i32 from vector<16xi32>
        %add3A_1111 = arith.addi %add3A_1096, %reduce_sum3A_1110 : i32
        %get3A_1112 = arith.constant 80 : index
        %get3A_1113 = tpu.vector_load %arg10[%get3A_1112] {strides = array<i32>} : memref<256xi32, #tpu.memory_space<vmem>>, vector<16xi32>,
        %broadcast_in_dim3A_1114 = arith.constant true
        %broadcast_in_dim3A_1115 = vector.broadcast %broadcast_in_dim3A_1114 : i1 to vector<16xi1>
        %masked_cumsum3A_1116 = tpu.scan <sum>, %get3A_1113 masked %broadcast_in_dim3A_1115 : vector<16xi32>, vector<16xi1> -> vector<16xi32>
        %sub3A_1117 = arith.subi %masked_cumsum3A_1116, %get3A_1113 : vector<16xi32>
        %add3A_1118 = vector.broadcast %add3A_1111 : i32 to vector<16xi32>
        %add3A_1119 = arith.addi %sub3A_1117, %add3A_1118 : vector<16xi32>
        %swap3A_1120 = arith.constant 80 : index
        %swap3A_1121 = tpu.vector_load %arg10[%swap3A_1120] {strides = array<i32>} : memref<256xi32, #tpu.memory_space<vmem>>, vector<16xi32>,
        tpu.vector_store %arg10[%swap3A_1120], %add3A_1119 {strides = array<i32>} : memref<256xi32, #tpu.memory_space<vmem>>, vector<16xi32>,
        %reduce_sum3A_1122 = arith.constant true
        %reduce_sum3A_1123 = vector.broadcast %reduce_sum3A_1122 : i1 to vector<16xi1>
        %reduce_sum3A_1124 = tpu.scan <sum>, %get3A_1113 masked %reduce_sum3A_1123 : vector<16xi32>, vector<16xi1> -> vector<16xi32>
        %reduce_sum3A_1125 = vector.extract %reduce_sum3A_1124[15] : i32 from vector<16xi32>
        %add3A_1126 = arith.addi %add3A_1111, %reduce_sum3A_1125 : i32
        %get3A_1127 = arith.constant 96 : index
        %get3A_1128 = tpu.vector_load %arg10[%get3A_1127] {strides = array<i32>} : memref<256xi32, #tpu.memory_space<vmem>>, vector<16xi32>,
        %broadcast_in_dim3A_1129 = arith.constant true
        %broadcast_in_dim3A_1130 = vector.broadcast %broadcast_in_dim3A_1129 : i1 to vector<16xi1>
        %masked_cumsum3A_1131 = tpu.scan <sum>, %get3A_1128 masked %broadcast_in_dim3A_1130 : vector<16xi32>, vector<16xi1> -> vector<16xi32>
        %sub3A_1132 = arith.subi %masked_cumsum3A_1131, %get3A_1128 : vector<16xi32>
        %add3A_1133 = vector.broadcast %add3A_1126 : i32 to vector<16xi32>
        %add3A_1134 = arith.addi %sub3A_1132, %add3A_1133 : vector<16xi32>
        %swap3A_1135 = arith.constant 96 : index
        %swap3A_1136 = tpu.vector_load %arg10[%swap3A_1135] {strides = array<i32>} : memref<256xi32, #tpu.memory_space<vmem>>, vector<16xi32>,
        tpu.vector_store %arg10[%swap3A_1135], %add3A_1134 {strides = array<i32>} : memref<256xi32, #tpu.memory_space<vmem>>, vector<16xi32>,
        %reduce_sum3A_1137 = arith.constant true
        %reduce_sum3A_1138 = vector.broadcast %reduce_sum3A_1137 : i1 to vector<16xi1>
        %reduce_sum3A_1139 = tpu.scan <sum>, %get3A_1128 masked %reduce_sum3A_1138 : vector<16xi32>, vector<16xi1> -> vector<16xi32>
        %reduce_sum3A_1140 = vector.extract %reduce_sum3A_1139[15] : i32 from vector<16xi32>
        %add3A_1141 = arith.addi %add3A_1126, %reduce_sum3A_1140 : i32
        %get3A_1142 = arith.constant 112 : index
        %get3A_1143 = tpu.vector_load %arg10[%get3A_1142] {strides = array<i32>} : memref<256xi32, #tpu.memory_space<vmem>>, vector<16xi32>,
        %broadcast_in_dim3A_1144 = arith.constant true
        %broadcast_in_dim3A_1145 = vector.broadcast %broadcast_in_dim3A_1144 : i1 to vector<16xi1>
        %masked_cumsum3A_1146 = tpu.scan <sum>, %get3A_1143 masked %broadcast_in_dim3A_1145 : vector<16xi32>, vector<16xi1> -> vector<16xi32>
        %sub3A_1147 = arith.subi %masked_cumsum3A_1146, %get3A_1143 : vector<16xi32>
        %add3A_1148 = vector.broadcast %add3A_1141 : i32 to vector<16xi32>
        %add3A_1149 = arith.addi %sub3A_1147, %add3A_1148 : vector<16xi32>
        %swap3A_1150 = arith.constant 112 : index
        %swap3A_1151 = tpu.vector_load %arg10[%swap3A_1150] {strides = array<i32>} : memref<256xi32, #tpu.memory_space<vmem>>, vector<16xi32>,
        tpu.vector_store %arg10[%swap3A_1150], %add3A_1149 {strides = array<i32>} : memref<256xi32, #tpu.memory_space<vmem>>, vector<16xi32>,
        %reduce_sum3A_1152 = arith.constant true
        %reduce_sum3A_1153 = vector.broadcast %reduce_sum3A_1152 : i1 to vector<16xi1>
        %reduce_sum3A_1154 = tpu.scan <sum>, %get3A_1143 masked %reduce_sum3A_1153 : vector<16xi32>, vector<16xi1> -> vector<16xi32>
        %reduce_sum3A_1155 = vector.extract %reduce_sum3A_1154[15] : i32 from vector<16xi32>
        %add3A_1156 = arith.addi %add3A_1141, %reduce_sum3A_1155 : i32
        %get3A_1157 = arith.constant 128 : index
        %get3A_1158 = tpu.vector_load %arg10[%get3A_1157] {strides = array<i32>} : memref<256xi32, #tpu.memory_space<vmem>>, vector<16xi32>,
        %broadcast_in_dim3A_1159 = arith.constant true
        %broadcast_in_dim3A_1160 = vector.broadcast %broadcast_in_dim3A_1159 : i1 to vector<16xi1>
        %masked_cumsum3A_1161 = tpu.scan <sum>, %get3A_1158 masked %broadcast_in_dim3A_1160 : vector<16xi32>, vector<16xi1> -> vector<16xi32>
        %sub3A_1162 = arith.subi %masked_cumsum3A_1161, %get3A_1158 : vector<16xi32>
        %add3A_1163 = vector.broadcast %add3A_1156 : i32 to vector<16xi32>
        %add3A_1164 = arith.addi %sub3A_1162, %add3A_1163 : vector<16xi32>
        %swap3A_1165 = arith.constant 128 : index
        %swap3A_1166 = tpu.vector_load %arg10[%swap3A_1165] {strides = array<i32>} : memref<256xi32, #tpu.memory_space<vmem>>, vector<16xi32>,
        tpu.vector_store %arg10[%swap3A_1165], %add3A_1164 {strides = array<i32>} : memref<256xi32, #tpu.memory_space<vmem>>, vector<16xi32>,
        %reduce_sum3A_1167 = arith.constant true
        %reduce_sum3A_1168 = vector.broadcast %reduce_sum3A_1167 : i1 to vector<16xi1>
        %reduce_sum3A_1169 = tpu.scan <sum>, %get3A_1158 masked %reduce_sum3A_1168 : vector<16xi32>, vector<16xi1> -> vector<16xi32>
        %reduce_sum3A_1170 = vector.extract %reduce_sum3A_1169[15] : i32 from vector<16xi32>
        %add3A_1171 = arith.addi %add3A_1156, %reduce_sum3A_1170 : i32
        %get3A_1172 = arith.constant 144 : index
        %get3A_1173 = tpu.vector_load %arg10[%get3A_1172] {strides = array<i32>} : memref<256xi32, #tpu.memory_space<vmem>>, vector<16xi32>,
        %broadcast_in_dim3A_1174 = arith.constant true
        %broadcast_in_dim3A_1175 = vector.broadcast %broadcast_in_dim3A_1174 : i1 to vector<16xi1>
        %masked_cumsum3A_1176 = tpu.scan <sum>, %get3A_1173 masked %broadcast_in_dim3A_1175 : vector<16xi32>, vector<16xi1> -> vector<16xi32>
        %sub3A_1177 = arith.subi %masked_cumsum3A_1176, %get3A_1173 : vector<16xi32>
        %add3A_1178 = vector.broadcast %add3A_1171 : i32 to vector<16xi32>
        %add3A_1179 = arith.addi %sub3A_1177, %add3A_1178 : vector<16xi32>
        %swap3A_1180 = arith.constant 144 : index
        %swap3A_1181 = tpu.vector_load %arg10[%swap3A_1180] {strides = array<i32>} : memref<256xi32, #tpu.memory_space<vmem>>, vector<16xi32>,
        tpu.vector_store %arg10[%swap3A_1180], %add3A_1179 {strides = array<i32>} : memref<256xi32, #tpu.memory_space<vmem>>, vector<16xi32>,
        %reduce_sum3A_1182 = arith.constant true
        %reduce_sum3A_1183 = vector.broadcast %reduce_sum3A_1182 : i1 to vector<16xi1>
        %reduce_sum3A_1184 = tpu.scan <sum>, %get3A_1173 masked %reduce_sum3A_1183 : vector<16xi32>, vector<16xi1> -> vector<16xi32>
        %reduce_sum3A_1185 = vector.extract %reduce_sum3A_1184[15] : i32 from vector<16xi32>
        %add3A_1186 = arith.addi %add3A_1171, %reduce_sum3A_1185 : i32
        %get3A_1187 = arith.constant 160 : index
        %get3A_1188 = tpu.vector_load %arg10[%get3A_1187] {strides = array<i32>} : memref<256xi32, #tpu.memory_space<vmem>>, vector<16xi32>,
        %broadcast_in_dim3A_1189 = arith.constant true
        %broadcast_in_dim3A_1190 = vector.broadcast %broadcast_in_dim3A_1189 : i1 to vector<16xi1>
        %masked_cumsum3A_1191 = tpu.scan <sum>, %get3A_1188 masked %broadcast_in_dim3A_1190 : vector<16xi32>, vector<16xi1> -> vector<16xi32>
        %sub3A_1192 = arith.subi %masked_cumsum3A_1191, %get3A_1188 : vector<16xi32>
        %add3A_1193 = vector.broadcast %add3A_1186 : i32 to vector<16xi32>
        %add3A_1194 = arith.addi %sub3A_1192, %add3A_1193 : vector<16xi32>
        %swap3A_1195 = arith.constant 160 : index
        %swap3A_1196 = tpu.vector_load %arg10[%swap3A_1195] {strides = array<i32>} : memref<256xi32, #tpu.memory_space<vmem>>, vector<16xi32>,
        tpu.vector_store %arg10[%swap3A_1195], %add3A_1194 {strides = array<i32>} : memref<256xi32, #tpu.memory_space<vmem>>, vector<16xi32>,
        %reduce_sum3A_1197 = arith.constant true
        %reduce_sum3A_1198 = vector.broadcast %reduce_sum3A_1197 : i1 to vector<16xi1>
        %reduce_sum3A_1199 = tpu.scan <sum>, %get3A_1188 masked %reduce_sum3A_1198 : vector<16xi32>, vector<16xi1> -> vector<16xi32>
        %reduce_sum3A_1200 = vector.extract %reduce_sum3A_1199[15] : i32 from vector<16xi32>
        %add3A_1201 = arith.addi %add3A_1186, %reduce_sum3A_1200 : i32
        %get3A_1202 = arith.constant 176 : index
        %get3A_1203 = tpu.vector_load %arg10[%get3A_1202] {strides = array<i32>} : memref<256xi32, #tpu.memory_space<vmem>>, vector<16xi32>,
        %broadcast_in_dim3A_1204 = arith.constant true
        %broadcast_in_dim3A_1205 = vector.broadcast %broadcast_in_dim3A_1204 : i1 to vector<16xi1>
        %masked_cumsum3A_1206 = tpu.scan <sum>, %get3A_1203 masked %broadcast_in_dim3A_1205 : vector<16xi32>, vector<16xi1> -> vector<16xi32>
        %sub3A_1207 = arith.subi %masked_cumsum3A_1206, %get3A_1203 : vector<16xi32>
        %add3A_1208 = vector.broadcast %add3A_1201 : i32 to vector<16xi32>
        %add3A_1209 = arith.addi %sub3A_1207, %add3A_1208 : vector<16xi32>
        %swap3A_1210 = arith.constant 176 : index
        %swap3A_1211 = tpu.vector_load %arg10[%swap3A_1210] {strides = array<i32>} : memref<256xi32, #tpu.memory_space<vmem>>, vector<16xi32>,
        tpu.vector_store %arg10[%swap3A_1210], %add3A_1209 {strides = array<i32>} : memref<256xi32, #tpu.memory_space<vmem>>, vector<16xi32>,
        %reduce_sum3A_1212 = arith.constant true
        %reduce_sum3A_1213 = vector.broadcast %reduce_sum3A_1212 : i1 to vector<16xi1>
        %reduce_sum3A_1214 = tpu.scan <sum>, %get3A_1203 masked %reduce_sum3A_1213 : vector<16xi32>, vector<16xi1> -> vector<16xi32>
        %reduce_sum3A_1215 = vector.extract %reduce_sum3A_1214[15] : i32 from vector<16xi32>
        %add3A_1216 = arith.addi %add3A_1201, %reduce_sum3A_1215 : i32
        %get3A_1217 = arith.constant 192 : index
        %get3A_1218 = tpu.vector_load %arg10[%get3A_1217] {strides = array<i32>} : memref<256xi32, #tpu.memory_space<vmem>>, vector<16xi32>,
        %broadcast_in_dim3A_1219 = arith.constant true
        %broadcast_in_dim3A_1220 = vector.broadcast %broadcast_in_dim3A_1219 : i1 to vector<16xi1>
        %masked_cumsum3A_1221 = tpu.scan <sum>, %get3A_1218 masked %broadcast_in_dim3A_1220 : vector<16xi32>, vector<16xi1> -> vector<16xi32>
        %sub3A_1222 = arith.subi %masked_cumsum3A_1221, %get3A_1218 : vector<16xi32>
        %add3A_1223 = vector.broadcast %add3A_1216 : i32 to vector<16xi32>
        %add3A_1224 = arith.addi %sub3A_1222, %add3A_1223 : vector<16xi32>
        %swap3A_1225 = arith.constant 192 : index
        %swap3A_1226 = tpu.vector_load %arg10[%swap3A_1225] {strides = array<i32>} : memref<256xi32, #tpu.memory_space<vmem>>, vector<16xi32>,
        tpu.vector_store %arg10[%swap3A_1225], %add3A_1224 {strides = array<i32>} : memref<256xi32, #tpu.memory_space<vmem>>, vector<16xi32>,
        %reduce_sum3A_1227 = arith.constant true
        %reduce_sum3A_1228 = vector.broadcast %reduce_sum3A_1227 : i1 to vector<16xi1>
        %reduce_sum3A_1229 = tpu.scan <sum>, %get3A_1218 masked %reduce_sum3A_1228 : vector<16xi32>, vector<16xi1> -> vector<16xi32>
        %reduce_sum3A_1230 = vector.extract %reduce_sum3A_1229[15] : i32 from vector<16xi32>
        %add3A_1231 = arith.addi %add3A_1216, %reduce_sum3A_1230 : i32
        %get3A_1232 = arith.constant 208 : index
        %get3A_1233 = tpu.vector_load %arg10[%get3A_1232] {strides = array<i32>} : memref<256xi32, #tpu.memory_space<vmem>>, vector<16xi32>,
        %broadcast_in_dim3A_1234 = arith.constant true
        %broadcast_in_dim3A_1235 = vector.broadcast %broadcast_in_dim3A_1234 : i1 to vector<16xi1>
        %masked_cumsum3A_1236 = tpu.scan <sum>, %get3A_1233 masked %broadcast_in_dim3A_1235 : vector<16xi32>, vector<16xi1> -> vector<16xi32>
        %sub3A_1237 = arith.subi %masked_cumsum3A_1236, %get3A_1233 : vector<16xi32>
        %add3A_1238 = vector.broadcast %add3A_1231 : i32 to vector<16xi32>
        %add3A_1239 = arith.addi %sub3A_1237, %add3A_1238 : vector<16xi32>
        %swap3A_1240 = arith.constant 208 : index
        %swap3A_1241 = tpu.vector_load %arg10[%swap3A_1240] {strides = array<i32>} : memref<256xi32, #tpu.memory_space<vmem>>, vector<16xi32>,
        tpu.vector_store %arg10[%swap3A_1240], %add3A_1239 {strides = array<i32>} : memref<256xi32, #tpu.memory_space<vmem>>, vector<16xi32>,
        %reduce_sum3A_1242 = arith.constant true
        %reduce_sum3A_1243 = vector.broadcast %reduce_sum3A_1242 : i1 to vector<16xi1>
        %reduce_sum3A_1244 = tpu.scan <sum>, %get3A_1233 masked %reduce_sum3A_1243 : vector<16xi32>, vector<16xi1> -> vector<16xi32>
        %reduce_sum3A_1245 = vector.extract %reduce_sum3A_1244[15] : i32 from vector<16xi32>
        %add3A_1246 = arith.addi %add3A_1231, %reduce_sum3A_1245 : i32
        %get3A_1247 = arith.constant 224 : index
        %get3A_1248 = tpu.vector_load %arg10[%get3A_1247] {strides = array<i32>} : memref<256xi32, #tpu.memory_space<vmem>>, vector<16xi32>,
        %broadcast_in_dim3A_1249 = arith.constant true
        %broadcast_in_dim3A_1250 = vector.broadcast %broadcast_in_dim3A_1249 : i1 to vector<16xi1>
        %masked_cumsum3A_1251 = tpu.scan <sum>, %get3A_1248 masked %broadcast_in_dim3A_1250 : vector<16xi32>, vector<16xi1> -> vector<16xi32>
        %sub3A_1252 = arith.subi %masked_cumsum3A_1251, %get3A_1248 : vector<16xi32>
        %add3A_1253 = vector.broadcast %add3A_1246 : i32 to vector<16xi32>
        %add3A_1254 = arith.addi %sub3A_1252, %add3A_1253 : vector<16xi32>
        %swap3A_1255 = arith.constant 224 : index
        %swap3A_1256 = tpu.vector_load %arg10[%swap3A_1255] {strides = array<i32>} : memref<256xi32, #tpu.memory_space<vmem>>, vector<16xi32>,
        tpu.vector_store %arg10[%swap3A_1255], %add3A_1254 {strides = array<i32>} : memref<256xi32, #tpu.memory_space<vmem>>, vector<16xi32>,
        %reduce_sum3A_1257 = arith.constant true
        %reduce_sum3A_1258 = vector.broadcast %reduce_sum3A_1257 : i1 to vector<16xi1>
        %reduce_sum3A_1259 = tpu.scan <sum>, %get3A_1248 masked %reduce_sum3A_1258 : vector<16xi32>, vector<16xi1> -> vector<16xi32>
        %reduce_sum3A_1260 = vector.extract %reduce_sum3A_1259[15] : i32 from vector<16xi32>
        %add3A_1261 = arith.addi %add3A_1246, %reduce_sum3A_1260 : i32
        %get3A_1262 = arith.constant 240 : index
        %get3A_1263 = tpu.vector_load %arg10[%get3A_1262] {strides = array<i32>} : memref<256xi32, #tpu.memory_space<vmem>>, vector<16xi32>,
        %broadcast_in_dim3A_1264 = arith.constant true
        %broadcast_in_dim3A_1265 = vector.broadcast %broadcast_in_dim3A_1264 : i1 to vector<16xi1>
        %masked_cumsum3A_1266 = tpu.scan <sum>, %get3A_1263 masked %broadcast_in_dim3A_1265 : vector<16xi32>, vector<16xi1> -> vector<16xi32>
        %sub3A_1267 = arith.subi %masked_cumsum3A_1266, %get3A_1263 : vector<16xi32>
        %add3A_1268 = vector.broadcast %add3A_1261 : i32 to vector<16xi32>
        %add3A_1269 = arith.addi %sub3A_1267, %add3A_1268 : vector<16xi32>
        %swap3A_1270 = arith.constant 240 : index
        %swap3A_1271 = tpu.vector_load %arg10[%swap3A_1270] {strides = array<i32>} : memref<256xi32, #tpu.memory_space<vmem>>, vector<16xi32>,
        tpu.vector_store %arg10[%swap3A_1270], %add3A_1269 {strides = array<i32>} : memref<256xi32, #tpu.memory_space<vmem>>, vector<16xi32>,
        %reduce_sum3A_1272 = arith.constant true
        %reduce_sum3A_1273 = vector.broadcast %reduce_sum3A_1272 : i1 to vector<16xi1>
        %reduce_sum3A_1274 = tpu.scan <sum>, %get3A_1263 masked %reduce_sum3A_1273 : vector<16xi32>, vector<16xi1> -> vector<16xi32>
        %reduce_sum3A_1275 = vector.extract %reduce_sum3A_1274[15] : i32 from vector<16xi32>
        %add3A_1276 = arith.addi %add3A_1261, %reduce_sum3A_1275 : i32
        %sub3A_1277 = arith.constant 0 : i32
        %sub3A_1278 = arith.subi %div3A_135, %sub3A_1277 : i32
        %sub3A_1279 = arith.constant 1 : i32
        %sub3A_1280 = arith.constant 1 : i32
        %sub3A_1281 = arith.subi %sub3A_1279, %sub3A_1280 : i32
        %add3A_1282 = arith.addi %sub3A_1278, %sub3A_1281 : i32
        %div3A_1283 = arith.constant 1 : i32
        %div3A_1284 = arith.divsi %add3A_1282, %div3A_1283 : i32
        %while3A_1285 = arith.constant 1 : i32
        %while3A_1286 = arith.constant 0 : i32
        %while3A_1287 = arith.constant 0 : i32
        %while3A_1288 = arith.subi %div3A_1284, %while3A_1287 : i32
        %while3A_1289 = arith.addi %while3A_1287, %while3A_1288 : i32
        %while3A_1290 = arith.constant 1 : i32
        %while3A_1291 = arith.divsi %while3A_1288, %while3A_1290 : i32
        %while3A_1292 = arith.muli %while3A_1291, %while3A_1290 : i32
        %while3A_1293 = arith.addi %while3A_1287, %while3A_1292 : i32
        %while3A_1294 = arith.constant 1 : i32
        scf.for %while3A_1297 = %while3A_1287 to %while3A_1293 step %while3A_1294  : i32 {
          %mul3A_1298 = arith.muli %while3A_1297, %while3A_1285 : i32
          %add3A_1299 = arith.addi %while3A_1286, %mul3A_1298 : i32
          %mul3A_1300 = arith.constant 16 : i32
          %mul3A_1301 = arith.muli %add3A_1299, %mul3A_1300 : i32
          %get3A_1302 = arith.index_cast %mul3A_1301 : i32 to index
          %get3A_1303 = tpu.vector_load %arg15[%get3A_1302] {strides = array<i32>} : memref<528xi32, #tpu.memory_space<vmem>>, vector<16xi32>,
          %mul3A_1304 = arith.constant 16 : i32
          %mul3A_1305 = arith.muli %add3A_1299, %mul3A_1304 : i32
          %get3A_1306 = arith.index_cast %mul3A_1305 : i32 to index
          %get3A_1307 = tpu.vector_load %arg16[%get3A_1306] {strides = array<i32>} : memref<528xi32, #tpu.memory_space<vmem>>, vector<16xi32>,
          %mul3A_1308 = arith.constant 16 : i32
          %mul3A_1309 = arith.muli %add3A_1299, %mul3A_1308 : i32
          %add3A_1310 = vector.broadcast %mul3A_1309 : i32 to vector<16xi32>
          %add3A_1311 = arith.addi %add3A_1310, %iota3A : vector<16xi32>
          %lt3A_1312 = vector.broadcast %parallel_loop3A_131 : i32 to vector<16xi32>
          %lt3A_1313 = arith.cmpi slt, %add3A_1311, %lt3A_1312 : vector<16xi32>
          %shift_right_logical3A = arith.constant 24 : i32
          %shift_right_logical3A_1314 = vector.broadcast %shift_right_logical3A : i32 to vector<16xi32>
          %shift_right_logical3A_1315 = arith.shrui %get3A_1303, %shift_right_logical3A_1314 : vector<16xi32>
          %and3A_1316 = arith.constant 255 : i32
          %and3A_1317 = vector.broadcast %and3A_1316 : i32 to vector<16xi32>
          %and3A_1318 = arith.andi %shift_right_logical3A_1315, %and3A_1317 : vector<16xi32>
          %sub3A_1319 = arith.constant 255 : i32
          %sub3A_1320 = vector.broadcast %sub3A_1319 : i32 to vector<16xi32>
          %sub3A_1321 = arith.subi %sub3A_1320, %and3A_1318 : vector<16xi32>
          %unique3A_1322, %unique3A_1323 = tpu.scan_count mask(%lt3A_1313 : vector<16xi1>) value(%sub3A_1321 : vector<16xi32>) : vector<16xi1>, vector<16xi32>
          %gather3A = tpu.vector_load_idx %arg10[%sub3A_1321] : memref<256xi32, #tpu.memory_space<vmem>>[vector<16xi32>], vector<16xi32>,
          %add3A_1324 = arith.addi %gather3A, %unique3A_1323 : vector<16xi32>
          %sub3A_1325 = vector.broadcast %squeeze3A : i32 to vector<16xi32>
          %sub3A_1326 = arith.subi %add3A_1324, %sub3A_1325 : vector<16xi32>
          tpu.vector_store_idx %arg13[%sub3A_1326], %get3A_1303 masked %lt3A_1313 : memref<528xi32, #tpu.memory_space<vmem>>[vector<16xi32>], vector<16xi32>, vector<16xi1>
          tpu.vector_store_idx %arg14[%sub3A_1326], %get3A_1307 masked %lt3A_1313 : memref<528xi32, #tpu.memory_space<vmem>>[vector<16xi32>], vector<16xi32>, vector<16xi1>
          %add3A_1327 = arith.constant 1 : i32
          %add3A_1328 = vector.broadcast %add3A_1327 : i32 to vector<16xi32>
          %add3A_1329 = arith.addi %sub3A_1326, %add3A_1328 : vector<16xi32>
          %and3A_1330 = arith.andi %lt3A_1313, %unique3A_1322 : vector<16xi1>
          tpu.vector_store_idx %arg10[%sub3A_1321], %add3A_1329 masked %and3A_1330 : memref<256xi32, #tpu.memory_space<vmem>>[vector<16xi32>], vector<16xi32>, vector<16xi1>
        }
        %while3A_1295 = arith.constant 1 : i32
        scf.for %while3A_1297 = %while3A_1293 to %while3A_1289 step %while3A_1295  : i32 {
          %mul3A_1298 = arith.muli %while3A_1297, %while3A_1285 : i32
          %add3A_1299 = arith.addi %while3A_1286, %mul3A_1298 : i32
          %mul3A_1300 = arith.constant 16 : i32
          %mul3A_1301 = arith.muli %add3A_1299, %mul3A_1300 : i32
          %get3A_1302 = arith.index_cast %mul3A_1301 : i32 to index
          %get3A_1303 = tpu.vector_load %arg15[%get3A_1302] {strides = array<i32>} : memref<528xi32, #tpu.memory_space<vmem>>, vector<16xi32>,
          %mul3A_1304 = arith.constant 16 : i32
          %mul3A_1305 = arith.muli %add3A_1299, %mul3A_1304 : i32
          %get3A_1306 = arith.index_cast %mul3A_1305 : i32 to index
          %get3A_1307 = tpu.vector_load %arg16[%get3A_1306] {strides = array<i32>} : memref<528xi32, #tpu.memory_space<vmem>>, vector<16xi32>,
          %mul3A_1308 = arith.constant 16 : i32
          %mul3A_1309 = arith.muli %add3A_1299, %mul3A_1308 : i32
          %add3A_1310 = vector.broadcast %mul3A_1309 : i32 to vector<16xi32>
          %add3A_1311 = arith.addi %add3A_1310, %iota3A : vector<16xi32>
          %lt3A_1312 = vector.broadcast %parallel_loop3A_131 : i32 to vector<16xi32>
          %lt3A_1313 = arith.cmpi slt, %add3A_1311, %lt3A_1312 : vector<16xi32>
          %shift_right_logical3A = arith.constant 24 : i32
          %shift_right_logical3A_1314 = vector.broadcast %shift_right_logical3A : i32 to vector<16xi32>
          %shift_right_logical3A_1315 = arith.shrui %get3A_1303, %shift_right_logical3A_1314 : vector<16xi32>
          %and3A_1316 = arith.constant 255 : i32
          %and3A_1317 = vector.broadcast %and3A_1316 : i32 to vector<16xi32>
          %and3A_1318 = arith.andi %shift_right_logical3A_1315, %and3A_1317 : vector<16xi32>
          %sub3A_1319 = arith.constant 255 : i32
          %sub3A_1320 = vector.broadcast %sub3A_1319 : i32 to vector<16xi32>
          %sub3A_1321 = arith.subi %sub3A_1320, %and3A_1318 : vector<16xi32>
          %unique3A_1322, %unique3A_1323 = tpu.scan_count mask(%lt3A_1313 : vector<16xi1>) value(%sub3A_1321 : vector<16xi32>) : vector<16xi1>, vector<16xi32>
          %gather3A = tpu.vector_load_idx %arg10[%sub3A_1321] : memref<256xi32, #tpu.memory_space<vmem>>[vector<16xi32>], vector<16xi32>,
          %add3A_1324 = arith.addi %gather3A, %unique3A_1323 : vector<16xi32>
          %sub3A_1325 = vector.broadcast %squeeze3A : i32 to vector<16xi32>
          %sub3A_1326 = arith.subi %add3A_1324, %sub3A_1325 : vector<16xi32>
          tpu.vector_store_idx %arg13[%sub3A_1326], %get3A_1303 masked %lt3A_1313 : memref<528xi32, #tpu.memory_space<vmem>>[vector<16xi32>], vector<16xi32>, vector<16xi1>
          tpu.vector_store_idx %arg14[%sub3A_1326], %get3A_1307 masked %lt3A_1313 : memref<528xi32, #tpu.memory_space<vmem>>[vector<16xi32>], vector<16xi32>, vector<16xi1>
          %add3A_1327 = arith.constant 1 : i32
          %add3A_1328 = vector.broadcast %add3A_1327 : i32 to vector<16xi32>
          %add3A_1329 = arith.addi %sub3A_1326, %add3A_1328 : vector<16xi32>
          %and3A_1330 = arith.andi %lt3A_1313, %unique3A_1322 : vector<16xi1>
          tpu.vector_store_idx %arg10[%sub3A_1321], %add3A_1329 masked %and3A_1330 : memref<256xi32, #tpu.memory_space<vmem>>[vector<16xi32>], vector<16xi32>, vector<16xi1>
        }
        %cond3A_1296 = arith.constant 0 : i32
        scf.yield %cond3A_1296 : i32
      }
      %parallel_loop3A_1008 = arith.constant 0 : i32
      %parallel_loop3A_1009 = arith.constant 19 : i32
      %parallel_loop3A_1010 = arith.constant 1 : i32
      scf.for %parallel_loop3A_1011 = %parallel_loop3A_1008 to %parallel_loop3A_1009 step %parallel_loop3A_1010  : i32 {
        %parallel_loop3A_1012 = arith.constant 16 : i32
        %parallel_loop3A_1013 = arith.muli %parallel_loop3A_1011, %parallel_loop3A_1012 : i32
        %parallel_loop3A_1014 = arith.index_cast %parallel_loop3A_1013 : i32 to index
        %parallel_loop3A_1015 = tpu.vector_load %arg13[%parallel_loop3A_1014] {strides = array<i32>} : memref<528xi32, #tpu.memory_space<vmem>>, vector<16xi32>,
        %parallel_loop3A_1016 = arith.constant 16 : i32
        %parallel_loop3A_1017 = arith.muli %parallel_loop3A_1011, %parallel_loop3A_1016 : i32
        %parallel_loop3A_1018 = arith.index_cast %parallel_loop3A_1017 : i32 to index
        %parallel_loop3A_1019 = tpu.vector_load %arg14[%parallel_loop3A_1018] {strides = array<i32>} : memref<528xi32, #tpu.memory_space<vmem>>, vector<16xi32>,
        %parallel_loop3A_1020 = vector.bitcast %parallel_loop3A_1015 : vector<16xi32> to vector<16xf32>
        %parallel_loop3A_1021 = arith.constant 80 : i32
        %parallel_loop3A_1022 = vector.broadcast %parallel_loop3A_1021 : i32 to vector<16xi32>
        %parallel_loop3A_1023 = arith.divsi %parallel_loop3A_1019, %parallel_loop3A_1022 : vector<16xi32>
        %parallel_loop3A_1024 = arith.constant 80 : i32
        %parallel_loop3A_1025 = vector.broadcast %parallel_loop3A_1024 : i32 to vector<16xi32>
        %parallel_loop3A_1026 = arith.muli %parallel_loop3A_1023, %parallel_loop3A_1025 : vector<16xi32>
        %parallel_loop3A_1027 = arith.subi %parallel_loop3A_1019, %parallel_loop3A_1026 : vector<16xi32>
        %parallel_loop3A_1028 = arith.constant 0 : i32
        %parallel_loop3A_1029 = arith.constant 899 : i32
        %parallel_loop3A_1030 = vector.broadcast %parallel_loop3A_1028 : i32 to vector<16xi32>
        %parallel_loop3A_1031 = arith.maxsi %parallel_loop3A_1030, %parallel_loop3A_1023 : vector<16xi32>
        %parallel_loop3A_1032 = vector.broadcast %parallel_loop3A_1029 : i32 to vector<16xi32>
        %parallel_loop3A_1033 = arith.minsi %parallel_loop3A_1032, %parallel_loop3A_1031 : vector<16xi32>
        %parallel_loop3A_1034 = arith.constant 4 : i32
        %parallel_loop3A_1035 = vector.broadcast %parallel_loop3A_1034 : i32 to vector<16xi32>
        %parallel_loop3A_1036 = arith.muli %parallel_loop3A_1033, %parallel_loop3A_1035 : vector<16xi32>
        %parallel_loop3A_1037 = tpu.vector_load_idx %arg8[%parallel_loop3A_1036] : memref<3600xf32, #tpu.memory_space<vmem>>[vector<16xi32>], vector<16xf32>,
        %parallel_loop3A_1038 = arith.constant 1 : i32
        %parallel_loop3A_1039 = vector.broadcast %parallel_loop3A_1038 : i32 to vector<16xi32>
        %parallel_loop3A_1040 = arith.addi %parallel_loop3A_1036, %parallel_loop3A_1039 : vector<16xi32>
        %parallel_loop3A_1041 = tpu.vector_load_idx %arg8[%parallel_loop3A_1040] : memref<3600xf32, #tpu.memory_space<vmem>>[vector<16xi32>], vector<16xf32>,
        %parallel_loop3A_1042 = arith.constant 2 : i32
        %parallel_loop3A_1043 = vector.broadcast %parallel_loop3A_1042 : i32 to vector<16xi32>
        %parallel_loop3A_1044 = arith.addi %parallel_loop3A_1036, %parallel_loop3A_1043 : vector<16xi32>
        %parallel_loop3A_1045 = tpu.vector_load_idx %arg8[%parallel_loop3A_1044] : memref<3600xf32, #tpu.memory_space<vmem>>[vector<16xi32>], vector<16xf32>,
        %parallel_loop3A_1046 = arith.constant 3 : i32
        %parallel_loop3A_1047 = vector.broadcast %parallel_loop3A_1046 : i32 to vector<16xi32>
        %parallel_loop3A_1048 = arith.addi %parallel_loop3A_1036, %parallel_loop3A_1047 : vector<16xi32>
        %parallel_loop3A_1049 = tpu.vector_load_idx %arg8[%parallel_loop3A_1048] : memref<3600xf32, #tpu.memory_space<vmem>>[vector<16xi32>], vector<16xf32>,
        %parallel_loop3A_1050 = arith.constant 16 : i32
        %parallel_loop3A_1051 = arith.muli %parallel_loop3A_1011, %parallel_loop3A_1050 : i32
        %parallel_loop3A_1052 = arith.index_cast %parallel_loop3A_1051 : i32 to index
        %parallel_loop3A_1053 = tpu.vector_load %arg19[%parallel_loop3A_1052] {strides = array<i32>} : memref<304xf32, #tpu.memory_space<vmem>>, vector<16xf32>,
        tpu.vector_store %arg19[%parallel_loop3A_1052], %parallel_loop3A_1020 {strides = array<i32>} : memref<304xf32, #tpu.memory_space<vmem>>, vector<16xf32>,
        %parallel_loop3A_1054 = arith.constant 16 : i32
        %parallel_loop3A_1055 = arith.muli %parallel_loop3A_1011, %parallel_loop3A_1054 : i32
        %parallel_loop3A_1056 = arith.index_cast %parallel_loop3A_1055 : i32 to index
        %parallel_loop3A_1057 = tpu.vector_load %arg17[%parallel_loop3A_1056] {strides = array<i32>} : memref<304xi32, #tpu.memory_space<vmem>>, vector<16xi32>,
        tpu.vector_store %arg17[%parallel_loop3A_1056], %parallel_loop3A_1027 {strides = array<i32>} : memref<304xi32, #tpu.memory_space<vmem>>, vector<16xi32>,
        %parallel_loop3A_1058 = arith.constant 16 : i32
        %parallel_loop3A_1059 = arith.muli %parallel_loop3A_1011, %parallel_loop3A_1058 : i32
        %parallel_loop3A_1060 = vector.broadcast %parallel_loop3A_1059 : i32 to vector<16xi32>
        %parallel_loop3A_1061 = arith.addi %parallel_loop3A_1060, %iota3A : vector<16xi32>
        %parallel_loop3A_1062 = arith.constant 4 : i32
        %parallel_loop3A_1063 = vector.broadcast %parallel_loop3A_1062 : i32 to vector<16xi32>
        %parallel_loop3A_1064 = arith.muli %parallel_loop3A_1061, %parallel_loop3A_1063 : vector<16xi32>
        %parallel_loop3A_1065 = arith.constant 5.000000e-01 : f32
        %parallel_loop3A_1066 = vector.broadcast %parallel_loop3A_1065 : f32 to vector<16xf32>
        %parallel_loop3A_1067 = arith.mulf %parallel_loop3A_1066, %parallel_loop3A_1045 : vector<16xf32>
        %parallel_loop3A_1068 = arith.subf %parallel_loop3A_1037, %parallel_loop3A_1067 : vector<16xf32>
        tpu.vector_store_idx %arg18[%parallel_loop3A_1064], %parallel_loop3A_1068 : memref<1216xf32, #tpu.memory_space<vmem>>[vector<16xi32>], vector<16xf32>,
        %parallel_loop3A_1069 = arith.constant 1 : i32
        %parallel_loop3A_1070 = vector.broadcast %parallel_loop3A_1069 : i32 to vector<16xi32>
        %parallel_loop3A_1071 = arith.addi %parallel_loop3A_1064, %parallel_loop3A_1070 : vector<16xi32>
        %parallel_loop3A_1072 = arith.constant 5.000000e-01 : f32
        %parallel_loop3A_1073 = vector.broadcast %parallel_loop3A_1072 : f32 to vector<16xf32>
        %parallel_loop3A_1074 = arith.mulf %parallel_loop3A_1073, %parallel_loop3A_1049 : vector<16xf32>
        %parallel_loop3A_1075 = arith.subf %parallel_loop3A_1041, %parallel_loop3A_1074 : vector<16xf32>
        tpu.vector_store_idx %arg18[%parallel_loop3A_1071], %parallel_loop3A_1075 : memref<1216xf32, #tpu.memory_space<vmem>>[vector<16xi32>], vector<16xf32>,
        %parallel_loop3A_1076 = arith.constant 2 : i32
        %parallel_loop3A_1077 = vector.broadcast %parallel_loop3A_1076 : i32 to vector<16xi32>
        %parallel_loop3A_1078 = arith.addi %parallel_loop3A_1064, %parallel_loop3A_1077 : vector<16xi32>
        %parallel_loop3A_1079 = arith.constant 5.000000e-01 : f32
        %parallel_loop3A_1080 = vector.broadcast %parallel_loop3A_1079 : f32 to vector<16xf32>
        %parallel_loop3A_1081 = arith.mulf %parallel_loop3A_1080, %parallel_loop3A_1045 : vector<16xf32>
        %parallel_loop3A_1082 = arith.addf %parallel_loop3A_1037, %parallel_loop3A_1081 : vector<16xf32>
        tpu.vector_store_idx %arg18[%parallel_loop3A_1078], %parallel_loop3A_1082 : memref<1216xf32, #tpu.memory_space<vmem>>[vector<16xi32>], vector<16xf32>,
        %parallel_loop3A_1083 = arith.constant 3 : i32
        %parallel_loop3A_1084 = vector.broadcast %parallel_loop3A_1083 : i32 to vector<16xi32>
        %parallel_loop3A_1085 = arith.addi %parallel_loop3A_1064, %parallel_loop3A_1084 : vector<16xi32>
        %parallel_loop3A_1086 = arith.constant 5.000000e-01 : f32
        %parallel_loop3A_1087 = vector.broadcast %parallel_loop3A_1086 : f32 to vector<16xf32>
        %parallel_loop3A_1088 = arith.mulf %parallel_loop3A_1087, %parallel_loop3A_1049 : vector<16xf32>
        %parallel_loop3A_1089 = arith.addf %parallel_loop3A_1041, %parallel_loop3A_1088 : vector<16xf32>
        tpu.vector_store_idx %arg18[%parallel_loop3A_1085], %parallel_loop3A_1089 : memref<1216xf32, #tpu.memory_space<vmem>>[vector<16xi32>], vector<16xf32>,
      } {sc.loop_unroll_factor = 2 : i64, sc.parallel_access}
      "tpu.region"() ({
        %run_scoped3A = tpu.sem_alloc : memref<!tpu.dma_semaphore, #tpu.memory_space<semaphore_mem>>
        %dma_start3A = arith.constant 0 : i32
        %dma_start3A_1011 = tpu.memref_slice %arg4[%add3A_20, %dma_start3A] : memref<128x304xi32, #tpu.memory_space<hbm>> -> memref<1x304xi32, #tpu.memory_space<hbm>>
        %dma_start3A_1012 = tpu.memref_squeeze %dma_start3A_1011 : memref<1x304xi32, #tpu.memory_space<hbm>> -> memref<304xi32, #tpu.memory_space<hbm>>
        %dma_start3A_1013 = arith.constant 0 : i32
        %dma_start3A_1014 = tpu.memref_slice %arg4[%add3A_20, %dma_start3A_1013] : memref<128x304xi32, #tpu.memory_space<hbm>> -> memref<1x304xi32, #tpu.memory_space<hbm>>
        %dma_start3A_1015 = tpu.memref_squeeze %dma_start3A_1014 : memref<1x304xi32, #tpu.memory_space<hbm>> -> memref<304xi32, #tpu.memory_space<hbm>>
        tpu.enqueue_dma source(%arg17 : memref<304xi32, #tpu.memory_space<vmem>>) target(%dma_start3A_1015 : memref<304xi32, #tpu.memory_space<hbm>>) target_semaphore(%run_scoped3A : memref<!tpu.dma_semaphore, #tpu.memory_space<semaphore_mem>>)
        %dma_wait3A = arith.constant 0 : i32
        %dma_wait3A_1016 = tpu.memref_slice %arg4[%add3A_20, %dma_wait3A] : memref<128x304xi32, #tpu.memory_space<hbm>> -> memref<1x304xi32, #tpu.memory_space<hbm>>
        %dma_wait3A_1017 = tpu.memref_squeeze %dma_wait3A_1016 : memref<1x304xi32, #tpu.memory_space<hbm>> -> memref<304xi32, #tpu.memory_space<hbm>>
        %dma_wait3A_1018 = arith.constant 0 : i32
        %dma_wait3A_1019 = tpu.memref_slice %arg4[%add3A_20, %dma_wait3A_1018] : memref<128x304xi32, #tpu.memory_space<hbm>> -> memref<1x304xi32, #tpu.memory_space<hbm>>
        %dma_wait3A_1020 = tpu.memref_squeeze %dma_wait3A_1019 : memref<1x304xi32, #tpu.memory_space<hbm>> -> memref<304xi32, #tpu.memory_space<hbm>>
        tpu.wait_dma2 semaphore(%run_scoped3A : memref<!tpu.dma_semaphore, #tpu.memory_space<semaphore_mem>>) src(%arg17 : memref<304xi32, #tpu.memory_space<vmem>>) dst(%dma_wait3A_1020 : memref<304xi32, #tpu.memory_space<hbm>>)
        tpu.yield
      }) : () -> ()
      "tpu.region"() ({
        %run_scoped3A = tpu.sem_alloc : memref<!tpu.dma_semaphore, #tpu.memory_space<semaphore_mem>>
        %dma_start3A = arith.constant 0 : i32
        %dma_start3A_1011 = tpu.memref_slice %arg5[%add3A_20, %dma_start3A] : memref<128x1216xf32, #tpu.memory_space<hbm>> -> memref<1x1216xf32, #tpu.memory_space<hbm>>
        %dma_start3A_1012 = tpu.memref_squeeze %dma_start3A_1011 : memref<1x1216xf32, #tpu.memory_space<hbm>> -> memref<1216xf32, #tpu.memory_space<hbm>>
        %dma_start3A_1013 = arith.constant 0 : i32
        %dma_start3A_1014 = tpu.memref_slice %arg5[%add3A_20, %dma_start3A_1013] : memref<128x1216xf32, #tpu.memory_space<hbm>> -> memref<1x1216xf32, #tpu.memory_space<hbm>>
        %dma_start3A_1015 = tpu.memref_squeeze %dma_start3A_1014 : memref<1x1216xf32, #tpu.memory_space<hbm>> -> memref<1216xf32, #tpu.memory_space<hbm>>
        tpu.enqueue_dma source(%arg18 : memref<1216xf32, #tpu.memory_space<vmem>>) target(%dma_start3A_1015 : memref<1216xf32, #tpu.memory_space<hbm>>) target_semaphore(%run_scoped3A : memref<!tpu.dma_semaphore, #tpu.memory_space<semaphore_mem>>)
        %dma_wait3A = arith.constant 0 : i32
        %dma_wait3A_1016 = tpu.memref_slice %arg5[%add3A_20, %dma_wait3A] : memref<128x1216xf32, #tpu.memory_space<hbm>> -> memref<1x1216xf32, #tpu.memory_space<hbm>>
        %dma_wait3A_1017 = tpu.memref_squeeze %dma_wait3A_1016 : memref<1x1216xf32, #tpu.memory_space<hbm>> -> memref<1216xf32, #tpu.memory_space<hbm>>
        %dma_wait3A_1018 = arith.constant 0 : i32
        %dma_wait3A_1019 = tpu.memref_slice %arg5[%add3A_20, %dma_wait3A_1018] : memref<128x1216xf32, #tpu.memory_space<hbm>> -> memref<1x1216xf32, #tpu.memory_space<hbm>>
        %dma_wait3A_1020 = tpu.memref_squeeze %dma_wait3A_1019 : memref<1x1216xf32, #tpu.memory_space<hbm>> -> memref<1216xf32, #tpu.memory_space<hbm>>
        tpu.wait_dma2 semaphore(%run_scoped3A : memref<!tpu.dma_semaphore, #tpu.memory_space<semaphore_mem>>) src(%arg18 : memref<1216xf32, #tpu.memory_space<vmem>>) dst(%dma_wait3A_1020 : memref<1216xf32, #tpu.memory_space<hbm>>)
        tpu.yield
      }) : () -> ()
      "tpu.region"() ({
        %run_scoped3A = tpu.sem_alloc : memref<!tpu.dma_semaphore, #tpu.memory_space<semaphore_mem>>
        %dma_start3A = arith.constant 0 : i32
        %dma_start3A_1011 = tpu.memref_slice %arg6[%add3A_20, %dma_start3A] : memref<128x304xf32, #tpu.memory_space<hbm>> -> memref<1x304xf32, #tpu.memory_space<hbm>>
        %dma_start3A_1012 = tpu.memref_squeeze %dma_start3A_1011 : memref<1x304xf32, #tpu.memory_space<hbm>> -> memref<304xf32, #tpu.memory_space<hbm>>
        %dma_start3A_1013 = arith.constant 0 : i32
        %dma_start3A_1014 = tpu.memref_slice %arg6[%add3A_20, %dma_start3A_1013] : memref<128x304xf32, #tpu.memory_space<hbm>> -> memref<1x304xf32, #tpu.memory_space<hbm>>
        %dma_start3A_1015 = tpu.memref_squeeze %dma_start3A_1014 : memref<1x304xf32, #tpu.memory_space<hbm>> -> memref<304xf32, #tpu.memory_space<hbm>>
        tpu.enqueue_dma source(%arg19 : memref<304xf32, #tpu.memory_space<vmem>>) target(%dma_start3A_1015 : memref<304xf32, #tpu.memory_space<hbm>>) target_semaphore(%run_scoped3A : memref<!tpu.dma_semaphore, #tpu.memory_space<semaphore_mem>>)
        %dma_wait3A = arith.constant 0 : i32
        %dma_wait3A_1016 = tpu.memref_slice %arg6[%add3A_20, %dma_wait3A] : memref<128x304xf32, #tpu.memory_space<hbm>> -> memref<1x304xf32, #tpu.memory_space<hbm>>
        %dma_wait3A_1017 = tpu.memref_squeeze %dma_wait3A_1016 : memref<1x304xf32, #tpu.memory_space<hbm>> -> memref<304xf32, #tpu.memory_space<hbm>>
        %dma_wait3A_1018 = arith.constant 0 : i32
        %dma_wait3A_1019 = tpu.memref_slice %arg6[%add3A_20, %dma_wait3A_1018] : memref<128x304xf32, #tpu.memory_space<hbm>> -> memref<1x304xf32, #tpu.memory_space<hbm>>
        %dma_wait3A_1020 = tpu.memref_squeeze %dma_wait3A_1019 : memref<1x304xf32, #tpu.memory_space<hbm>> -> memref<304xf32, #tpu.memory_space<hbm>>
        tpu.wait_dma2 semaphore(%run_scoped3A : memref<!tpu.dma_semaphore, #tpu.memory_space<semaphore_mem>>) src(%arg19 : memref<304xf32, #tpu.memory_space<vmem>>) dst(%dma_wait3A_1020 : memref<304xf32, #tpu.memory_space<hbm>>)
        tpu.yield
      }) : () -> ()
    }
    %scan3A_12 = arith.constant 4 : i32
    return
  }
}

</mosaic_0001>

<sc_bundles>
// kernel: _sc_topk.3.cloned.1.call-start
scs
__scs_entry_jumppad:
0x0: {  	(pc) =	sbr.rel $0x88, $3  }
0x1: {  	(tag) =	ssettag $0x0;
	lr =	simm.s32 $0x1  }
0x2: {  	[smem:$0x3F9F] =	sst lr;
	_ =	strace $0xD0000000  }
0x3: {  	_ = 	snop  }
0x4: {  	_ = 	snop  }
0x5: {  	_ = 	snop  }
0x6: {  	_ = 	snop  }
0x7: {  	_ = 	snop  }
__scs_overlays_trampoline_lowered:
0x8: {  	[smem:$0x3FAE] =	sst s0  }
0x9: {  	[smem:$0x3FAF] =	sst s1  }
0xa: {  	[smem:$0x3FB0] =	sst s2  }
0xb: {  	[smem:$0x3FB1] =	sst s3  }
0xc: {  	[smem:$0x3FB2] =	sst s4  }
0xd: {  	[smem:$0x3FB3] =	sst s5  }
0xe: {  	[smem:$0x3FB4] =	sst s6  }
0xf: {  	[smem:$0x3FB5] =	sst s7  }
0x10: {  	[smem:$0x3FB6] =	sst s8  }
0x11: {  	[smem:$0x3FB7] =	sst s9;
	s0 =	simm.s32 @!p0 $0x0  }
0x12: {  	s1 =	sld [smem:$0x3F9D];
	s0 =	simm.s32 @p0 $0x1  }
0x13: {  	[smem:$0x3FB8] =	sst s0;
	s0 =	simm.s32 @!p1 $0x0  }
0x14: {  	s2 =	sld [smem:$0x3F9C];
	s0 =	simm.s32 @p1 $0x1  }
0x15: {  	[smem:$0x3FB9] =	sst s0;
	s0 =	simm.s32 @!p2 $0x0  }
0x16: {  	s3 =	sld [smem:$0x3FDB];
	s0 =	simm.s32 @p2 $0x1  }
0x17: {  	s4 =	simm.s32 $0x1BF5;
	[smem:$0x3FBB] =	sst s0  }
0x18: {  	s0 =	sld [smem:$0x3F9E];
	_ =	swait.ge [sflag:s4], $0x0  }
0x19: {  	s7 =	sld [smem:$0x3F9F]  }
0x1a: {  	s8 =	sadd.s32 $0xFFFFE003, lr  }
0x1b: {  	s9 =	sadd.s32 $0xFFFFFEF7, lr;
	s5 =	simm.s32 $0xFFFFFFFF;
	p2 =	slt.u32 s8, $0xFFFFF086  }
0x1c: {  	p1 =	slt.u32 s9, $0xF7A;
	s5 =	simm.s32 @!p2 $0x0  }
0x1d: {  	s5 =	simm.s32 @p1 $0x1;
	p0 =	seq.s32 s7, s2  }
0x1e: {  	s7 =	smul.u32 @!p0 $0xF7A, s2;
	p2 =	seq.s32 @!p0 s5, $0x0  }
0x1f: {  	s9 =	smul.u32 $0xF7A, s1;
	s8 =	simm.s32 @!p0 $0x1BF5;
	p2 =	por !p2, p0  }
0x20: {  	[sflag:s8] =	ssyncset.s32 @!p0 $0xFFFFF086;
	s6 =	sadd.s32 @!p0 s3, s7;
	s7 =	simm.s32 @!p0 $0x108  }
0x21: {  	s3 =	sadd.s32 s3, s9;
	s6 =	sadd.s32 @!p0 $0x88, s6;
	s7 =	simm.s32 @p2 $0x1082  }
0x22: {  	[simem:s7], [sflag:s8] =	dma.local @!p0 [hbm:s6], $0xF7A  }
0x23: {  	s9 =	sor.u32 $0xD0000000, s2;
	s6 =	simm.s32 $0x108;
	_ =	swait.ge @!p0 [sflag:s8], $0x0  }
0x24: {  	s3 =	sadd.s32 $0x88, s3;
	s6 =	simm.s32 @!p1 $0x1082;
	[sflag:s4] =	ssyncset.s32 $0xFFFFF086  }
0x25: {  	[simem:s6], [sflag:s4] =	dma.local [hbm:s3], $0xF7A  }
0x26: {  	[smem:$0x3F9F] =	sst s1;
	(tag) =	ssettag s2;
	_ =	strace s9  }
0x27: {  	s1 =	sld [smem:$0x3FAF]  }
0x28: {  	s2 =	sld [smem:$0x3FB0]  }
0x29: {  	s4 =	sld [smem:$0x3FB2]  }
0x2a: {  	p0 =	seq.s32 s5, $0x0;
	s5 =	sld [smem:$0x3FB3]  }
0x2b: {  	s6 =	sld [smem:$0x3FB4]  }
0x2c: {  	s7 =	sld [smem:$0x3FB5]  }
0x2d: {  	s3 =	simm.s32 $0x108;
	s8 =	sld [smem:$0x3FB6]  }
0x2e: {  	s3 =	simm.s32 @!p0 $0x1082;
	s9 =	sld [smem:$0x3FB7]  }
0x2f: {  	lr =	sadd.s32 s0, s3;
	s0 =	sld [smem:$0x3FAE]  }
0x30: {  	s3 =	sld [smem:$0x3FB1]  }
0x31: {  	[smem:$0x3FBA] =	sst s10  }
0x32: {  	s10 =	sld [smem:$0x3FB8];
	_ =	sdelay $0x3  }
0x33: {  	p0 =	seq.s32 s10, $0x1;
	s10 =	sld [smem:$0x3FBA];
	_ =	sdelay $0x3  }
0x34: {  	[smem:$0x3FBA] =	sst s10  }
0x35: {  	s10 =	sld [smem:$0x3FB9];
	_ =	sdelay $0x3  }
0x36: {  	p1 =	seq.s32 s10, $0x1;
	s10 =	sld [smem:$0x3FBA];
	_ =	sdelay $0x3  }
0x37: {  	[smem:$0x3FBA] =	sst s10  }
0x38: {  	s10 =	sld [smem:$0x3FBB]  }
0x39: {  	_ = 	snop;
	(pc) =	sbr.ind lr, $3  }
0x3a: {  	_ = 	snop  }
0x3b: {  	_ = 	snop  }
0x3c: {  	p2 =	seq.s32 s10, $0x1;
	s10 =	sld [smem:$0x3FBA]  }
0x3d: {  	_ =	shalt  }
0x3e: {  	_ =	shalt  }
0x3f: {  	_ =	shalt  }
0x40: {  	_ =	shalt  }
0x41: {  	_ =	shalt  }
0x42: {  	_ =	shalt  }
0x43: {  	_ =	shalt  }
0x44: {  	_ =	shalt  }
0x45: {  	_ =	shalt  }
0x46: {  	_ =	shalt  }
0x47: {  	_ =	shalt  }
0x48: {  	_ =	shalt  }
0x49: {  	_ =	shalt  }
0x4a: {  	_ =	shalt  }
0x4b: {  	_ =	shalt  }
0x4c: {  	_ =	shalt  }
0x4d: {  	_ =	shalt  }
0x4e: {  	_ =	shalt  }
0x4f: {  	_ =	shalt  }
0x50: {  	_ =	shalt  }
0x51: {  	_ =	shalt  }
0x52: {  	_ =	shalt  }
0x53: {  	_ =	shalt  }
0x54: {  	_ =	shalt  }
0x55: {  	_ =	shalt  }
0x56: {  	_ =	shalt  }
0x57: {  	_ =	shalt  }
0x58: {  	_ =	shalt  }
0x59: {  	_ =	shalt  }
0x5a: {  	_ =	shalt  }
0x5b: {  	_ =	shalt  }
0x5c: {  	_ =	shalt  }
0x5d: {  	_ =	shalt  }
0x5e: {  	_ =	shalt  }
0x5f: {  	_ =	shalt  }
0x60: {  	_ =	shalt  }
0x61: {  	_ =	shalt  }
0x62: {  	_ =	shalt  }
0x63: {  	_ =	shalt  }
0x64: {  	_ =	shalt  }
0x65: {  	_ =	shalt  }
0x66: {  	_ =	shalt  }
0x67: {  	_ =	shalt  }
0x68: {  	_ =	shalt  }
0x69: {  	_ =	shalt  }
0x6a: {  	_ =	shalt  }
0x6b: {  	_ =	shalt  }
0x6c: {  	_ =	shalt  }
0x6d: {  	_ =	shalt  }
0x6e: {  	_ =	shalt  }
0x6f: {  	_ =	shalt  }
0x70: {  	_ =	shalt  }
0x71: {  	_ =	shalt  }
0x72: {  	_ =	shalt  }
0x73: {  	_ =	shalt  }
0x74: {  	_ =	shalt  }
0x75: {  	_ =	shalt  }
0x76: {  	_ =	shalt  }
0x77: {  	_ =	shalt  }
0x78: {  	_ =	shalt  }
0x79: {  	_ =	shalt  }
0x7a: {  	_ =	shalt  }
0x7b: {  	_ =	shalt  }
0x7c: {  	_ =	shalt  }
0x7d: {  	_ =	shalt  }
0x7e: {  	_ =	shalt  }
0x7f: {  	_ =	shalt  }
0x80: {  	_ =	shalt  }
0x81: {  	_ =	shalt  }
0x82: {  	_ =	shalt  }
0x83: {  	_ =	shalt  }
0x84: {  	_ =	shalt  }
0x85: {  	_ =	shalt  }
0x86: {  	_ =	shalt  }
0x87: {  	_ =	shalt  }
.Lfunc_end0:
.L_simem_size_0:
called_computation_lowered:
.L_overlay_start_0:
0x88: {  	s2 =	sld [smem:$0x3FD9]  }
0x89: {  	s3 =	sld [smem:$0x3FFE];
	_ =	sdelay $0x1  }
0x8a: {  	s1 =	srdreg.scid  }
0x8b: {  	s0 =	sand.u32 $0x1, s1  }
0x8c: {  	s14 =	sshll.u32 s0, $0xA;
	s2 =	sadd.s32 s3, s2  }
0x8d: {  	s2 =	sadd.s32 s2, s14  }
0x8e: {  	[smem:$0x3FC6] =	sst s2  }
0x8f: {  	_ = 	snop  }
0x90: {  	s2 =	sld [smem:$0x3FD0];
	_ =	sdelay $0x2  }
0x91: {  	s15 =	simm.s32 $0xA;
	s4 =	simm.s32 $0x10  }
0x92: {  	[smem:s4], [sflag:s15] =	dma.local [hbm:s2], $0x1  }
0x93: {  	_ =	swait.eq [sflag:s15], $0x1  }
0x94: {  	[sflag:s15] =	ssyncset.done $0x0  }
0x95: {  	[sflag:s15] =	ssyncadd.s32 $0xFFFFFFFF  }
0x96: {  	s16 =	sld [smem:$0x11];
	(tm) =	ssettm $0x1  }
0x97: {  	s17 =	sld [smem:$0x3FFB];
	_ =	sdelay $0x3  }
0x98: {  	_ =	strace s17  }
0x99: {  	s3 =	sld [smem:$0x3FFC];
	_ =	sdelay $0x3  }
0x9a: {  	_ =	strace s3  }
0x9b: {  	s3 =	sld [smem:$0x3FFD];
	_ =	sdelay $0x3  }
0x9c: {  	_ =	strace s3  }
0x9d: {  	_ =	strace $0x8FFFFFFF  }
0x9e: {  	s18 =	sld [smem:$0x3FDB];
	_ =	sdelay $0x1  }
0x9f: {  	s19 =	simm.s32 $_scs_section_size  }
0xa0: {  	s5 =	simm.s32 $_size__tile_overlayer_lowered;
	s6 =	simm.s32 $_tile_overlayer_lowered  }
0xa1: {  	s22 =	simm.s32 $0x1BFF;
	s21 =	sshll.u32 s6, $0x1;
	s3 =	sadd.s32 s19, s18  }
0xa2: {  	s7 =	simm.s32 $0x0;
	s20 =	sshll.u32 s5, $0x1;
	s5 =	sadd.s32 s21, s3  }
0xa3: {  	[timem:s7], [sflag:s22] =	dma.local [hbm:s5], s20  }
0xa4: {  	_ =	swait.ge [sflag:s22], s20  }
0xa5: {  	s4 =	ssub.s32 $0x0, s20;
	[sflag:s22] =	ssyncset.done $0x0  }
0xa6: {  	[sflag:s22] =	ssyncadd.s32 s4;
	_ =	sdelay $0x1  }
0xa7: {  	s23 =	simm.s32 $0x1B8B  }
0xa8: {  	_ =	swait.ge [sflag:s23], $0x1  }
0xa9: {  	[sflag:s23] =	ssyncset.done $0x0  }
0xaa: {  	s25 =	simm.s32 $0x1B8E;
	s24 =	sld [smem:$0x3FFE];
	[sflag:s23] =	ssyncadd.s32 $0xFFFFFFFF  }
0xab: {  	s26 =	simm.s32 $execute0_lowered;
	[smem:$0x3FD2] =	sst s25  }
0xac: {  	s5 =	sshll.u32 s26, $0x1;
	_ =	strace $0x80000046;
	[dreg:$0x1] =	wrdreg $0xFFFFFFFF  }
0xad: {  	s28 =	simm.s32 $_size_execute0_lowered;
	s3 =	sadd.s32 s3, s5;
	[dreg:$0x0] =	wrdreg $0x0  }
0xae: {  	s5 =	sshll.u32 s28, $0x1;
	[dreg:$0x2] =	wrdreg s3  }
0xaf: {  	[dreg:$0x3] =	wrdreg s5  }
0xb0: {  	[dreg:$0x4] =	wrdreg $0xC0  }
0xb1: {  	_ =	task [dreg:s7], $0x5FFFF  }
0xb2: {  	[dreg:$0x1] =	wrdreg $0xFFFFFFFF  }
0xb3: {  	[dreg:$0x0] =	wrdreg $0x60  }
0xb4: {  	[dreg:$0x2] =	wrdreg s24  }
0xb5: {  	[dreg:$0x3] =	wrdreg s16  }
0xb6: {  	[dreg:$0x4] =	wrdreg $0x9  }
0xb7: {  	_ =	task.clear_ibuf [dreg:s7], $0x5FFFF;
	_ =	strace $0x90000046  }
0xb8: {  	s29 =	simm.s32 $0x9;
	_ =	strace $0x80000048  }
0xb9: {  	_ =	swait.ge [sflag:s29], $0x1  }
0xba: {  	[sflag:s29] =	ssyncadd.s32 $0xFFFFFFFF  }
0xbb: {  	_ =	strace $0x90000048  }
0xbc: {  	_ =	sfence  }
0xbd: {  	s30 =	sld [smem:$0x0];
	_ =	sdelay $0x2  }
0xbe: {  	s31 =	sshll.u32 s1, $0xD;
	s1 =	sshrl.u32 s1, $0x2  }
0xbf: {  	s3 =	sand.u32 $0x4000, s31;
	s1 =	sadd.s32 s1, s30  }
0xc0: {  	s0 =	sor.u32 s3, s0;
	s1 =	sshll.u32 s1, $0x11  }
0xc1: {  	s0 =	sor.u32 s1, s0  }
0xc2: {  	s0 =	sadd.s32 $0x8F2B, s0  }
0xc3: {  	[sflag:s0] =	ssyncadd.remote.s32 $0x1  }
0xc4: {  	_ =	sfence.sel $0xFFFF  }
0xc5: {  	[dreg:$0x0] =	wrdreg $0xFFFFFFFF;
	(pc) =	sbr.abs _section_cstart, $3  }
0xc6: {  	[dreg:$0x1] =	wrdreg $0xFFFFFFFF  }
0xc7: {  	_ =	task.clear_ibuf [dreg:s7], $0x2FFFF;
	_ =	strace $0x9FFFFFFF  }
0xc8: {  	(tm) =	ssettm $0x7FFFFFFF  }
0xc9: {  	_ =	shalt  }
tec
execute0_lowered:
.L_overlay_start_1:
0x0: {  	(tag) =	ssettag $0x1  }
0x1: {  	s10 =	simm.s32 $0x0  }
0x2: {  	[smem:$0x7FF] =	sst s10  }
0x3: {  	s0 =	rddreg [dreg:$0x0];
	v0 =	vimm.s32 $0x0;
	_ =	strace $0x80000047  }
0x4: {  	(xrf1) =	vunique.msk.u32 $0xffff, v0;
	_ =	sdelay $0x2  }
0x5: {  	s1 =	srdreg.scid  }
0x6: {  	s3 =	stileid.u32;
	s5 =	simm.s32 $0x1;
	s6 =	simm.s32 $0x11980  }
0x7: {  	s11 =	simm.s32 $0x12800;
	s1 =	sand.u32 $0x1, s1;
	s3 =	sshll.u32 s3, $0x2  }
0x8: {  	s23 =	sadd.s32 $0xF000, s0;
	s25 =	sadd.s32 $0x800, s0;
	s28 =	sadd.s32 $0x12A000, s0  }
0x9: {  	s0 =	sadd.s32 $0x128800, s0;
	s2 =	sshll.u32 s1, $0x6;
	[dreg:$0x1c] =	wrdreg s3  }
0xa: {  	[dreg:$0x1d] =	wrdreg s23;
	s1 =	ssub.s32 $0x2, s1;
	s2 =	sor.u32 s3, s2  }
0xb: {  	[dreg:$0x1f] =	wrdreg s25;
	s29 =	sshrl.u32 s1, $0x1;
	s2 =	sshrl.u32 s2, $0x3  }
0xc: {  	[smem:$0x7F9] =	sst s28;
	s30 =	ssub.s32 s1, s29;
	s24 =	smul.u32 $0x8CC00, s2  }
0xd: {  	v5 =	vimm.s32 $0xECA86420;
	[smem:$0x7FB] =	sst s0;
	s26 =	smul.u32 $0x7400, s2;
	s0 =	smax.u32 s30, $0x1  }
.Ltmp0:
0xe: {  	v4 =	vimm.s32 $0x1;
	vm1 =	vcmask $0xB08;
	s14 =	simm.s32 $0x13800;
	[smem:$0x7FD] =	sst s0;
	(pc) =	sbr.rel .LBB2_1-.Ltmp0, $4  }
0xf: {  	vm6 =	vcmask $0x1310;
	vm9 =	vcmask $0x1B18;
	s15 =	simm.s32 $0x15F00;
	v6 =	vunpack.c.l.s4.s8 v5;
	s4 =	smul.u32 $0xC00, s2;
	[dreg:$0x1e] =	wrdreg s24  }
0x10: {  	vm5 =	vcmask $0x2320;
	s16 =	simm.s32 $0x16180;
	v7 =	vimm.s32 $0x80;
	v5 =	vimm.s32 $0x80000000;
	s31 =	smul.u32 $0x2800, s2;
	[smem:$0x7F8] =	sst s26;
	_, v1, _ =	vpop (xrf1)  }
0x11: {  	s17 =	simm.s32 $0x15A00;
	s18 =	simm.s32 $0x15C80;
	v6 =	vunpack.c.0.s8.s32 v6;
	[smem:$0x7FA] =	sst s4;
	v2 =	vsub.s32 $0x1, v1;
	v3 =	vsub.s32 $0x0, v1  }
0x12: {  	s1 =	simm.s32 $0x0;
	[smem:$0x7FC] =	sst s31;
	s4 =	simm.s32 $0x400;
	v1 =	vbroadcast v2, $0x0;
	v2 =	vbroadcast v3, $0x0;
	v3 =	vlaneseq.u32  }
.LBB2_136:
0x13: {  	s1 =	sld [smem:$0x7F7]  }
0x14: {  	s0 =	sld [smem:$0x7FD];
	_ =	sdelay $0x1  }
0x15: {  	s1 =	sadd.s32 $0x1, s1  }
0x16: {  	p0 =	sne.s32 s1, s0  }
.Ltmp1:
0x17: {  	_ = 	snop;
	(pc) =	sbr.rel @!p0 .LBB2_137-.Ltmp1, $1  }
0x18: {  	_ =	sdelay $0x3  }
.LBB2_1:
0x19: {  	[smem:$0x7F7] =	sst s1;
	s1 =	simm.s32 $0x0  }
.LBB2_2:
0x1a: {  	s0 =	rddreg [dreg:$0x1c]  }
0x1b: {  	s0 =	sadd.s32 s0, s1  }
0x1c: {  	s0 =	sshll.u32 s0, $0x7  }
0x1d: {  	s29 =	rddreg [dreg:$0x1e];
	s3 =	sand.u32 $0x380, s0  }
0x1e: {  	[smem:$0x7F5] =	sst s1;
	s0 =	sor.u32 s29, s3  }
0x1f: {  	s30 =	rddreg [dreg:$0x1d];
	s0 =	sshrl.u32 s0, $0x3  }
0x20: {  	s2 =	simm.s32 $0x80;
	s31 =	simm.s32 $0x0;
	s1 =	sadd.s32 s30, s0  }
0x21: {  	[tilespmem:s31], [sflag:$0x1] =	stream.strided.gather [hbm4b:s1+s2], $0x11980, s4, s2, $0x38;
	[tilespmem:$0x16C00] =	vst v63  }
0x22: {  	_ =	swait.ge [sflag:s5], $0x11980  }
0x23: {  	s7 =	sld [smem:$0x7F8];
	_ =	sdelay $0x2  }
0x24: {  	s1 =	sor.u32 s7, s3  }
0x25: {  	[sflag:s5] =	ssyncset.done $0x0;
	s8 =	rddreg [dreg:$0x1f];
	s1 =	sshrl.u32 s1, $0x3  }
0x26: {  	[smem:$0x7F6] =	sst s3;
	[sflag:s5] =	ssyncadd.s32 $0xFFFEE680;
	s1 =	sadd.s32 s8, s1  }
0x27: {  	[tilespmem:s6], [sflag:$0x1] =	stream.strided.gather [hbm4b:s1+s2], $0xE80, s4, s2, $0x38;
	[tilespmem:$0x16C00] =	vst v63  }
0x28: {  	_ =	swait.ge [sflag:s5], $0xE80  }
0x29: {  	[sflag:s5] =	ssyncset.done $0x0  }
0x2a: {  	[sflag:s5] =	ssyncadd.s32 $0xFFFFF180  }
0x2b: {  	v8 =	vld [tilespmem:s2+$0xFFFFFF80];
	_ =	sdelay $0x2  }
0x2c: {  	v9 =	vld [tilespmem:s2+$0xFFFFFF90];
	_ =	sdelay $0x1  }
0x2d: {  	v10 =	vld [tilespmem:s2+$0xFFFFFFA0];
	vm11 =	vge.f32 v8, $2.000000000e+00  }
0x2e: {  	v8 =	vmpcnt.ones.xlane vm11;
	_ =	sdelay $0x1  }
0x2f: {  	vm12 =	vge.f32 v9, $2.000000000e+00;
	(v2sf) =	vpush v8, $0x0  }
0x30: {  	v8 =	vmpcnt.ones.xlane vm12  }
0x31: {  	v9 =	vld [tilespmem:s2+$0xFFFFFFB0];
	vm13 =	vge.f32 v10, $2.000000000e+00  }
0x32: {  	(v2sf) =	vpush v8, $0x0;
	v8 =	vmpcnt.ones.xlane vm13  }
0x33: {  	v10 =	vld [tilespmem:s2+$0xFFFFFFC0]  }
0x34: {  	(v2sf) =	vpush v8, $0x0;
	_ =	sdelay $0x1  }
0x35: {  	vm14 =	vge.f32 v9, $2.000000000e+00;
	v9 =	vld [tilespmem:s2+$0xFFFFFFD0];
	_ =	sdelay $0x1  }
0x36: {  	vm15 =	vge.f32 v10, $2.000000000e+00;
	v10 =	vld [tilespmem:s2+$0xFFFFFFE0];
	v8 =	vmpcnt.ones.xlane vm14;
	_ =	sdelay $0x1  }
0x37: {  	(v2sf) =	vpush v8, $0x0;
	v8 =	vmpcnt.ones.xlane vm15  }
0x38: {  	vm4 =	vmmov vm5;
	vm5 =	vge.f32 v9, $2.000000000e+00;
	v9 =	vld [tilespmem:s2+$0xFFFFFFF0]  }
0x39: {  	(v2sf) =	vpush v8, $0x0;
	v8 =	vmpcnt.ones.xlane vm5  }
0x3a: {  	vm0 =	vge.f32 v10, $2.000000000e+00;
	v10 =	vld [tilespmem:s2+$0x0]  }
0x3b: {  	s9 =	spop (v2sf);
	(v2sf) =	vpush v8, $0x0  }
0x3c: {  	v8 =	vmpcnt.ones.xlane vm0  }
0x3d: {  	vm3 =	vge.f32 v9, $2.000000000e+00  }
0x3e: {  	s12 =	spop (v2sf);
	(v2sf) =	vpush v8, $0x0;
	v8 =	vmpcnt.ones.xlane vm3  }
0x3f: {  	vm8 =	vge.f32 v10, $2.000000000e+00;
	s1 =	sadd.s32 $0x0, s9  }
0x40: {  	p0 =	slt.s32 s1, $0x1000;
	s13 =	spop (v2sf);
	(v2sf) =	vpush v8, $0x0;
	v8 =	vmpcnt.ones.xlane vm8  }
0x41: {  	s1 =	simm.s32 @!p0 $0x1000  }
0x42: {  	s3 =	sadd.s32 s1, s12;
	(v2sf) =	vpush v8, $0x0;
	v8 =	vld [tilespmem:s2+$0x10]  }
0x43: {  	p0 =	slt.s32 s3, $0x1000  }
0x44: {  	s3 =	simm.s32 @!p0 $0x1000  }
0x45: {  	v9 =	vld [tilespmem:s2+$0x20];
	s4 =	sadd.s32 s3, s13  }
0x46: {  	p0 =	slt.s32 s4, $0x1000  }
0x47: {  	vm2 =	vmmov vm9;
	s19 =	spop (v2sf);
	s4 =	simm.s32 @!p0 $0x1000;
	vm9 =	vge.f32 v8, $2.000000000e+00  }
0x48: {  	v10 =	vld [tilespmem:s2+$0x30];
	s5 =	sadd.s32 s4, s19;
	v12 =	vmpcnt.ones.xlane vm9  }
0x49: {  	s20 =	spop (v2sf);
	p0 =	slt.s32 s5, $0x1000;
	v8 =	vld [tilespmem:s2+$0x40]  }
0x4a: {  	vm10 =	vge.f32 v9, $2.000000000e+00;
	s5 =	simm.s32 @!p0 $0x1000;
	s8 =	spop (v2sf);
	(v2sf) =	vpush v12, $0x0  }
0x4b: {  	s7 =	simm.s32 $0x0;
	v13 =	vmpcnt.ones.xlane vm10;
	s6 =	sadd.s32 s5, s20  }
0x4c: {  	s21 =	simm.s32 $0x10;
	v11 =	vor.u32 s7, v3;
	v9 =	vld [tilespmem:s2+$0x50];
	p0 =	slt.s32 s6, $0x1000  }
0x4d: {  	[tilespmem:s31+$0x14980] =	vst.msk vm11, v11;
	v11 =	vor.u32 s21, v3;
	vm11 =	vge.f32 v10, $2.000000000e+00;
	s6 =	simm.s32 @!p0 $0x1000;
	s24 =	spop (v2sf);
	(v2sf) =	vpush v13, $0x0  }
0x4e: {  	[tilespmem:s1+$0x14980] =	vst.msk vm12, v11;
	s8 =	sadd.s32 s6, s8;
	vm12 =	vge.f32 v8, $2.000000000e+00;
	v8 =	vmpcnt.ones.xlane vm11  }
0x4f: {  	s22 =	simm.s32 $0x20;
	p0 =	slt.s32 s8, $0x1000  }
0x50: {  	s23 =	simm.s32 $0x30;
	v11 =	vor.u32 s22, v3;
	s8 =	simm.s32 @!p0 $0x1000;
	s29 =	spop (v2sf);
	(v2sf) =	vpush v8, $0x0  }
0x51: {  	s25 =	simm.s32 $0x40;
	v10 =	vor.u32 s23, v3;
	[tilespmem:s3+$0x14980] =	vst.msk vm13, v11;
	v11 =	vld [tilespmem:s2+$0x60];
	vm13 =	vge.f32 v9, $2.000000000e+00;
	v9 =	vmpcnt.ones.xlane vm12;
	s3 =	sadd.s32 s8, s24  }
0x52: {  	s26 =	simm.s32 $0x50;
	[tilespmem:s4+$0x14980] =	vst.msk vm14, v10;
	v10 =	vor.u32 s25, v3;
	p0 =	slt.s32 s3, $0x1000  }
0x53: {  	s28 =	simm.s32 $0x60;
	[tilespmem:s5+$0x14980] =	vst.msk vm15, v10;
	v10 =	vor.u32 s26, v3;
	(v2sf) =	vpush v9, $0x0;
	s3 =	simm.s32 @!p0 $0x1000  }
0x54: {  	s0 =	simm.s32 $0xF0;
	s30 =	simm.s32 $0x70;
	v63 =	vmpcnt.ones.xlane vm13;
	[tilespmem:s6+$0x14980] =	vst.msk vm5, v10;
	v10 =	vor.u32 s28, v3;
	v9 =	vld [tilespmem:s2+$0x70];
	s5 =	sadd.s32 s3, s29  }
0x55: {  	s31 =	simm.s32 $0x80;
	s1 =	simm.s32 $0x0;
	[tilespmem:s8+$0x14980] =	vst.msk vm0, v10;
	v8 =	vor.u32 s30, v3;
	p0 =	slt.s32 s5, $0x1000  }
0x56: {  	vm15 =	vge.f32 v11, $2.000000000e+00;
	s2 =	spop (v2sf);
	(v2sf) =	vpush v63, $0x0;
	[tilespmem:s3+$0x14980] =	vst.msk vm3, v8;
	v8 =	vor.u32 s31, v3;
	s3 =	simm.s32 $0x180;
	s5 =	simm.s32 @!p0 $0x1000  }
.LBB2_3:
0x57: {  	v10 =	vld [tilespmem:s3+$0xFFFFFF80];
	s1 =	sadd.s32 $0x10, s1;
	[tilespmem:s5+$0x14980] =	vst.msk vm8, v8;
	s2 =	sadd.s32 s5, s2;
	v8 =	vmpcnt.ones.xlane vm15  }
0x58: {  	s4 =	sadd.s32 $0xFFFFFFA0, s0;
	p0 =	slt.u32 s1, $0x1180;
	p1 =	slt.s32 s2, $0x1000  }
0x59: {  	v11 =	vor.u32 s4, v3;
	s2 =	simm.s32 @!p1 $0x1000;
	vm14 =	vge.f32 v9, $2.000000000e+00;
	s4 =	spop (v2sf);
	(v2sf) =	vpush v8, $0x0  }
0x5a: {  	v8 =	vld [tilespmem:s3+$0xFFFFFF90];
	[tilespmem:s2+$0x14980] =	vst.msk vm9, v11;
	s2 =	sadd.s32 s2, s4;
	v9 =	vmpcnt.ones.xlane vm14  }
0x5b: {  	s4 =	sadd.s32 $0xFFFFFFB0, s0;
	p1 =	slt.s32 s2, $0x1000  }
0x5c: {  	vm8 =	vge.f32 v10, $2.000000000e+00;
	s2 =	simm.s32 @!p1 $0x1000;
	v10 =	vor.u32 s4, v3;
	s4 =	spop (v2sf);
	(v2sf) =	vpush v9, $0x0  }
0x5d: {  	v9 =	vmpcnt.ones.xlane vm8;
	v11 =	vld [tilespmem:s3+$0xFFFFFFA0];
	[tilespmem:s2+$0x14980] =	vst.msk vm10, v10;
	s2 =	sadd.s32 s2, s4  }
0x5e: {  	s4 =	sadd.s32 $0xFFFFFFC0, s0;
	p1 =	slt.s32 s2, $0x1000  }
0x5f: {  	vm9 =	vge.f32 v8, $2.000000000e+00;
	(v2sf) =	vpush v9, $0x0;
	s2 =	simm.s32 @!p1 $0x1000;
	v8 =	vor.u32 s4, v3;
	s4 =	spop (v2sf)  }
0x60: {  	v9 =	vmpcnt.ones.xlane vm9;
	v10 =	vld [tilespmem:s3+$0xFFFFFFB0];
	[tilespmem:s2+$0x14980] =	vst.msk vm11, v8;
	s2 =	sadd.s32 s2, s4  }
0x61: {  	s4 =	sadd.s32 $0xFFFFFFD0, s0;
	p1 =	slt.s32 s2, $0x1000  }
0x62: {  	v8 =	vor.u32 s4, v3;
	vm10 =	vge.f32 v11, $2.000000000e+00;
	(v2sf) =	vpush v9, $0x0;
	s2 =	simm.s32 @!p1 $0x1000;
	s4 =	spop (v2sf)  }
0x63: {  	v9 =	vmpcnt.ones.xlane vm10;
	v11 =	vld [tilespmem:s3+$0xFFFFFFC0];
	[tilespmem:s2+$0x14980] =	vst.msk vm12, v8;
	s2 =	sadd.s32 s2, s4  }
0x64: {  	s4 =	sadd.s32 $0xFFFFFFE0, s0;
	p1 =	slt.s32 s2, $0x1000  }
0x65: {  	v8 =	vor.u32 s4, v3;
	vm11 =	vge.f32 v10, $2.000000000e+00;
	(v2sf) =	vpush v9, $0x0;
	s2 =	simm.s32 @!p1 $0x1000;
	s4 =	spop (v2sf)  }
0x66: {  	v9 =	vmpcnt.ones.xlane vm11;
	v10 =	vld [tilespmem:s3+$0xFFFFFFD0];
	[tilespmem:s2+$0x14980] =	vst.msk vm13, v8;
	s2 =	sadd.s32 s2, s4  }
0x67: {  	s4 =	sadd.s32 $0xFFFFFFF0, s0;
	p1 =	slt.s32 s2, $0x1000  }
0x68: {  	v8 =	vor.u32 s4, v3;
	vm13 =	vge.f32 v11, $2.000000000e+00;
	(v2sf) =	vpush v9, $0x0;
	s2 =	simm.s32 @!p1 $0x1000;
	s4 =	spop (v2sf)  }
0x69: {  	v9 =	vmpcnt.ones.xlane vm13;
	v11 =	vld [tilespmem:s3+$0xFFFFFFE0];
	[tilespmem:s2+$0x14980] =	vst.msk vm15, v8;
	s2 =	sadd.s32 s2, s4  }
0x6a: {  	p1 =	slt.s32 s2, $0x1000  }
0x6b: {  	v8 =	vor.u32 s0, v3;
	vm12 =	vge.f32 v10, $2.000000000e+00;
	(v2sf) =	vpush v9, $0x0;
	s2 =	simm.s32 @!p1 $0x1000;
	s4 =	spop (v2sf)  }
0x6c: {  	s0 =	sadd.s32 $0x100, s0;
	v9 =	vmpcnt.ones.xlane vm12;
	v10 =	vld [tilespmem:s3+$0xFFFFFFF0];
	[tilespmem:s2+$0x14980] =	vst.msk vm14, v8;
	s2 =	sadd.s32 s2, s4  }
0x6d: {  	s4 =	sadd.s32 $0xFFFFFF10, s0;
	p1 =	slt.s32 s2, $0x1000  }
0x6e: {  	v8 =	vor.u32 s4, v3;
	s4 =	simm.s32 $0x11900;
	vm15 =	vge.f32 v11, $2.000000000e+00;
	s5 =	spop (v2sf);
	(v2sf) =	vpush v9, $0x0;
	s2 =	simm.s32 @!p1 $0x1000  }
0x6f: {  	[tilespmem:s2+$0x14980] =	vst.msk vm8, v8;
	s2 =	sadd.s32 s2, s5;
	v8 =	vmpcnt.ones.xlane vm15;
	v9 =	vld [tilespmem:s3+$0x0]  }
0x70: {  	s5 =	sadd.s32 $0xFFFFFF20, s0;
	p1 =	slt.s32 s2, $0x1000  }
0x71: {  	v11 =	vor.u32 s5, v3;
	s2 =	simm.s32 @!p1 $0x1000;
	vm14 =	vge.f32 v10, $2.000000000e+00;
	s5 =	spop (v2sf);
	(v2sf) =	vpush v8, $0x0  }
0x72: {  	[tilespmem:s2+$0x14980] =	vst.msk vm9, v11;
	s2 =	sadd.s32 s2, s5;
	v8 =	vmpcnt.ones.xlane vm14;
	v10 =	vld [tilespmem:s3+$0x10]  }
0x73: {  	s5 =	sadd.s32 $0xFFFFFF30, s0;
	p1 =	slt.s32 s2, $0x1000  }
0x74: {  	v11 =	vor.u32 s5, v3;
	s2 =	simm.s32 @!p1 $0x1000;
	vm8 =	vge.f32 v9, $2.000000000e+00;
	s5 =	spop (v2sf);
	(v2sf) =	vpush v8, $0x0  }
0x75: {  	[tilespmem:s2+$0x14980] =	vst.msk vm10, v11;
	s2 =	sadd.s32 s2, s5;
	v8 =	vmpcnt.ones.xlane vm8;
	v9 =	vld [tilespmem:s3+$0x20]  }
0x76: {  	s5 =	sadd.s32 $0xFFFFFF40, s0;
	p1 =	slt.s32 s2, $0x1000  }
0x77: {  	v11 =	vor.u32 s5, v3;
	s2 =	simm.s32 @!p1 $0x1000;
	vm9 =	vge.f32 v10, $2.000000000e+00;
	s5 =	spop (v2sf);
	(v2sf) =	vpush v8, $0x0  }
0x78: {  	[tilespmem:s2+$0x14980] =	vst.msk vm11, v11;
	s2 =	sadd.s32 s2, s5;
	v8 =	vmpcnt.ones.xlane vm9;
	v10 =	vld [tilespmem:s3+$0x30]  }
0x79: {  	s5 =	sadd.s32 $0xFFFFFF50, s0;
	p1 =	slt.s32 s2, $0x1000  }
0x7a: {  	v11 =	vor.u32 s5, v3;
	s2 =	simm.s32 @!p1 $0x1000;
	vm10 =	vge.f32 v9, $2.000000000e+00;
	s5 =	spop (v2sf);
	(v2sf) =	vpush v8, $0x0  }
0x7b: {  	[tilespmem:s2+$0x14980] =	vst.msk vm13, v11;
	s2 =	sadd.s32 s2, s5;
	v8 =	vmpcnt.ones.xlane vm10;
	v9 =	vld [tilespmem:s3+$0x40]  }
0x7c: {  	s5 =	sadd.s32 $0xFFFFFF60, s0;
	p1 =	slt.s32 s2, $0x1000  }
0x7d: {  	v11 =	vor.u32 s5, v3;
	s2 =	simm.s32 @!p1 $0x1000;
	vm11 =	vge.f32 v10, $2.000000000e+00;
	s5 =	spop (v2sf);
	(v2sf) =	vpush v8, $0x0  }
0x7e: {  	[tilespmem:s2+$0x14980] =	vst.msk vm12, v11;
	s2 =	sadd.s32 s2, s5;
	v8 =	vmpcnt.ones.xlane vm11;
	v10 =	vld [tilespmem:s3+$0x50]  }
0x7f: {  	s5 =	sadd.s32 $0xFFFFFF70, s0;
	p1 =	slt.s32 s2, $0x1000  }
0x80: {  	v11 =	vor.u32 s5, v3;
	s2 =	simm.s32 @!p1 $0x1000;
	vm12 =	vge.f32 v9, $2.000000000e+00;
	s5 =	spop (v2sf);
	(v2sf) =	vpush v8, $0x0  }
0x81: {  	[tilespmem:s2+$0x14980] =	vst.msk vm15, v11;
	s2 =	sadd.s32 s2, s5;
	v8 =	vmpcnt.ones.xlane vm12;
	v11 =	vld [tilespmem:s3+$0x60]  }
.Ltmp2:
0x82: {  	s5 =	sadd.s32 $0xFFFFFF80, s0;
	p1 =	slt.s32 s2, $0x1000;
	(pc) =	sbr.rel @p0 .LBB2_3-.Ltmp2, $4  }
0x83: {  	v9 =	vor.u32 s5, v3;
	s2 =	simm.s32 @!p1 $0x1000;
	vm13 =	vge.f32 v10, $2.000000000e+00;
	s5 =	spop (v2sf);
	(v2sf) =	vpush v8, $0x0  }
0x84: {  	[tilespmem:s2+$0x14980] =	vst.msk vm14, v9;
	s5 =	sadd.s32 s2, s5;
	v10 =	vmpcnt.ones.xlane vm13;
	v9 =	vld [tilespmem:s3+$0x70]  }
0x85: {  	s2 =	sadd.s32 $0xFFFFFF90, s0;
	p1 =	slt.s32 s5, $0x1000  }
0x86: {  	s3 =	sadd.s32 $0x100, s3;
	v8 =	vor.u32 s2, v3;
	s5 =	simm.s32 @!p1 $0x1000;
	vm15 =	vge.f32 v11, $2.000000000e+00;
	s2 =	spop (v2sf);
	(v2sf) =	vpush v10, $0x0  }
0x87: {  	s1 =	sadd.s32 s5, s2;
	v10 =	vmpcnt.ones.xlane vm15  }
0x88: {  	p0 =	slt.s32 s1, $0x1000  }
0x89: {  	s1 =	simm.s32 @!p0 $0x1000;
	vm14 =	vge.f32 v9, $2.000000000e+00;
	s23 =	spop (v2sf);
	(v2sf) =	vpush v10, $0x0  }
0x8a: {  	s2 =	sadd.s32 s1, s23;
	v9 =	vmpcnt.ones.xlane vm14  }
0x8b: {  	p0 =	slt.s32 s2, $0x1000  }
0x8c: {  	s3 =	spop (v2sf);
	(v2sf) =	vpush v9, $0x0;
	s2 =	simm.s32 @!p0 $0x1000  }
0x8d: {  	s3 =	sadd.s32 s2, s3  }
0x8e: {  	p0 =	slt.s32 s3, $0x1000  }
0x8f: {  	s3 =	simm.s32 @!p0 $0x1000;
	s6 =	spop (v2sf)  }
0x90: {  	s6 =	sadd.s32 s3, s6  }
0x91: {  	p0 =	slt.s32 s6, $0x1000  }
0x92: {  	s6 =	simm.s32 @!p0 $0x1000;
	s7 =	spop (v2sf)  }
0x93: {  	s7 =	sadd.s32 s6, s7  }
0x94: {  	p0 =	slt.s32 s7, $0x1000  }
0x95: {  	s7 =	simm.s32 @!p0 $0x1000;
	s8 =	spop (v2sf)  }
0x96: {  	s9 =	sadd.s32 $0xFFFFFFA0, s0;
	s8 =	sadd.s32 s7, s8  }
0x97: {  	[tilespmem:s5+$0x14980] =	vst.msk vm8, v8;
	s24 =	sadd.s32 $0xFFFFFFB0, s0;
	v8 =	vor.u32 s9, v3;
	p0 =	slt.s32 s8, $0x1000  }
0x98: {  	s25 =	sadd.s32 $0xFFFFFFC0, s0;
	[tilespmem:s1+$0x14980] =	vst.msk vm9, v8;
	v8 =	vor.u32 s24, v3;
	s8 =	simm.s32 @!p0 $0x1000;
	s26 =	spop (v2sf)  }
0x99: {  	s28 =	sadd.s32 $0xFFFFFFD0, s0;
	[tilespmem:s2+$0x14980] =	vst.msk vm10, v8;
	v8 =	vor.u32 s25, v3;
	s2 =	sadd.s32 s8, s26  }
0x9a: {  	s29 =	sadd.s32 $0xFFFFFFE0, s0;
	[tilespmem:s3+$0x14980] =	vst.msk vm11, v8;
	v8 =	vor.u32 s28, v3;
	p0 =	slt.s32 s2, $0x1000  }
0x9b: {  	s30 =	sadd.s32 $0xFFFFFFF0, s0;
	[tilespmem:s6+$0x14980] =	vst.msk vm12, v8;
	v8 =	vor.u32 s29, v3;
	s2 =	simm.s32 @!p0 $0x1000;
	s31 =	spop (v2sf)  }
0x9c: {  	[tilespmem:s7+$0x14980] =	vst.msk vm13, v8;
	v8 =	vor.u32 s30, v3;
	s1 =	sadd.s32 s2, s31  }
0x9d: {  	[tilespmem:s8+$0x14980] =	vst.msk vm15, v8;
	v8 =	vor.u32 s0, v3;
	p0 =	slt.s32 s1, $0x1000  }
0x9e: {  	s0 =	simm.s32 $0x11900;
	[tilespmem:s2+$0x14980] =	vst.msk vm14, v8;
	s1 =	simm.s32 @!p0 $0x1000  }
.LBB2_5:
0x9f: {  	v8 =	vld [tilespmem:s4+$0x0];
	_ =	sdelay $0x4  }
0xa0: {  	vm8 =	vge.f32 v8, $2.000000000e+00  }
0xa1: {  	v8 =	vmpcnt.ones.xlane vm8;
	_ =	sdelay $0x1  }
0xa2: {  	(v2sf) =	vpush v8, $0x0;
	_ =	sdelay $0xc  }
0xa3: {  	p1 =	sne.s32 s0, $0x11930  }
.Ltmp3:
0xa4: {  	_ = 	snop;
	(pc) =	sbr.rel @p1 .LBB2_5-.Ltmp3, $4  }
0xa5: {  	v8 =	vor.u32 s0, v3;
	s2 =	spop (v2sf)  }
0xa6: {  	[tilespmem:s1+$0x14980] =	vst.msk vm8, v8;
	s1 =	sadd.s32 s1, s2  }
0xa7: {  	p0 =	slt.s32 s1, $0x1000  }
0xa8: {  	s4 =	sadd.s32 $0x10, s4;
	s0 =	sadd.s32 $0x10, s0;
	s1 =	simm.s32 @!p0 $0x1000  }
0xa9: {  	s0 =	sadd.s32 $0xFFFFFED4, s1  }
0xaa: {  	p0 =	slt.u32 s0, $0xED4  }
.Ltmp4:
0xab: {  	_ = 	snop;
	(pc) =	sbr.rel @p0 .LBB2_16-.Ltmp4, $3  }
0xac: {  	_ =	sdelay $0x1  }
0xad: {  	vm14 =	vcmask $0x704;
	vm12 =	vcmask $0xF0C  }
0xae: {  	vm7 =	vcmask $0x1714;
	vm10 =	vcmask $0x1F1C;
	vm0 =	vcmask $0x2724;
	s0 =	simm.s32 $0x0  }
0xaf: {  	s1 =	simm.s32 $0x40;
	s2 =	simm.s32 $0x0  }
.LBB2_8:
0xb0: {  	p0 =	sne.s32 s1, $0x3FC0;
	[tilespmem:s2+$0x12800] =	vst v0;
	s2 =	smov.u32 s1;
	s1 =	sadd.s32 $0x40, s1  }
.Ltmp5:
0xb1: {  	(pc) =	sbr.rel @p0 .LBB2_8-.Ltmp5, $2  }
0xb2: {  	_ =	sdelay $0x2  }
0xb3: {  	s2 =	sshra.s32 s2, $0x2  }
0xb4: {  	[tilespmem:s2+$0x12800] =	vst v0  }
.LBB2_10:
0xb5: {  	s1 =	sshra.s32 s0, $0x2  }
0xb6: {  	v8 =	vld [tilespmem:s1+$0x0];
	_ =	sdelay $0x4  }
0xb7: {  	v9 =	vshra.s32 v8, $0x1F  }
0xb8: {  	v9 =	vor.u32 $0x80000000, v9  }
0xb9: {  	v8 =	vxor.u32 v8, v9  }
0xba: {  	v8 =	vshrl.u32 v8, $0x14  }
0xbb: {  	v8 =	vand.u32 $0xFF0, v8  }
0xbc: {  	p0 =	seq.s32 s0, $0x464C0;
	v8 =	vor.u32 v3, v8  }
.Ltmp6:
0xbd: {  	_ = 	snop;
	(pc) =	sbr.rel @!p0 .LBB2_10-.Ltmp6, $2  }
0xbe: {  	_ =	sdelay $0x2  }
0xbf: {  	s0 =	sadd.s32 $0x40, s0;
	[tilespmem:v8+s11+$0x0] =	vst.idx.add.s32.msk $0xffff, v4  }
0xc0: {  	s0 =	simm.s32 $0x100;
	s1 =	simm.s32 $0x0;
	s2 =	simm.s32 $0x137F0  }
.LBB2_12:
0xc1: {  	v8 =	vld [tilespmem:s2+$0x0];
	_ =	sdelay $0x4  }
0xc2: {  	(xrf0) =	vadd.scan.msk.s32 $0xffff, v8;
	_ =	sdelay $0x5  }
0xc3: {  	v8, _, _ =	vpop (xrf0)  }
0xc4: {  	(v2sf) =	vpush v8, $0xF;
	_ =	sdelay $0xe  }
0xc5: {  	s3 =	spop (v2sf)  }
0xc6: {  	s1 =	sadd.s32 s1, s3  }
0xc7: {  	p0 =	slt.s32 s1, $0x12C  }
.Ltmp7:
0xc8: {  	_ = 	snop;
	(pc) =	sbr.rel @p0 .LBB2_12-.Ltmp7, $2  }
0xc9: {  	_ =	sdelay $0x2  }
0xca: {  	s0 =	sadd.s32 $0xFFFFFFFF, s0;
	s2 =	sadd.s32 $0xFFFFFFF0, s2  }
0xcb: {  	v8 =	vmov s0;
	s0 =	simm.s32 $0x0  }
0xcc: {  	v9 =	vld [tilespmem:s0+$0x0];
	_ =	sdelay $0x4  }
0xcd: {  	v10 =	vshra.s32 v9, $0x1F  }
0xce: {  	v10 =	vor.u32 $0x80000000, v10  }
0xcf: {  	v9 =	vxor.u32 v9, v10  }
0xd0: {  	v9 =	vshrl.u32 v9, $0x18  }
0xd1: {  	vm8 =	vge.s32 v9, v8  }
0xd2: {  	v9 =	vmpcnt.ones.xlane vm8;
	_ =	sdelay $0x1  }
0xd3: {  	(v2sf) =	vpush v9, $0x0;
	_ =	sdelay $0x1  }
0xd4: {  	v10 =	vor.u32 s0, v3  }
0xd5: {  	s2 =	simm.s32 $0x10;
	[tilespmem:s0+$0x14980] =	vst.msk vm8, v10  }
0xd6: {  	s1 =	simm.s32 $0x20;
	s3 =	simm.s32 $0x10;
	v9 =	vld [tilespmem:s2+$0x0]  }
.LBB2_14:
0xd7: {  	p0 =	sne.s32 s1, $0x11930;
	_ =	sdelay $0x3  }
0xd8: {  	v10 =	vshra.s32 v9, $0x1F  }
0xd9: {  	v10 =	vor.u32 $0x80000000, v10  }
0xda: {  	v9 =	vxor.u32 v9, v10  }
0xdb: {  	v9 =	vshrl.u32 v9, $0x18  }
0xdc: {  	vm8 =	vge.s32 v9, v8  }
0xdd: {  	v9 =	vmpcnt.ones.xlane vm8  }
0xde: {  	s4 =	spop (v2sf)  }
.Ltmp8:
0xdf: {  	(v2sf) =	vpush v9, $0x0;
	s0 =	sadd.s32 s0, s4;
	(pc) =	sbr.rel @p0 .LBB2_14-.Ltmp8, $4  }
0xe0: {  	p1 =	slt.s32 s0, $0x1000  }
0xe1: {  	v9 =	vor.u32 s2, v3;
	s2 =	smov.u32 s1;
	s0 =	simm.s32 @!p1 $0x1000  }
0xe2: {  	s3 =	sadd.s32 $0x10, s3;
	[tilespmem:s0+$0x14980] =	vst.msk vm8, v9  }
0xe3: {  	s1 =	sadd.s32 $0x10, s1;
	v9 =	vld [tilespmem:s3+$0x0]  }
0xe4: {  	_ =	sdelay $0x3  }
0xe5: {  	v10 =	vshra.s32 v9, $0x1F  }
0xe6: {  	v10 =	vor.u32 $0x80000000, v10  }
0xe7: {  	v63 =	vxor.u32 v9, v10  }
0xe8: {  	v9 =	vshrl.u32 v63, $0x18  }
0xe9: {  	vm8 =	vge.s32 v9, v8  }
0xea: {  	v8 =	vmpcnt.ones.xlane vm8;
	_ =	sdelay $0x1  }
0xeb: {  	(v2sf) =	vpush v8, $0x0;
	_ =	sdelay $0xb  }
0xec: {  	s1 =	spop (v2sf)  }
0xed: {  	s0 =	sadd.s32 s0, s1  }
0xee: {  	p0 =	slt.s32 s0, $0x1000  }
0xef: {  	s0 =	simm.s32 @!p0 $0x1000;
	s31 =	spop (v2sf)  }
0xf0: {  	s1 =	sadd.s32 s0, s31  }
0xf1: {  	v8 =	vor.u32 s2, v3;
	p0 =	slt.s32 s1, $0x1000  }
0xf2: {  	[tilespmem:s0+$0x14980] =	vst.msk vm8, v8;
	s1 =	simm.s32 @!p0 $0x1000  }
.LBB2_16:
0xf3: {  	s0 =	simm.s32 $0x12840  }
0xf4: {  	[tilespmem:s0+$0xFFFFFFC0] =	vst v0  }
0xf5: {  	[tilespmem:s0+$0x30] =	vst v0  }
0xf6: {  	[tilespmem:s0+$0x20] =	vst v0  }
0xf7: {  	[tilespmem:s0+$0x10] =	vst v0  }
0xf8: {  	[tilespmem:s0+$0x0] =	vst v0  }
0xf9: {  	[tilespmem:s0+$0xFFFFFFF0] =	vst v0  }
0xfa: {  	s2 =	simm.s32 $0x0;
	[tilespmem:s0+$0xFFFFFFE0] =	vst v0  }
.LBB2_17:
0xfb: {  	s2 =	sadd.s32 $0x8, s2;
	[tilespmem:s0+$0xFFFFFFD0] =	vst v0;
	s0 =	sadd.s32 $0x80, s0  }
0xfc: {  	[tilespmem:s0+$0xFFFFFFC0] =	vst v0;
	p0 =	slt.u32 s2, $0xF8  }
0xfd: {  	[tilespmem:s0+$0x30] =	vst v0  }
.Ltmp9:
0xfe: {  	[tilespmem:s0+$0x20] =	vst v0;
	(pc) =	sbr.rel @p0 .LBB2_17-.Ltmp9, $4  }
0xff: {  	[tilespmem:s0+$0x10] =	vst v0  }
0x100: {  	[tilespmem:s0+$0x0] =	vst v0  }
0x101: {  	[tilespmem:s0+$0xFFFFFFF0] =	vst v0  }
0x102: {  	[tilespmem:s0+$0xFFFFFFE0] =	vst v0  }
0x103: {  	[tilespmem:s0+$0xFFFFFFD0] =	vst v0  }
0x104: {  	[tilespmem:$0x13800] =	vst v0  }
0x105: {  	[tilespmem:$0x13810] =	vst v0  }
0x106: {  	s29 =	sadd.s32 $0xF, s1;
	[tilespmem:$0x13820] =	vst v0  }
0x107: {  	[tilespmem:$0x13830] =	vst v0;
	s2 =	sshra.s32 s29, $0x1F  }
0x108: {  	[tilespmem:$0x13840] =	vst v0;
	s2 =	sshrl.u32 s2, $0x1C  }
0x109: {  	[tilespmem:$0x13850] =	vst v0;
	s0 =	sadd.s32 s2, s29  }
0x10a: {  	[tilespmem:$0x13860] =	vst v0;
	s0 =	sshra.s32 s0, $0x4  }
0x10b: {  	[tilespmem:$0x13870] =	vst v0;
	s30 =	sshrl.u32 s0, $0x1E  }
0x10c: {  	[tilespmem:$0x13880] =	vst v0;
	s2 =	sadd.s32 s30, s0  }
0x10d: {  	[tilespmem:$0x13890] =	vst v0;
	s31 =	sand.u32 $0xFFFFFFFC, s2  }
0x10e: {  	[tilespmem:$0x138A0] =	vst v0;
	p0 =	slt.s32 s31, $0x1  }
.Ltmp10:
0x10f: {  	[tilespmem:$0x138B0] =	vst v0;
	(pc) =	sbr.rel @p0 .LBB2_21-.Ltmp10, $4  }
0x110: {  	[tilespmem:$0x138C0] =	vst v0  }
0x111: {  	[tilespmem:$0x138D0] =	vst v0  }
0x112: {  	[tilespmem:$0x138E0] =	vst v0  }
0x113: {  	v8 =	vmov s1;
	[tilespmem:$0x138F0] =	vst v0  }
0x114: {  	s3 =	simm.s32 $0x149A0  }
0x115: {  	v9 =	vld [tilespmem:s3+$0x10];
	_ =	sdelay $0x3  }
0x116: {  	s4 =	simm.s32 $0x30;
	v10 =	vld [tilespmem:s3+$0xFFFFFFE0]  }
0x117: {  	v11 =	vld [tilespmem:s3+$0xFFFFFFF0];
	v12 =	vor.u32 s4, v3;
	vm8 =	vgt.s32 v9, $0x0  }
0x118: {  	v13 =	vld [tilespmem:s3+$0x0];
	vm13 =	vlt.s32 v12, v8;
	v9 =	vnsel vm8, $0x0, v9  }
0x119: {  	s29 =	simm.s32 $0x10;
	s30 =	simm.s32 $0x20;
	v9 =	vmin.u32 v9, $0x1193F  }
0x11a: {  	s2 =	simm.s32 $0x0;
	v14 =	vor.u32 s29, v3;
	v15 =	vor.u32 s30, v3  }
0x11b: {  	v12 =	vor.u32 s2, v3;
	vm10 =	vlt.s32 v14, v8;
	vm8 =	vgt.s32 v10, $0x0  }
0x11c: {  	vm9 =	vlt.s32 v12, v8;
	v10 =	vnsel vm8, $0x0, v10;
	vm8 =	vgt.s32 v11, $0x0  }
0x11d: {  	v11 =	vnsel vm8, $0x0, v11;
	vm8 =	vgt.s32 v13, $0x0;
	v10 =	vmin.u32 v10, $0x1193F  }
0x11e: {  	v11 =	vmin.u32 v11, $0x1193F;
	v12 =	vnsel vm8, $0x0, v13;
	vm8 =	vlt.s32 v15, v8;
	v9 =	vld.idx.msk [tilespmem:v9+s10+$0x0], vm13  }
0x11f: {  	v14 =	vmin.u32 v12, $0x1193F;
	_ =	sdelay $0x2  }
0x120: {  	v13 =	vld.idx.msk [tilespmem:v10+s10+$0x0], vm9  }
0x121: {  	v12 =	vld.idx.msk [tilespmem:v11+s10+$0x0], vm10;
	v10 =	vshra.s32 v9, $0x1F  }
0x122: {  	p2 =	sgt.s32 s31, $0x4;
	v14 =	vld.idx.msk [tilespmem:v14+s10+$0x0], vm8;
	v10 =	vor.u32 $0x80000000, v10  }
.Ltmp11:
0x123: {  	v9 =	vxor.u32 v9, v10;
	(pc) =	sbr.rel @!p2 .LBB2_20-.Ltmp11, $4  }
0x124: {  	vm15 =	vmmov vm8;
	v16 =	vshrl.u32 v9, $0x18  }
0x125: {  	vm8 =	vmmov vm9;
	v18 =	vshra.s32 v13, $0x1F;
	v10 =	vshll.u32 v16, $0x4  }
0x126: {  	v15 =	vshra.s32 v12, $0x1F;
	v11 =	vshrl.u32 v9, $0x14;
	v10 =	vor.u32 v3, v10  }
0x127: {  	s1 =	simm.s32 $0x13920;
	p1 =	por $0x0, $0x0;
	s2 =	simm.s32 $0x149E0;
	v17 =	vshra.s32 v14, $0x1F;
	v20 =	vand.u32 $0xF80, v11;
	v19 =	vand.u32 $0x7F, v10  }
0x128: {  	v10 =	vld [tilespmem:s2+$0x10];
	v11 =	vor.u32 $0x80000000, v18;
	v18 =	vor.u32 v20, v19;
	v16 =	vand.u32 $0xF0, v16  }
0x129: {  	vm0 =	vmmov vm10;
	v15 =	vor.u32 $0x80000000, v15;
	v17 =	vor.u32 $0x80000000, v17  }
0x12a: {  	v19 =	vld [tilespmem:s2+$0xFFFFFFE0];
	s3 =	simm.s32 $0x40;
	s29 =	simm.s32 $0x70;
	v16 =	vor.u32 v3, v16;
	v11 =	vxor.u32 v13, v11;
	v15 =	vxor.u32 v12, v15  }
0x12b: {  	v20 =	vld [tilespmem:s2+$0xFFFFFFF0];
	s4 =	simm.s32 $0x50;
	s30 =	simm.s32 $0x60;
	v17 =	vxor.u32 v14, v17;
	v22 =	vor.u32 s3, v3;
	v25 =	vor.u32 s29, v3  }
0x12c: {  	v60 =	vor.u32 s4, v3;
	v61 =	vor.u32 s30, v3;
	v12 =	vshrl.u32 v11, $0x18  }
0x12d: {  	v13 =	vshrl.u32 v15, $0x18;
	v21 =	vshrl.u32 v17, $0x18;
	vm10 =	vgt.s32 v10, $0x0  }
0x12e: {  	v14 =	vld [tilespmem:s2+$0x0];
	vm9 =	vlt.s32 v25, v8;
	vm12 =	vlt.s32 v61, v8;
	v10 =	vnsel vm10, $0x0, v10  }
0x12f: {  	vm14 =	vlt.s32 v22, v8;
	v23 =	vshll.u32 v12, $0x4;
	v10 =	vmin.u32 v10, $0x1193F  }
0x130: {  	v24 =	vshll.u32 v13, $0x4;
	vm11 =	vgt.s32 v20, $0x0;
	vm10 =	vgt.s32 v19, $0x0  }
0x131: {  	v20 =	vnsel vm11, $0x0, v20;
	v19 =	vnsel vm10, $0x0, v19;
	vm10 =	vlt.s32 v60, v8  }
0x132: {  	v12 =	vand.u32 $0xF0, v12;
	v63 =	vand.u32 $0xF0, v13;
	v20 =	vmin.u32 v20, $0x1193F  }
0x133: {  	v22 =	vor.u32 v3, v23;
	vm11 =	vgt.s32 v14, $0x0;
	v19 =	vmin.u32 v19, $0x1193F  }
0x134: {  	[tilespmem:s1+$0x10] =	vst v9;
	v23 =	vshll.u32 v21, $0x4;
	v24 =	vor.u32 v3, v24;
	v14 =	vnsel vm11, $0x0, v14;
	v62 =	vld.idx.msk [tilespmem:v10+s10+$0x0], vm9  }
0x135: {  	v9 =	vor.u32 v3, v23;
	[tilespmem:v18+s11+$0x0] =	vst.idx.add.s32.msk vm13, v4;
	v14 =	vmin.u32 v14, $0x1193F;
	v10 =	vshrl.u32 v11, $0x14  }
0x136: {  	v22 =	vand.u32 $0x7F, v22;
	v23 =	vor.u32 v3, v12;
	[tilespmem:v16+s14+$0x0] =	vst.idx.add.s32.msk vm13, v4;
	v10 =	vand.u32 $0xF80, v10  }
0x137: {  	v16 =	vshrl.u32 v17, $0x14;
	v12 =	vld.idx.msk [tilespmem:v20+s10+$0x0], vm10;
	v18 =	vor.u32 v10, v22;
	v10 =	vshrl.u32 v15, $0x14  }
0x138: {  	v9 =	vand.u32 $0x7F, v9;
	v13 =	vld.idx.msk [tilespmem:v19+s10+$0x0], vm14;
	v22 =	vand.u32 $0x7F, v24;
	v10 =	vand.u32 $0xF80, v10  }
0x139: {  	[tilespmem:s1+$0xFFFFFFE0] =	vst v11;
	v11 =	vand.u32 $0xF80, v16;
	v19 =	vor.u32 v10, v22;
	v10 =	vshra.s32 v62, $0x1F  }
0x13a: {  	p2 =	sgt.s32 s31, $0x8;
	[tilespmem:s1+$0xFFFFFFF0] =	vst v15;
	v14 =	vld.idx.msk [tilespmem:v14+s10+$0x0], vm12;
	v15 =	vand.u32 $0xF0, v21;
	v21 =	vor.u32 v3, v63;
	v16 =	vor.u32 $0x80000000, v10  }
.Ltmp12:
0x13b: {  	[tilespmem:s1+$0x0] =	vst v17;
	vm11 =	vmmov vm15;
	v10 =	vor.u32 v11, v9;
	v9 =	vxor.u32 v62, v16;
	(pc) =	sbr.rel @!p2 .LBB2_48-.Ltmp12, $4  }
0x13c: {  	vm15 =	vmmov vm12;
	v11 =	vor.u32 v3, v15;
	[tilespmem:v18+s11+$0x0] =	vst.idx.add.s32.msk vm8, v4;
	v16 =	vshrl.u32 v9, $0x18  }
0x13d: {  	v15 =	vshra.s32 v12, $0x1F;
	v18 =	vshra.s32 v13, $0x1F;
	[tilespmem:v23+s14+$0x0] =	vst.idx.add.s32.msk vm8, v4;
	v17 =	vshll.u32 v16, $0x4  }
0x13e: {  	s5 =	simm.s32 $0x14A20;
	vm8 =	vmmov vm14;
	v22 =	vshrl.u32 v9, $0x14;
	[tilespmem:v19+s11+$0x0] =	vst.idx.add.s32.msk vm0, v4;
	v20 =	vor.u32 v3, v17  }
0x13f: {  	p1 =	por $0x1, $0x1;
	s4 =	simm.s32 $0x8;
	s2 =	simm.s32 $0x13920;
	v17 =	vshra.s32 v14, $0x1F;
	[tilespmem:v21+s14+$0x0] =	vst.idx.add.s32.msk vm0, v4;
	v19 =	vand.u32 $0x7F, v20;
	v20 =	vand.u32 $0xF80, v22  }
.LBB2_49:
0x140: {  	v18 =	vor.u32 $0x80000000, v18  }
0x141: {  	v21 =	vld [tilespmem:s5+$0x10];
	v19 =	vor.u32 v20, v19;
	v16 =	vand.u32 $0xF0, v16;
	vm12 =	vmmov vm10  }
0x142: {  	s4 =	sadd.s32 $0x4, s4;
	v15 =	vor.u32 $0x80000000, v15;
	v17 =	vor.u32 $0x80000000, v17;
	v20 =	vld [tilespmem:s5+$0xFFFFFFE0];
	v16 =	vor.u32 v3, v16  }
0x143: {  	p2 =	slt.s32 s4, s31;
	v13 =	vxor.u32 v13, v18;
	v12 =	vxor.u32 v12, v15;
	v14 =	vxor.u32 v14, v17;
	v22 =	vld [tilespmem:s5+$0xFFFFFFF0]  }
0x144: {  	s3 =	sadd.s32 $0x40, s3;
	s2 =	sadd.s32 $0x40, s2;
	v17 =	vshrl.u32 v13, $0x18;
	v18 =	vshrl.u32 v12, $0x18;
	v23 =	vshrl.u32 v14, $0x18;
	v15 =	vld [tilespmem:s5+$0x0]  }
0x145: {  	v24 =	vor.u32 s3, v3;
	s6 =	sadd.s32 $0x10, s3;
	s7 =	sadd.s32 $0x20, s3;
	s8 =	sadd.s32 $0x30, s3;
	v25 =	vshll.u32 v17, $0x4;
	v26 =	vshll.u32 v18, $0x4;
	[tilespmem:s2+$0x10] =	vst v9  }
0x146: {  	v27 =	vor.u32 s8, v3;
	v9 =	vor.u32 s6, v3;
	vm10 =	vgt.s32 v21, $0x0;
	[tilespmem:v19+s11+$0x0] =	vst.idx.add.s32.msk vm9, v4  }
0x147: {  	vm13 =	vgt.s32 v20, $0x0;
	v19 =	vnsel vm10, $0x0, v21;
	[tilespmem:v16+s14+$0x0] =	vst.idx.add.s32.msk vm9, v4;
	vm9 =	vlt.s32 v27, v8  }
0x148: {  	v16 =	vnsel vm13, $0x0, v20;
	vm10 =	vgt.s32 v22, $0x0;
	v19 =	vmin.u32 v19, $0x1193F;
	[tilespmem:s2+$0xFFFFFFE0] =	vst v13  }
0x149: {  	v21 =	vor.u32 s7, v3;
	v20 =	vnsel vm10, $0x0, v22;
	vm10 =	vgt.s32 v15, $0x0;
	[tilespmem:s2+$0xFFFFFFF0] =	vst v12  }
0x14a: {  	v16 =	vmin.u32 v16, $0x1193F;
	v20 =	vmin.u32 v20, $0x1193F;
	v15 =	vnsel vm10, $0x0, v15;
	[tilespmem:s2+$0x0] =	vst v14  }
0x14b: {  	vm14 =	vlt.s32 v21, v8;
	vm10 =	vlt.s32 v9, v8;
	v9 =	vmin.u32 v15, $0x1193F;
	[tilespmem:v10+s11+$0x0] =	vst.idx.add.s32.msk vm11, v4  }
0x14c: {  	vm13 =	vlt.s32 v24, v8;
	v10 =	vor.u32 v3, v25;
	v15 =	vshll.u32 v23, $0x4;
	[tilespmem:v11+s14+$0x0] =	vst.idx.add.s32.msk vm11, v4  }
0x14d: {  	v11 =	vshrl.u32 v13, $0x14;
	v13 =	vor.u32 v3, v26;
	v15 =	vor.u32 v3, v15;
	v19 =	vld.idx.msk [tilespmem:v19+s10+$0x0], vm9  }
0x14e: {  	v12 =	vshrl.u32 v12, $0x14;
	v14 =	vshrl.u32 v14, $0x14;
	v10 =	vand.u32 $0x7F, v10  }
0x14f: {  	v11 =	vand.u32 $0xF80, v11;
	v21 =	vand.u32 $0x7F, v13;
	v15 =	vand.u32 $0x7F, v15  }
0x150: {  	v17 =	vand.u32 $0xF0, v17;
	v18 =	vand.u32 $0xF0, v18;
	v22 =	vand.u32 $0xF80, v12  }
0x151: {  	v12 =	vld.idx.msk [tilespmem:v20+s10+$0x0], vm10;
	v20 =	vor.u32 v11, v10;
	v10 =	vand.u32 $0xF80, v14;
	v11 =	vand.u32 $0xF0, v23  }
0x152: {  	v17 =	vor.u32 v3, v17;
	v21 =	vor.u32 v22, v21;
	v13 =	vld.idx.msk [tilespmem:v16+s10+$0x0], vm13;
	v10 =	vor.u32 v10, v15  }
0x153: {  	v22 =	vor.u32 v3, v18;
	v11 =	vor.u32 v3, v11;
	v14 =	vld.idx.msk [tilespmem:v9+s10+$0x0], vm14;
	v9 =	vshra.s32 v19, $0x1F  }
0x154: {  	vm11 =	vmmov vm15;
	vm15 =	vmmov vm14;
	v9 =	vor.u32 $0x80000000, v9  }
.Ltmp13:
0x155: {  	v9 =	vxor.u32 v19, v9;
	(pc) =	sbr.rel @p2 .LBB2_49-.Ltmp13, $4  }
0x156: {  	v16 =	vshrl.u32 v9, $0x18;
	[tilespmem:v20+s11+$0x0] =	vst.idx.add.s32.msk vm8, v4  }
0x157: {  	v15 =	vshra.s32 v12, $0x1F;
	v19 =	vshll.u32 v16, $0x4;
	[tilespmem:v17+s14+$0x0] =	vst.idx.add.s32.msk vm8, v4;
	vm8 =	vmmov vm13  }
0x158: {  	v20 =	vshrl.u32 v9, $0x14;
	v18 =	vshra.s32 v13, $0x1F;
	v19 =	vor.u32 v3, v19;
	[tilespmem:v21+s11+$0x0] =	vst.idx.add.s32.msk vm12, v4  }
0x159: {  	s5 =	sadd.s32 $0x40, s5;
	v20 =	vand.u32 $0xF80, v20;
	v17 =	vshra.s32 v14, $0x1F;
	v19 =	vand.u32 $0x7F, v19;
	[tilespmem:v22+s14+$0x0] =	vst.idx.add.s32.msk vm12, v4  }
0x15a: {  	vm13 =	vmmov vm9;
	vm14 =	vcmask $0x704;
	vm12 =	vcmask $0xF0C  }
.LBB2_51:
0x15b: {  	v18 =	vor.u32 $0x80000000, v18;
	v19 =	vor.u32 v20, v19  }
0x15c: {  	v16 =	vand.u32 $0xF0, v16;
	vm9 =	vmmov vm10;
	v15 =	vor.u32 $0x80000000, v15  }
0x15d: {  	v17 =	vor.u32 $0x80000000, v17;
	v16 =	vor.u32 v3, v16;
	v13 =	vxor.u32 v13, v18  }
0x15e: {  	v12 =	vxor.u32 v12, v15;
	v14 =	vxor.u32 v14, v17;
	v53 =	vshrl.u32 v13, $0x18  }
0x15f: {  	s2 =	sadd.s32 @p1 $0x40, s2;
	v54 =	vshrl.u32 v12, $0x18;
	v55 =	vshrl.u32 v14, $0x18;
	v58 =	vshrl.u32 v13, $0x14  }
0x160: {  	[tilespmem:v10+s11+$0x0] =	vst.idx.add.s32.msk @p1 vm11, v4;
	s1 =	smov.u32 @p1 s2;
	v59 =	vshrl.u32 v12, $0x14;
	v60 =	vshrl.u32 v14, $0x14;
	v56 =	vshll.u32 v53, $0x4  }
0x161: {  	[tilespmem:s1+$0x10] =	vst v9;
	v21 =	vshll.u32 v54, $0x4;
	v57 =	vshll.u32 v55, $0x4;
	v9 =	vor.u32 v3, v56  }
0x162: {  	v20 =	vor.u32 v3, v57;
	[tilespmem:v19+s11+$0x0] =	vst.idx.add.s32.msk vm13, v4;
	v9 =	vand.u32 $0x7F, v9;
	v19 =	vand.u32 $0xF80, v58  }
0x163: {  	[tilespmem:v11+s14+$0x0] =	vst.idx.add.s32.msk @p1 vm11, v4;
	v10 =	vand.u32 $0xF80, v60;
	v62 =	vand.u32 $0x7F, v20;
	v9 =	vor.u32 v19, v9  }
0x164: {  	[tilespmem:s1+$0xFFFFFFE0] =	vst v13;
	v15 =	vand.u32 $0xF0, v53;
	v21 =	vor.u32 v3, v21;
	v10 =	vor.u32 v10, v62  }
0x165: {  	v15 =	vor.u32 v3, v15;
	v61 =	vand.u32 $0x7F, v21;
	[tilespmem:v16+s14+$0x0] =	vst.idx.add.s32.msk vm13, v4;
	v16 =	vand.u32 $0xF80, v59  }
0x166: {  	[tilespmem:s1+$0xFFFFFFF0] =	vst v12;
	v11 =	vand.u32 $0xF0, v55;
	v12 =	vor.u32 v16, v61  }
0x167: {  	[tilespmem:s1+$0x0] =	vst v14;
	v17 =	vand.u32 $0xF0, v54;
	v11 =	vor.u32 v3, v11  }
0x168: {  	v63 =	vor.u32 v3, v17;
	[tilespmem:v9+s11+$0x0] =	vst.idx.add.s32.msk vm8, v4  }
0x169: {  	[tilespmem:v10+s11+$0x0] =	vst.idx.add.s32.msk vm15, v4  }
0x16a: {  	[tilespmem:v15+s14+$0x0] =	vst.idx.add.s32.msk vm8, v4  }
0x16b: {  	[tilespmem:v12+s11+$0x0] =	vst.idx.add.s32.msk vm9, v4  }
0x16c: {  	vm10 =	vmmov vm15;
	[tilespmem:v11+s14+$0x0] =	vst.idx.add.s32.msk vm15, v4  }
0x16d: {  	vm7 =	vcmask $0x1714;
	vm0 =	vcmask $0x2724;
	vm10 =	vcmask $0x1F1C;
	[tilespmem:v63+s14+$0x0] =	vst.idx.add.s32.msk vm9, v4  }
.LBB2_21:
0x16e: {  	s13 =	ssub.s32 s0, s31  }
0x16f: {  	p1 =	sgt.s32 s13, $0x0  }
.Ltmp14:
0x170: {  	_ = 	snop;
	(pc) =	sbr.rel @!p1 .LBB2_22-.Ltmp14, $3  }
0x171: {  	_ =	sdelay $0x1  }
0x172: {  	s1 =	sshll.u32 s0, $0x6;
	s2 =	sshll.u32 s13, $0x6  }
0x173: {  	s28 =	ssub.s32 s1, s2  }
0x174: {  	s2 =	sshra.s32 s28, $0x2  }
0x175: {  	s3 =	sshll.u32 s0, $0x4;
	s4 =	sshll.u32 s13, $0x4;
	s1 =	sadd.s32 $0x14980, s2  }
0x176: {  	s2 =	sadd.s32 $0x13900, s2;
	s3 =	ssub.s32 s3, s4;
	s4 =	smov.u32 s31  }
.LBB2_53:
0x177: {  	v9 =	vld [tilespmem:s1+$0x0];
	_ =	sdelay $0x4  }
0x178: {  	v10 =	vor.u32 s3, v3;
	vm8 =	vgt.s32 v9, $0x0  }
0x179: {  	vm9 =	vlt.s32 v10, v8;
	v9 =	vnsel vm8, $0x0, v9  }
0x17a: {  	v9 =	vmin.u32 v9, $0x1193F;
	_ =	sdelay $0x4  }
0x17b: {  	v9 =	vld.idx.msk [tilespmem:v9+s10+$0x0], vm9;
	_ =	sdelay $0x4  }
0x17c: {  	v10 =	vshra.s32 v9, $0x1F  }
0x17d: {  	v10 =	vor.u32 $0x80000000, v10  }
0x17e: {  	v9 =	vxor.u32 v9, v10  }
0x17f: {  	v10 =	vshrl.u32 v9, $0x18  }
0x180: {  	v11 =	vshll.u32 v10, $0x4  }
0x181: {  	v12 =	vshrl.u32 v9, $0x14;
	v11 =	vor.u32 v3, v11  }
0x182: {  	v12 =	vand.u32 $0xF80, v12;
	v11 =	vand.u32 $0x7F, v11  }
0x183: {  	s4 =	sadd.s32 $0x1, s4;
	v10 =	vand.u32 $0xF0, v10;
	v11 =	vor.u32 v12, v11  }
0x184: {  	p1 =	slt.s32 s4, s0;
	v10 =	vor.u32 v3, v10  }
.Ltmp15:
0x185: {  	_ = 	snop;
	(pc) =	sbr.rel @p1 .LBB2_53-.Ltmp15, $4  }
0x186: {  	_ = 	snop  }
0x187: {  	[tilespmem:s2+$0x0] =	vst v9  }
0x188: {  	[tilespmem:v11+s11+$0x0] =	vst.idx.add.s32.msk vm9, v4  }
0x189: {  	s1 =	sadd.s32 $0x10, s1;
	s3 =	sadd.s32 $0x10, s3;
	s2 =	sadd.s32 $0x10, s2;
	[tilespmem:v10+s14+$0x0] =	vst.idx.add.s32.msk vm9, v4  }
.LBB2_22:
0x18a: {  	s4 =	simm.s32 $0x0;
	s1 =	simm.s32 $0x110  }
0x18b: {  	s2 =	simm.s32 $0x138F0;
	s7 =	simm.s32 $0x10000;
	s8 =	simm.s32 $0x137F0  }
.LBB2_23:
0x18c: {  	v9 =	vld [tilespmem:s2+$0x0];
	_ =	sdelay $0x4  }
0x18d: {  	(xrf0) =	vadd.scan.msk.s32 $0xffff, v9;
	_ =	sdelay $0x5  }
0x18e: {  	v9, _, _ =	vpop (xrf0)  }
0x18f: {  	(v2sf) =	vpush v9, $0xF;
	_ =	sdelay $0xe  }
0x190: {  	s3 =	spop (v2sf)  }
0x191: {  	s5 =	smov.u32 s4;
	s4 =	sadd.s32 s4, s3  }
0x192: {  	p1 =	slt.s32 s4, $0x12C  }
.Ltmp16:
0x193: {  	_ = 	snop;
	(pc) =	sbr.rel @p1 .LBB2_23-.Ltmp16, $3  }
0x194: {  	_ =	sdelay $0x1  }
0x195: {  	s6 =	smov.u32 s8;
	s1 =	sadd.s32 $0xFFFFFFF0, s1;
	s2 =	sadd.s32 $0xFFFFFFF0, s2  }
0x196: {  	s8 =	sadd.s32 $0xFFFFFF00, s8;
	s3 =	smov.u32 s7;
	s7 =	sadd.s32 $0xFFFFF000, s7  }
.LBB2_24:
0x197: {  	v9 =	vld [tilespmem:s6+$0x0];
	_ =	sdelay $0x4  }
0x198: {  	(xrf0) =	vadd.scan.msk.s32 $0xffff, v9;
	_ =	sdelay $0x5  }
0x199: {  	v9, _, _ =	vpop (xrf0)  }
0x19a: {  	(v2sf) =	vpush v9, $0xF;
	_ =	sdelay $0xe  }
0x19b: {  	s2 =	spop (v2sf)  }
0x19c: {  	s4 =	smov.u32 s5;
	s5 =	sadd.s32 s5, s2  }
0x19d: {  	p1 =	slt.s32 s5, $0x12C  }
.Ltmp17:
0x19e: {  	_ = 	snop;
	(pc) =	sbr.rel @p1 .LBB2_24-.Ltmp17, $3  }
0x19f: {  	_ =	sdelay $0x1  }
0x1a0: {  	s1 =	sadd.s32 $0xFFFFFFFF, s1;
	s3 =	sadd.s32 $0xFFFFFF00, s3  }
0x1a1: {  	s6 =	sadd.s32 $0xFFFFFFF0, s6;
	s7 =	simm.s32 $0xFFFFFFF8;
	s2 =	simm.s32 $0x12840  }
0x1a2: {  	[tilespmem:s2+$0xFFFFFFC0] =	vst v0  }
0x1a3: {  	[tilespmem:s2+$0x30] =	vst v0  }
0x1a4: {  	[tilespmem:s2+$0x20] =	vst v0  }
0x1a5: {  	[tilespmem:s2+$0x10] =	vst v0  }
0x1a6: {  	[tilespmem:s2+$0x0] =	vst v0  }
0x1a7: {  	[tilespmem:s2+$0xFFFFFFF0] =	vst v0  }
0x1a8: {  	s5 =	sadd.s32 $0x8, s7;
	[tilespmem:s2+$0xFFFFFFE0] =	vst v0  }
.LBB2_26:
0x1a9: {  	s5 =	sadd.s32 $0x8, s5;
	[tilespmem:s2+$0xFFFFFFD0] =	vst v0;
	s2 =	sadd.s32 $0x80, s2  }
0x1aa: {  	[tilespmem:s2+$0xFFFFFFC0] =	vst v0;
	p1 =	slt.u32 s5, $0xF8  }
0x1ab: {  	[tilespmem:s2+$0x30] =	vst v0  }
.Ltmp18:
0x1ac: {  	[tilespmem:s2+$0x20] =	vst v0;
	(pc) =	sbr.rel @p1 .LBB2_26-.Ltmp18, $4  }
0x1ad: {  	[tilespmem:s2+$0x10] =	vst v0  }
0x1ae: {  	[tilespmem:s2+$0x0] =	vst v0  }
0x1af: {  	[tilespmem:s2+$0xFFFFFFF0] =	vst v0  }
0x1b0: {  	[tilespmem:s2+$0xFFFFFFE0] =	vst v0  }
0x1b1: {  	[tilespmem:s2+$0xFFFFFFD0] =	vst v0  }
0x1b2: {  	[tilespmem:$0x13800] =	vst v0  }
0x1b3: {  	[tilespmem:$0x13810] =	vst v0  }
0x1b4: {  	[tilespmem:$0x13820] =	vst v0  }
0x1b5: {  	[tilespmem:$0x13830] =	vst v0  }
0x1b6: {  	[tilespmem:$0x13840] =	vst v0  }
0x1b7: {  	[tilespmem:$0x13850] =	vst v0  }
0x1b8: {  	[tilespmem:$0x13860] =	vst v0  }
0x1b9: {  	[tilespmem:$0x13870] =	vst v0  }
0x1ba: {  	[tilespmem:$0x13880] =	vst v0  }
0x1bb: {  	[tilespmem:$0x13890] =	vst v0  }
0x1bc: {  	[tilespmem:$0x138A0] =	vst v0  }
.Ltmp19:
0x1bd: {  	[tilespmem:$0x138B0] =	vst v0;
	(pc) =	sbr.rel @p0 .LBB2_31-.Ltmp19, $4  }
0x1be: {  	[tilespmem:$0x138C0] =	vst v0  }
0x1bf: {  	[tilespmem:$0x138D0] =	vst v0  }
0x1c0: {  	[tilespmem:$0x138E0] =	vst v0  }
0x1c1: {  	v9 =	vmov s1;
	[tilespmem:$0x138F0] =	vst v0  }
0x1c2: {  	s2 =	simm.s32 $0x13920  }
0x1c3: {  	v11 =	vld [tilespmem:s2+$0x10];
	_ =	sdelay $0x1  }
0x1c4: {  	v13 =	vld [tilespmem:s2+$0xFFFFFFE0]  }
0x1c5: {  	s1 =	simm.s32 $0x0;
	v12 =	vld [tilespmem:s2+$0xFFFFFFF0]  }
0x1c6: {  	s29 =	simm.s32 $0x30;
	v15 =	vld [tilespmem:s2+$0x0];
	v10 =	vor.u32 s1, v3  }
0x1c7: {  	v14 =	vor.u32 s29, v3;
	v16 =	vshrl.u32 v11, $0x18;
	v11 =	vshrl.u32 v11, $0x10  }
0x1c8: {  	vm8 =	vlt.s32 v14, v8;
	vm9 =	veq.s32 v16, v9;
	v14 =	vshll.u32 v11, $0x4  }
0x1c9: {  	v17 =	vshrl.u32 v13, $0x10;
	vm11 =	vmand vm8, vm9;
	v14 =	vor.u32 v3, v14  }
0x1ca: {  	v13 =	vshrl.u32 v13, $0x18;
	v19 =	vand.u32 $0xFFF, v14;
	v14 =	vand.u32 $0xF0, v11  }
0x1cb: {  	p1 =	sgt.s32 s31, $0x4;
	v21 =	vshrl.u32 v12, $0x18;
	v23 =	vshrl.u32 v15, $0x18;
	v20 =	vor.u32 v3, v14  }
.Ltmp20:
0x1cc: {  	v16 =	vshrl.u32 v12, $0x10;
	v18 =	vshll.u32 v17, $0x4;
	v12 =	vand.u32 $0xF0, v17;
	(pc) =	sbr.rel @!p1 .LBB2_30-.Ltmp20, $4  }
0x1cd: {  	s5 =	simm.s32 $0x20;
	vm10 =	veq.s32 v21, v9;
	v22 =	vshll.u32 v16, $0x4;
	vm8 =	veq.s32 v13, v9  }
0x1ce: {  	v13 =	vor.u32 v3, v18;
	v18 =	vor.u32 s5, v3;
	v11 =	vshrl.u32 v15, $0x10  }
0x1cf: {  	s30 =	simm.s32 $0x10;
	vm9 =	veq.s32 v23, v9;
	v17 =	vor.u32 v3, v22;
	v24 =	vshll.u32 v11, $0x4;
	[tilespmem:v19+s11+$0x0] =	vst.idx.add.s32.msk vm11, v4  }
0x1d0: {  	s2 =	simm.s32 $0x4;
	s5 =	simm.s32 $0x13960;
	v15 =	vand.u32 $0xF0, v16;
	v14 =	vor.u32 s30, v3;
	v16 =	vor.u32 v3, v24;
	[tilespmem:v20+s14+$0x0] =	vst.idx.add.s32.msk vm11, v4  }
.LBB2_29:
0x1d1: {  	v19 =	vld [tilespmem:s5+$0x10];
	vm11 =	vlt.s32 v14, v8;
	vm12 =	vlt.s32 v18, v8;
	v11 =	vand.u32 $0xF0, v11  }
0x1d2: {  	s2 =	sadd.s32 $0x4, s2;
	vm13 =	vlt.s32 v10, v8;
	v13 =	vand.u32 $0xFFF, v13;
	v14 =	vld [tilespmem:s5+$0xFFFFFFF0];
	vm10 =	vmand vm11, vm10  }
0x1d3: {  	v17 =	vand.u32 $0xFFF, v17;
	p1 =	slt.s32 s2, s31;
	vm8 =	vmand vm13, vm8;
	vm9 =	vmand vm12, vm9;
	v18 =	vld [tilespmem:s5+$0x0]  }
0x1d4: {  	v12 =	vor.u32 v3, v12;
	v15 =	vor.u32 v3, v15;
	v16 =	vand.u32 $0xFFF, v16;
	s1 =	sadd.s32 $0x40, s1;
	v20 =	vld [tilespmem:s5+$0xFFFFFFE0]  }
0x1d5: {  	v10 =	vor.u32 s1, v3;
	s6 =	sadd.s32 $0x10, s1;
	s7 =	sadd.s32 $0x20, s1;
	s8 =	sadd.s32 $0x30, s1;
	v21 =	vor.u32 v3, v11  }
0x1d6: {  	v11 =	vor.u32 s8, v3;
	v22 =	vshrl.u32 v19, $0x18;
	v19 =	vshrl.u32 v19, $0x10  }
0x1d7: {  	vm11 =	vlt.s32 v11, v8;
	vm12 =	veq.s32 v22, v9;
	v11 =	vshll.u32 v19, $0x4  }
0x1d8: {  	v22 =	vshrl.u32 v14, $0x10;
	vm11 =	vmand vm11, vm12;
	v11 =	vor.u32 v3, v11;
	[tilespmem:v17+s11+$0x0] =	vst.idx.add.s32.msk vm10, v4  }
0x1d9: {  	v19 =	vand.u32 $0xF0, v19;
	v17 =	vshrl.u32 v20, $0x10;
	v23 =	vand.u32 $0xFFF, v11;
	[tilespmem:v13+s11+$0x0] =	vst.idx.add.s32.msk vm8, v4  }
0x1da: {  	v19 =	vor.u32 v3, v19;
	v13 =	vshrl.u32 v20, $0x18;
	v11 =	vshrl.u32 v18, $0x10;
	[tilespmem:v12+s14+$0x0] =	vst.idx.add.s32.msk vm8, v4  }
.Ltmp21:
0x1db: {  	v24 =	vshll.u32 v22, $0x4;
	v20 =	vshrl.u32 v14, $0x18;
	v12 =	vshll.u32 v17, $0x4;
	[tilespmem:v15+s14+$0x0] =	vst.idx.add.s32.msk vm10, v4;
	(pc) =	sbr.rel @p1 .LBB2_29-.Ltmp21, $4  }
0x1dc: {  	v25 =	vshrl.u32 v18, $0x18;
	v14 =	vor.u32 s6, v3;
	v26 =	vshll.u32 v11, $0x4;
	[tilespmem:v16+s11+$0x0] =	vst.idx.add.s32.msk vm9, v4  }
0x1dd: {  	v18 =	vor.u32 s7, v3;
	vm8 =	veq.s32 v13, v9;
	v13 =	vor.u32 v3, v12;
	[tilespmem:v21+s14+$0x0] =	vst.idx.add.s32.msk vm9, v4  }
0x1de: {  	v12 =	vand.u32 $0xF0, v17;
	vm10 =	veq.s32 v20, v9;
	v17 =	vor.u32 v3, v24;
	[tilespmem:v23+s11+$0x0] =	vst.idx.add.s32.msk vm11, v4  }
0x1df: {  	s5 =	sadd.s32 $0x40, s5;
	v15 =	vand.u32 $0xF0, v22;
	v16 =	vor.u32 v3, v26;
	vm9 =	veq.s32 v25, v9;
	[tilespmem:v19+s14+$0x0] =	vst.idx.add.s32.msk vm11, v4  }
.LBB2_30:
0x1e0: {  	vm11 =	vlt.s32 v14, v8  }
0x1e1: {  	vm12 =	vlt.s32 v10, v8;
	vm10 =	vmand vm11, vm10  }
0x1e2: {  	v10 =	vand.u32 $0xFFF, v17;
	vm8 =	vmand vm12, vm8  }
0x1e3: {  	v13 =	vand.u32 $0xFFF, v13  }
0x1e4: {  	v12 =	vor.u32 v3, v12;
	vm11 =	vlt.s32 v18, v8  }
0x1e5: {  	v62 =	vor.u32 v3, v15;
	vm9 =	vmand vm11, vm9  }
0x1e6: {  	v11 =	vand.u32 $0xF0, v11;
	v63 =	vand.u32 $0xFFF, v16  }
0x1e7: {  	v11 =	vor.u32 v3, v11;
	[tilespmem:v10+s11+$0x0] =	vst.idx.add.s32.msk vm10, v4  }
0x1e8: {  	[tilespmem:v13+s11+$0x0] =	vst.idx.add.s32.msk vm8, v4  }
0x1e9: {  	[tilespmem:v12+s14+$0x0] =	vst.idx.add.s32.msk vm8, v4  }
0x1ea: {  	[tilespmem:v62+s14+$0x0] =	vst.idx.add.s32.msk vm10, v4  }
0x1eb: {  	vm7 =	vcmask $0x1714;
	[tilespmem:v63+s11+$0x0] =	vst.idx.add.s32.msk vm9, v4  }
0x1ec: {  	vm0 =	vcmask $0x2724;
	vm12 =	vcmask $0xF0C;
	vm10 =	vcmask $0x1F1C;
	[tilespmem:v11+s14+$0x0] =	vst.idx.add.s32.msk vm9, v4  }
.LBB2_31:
0x1ed: {  	p1 =	slt.s32 s13, $0x1  }
.Ltmp22:
0x1ee: {  	_ = 	snop;
	(pc) =	sbr.rel @p1 .LBB2_34-.Ltmp22, $2  }
0x1ef: {  	_ =	sdelay $0x2  }
0x1f0: {  	s1 =	sshll.u32 s0, $0x4  }
0x1f1: {  	s2 =	sshra.s32 s28, $0x2;
	s5 =	sshll.u32 s13, $0x4  }
0x1f2: {  	s6 =	smov.u32 s31;
	s2 =	sadd.s32 $0x13900, s2;
	s5 =	ssub.s32 s1, s5  }
.LBB2_33:
0x1f3: {  	v10 =	vld [tilespmem:s2+$0x0];
	_ =	sdelay $0x4  }
0x1f4: {  	v11 =	vor.u32 s5, v3;
	v12 =	vshrl.u32 v10, $0x18;
	v10 =	vshrl.u32 v10, $0x10  }
0x1f5: {  	vm8 =	vlt.s32 v11, v8;
	vm9 =	veq.s32 v12, v9;
	v11 =	vshll.u32 v10, $0x4  }
0x1f6: {  	vm8 =	vmand vm8, vm9;
	v11 =	vor.u32 v3, v11  }
0x1f7: {  	s6 =	sadd.s32 $0x1, s6;
	v10 =	vand.u32 $0xF0, v10;
	v11 =	vand.u32 $0xFFF, v11  }
0x1f8: {  	p2 =	slt.s32 s6, s0;
	v10 =	vor.u32 v3, v10  }
.Ltmp23:
0x1f9: {  	_ = 	snop;
	(pc) =	sbr.rel @p2 .LBB2_33-.Ltmp23, $3  }
0x1fa: {  	_ =	sdelay $0x1  }
0x1fb: {  	[tilespmem:v11+s11+$0x0] =	vst.idx.add.s32.msk vm8, v4  }
0x1fc: {  	s2 =	sadd.s32 $0x10, s2;
	s5 =	sadd.s32 $0x10, s5;
	[tilespmem:v10+s14+$0x0] =	vst.idx.add.s32.msk vm8, v4  }
.LBB2_34:
0x1fd: {  	p2 =	slt.s32 s4, $0x12C  }
.Ltmp24:
0x1fe: {  	_ = 	snop;
	(pc) =	sbr.rel @!p2 .LBB2_36-.Ltmp24, $2  }
0x1ff: {  	_ =	sdelay $0x2  }
0x200: {  	s6 =	simm.s32 $0x0;
	s2 =	simm.s32 $0x110;
	s5 =	simm.s32 $0x138F0  }
.LBB2_35:
0x201: {  	v9 =	vld [tilespmem:s5+$0x0];
	_ =	sdelay $0x4  }
0x202: {  	(xrf0) =	vadd.scan.msk.s32 $0xffff, v9;
	_ =	sdelay $0x5  }
0x203: {  	v9, _, _ =	vpop (xrf0)  }
0x204: {  	(v2sf) =	vpush v9, $0xF;
	_ =	sdelay $0xe  }
0x205: {  	s6 =	spop (v2sf)  }
0x206: {  	s4 =	sadd.s32 s4, s6  }
0x207: {  	p2 =	slt.s32 s4, $0x12C  }
.Ltmp25:
0x208: {  	_ = 	snop;
	(pc) =	sbr.rel @p2 .LBB2_35-.Ltmp25, $2  }
0x209: {  	_ =	sdelay $0x2  }
0x20a: {  	s2 =	sadd.s32 $0xFFFFFFF0, s2;
	s5 =	sadd.s32 $0xFFFFFFF0, s5  }
.LBB2_36:
0x20b: {  	s4 =	ssub.s32 s4, s6  }
0x20c: {  	p2 =	sgt.s32 s4, $0x12B  }
.Ltmp26:
0x20d: {  	_ = 	snop;
	(pc) =	sbr.rel @p2 .LBB2_39-.Ltmp26, $2  }
0x20e: {  	_ =	sdelay $0x2  }
0x20f: {  	vm15 =	vcmask $0x300  }
0x210: {  	s5 =	sshll.u32 s2, $0x6  }
0x211: {  	s5 =	sshra.s32 s5, $0x2  }
0x212: {  	s5 =	sadd.s32 $0x127F0, s5  }
.LBB2_38:
0x213: {  	v9 =	vld [tilespmem:s5+$0x0];
	_ =	sdelay $0x4  }
0x214: {  	(xrf0) =	vadd.scan.msk.s32 $0xffff, v9;
	_ =	sdelay $0x5  }
0x215: {  	v9, _, _ =	vpop (xrf0)  }
0x216: {  	(v2sf) =	vpush v9, $0xF;
	_ =	sdelay $0xe  }
0x217: {  	s6 =	spop (v2sf)  }
0x218: {  	s4 =	sadd.s32 s4, s6  }
0x219: {  	p2 =	slt.s32 s4, $0x12C  }
.Ltmp27:
0x21a: {  	_ = 	snop;
	(pc) =	sbr.rel @p2 .LBB2_38-.Ltmp27, $2  }
0x21b: {  	_ =	sdelay $0x2  }
0x21c: {  	s2 =	sadd.s32 $0xFFFFFFFF, s2;
	s5 =	sadd.s32 $0xFFFFFFF0, s5  }
.LBB2_39:
.Ltmp28:
0x21d: {  	(pc) =	sbr.rel @p0 .LBB2_40-.Ltmp28, $3  }
0x21e: {  	_ =	sdelay $0x1  }
0x21f: {  	s2 =	sadd.s32 s3, s2  }
0x220: {  	v9 =	vmov s2  }
0x221: {  	s2 =	simm.s32 $0x13920  }
0x222: {  	v18 =	vld [tilespmem:s2+$0xFFFFFFE0];
	_ =	sdelay $0x2  }
0x223: {  	v14 =	vld [tilespmem:s2+$0xFFFFFFF0];
	_ =	sdelay $0x1  }
0x224: {  	s4 =	simm.s32 $0x0;
	v11 =	vshrl.u32 v18, $0x10  }
0x225: {  	p3 =	sgt.s32 s31, $0x4;
	v10 =	vor.u32 s4, v3;
	vm9 =	vge.s32 v11, v9;
	v11 =	vld [tilespmem:s2+$0x0]  }
.Ltmp29:
0x226: {  	s5 =	simm.s32 $0x10;
	vm8 =	vlt.s32 v10, v8;
	(pc) =	sbr.rel @!p3 .LBB2_55-.Ltmp29, $4  }
0x227: {  	v12 =	vor.u32 s5, v3;
	v13 =	vshrl.u32 v14, $0x10;
	vm15 =	vmand vm8, vm9  }
0x228: {  	s30 =	simm.s32 $0x20;
	vm8 =	vlt.s32 v12, v8;
	vm9 =	vge.s32 v13, v9;
	v10 =	vmpcnt.ones.xlane vm15  }
0x229: {  	s3 =	simm.s32 $0x149A0;
	v25 =	vor.u32 s30, v3;
	vm8 =	vmand vm8, vm9  }
0x22a: {  	p0 =	por $0x0, $0x0;
	p2 =	por $0x0, $0x0;
	v17 =	vld [tilespmem:s2+$0x10];
	s2 =	simm.s32 $0x13960;
	v23 =	vmpcnt.ones.xlane vm8;
	(v2sf) =	vpush v10, $0x0;
	v26 =	vshrl.u32 v11, $0x10  }
0x22b: {  	v10 =	vld [tilespmem:s2+$0xFFFFFFE0];
	_ =	sdelay $0x1  }
0x22c: {  	vm9 =	vlt.s32 v25, v8;
	vm10 =	vge.s32 v26, v9;
	s5 =	simm.s32 $0x30  }
0x22d: {  	vm11 =	vmand vm9, vm10;
	(v2sf) =	vpush v23, $0x0;
	v15 =	vor.u32 s5, v3  }
0x22e: {  	s5 =	simm.s32 $0x40;
	v13 =	vmpcnt.ones.xlane vm11;
	vm10 =	vlt.s32 v15, v8;
	v16 =	vshrl.u32 v17, $0x10  }
0x22f: {  	v15 =	vor.u32 s5, v3;
	vm12 =	vge.s32 v16, v9;
	v16 =	vshrl.u32 v10, $0x10  }
0x230: {  	vm13 =	vlt.s32 v15, v8;
	vm12 =	vmand vm10, vm12;
	vm14 =	vge.s32 v16, v9  }
0x231: {  	vm9 =	vmmov vm15;
	v15 =	vmpcnt.ones.xlane vm12;
	vm15 =	vmand vm13, vm14  }
0x232: {  	(v2sf) =	vpush v13, $0x0;
	v16 =	vmpcnt.ones.xlane vm15  }
0x233: {  	(v2sf) =	vpush v15, $0x0  }
0x234: {  	(v2sf) =	vpush v16, $0x0;
	_ =	sdelay $0x4  }
0x235: {  	v12 =	vld [tilespmem:s2+$0xFFFFFFF0];
	_ =	sdelay $0x2  }
0x236: {  	p3 =	sgt.s32 s31, $0x8;
	v13 =	vld [tilespmem:s2+$0x0]  }
.Ltmp30:
0x237: {  	s6 =	simm.s32 $0x50;
	(pc) =	sbr.rel @!p3 .LBB2_57-.Ltmp30, $4  }
0x238: {  	v19 =	vor.u32 s6, v3;
	v20 =	vshrl.u32 v12, $0x10  }
0x239: {  	s30 =	simm.s32 $0x60;
	vm10 =	vmmov vm8;
	vm8 =	vlt.s32 v19, v8;
	vm13 =	vge.s32 v20, v9  }
0x23a: {  	v25 =	vor.u32 s30, v3;
	v19 =	vld [tilespmem:s3+$0xFFFFFFE0];
	vm8 =	vmand vm8, vm13  }
0x23b: {  	s8 =	simm.s32 $0x139A0;
	p0 =	por $0x1, $0x1;
	vm11 =	vmmov vm11;
	v15 =	vld [tilespmem:s2+$0x10];
	v23 =	vmpcnt.ones.xlane vm8;
	v26 =	vshrl.u32 v13, $0x10  }
0x23c: {  	v21 =	vld [tilespmem:s8+$0xFFFFFFE0]  }
0x23d: {  	vm0 =	vlt.s32 v25, v8;
	vm14 =	vge.s32 v26, v9;
	s5 =	simm.s32 $0x70  }
0x23e: {  	vm13 =	vmmov vm12;
	vm0 =	vmand vm0, vm14;
	v20 =	vor.u32 s5, v3  }
0x23f: {  	s2 =	spop (v2sf);
	[tilespmem:s4+$0x15A00] =	vst.msk vm9, v18;
	(v2sf) =	vpush v23, $0x0;
	s5 =	simm.s32 $0x80;
	v18 =	vmpcnt.ones.xlane vm0;
	vm14 =	vlt.s32 v20, v8  }
0x240: {  	v16 =	vld [tilespmem:s3+$0xFFFFFFF0];
	s2 =	sadd.s32 $0x0, s2;
	v20 =	vor.u32 s5, v3;
	[tilespmem:s4+$0x15C80] =	vst.msk vm9, v19;
	vm9 =	vmmov vm15;
	v23 =	vshrl.u32 v15, $0x10  }
0x241: {  	v22 =	vld [tilespmem:s8+$0xFFFFFFF0];
	p2 =	slt.s32 s2, $0x200;
	(v2sf) =	vpush v18, $0x0;
	vm12 =	vge.s32 v23, v9;
	v23 =	vshrl.u32 v21, $0x10  }
0x242: {  	s6 =	spop (v2sf);
	s2 =	simm.s32 @!p2 $0x200;
	v19 =	vld [tilespmem:s3+$0x0];
	vm12 =	vmand vm14, vm12;
	vm14 =	vlt.s32 v20, v8;
	vm15 =	vge.s32 v23, v9  }
0x243: {  	[tilespmem:s2+$0x15A00] =	vst.msk vm10, v14;
	s6 =	sadd.s32 s2, s6;
	v14 =	vmpcnt.ones.xlane vm12;
	vm15 =	vmand vm14, vm15  }
0x244: {  	v24 =	vld [tilespmem:s8+$0x0];
	s26 =	simm.s32 $0x90;
	p3 =	sgt.s32 s31, $0xC;
	p2 =	slt.s32 s6, $0x200;
	v18 =	vmpcnt.ones.xlane vm15  }
.Ltmp31:
0x245: {  	s9 =	spop (v2sf);
	[tilespmem:s2+$0x15C80] =	vst.msk vm10, v16;
	s6 =	simm.s32 @!p2 $0x200;
	v20 =	vld [tilespmem:s3+$0x10];
	(v2sf) =	vpush v14, $0x0;
	(pc) =	sbr.rel @!p3 .LBB2_59-.Ltmp31, $4  }
0x246: {  	v16 =	vor.u32 s26, v3;
	v23 =	vshrl.u32 v22, $0x10;
	[tilespmem:s6+$0x15A00] =	vst.msk vm11, v11;
	s2 =	sadd.s32 s6, s9;
	(v2sf) =	vpush v18, $0x0  }
0x247: {  	s29 =	simm.s32 $0xA0;
	vm10 =	vmmov vm8;
	vm8 =	vlt.s32 v16, v8;
	v16 =	vld [tilespmem:s8+$0x10];
	vm14 =	vge.s32 v23, v9;
	[tilespmem:s6+$0x15C80] =	vst.msk vm11, v19;
	p2 =	slt.s32 s2, $0x200;
	s6 =	simm.s32 $0x149E0  }
0x248: {  	s7 =	simm.s32 $0xC;
	v25 =	vor.u32 s29, v3;
	s30 =	spop (v2sf);
	vm8 =	vmand vm8, vm14;
	s2 =	simm.s32 @!p2 $0x200;
	v19 =	vld [tilespmem:s6+$0xFFFFFFE0]  }
0x249: {  	v26 =	vshrl.u32 v24, $0x10;
	s8 =	simm.s32 $0x139E0;
	vm11 =	vmmov vm0;
	v23 =	vmpcnt.ones.xlane vm8;
	p2 =	por $0x1, $0x1;
	[tilespmem:s2+$0x15A00] =	vst.msk vm13, v17;
	s9 =	sadd.s32 s2, s30  }
.LBB2_60:
0x24a: {  	v11 =	vld [tilespmem:s8+$0xFFFFFFE0];
	s7 =	sadd.s32 $0x4, s7;
	vm14 =	vlt.s32 v25, v8;
	vm3 =	vge.s32 v26, v9;
	s10 =	sadd.s32 $0x30, s5;
	[tilespmem:s2+$0x15C80] =	vst.msk vm13, v20;
	p4 =	slt.s32 s9, $0x200;
	vm13 =	vmmov vm12  }
0x24b: {  	p3 =	slt.s32 s7, s31;
	vm14 =	vmand vm14, vm3;
	(v2sf) =	vpush v23, $0x0;
	v14 =	vld [tilespmem:s6+$0xFFFFFFF0];
	s2 =	spop (v2sf);
	s9 =	simm.s32 @!p4 $0x200  }
0x24c: {  	v18 =	vor.u32 s10, v3;
	v17 =	vmpcnt.ones.xlane vm14;
	v20 =	vshrl.u32 v16, $0x10;
	[tilespmem:s9+$0x15A00] =	vst.msk vm9, v10;
	s2 =	sadd.s32 s9, s2;
	v10 =	vmovc v21;
	v27 =	vmovc v16  }
0x24d: {  	vm3 =	vlt.s32 v18, v8;
	v16 =	vld [tilespmem:s8+$0xFFFFFFF0];
	vm12 =	vge.s32 v20, v9;
	[tilespmem:s9+$0x15C80] =	vst.msk vm9, v19;
	p4 =	slt.s32 s2, $0x200;
	vm9 =	vmmov vm15  }
0x24e: {  	s5 =	sadd.s32 $0x40, s5;
	vm12 =	vmand vm3, vm12;
	(v2sf) =	vpush v17, $0x0;
	s2 =	simm.s32 @!p4 $0x200;
	v17 =	vld [tilespmem:s6+$0x0];
	s9 =	spop (v2sf)  }
0x24f: {  	v18 =	vor.u32 s5, v3;
	v19 =	vshrl.u32 v11, $0x10;
	v20 =	vmpcnt.ones.xlane vm12;
	[tilespmem:s2+$0x15A00] =	vst.msk vm10, v12;
	s9 =	sadd.s32 s2, s9;
	v21 =	vmovc v11;
	v12 =	vmovc v22  }
0x250: {  	vm3 =	vlt.s32 v18, v8;
	vm15 =	vge.s32 v19, v9;
	v11 =	vld [tilespmem:s8+$0x0];
	[tilespmem:s2+$0x15C80] =	vst.msk vm10, v14;
	p4 =	slt.s32 s9, $0x200;
	vm10 =	vmmov vm8;
	s2 =	sadd.s32 $0x10, s5  }
.Ltmp32:
0x251: {  	vm15 =	vmand vm3, vm15;
	(v2sf) =	vpush v20, $0x0;
	s9 =	simm.s32 @!p4 $0x200;
	v20 =	vld [tilespmem:s6+$0x10];
	s10 =	spop (v2sf);
	(pc) =	sbr.rel @p3 .LBB2_60-.Ltmp32, $4  }
0x252: {  	v18 =	vor.u32 s2, v3;
	v14 =	vmpcnt.ones.xlane vm15;
	v19 =	vshrl.u32 v16, $0x10;
	[tilespmem:s9+$0x15A00] =	vst.msk vm11, v13;
	s2 =	sadd.s32 s9, s10;
	v22 =	vmovc v16;
	v13 =	vmovc v24  }
0x253: {  	s6 =	sadd.s32 $0x40, s6;
	vm3 =	vlt.s32 v18, v8;
	vm8 =	vge.s32 v19, v9;
	v16 =	vld [tilespmem:s8+$0x10];
	[tilespmem:s9+$0x15C80] =	vst.msk vm11, v17;
	p4 =	slt.s32 s2, $0x200;
	vm11 =	vmmov vm14  }
0x254: {  	s9 =	sadd.s32 $0x20, s5;
	vm8 =	vmand vm3, vm8;
	(v2sf) =	vpush v14, $0x0;
	v19 =	vld [tilespmem:s6+$0xFFFFFFE0];
	s2 =	simm.s32 @!p4 $0x200;
	s10 =	spop (v2sf)  }
0x255: {  	s8 =	sadd.s32 $0x40, s8;
	v25 =	vor.u32 s9, v3;
	v23 =	vmpcnt.ones.xlane vm8;
	v26 =	vshrl.u32 v11, $0x10;
	[tilespmem:s2+$0x15A00] =	vst.msk vm13, v15;
	s9 =	sadd.s32 s2, s10;
	v24 =	vmovc v11;
	v15 =	vmovc v27  }
0x256: {  	v27 =	vmov v10;
	v18 =	vmov v21  }
0x257: {  	v21 =	vmovc v12;
	v14 =	vmovc v22;
	v22 =	vmov v13;
	v11 =	vmov v24;
	v17 =	vmov v15  }
.LBB2_62:
0x258: {  	p3 =	slt.s32 @p2 s9, $0x200  }
0x259: {  	p3 =	por !p3, !p2  }
0x25a: {  	s7 =	simm.s32 $0x0;
	s9 =	simm.s32 @p3 $0x200  }
0x25b: {  	s8 =	spop @p0 (v2sf);
	s7 =	smov.u32 @p2 s9  }
0x25c: {  	s8 =	sadd.s32 @p0 s7, s8  }
0x25d: {  	p3 =	slt.s32 @p0 s8, $0x200  }
0x25e: {  	p3 =	por !p3, !p0  }
0x25f: {  	s9 =	spop @p0 (v2sf);
	s8 =	simm.s32 @p3 $0x200  }
0x260: {  	vm3 =	vlt.s32 v25, v8;
	vm14 =	vge.s32 v26, v9;
	s9 =	sadd.s32 @p0 s8, s9  }
0x261: {  	s5 =	sadd.s32 $0x30, s5;
	(v2sf) =	vpush v23, $0x0;
	vm0 =	vmand vm3, vm14;
	p3 =	slt.s32 @p0 s9, $0x200  }
0x262: {  	v13 =	vshrl.u32 v16, $0x10;
	v12 =	vor.u32 s5, v3;
	v10 =	vmpcnt.ones.xlane vm0;
	p3 =	por !p3, !p0  }
0x263: {  	vm14 =	vge.s32 v13, v9;
	vm3 =	vlt.s32 v12, v8;
	s5 =	spop @p0 (v2sf);
	s9 =	simm.s32 @p3 $0x200  }
0x264: {  	vm14 =	vmand vm3, vm14;
	(v2sf) =	vpush v10, $0x0;
	s5 =	sadd.s32 @p0 s9, s5  }
0x265: {  	v10 =	vmpcnt.ones.xlane vm14;
	p3 =	slt.s32 @p0 s5, $0x200  }
0x266: {  	p3 =	por !p3, !p0  }
0x267: {  	s10 =	spop @p0 (v2sf);
	(v2sf) =	vpush v10, $0x0;
	s5 =	simm.s32 @p3 $0x200  }
0x268: {  	v10 =	vld @p0 [tilespmem:s6+$0xFFFFFFF0];
	s10 =	sadd.s32 @p0 s5, s10  }
0x269: {  	[tilespmem:s2+$0x15C80] =	vst.msk @p2 vm13, v20;
	s2 =	smov.u32 @p0 s10  }
0x26a: {  	v12 =	vld @p0 [tilespmem:s6+$0x0];
	[tilespmem:s7+$0x15A00] =	vst.msk @p0 vm9, v27;
	p2 =	slt.s32 @p0 s2, $0x200  }
0x26b: {  	[tilespmem:s7+$0x15C80] =	vst.msk @p0 vm9, v19;
	p2 =	por !p2, !p0  }
0x26c: {  	v13 =	vld @p0 [tilespmem:s6+$0x10];
	s6 =	sadd.s32 @p0 $0x40, s6;
	[tilespmem:s8+$0x15A00] =	vst.msk @p0 vm10, v21;
	s2 =	simm.s32 @p2 $0x200  }
0x26d: {  	s3 =	smov.u32 @p0 s6;
	[tilespmem:s8+$0x15C80] =	vst.msk @p0 vm10, v10;
	s6 =	spop (v2sf);
	s4 =	smov.u32 @p0 s2  }
0x26e: {  	v10 =	vld [tilespmem:s3+$0xFFFFFFE0];
	[tilespmem:s9+$0x15A00] =	vst.msk @p0 vm11, v22;
	s2 =	sadd.s32 s4, s6  }
0x26f: {  	vm3 =	vmmov @p0 vm12;
	[tilespmem:s9+$0x15C80] =	vst.msk @p0 vm11, v12;
	p2 =	slt.s32 s2, $0x200  }
0x270: {  	vm9 =	vmmov vm15;
	v62 =	vld [tilespmem:s3+$0xFFFFFFF0];
	s26 =	spop (v2sf);
	[tilespmem:s5+$0x15A00] =	vst.msk @p0 vm3, v17;
	s2 =	simm.s32 @!p2 $0x200  }
0x271: {  	v12 =	vpsel p0, v13, v0;
	vm3 =	vmmov @p0 vm3;
	s6 =	smov.u32 @p0 s5;
	[tilespmem:s4+$0x15A00] =	vst.msk vm9, v18;
	s5 =	sadd.s32 s2, s26  }
0x272: {  	v63 =	vld [tilespmem:s3+$0x0];
	[tilespmem:s6+$0x15C80] =	vst.msk @p0 vm3, v12;
	p0 =	slt.s32 s5, $0x200  }
0x273: {  	s29 =	spop (v2sf);
	vm3 =	vmmov vm8;
	[tilespmem:s4+$0x15C80] =	vst.msk vm9, v10;
	s5 =	simm.s32 @!p0 $0x200  }
0x274: {  	v10 =	vld [tilespmem:s3+$0x10];
	[tilespmem:s2+$0x15A00] =	vst.msk vm3, v14;
	s4 =	sadd.s32 s5, s29  }
.Ltmp33:
0x275: {  	vm8 =	vmmov vm0;
	[tilespmem:s2+$0x15C80] =	vst.msk vm3, v62;
	p0 =	slt.s32 s4, $0x200;
	(pc) =	sbr.rel .LBB2_41-.Ltmp33, $4  }
0x276: {  	s30 =	spop (v2sf);
	[tilespmem:s5+$0x15A00] =	vst.msk vm8, v11;
	s4 =	simm.s32 @!p0 $0x200  }
0x277: {  	vm3 =	vmmov vm14;
	[tilespmem:s5+$0x15C80] =	vst.msk vm8, v63;
	s3 =	sadd.s32 s4, s30  }
0x278: {  	vm7 =	vcmask $0x1714;
	vm12 =	vcmask $0xF0C;
	vm15 =	vcmask $0x300;
	[tilespmem:s4+$0x15A00] =	vst.msk vm3, v16;
	p0 =	slt.s32 s3, $0x200  }
0x279: {  	vm10 =	vcmask $0x1F1C;
	vm0 =	vcmask $0x2724;
	vm14 =	vcmask $0x704;
	[tilespmem:s4+$0x15C80] =	vst.msk vm3, v10;
	s3 =	simm.s32 @!p0 $0x200  }
.LBB2_40:
0x27a: {  	s3 =	simm.s32 $0x0  }
.LBB2_41:
.Ltmp34:
0x27b: {  	(pc) =	sbr.rel @p1 .LBB2_44-.Ltmp34, $1  }
0x27c: {  	_ =	sdelay $0x3  }
0x27d: {  	s4 =	sshra.s32 s28, $0x2;
	s5 =	sshll.u32 s13, $0x4  }
0x27e: {  	s2 =	sadd.s32 $0x13900, s4;
	s4 =	sadd.s32 $0x14980, s4;
	s1 =	ssub.s32 s1, s5  }
.LBB2_43:
0x27f: {  	v10 =	vld [tilespmem:s2+$0x0];
	_ =	sdelay $0x4  }
0x280: {  	v11 =	vor.u32 s1, v3;
	v12 =	vshrl.u32 v10, $0x10  }
0x281: {  	vm3 =	vlt.s32 v11, v8;
	vm8 =	vge.s32 v12, v9  }
0x282: {  	vm3 =	vmand vm3, vm8  }
0x283: {  	v11 =	vmpcnt.ones.xlane vm3;
	_ =	sdelay $0x1  }
0x284: {  	(v2sf) =	vpush v11, $0x0;
	_ =	sdelay $0xa  }
0x285: {  	v11 =	vld [tilespmem:s4+$0x0];
	_ =	sdelay $0x3  }
0x286: {  	[tilespmem:s3+$0x15A00] =	vst.msk vm3, v10;
	s5 =	spop (v2sf)  }
0x287: {  	[tilespmem:s3+$0x15C80] =	vst.msk vm3, v11;
	s3 =	sadd.s32 s3, s5  }
0x288: {  	s31 =	sadd.s32 $0x1, s31;
	p0 =	slt.s32 s3, $0x200  }
0x289: {  	s3 =	simm.s32 @!p0 $0x200;
	p0 =	slt.s32 s31, s0  }
.Ltmp35:
0x28a: {  	_ = 	snop;
	(pc) =	sbr.rel @p0 .LBB2_43-.Ltmp35, $2  }
0x28b: {  	_ =	sdelay $0x2  }
0x28c: {  	s2 =	sadd.s32 $0x10, s2;
	s1 =	sadd.s32 $0x10, s1;
	s4 =	sadd.s32 $0x10, s4  }
.LBB2_44:
0x28d: {  	s0 =	sadd.s32 $0xF, s3  }
0x28e: {  	s1 =	sshra.s32 s0, $0x1F  }
0x28f: {  	s1 =	sshrl.u32 s1, $0x1C  }
0x290: {  	s0 =	sadd.s32 s1, s0  }
0x291: {  	s31 =	sshra.s32 s0, $0x4;
	s0 =	sshrl.u32 s0, $0x1F  }
0x292: {  	s0 =	sadd.s32 s0, s31  }
0x293: {  	s0 =	sand.u32 $0xFFFFFFFE, s0  }
0x294: {  	p0 =	slt.s32 s0, $0x1  }
.Ltmp36:
0x295: {  	_ = 	snop;
	(pc) =	sbr.rel @p0 .LBB2_76-.Ltmp36, $1  }
0x296: {  	_ =	sdelay $0x3  }
0x297: {  	s1 =	simm.s32 $0x15A10  }
0x298: {  	p5 =	sgt.s32 s0, $0x2;
	v12 =	vld [tilespmem:s1+$0x0]  }
.Ltmp37:
0x299: {  	_ = 	snop;
	(pc) =	sbr.rel @!p5 .LBB2_46-.Ltmp37, $3  }
0x29a: {  	_ =	sdelay $0x1  }
0x29b: {  	s5 =	simm.s32 $0x15A30;
	p0 =	por $0x0, $0x0;
	p1 =	por $0x0, $0x0  }
0x29c: {  	p2 =	por $0x0, $0x0;
	p3 =	por $0x0, $0x0;
	p4 =	por $0x0, $0x0;
	v9 =	vld [tilespmem:s1+$0xFFFFFFF0];
	vm8 =	vgt.s32 v12, $0xFFFFFFFF  }
0x29d: {  	_ =	sdelay $0x1  }
0x29e: {  	v8 =	vld [tilespmem:s5+$0x0];
	p5 =	sgt.s32 s0, $0x4  }
.Ltmp38:
0x29f: {  	_ = 	snop;
	(pc) =	sbr.rel @!p5 .LBB2_64-.Ltmp38, $4  }
0x2a0: {  	vm3 =	vgt.s32 v9, $0xFFFFFFFF  }
0x2a1: {  	v11 =	vsel vm8, $0xFFFFFFFF, v5;
	v10 =	vsel vm3, $0xFFFFFFFF, v5  }
0x2a2: {  	v12 =	vxor.u32 v12, v11;
	v10 =	vxor.u32 v9, v10  }
0x2a3: {  	s6 =	simm.s32 $0x15A50;
	p0 =	por $0x1, $0x1;
	vm8 =	vgt.s32 v8, $0xFFFFFFFF;
	v9 =	vld [tilespmem:s5+$0xFFFFFFF0];
	v11 =	vsub.f32 $0.0e+00, v10;
	v10 =	vsub.f32 $0.0e+00, v12  }
0x2a4: {  	_ =	sdelay $0x1  }
0x2a5: {  	v12 =	vld [tilespmem:s6+$0x0];
	p5 =	sgt.s32 s0, $0x6  }
.Ltmp39:
0x2a6: {  	v11 =	vmul.f32 $1.442695020e+00, v11;
	(pc) =	sbr.rel @!p5 .LBB2_66-.Ltmp39, $4  }
0x2a7: {  	v14 =	vmul.f32 $1.442695020e+00, v10;
	v10 =	vsel vm8, $0xFFFFFFFF, v5;
	vm3 =	vgt.s32 v9, $0xFFFFFFFF  }
0x2a8: {  	v8 =	vxor.u32 v8, v10;
	v13 =	vsel vm3, $0xFFFFFFFF, v5  }
0x2a9: {  	(erf) = vpow2.f32 v11;
	v10 =	vsub.f32 $0.0e+00, v8;
	v9 =	vxor.u32 v9, v13  }
0x2aa: {  	s7 =	simm.s32 $0x15A70;
	p1 =	por $0x1, $0x1;
	(erf) = vpow2.f32 v14;
	vm8 =	vgt.s32 v12, $0xFFFFFFFF;
	v11 =	vsub.f32 $0.0e+00, v9;
	v9 =	vld [tilespmem:s6+$0xFFFFFFF0]  }
0x2ab: {  	_ =	sdelay $0x1  }
0x2ac: {  	v8 =	vld [tilespmem:s7+$0x0];
	p5 =	sgt.s32 s0, $0x8  }
.Ltmp40:
0x2ad: {  	v14 =	vmul.f32 $1.442695020e+00, v10;
	(pc) =	sbr.rel @!p5 .LBB2_68-.Ltmp40, $4  }
0x2ae: {  	v10 =	vsel vm8, $0xFFFFFFFF, v5;
	v11 =	vmul.f32 $1.442695020e+00, v11;
	vm3 =	vgt.s32 v9, $0xFFFFFFFF  }
0x2af: {  	v10 =	vxor.u32 v12, v10;
	v13 =	vsel vm3, $0xFFFFFFFF, v5  }
0x2b0: {  	v10 =	vsub.f32 $0.0e+00, v10;
	(erf) = vpow2.f32 v11;
	v9 =	vxor.u32 v9, v13  }
0x2b1: {  	s10 =	simm.s32 $0x15A90;
	p2 =	por $0x1, $0x1;
	(erf) = vpow2.f32 v14;
	vm8 =	vgt.s32 v8, $0xFFFFFFFF;
	v11 =	vsub.f32 $0.0e+00, v9;
	v9 =	vld [tilespmem:s7+$0xFFFFFFF0];
	v12 =	vpop (erf)  }
0x2b2: {  	_ = 	snop  }
0x2b3: {  	v11 =	vmul.f32 $1.442695020e+00, v11  }
0x2b4: {  	v10 =	vmul.f32 $1.442695020e+00, v10;
	v13 =	vpop (erf)  }
0x2b5: {  	v13 =	vadd.f32 $1.000000000e+00, v13;
	(erf) = vpow2.f32 v11  }
0x2b6: {  	(erf) = vpow2.f32 v10  }
0x2b7: {  	v17 =	vld [tilespmem:s10+$0x0];
	p5 =	sgt.s32 s0, $0xA;
	(erf) = vrcp.f32 v13  }
.Ltmp41:
0x2b8: {  	vm3 =	vgt.s32 v9, $0xFFFFFFFF;
	(pc) =	sbr.rel @!p5 .LBB2_70-.Ltmp41, $4  }
0x2b9: {  	v15 =	vsel vm3, $0xFFFFFFFF, v5  }
0x2ba: {  	v16 =	vsel vm8, $0xFFFFFFFF, v5  }
0x2bb: {  	v14 =	vadd.f32 $1.000000000e+00, v12;
	v8 =	vxor.u32 v8, v16;
	v9 =	vxor.u32 v9, v15  }
0x2bc: {  	s4 =	simm.s32 $0x15AB0;
	p3 =	por $0x1, $0x1;
	v10 =	vsub.f32 $0.0e+00, v8;
	vm8 =	vgt.s32 v17, $0xFFFFFFFF;
	v11 =	vsub.f32 $0.0e+00, v9;
	v9 =	vld [tilespmem:s10+$0xFFFFFFF0];
	v15 =	vpop (erf)  }
0x2bd: {  	_ =	sdelay $0x3  }
0x2be: {  	(erf) = vrcp.f32 v14;
	v11 =	vmul.f32 $1.442695020e+00, v11;
	vm3 =	vgt.s32 v9, $0xFFFFFFFF  }
0x2bf: {  	v8 =	vld [tilespmem:s4+$0x0];
	v16 =	vpop (erf);
	v19 =	vsel vm8, $0xFFFFFFFF, v5;
	p5 =	sgt.s32 s0, $0xC;
	v10 =	vmul.f32 $1.442695020e+00, v10;
	v18 =	vsel vm3, $0xFFFFFFFF, v5  }
.Ltmp42:
0x2c0: {  	(erf) = vpow2.f32 v11;
	v9 =	vxor.u32 v9, v18;
	v18 =	vadd.f32 $1.000000000e+00, v16;
	(pc) =	sbr.rel @!p5 .LBB2_72-.Ltmp42, $4  }
0x2c1: {  	(erf) = vpow2.f32 v10;
	v16 =	vxor.u32 v17, v19;
	v11 =	vsub.f32 $0.0e+00, v9;
	v9 =	vld [tilespmem:s4+$0xFFFFFFF0]  }
0x2c2: {  	(erf) = vrcp.f32 v18  }
0x2c3: {  	s11 =	simm.s32 $0xC;
	s12 =	simm.s32 $0x15AD0;
	p4 =	por $0x1, $0x1  }
0x2c4: {  	v13 =	vadd.f32 $1.000000000e+00, v15;
	s8 =	simm.s32 $0x15A10;
	s2 =	simm.s32 $0x15A30;
	s9 =	simm.s32 $0x15A50;
	vm8 =	vgt.s32 v8, $0xFFFFFFFF;
	v10 =	vsub.f32 $0.0e+00, v16;
	v16 =	vpop (erf)  }
.LBB2_73:
0x2c5: {  	s11 =	sadd.s32 $0x2, s11  }
0x2c6: {  	v17 =	vld [tilespmem:s12+$0x0];
	v21 =	vmul.f32 $1.442695020e+00, v11;
	(erf) = vrcp.f32 v13;
	v18 =	vmov v9;
	s13 =	smov.u32 s4;
	s4 =	smov.u32 s12;
	p5 =	slt.s32 s11, s0  }
.Ltmp43:
0x2c7: {  	v19 =	vmul.f32 $1.442695020e+00, v10;
	v13 =	vadd.f32 $1.000000000e+00, v16;
	v9 =	vld [tilespmem:s12+$0xFFFFFFF0];
	vm3 =	vgt.s32 v18, $0xFFFFFFFF;
	v10 =	vpop (erf);
	(pc) =	sbr.rel @p5 .LBB2_73-.Ltmp43, $4  }
0x2c8: {  	v22 =	vsel vm8, $0xFFFFFFFF, v5;
	v16 =	vsel vm3, $0xFFFFFFFF, v5;
	(erf) = vpow2.f32 v21;
	v11 =	vpop (erf)  }
0x2c9: {  	v22 =	vxor.u32 v8, v22;
	v21 =	vxor.u32 v18, v16;
	v18 =	vadd.f32 $1.000000000e+00, v10;
	[tilespmem:s8+$0x0] =	vst v11;
	v20 =	vpop (erf)  }
0x2ca: {  	v10 =	vsub.f32 $0.0e+00, v22;
	v11 =	vsub.f32 $0.0e+00, v21;
	(erf) = vpow2.f32 v19;
	[tilespmem:s8+$0xFFFFFFF0] =	vst v20;
	s8 =	smov.u32 s2;
	s2 =	smov.u32 s9;
	s9 =	smov.u32 s7  }
0x2cb: {  	s12 =	sadd.s32 $0x20, s12;
	s7 =	smov.u32 s10;
	s10 =	smov.u32 s13;
	vm8 =	vgt.s32 v17, $0xFFFFFFFF;
	v16 =	vpop (erf);
	(erf) = vrcp.f32 v18;
	v8 =	vmov v17  }
0x2cc: {  	s11 =	smov.u32 s7;
	s7 =	smov.u32 s10  }
.LBB2_75:
0x2cd: {  	v11 =	vmul.f32 @p0 $1.442695020e+00, v11;
	(erf) = vrcp.f32 @p3 v13;
	vm3 =	vgt.s32 v9, $0xFFFFFFFF  }
0x2ce: {  	v10 =	vmul.f32 @p0 $1.442695020e+00, v10;
	v18 =	vsel vm8, $0xFFFFFFFF, v5;
	v60 =	vsel vm3, $0xFFFFFFFF, v5  }
0x2cf: {  	v13 =	vadd.f32 @p2 $1.000000000e+00, v16;
	v17 =	vpop @p2 (erf);
	v8 =	vxor.u32 v8, v18;
	v61 =	vxor.u32 v9, v60  }
0x2d0: {  	(erf) = vpow2.f32 @p0 v11;
	v11 =	vadd.f32 @p2 $1.000000000e+00, v17;
	v9 =	vsub.f32 $0.0e+00, v61  }
0x2d1: {  	v8 =	vsub.f32 $0.0e+00, v8  }
0x2d2: {  	(erf) = vpow2.f32 @p0 v10;
	v10 =	vpsel p2, v13, v14;
	v9 =	vmul.f32 $1.442695020e+00, v9  }
0x2d3: {  	(erf) = vrcp.f32 @p2 v11;
	v8 =	vmul.f32 $1.442695020e+00, v8  }
0x2d4: {  	v11 =	vpop @p4 (erf);
	(erf) = vrcp.f32 @p2 v10  }
0x2d5: {  	v10 =	vpop @p4 (erf);
	(erf) = vpow2.f32 v9  }
0x2d6: {  	v9 =	vpop @p1 (erf);
	(erf) = vpow2.f32 v8  }
0x2d7: {  	v8 =	vpop @p1 (erf)  }
0x2d8: {  	v13 =	vpop @p3 (erf)  }
0x2d9: {  	v14 =	vpop @p3 (erf)  }
0x2da: {  	v16 =	vpop @p0 (erf)  }
0x2db: {  	v9 =	vpsel p1, v9, v15;
	v8 =	vadd.f32 @p1 $1.000000000e+00, v8;
	v15 =	vpop @p0 (erf)  }
0x2dc: {  	v9 =	vadd.f32 @p1 $1.000000000e+00, v9;
	v17 =	vpop @p2 (erf)  }
0x2dd: {  	(erf) = vrcp.f32 @p1 v8;
	v8 =	vpsel p0, v16, v12;
	v12 =	vpop @p2 (erf)  }
0x2de: {  	v9 =	vpsel p1, v9, v0;
	v8 =	vadd.f32 @p0 $1.000000000e+00, v8;
	v15 =	vadd.f32 @p0 $1.000000000e+00, v15;
	v62 =	vpop (erf)  }
0x2df: {  	(erf) = vrcp.f32 @p1 v9;
	v63 =	vpop (erf)  }
0x2e0: {  	v8 =	vpsel p0, v8, v0;
	(erf) = vrcp.f32 @p0 v15;
	v9 =	vadd.f32 $1.000000000e+00, v63  }
0x2e1: {  	(erf) = vrcp.f32 @p0 v8;
	v8 =	vadd.f32 $1.000000000e+00, v62  }
0x2e2: {  	s10 =	smov.u32 s1;
	[tilespmem:s8+$0x0] =	vst @p4 v11;
	(erf) = vrcp.f32 v9  }
0x2e3: {  	s2 =	smov.u32 @p3 s2;
	s10 =	smov.u32 @p2 s9;
	[tilespmem:s8+$0xFFFFFFF0] =	vst @p4 v10;
	(erf) = vrcp.f32 v8  }
0x2e4: {  	s6 =	smov.u32 @p0 s7;
	s9 =	smov.u32 @p1 s11;
	s7 =	smov.u32 @p2 s10;
	[tilespmem:s2+$0x0] =	vst @p3 v13  }
0x2e5: {  	s5 =	smov.u32 @p1 s9;
	s7 =	smov.u32 @p2 s7;
	[tilespmem:s2+$0xFFFFFFF0] =	vst @p3 v14  }
0x2e6: {  	s2 =	smov.u32 @p1 s5;
	[tilespmem:s7+$0x0] =	vst @p2 v17  }
0x2e7: {  	s1 =	smov.u32 @p0 s6;
	s2 =	smov.u32 @p1 s2;
	[tilespmem:s7+$0xFFFFFFF0] =	vst @p2 v12;
	v8 =	vpop @p1 (erf)  }
0x2e8: {  	s1 =	smov.u32 @p0 s1;
	[tilespmem:s2+$0x0] =	vst @p1 v8;
	v8 =	vpop @p1 (erf)  }
0x2e9: {  	s1 =	smov.u32 @p0 s1;
	[tilespmem:s2+$0xFFFFFFF0] =	vst @p1 v8;
	v8 =	vpop @p0 (erf)  }
0x2ea: {  	[tilespmem:s1+$0x0] =	vst @p0 v8;
	v8 =	vpop @p0 (erf)  }
0x2eb: {  	[tilespmem:s1+$0xFFFFFFF0] =	vst @p0 v8;
	v8 =	vpop (erf)  }
0x2ec: {  	[tilespmem:s4+$0x0] =	vst v8;
	v8 =	vpop (erf)  }
0x2ed: {  	[tilespmem:s4+$0xFFFFFFF0] =	vst v8  }
.LBB2_76:
0x2ee: {  	s1 =	ssub.s32 s31, s0  }
0x2ef: {  	p0 =	slt.s32 s1, $0x1  }
0x2f0: {  	s0 =	sshll.u32 @!p0 s0, $0x6  }
0x2f1: {  	s0 =	sshra.s32 @!p0 s0, $0x2  }
0x2f2: {  	v8 =	vld @!p0 [tilespmem:s0+$0x15A00];
	_ =	sdelay $0x4  }
0x2f3: {  	v9 =	vimm.s32 @!p0 $0x80000000;
	vm3 =	vgt.s32 @!p0 v8, $0xFFFFFFFF  }
0x2f4: {  	v9 =	vsel @!p0 vm3, $0xFFFFFFFF, v9  }
0x2f5: {  	v8 =	vxor.u32 @!p0 v8, v9  }
0x2f6: {  	v8 =	vsub.f32 @!p0 $0.0e+00, v8;
	_ =	sdelay $0x1  }
0x2f7: {  	v8 =	vmul.f32 @!p0 $1.442695020e+00, v8;
	_ =	sdelay $0x1  }
0x2f8: {  	(erf) = vpow2.f32 @!p0 v8;
	_ =	sdelay $0x8  }
0x2f9: {  	v8 =	vpop @!p0 (erf)  }
0x2fa: {  	v8 =	vadd.f32 @!p0 $1.000000000e+00, v8;
	_ =	sdelay $0x1  }
0x2fb: {  	(erf) = vrcp.f32 @!p0 v8;
	_ =	sdelay $0x5  }
0x2fc: {  	p6 =	slt.s32 s3, $0x1  }
.Ltmp44:
0x2fd: {  	_ = 	snop;
	(pc) =	sbr.rel @p6 .LBB2_77-.Ltmp44, $4  }
0x2fe: {  	_ = 	snop  }
0x2ff: {  	v8 =	vpop @!p0 (erf)  }
0x300: {  	[tilespmem:s0+$0x15A00] =	vst @!p0 v8;
	p0 =	sgt.s32 s31, $0x1;
	s0 =	smov.u32 s31  }
0x301: {  	vm5 =	vcmask $0x2F2C;
	v8 =	vmov s3;
	s0 =	simm.s32 @!p0 $0x1  }
0x302: {  	s2 =	sshll.u32 s0, $0x4  }
0x303: {  	p0 =	seq.s32 s2, $0x10  }
.Ltmp45:
0x304: {  	_ = 	snop;
	(pc) =	sbr.rel @p0 .LBB2_113-.Ltmp45, $4  }
0x305: {  	s4 =	simm.s32 $0xFF;
	s1 =	simm.s32 $0x0;
	s5 =	simm.s32 $0x15A00  }
0x306: {  	s6 =	simm.s32 $0x10;
	p1 =	por $0x0, $0x0;
	v9 =	vld [tilespmem:s5+$0x0];
	s5 =	simm.s32 @!p6 $0x0  }
0x307: {  	p2 =	por $0x0, $0x0;
	p3 =	por $0x0, $0x0;
	s5 =	simm.s32 @p6 $0x1  }
0x308: {  	p4 =	por $0x0, $0x0;
	p5 =	por $0x0, $0x0;
	[smem:$0x7F4] =	sst s5  }
0x309: {  	p0 =	seq.s32 s2, $0x20  }
.Ltmp46:
0x30a: {  	_ = 	snop;
	(pc) =	sbr.rel @p0 .LBB2_115-.Ltmp46, $4  }
0x30b: {  	v10 =	vor.u32 s1, v3;
	v9 =	vshrl.u32 v9, $0x18  }
0x30c: {  	vm3 =	vlt.s32 v10, v8;
	v10 =	vor.u32 $0x80000000, v9  }
0x30d: {  	s5 =	simm.s32 $0x15A10;
	v11 =	vnsel vm3, $0x800000FF, v10  }
0x30e: {  	s7 =	simm.s32 $0x20;
	p1 =	por $0x1, $0x1;
	v9 =	vld [tilespmem:s5+$0x0];
	v10 =	vnsel vm3, $0x80000000, v10;
	(xrf0) =	vmin.scan.msk.u32 $0xffff, v11  }
0x30f: {  	_ =	sdelay $0x3  }
0x310: {  	v11 =	vor.u32 s6, v3;
	p0 =	seq.s32 s2, $0x30;
	v9 =	vshrl.u32 v9, $0x18  }
.Ltmp47:
0x311: {  	vm3 =	vlt.s32 v11, v8;
	v11 =	vor.u32 $0x80000000, v9;
	(pc) =	sbr.rel @p0 .LBB2_117-.Ltmp47, $3  }
0x312: {  	v12 =	vnsel vm3, $0x800000FF, v11;
	_ =	sdelay $0x1  }
0x313: {  	(xrf0) =	vmax.scan.msk.u32 $0xffff, v10;
	s30 =	simm.s32 $0x15A20  }
0x314: {  	s5 =	simm.s32 $0x30;
	p2 =	por $0x1, $0x1;
	v9 =	vld [tilespmem:s30+$0x0];
	v10 =	vnsel vm3, $0x80000000, v11;
	(xrf0) =	vmin.scan.msk.u32 $0xffff, v12;
	v12, _, _ =	vpop (xrf0)  }
0x315: {  	_ =	sdelay $0x3  }
0x316: {  	v11 =	vor.u32 s7, v3;
	p0 =	seq.s32 s2, $0x40;
	v9 =	vshrl.u32 v9, $0x18  }
.Ltmp48:
0x317: {  	vm3 =	vlt.s32 v11, v8;
	v11 =	vor.u32 $0x80000000, v9;
	(pc) =	sbr.rel @p0 .LBB2_119-.Ltmp48, $3  }
0x318: {  	(v2sf) =	vpush v12, $0xF;
	v12 =	vnsel vm3, $0x800000FF, v11;
	_ =	sdelay $0x1  }
0x319: {  	(xrf0) =	vmax.scan.msk.u32 $0xffff, v10;
	s30 =	simm.s32 $0x15A30;
	v9, _, _ =	vpop (xrf0)  }
0x31a: {  	s6 =	simm.s32 $0x40;
	p3 =	por $0x1, $0x1;
	v10 =	vnsel vm3, $0x80000000, v11;
	(xrf0) =	vmin.scan.msk.u32 $0xffff, v12;
	(v2sf) =	vpush v9, $0xF;
	v9 =	vld [tilespmem:s30+$0x0];
	v12, _, _ =	vpop (xrf0)  }
0x31b: {  	_ =	sdelay $0x3  }
0x31c: {  	v9 =	vshrl.u32 v9, $0x18;
	_ =	sdelay $0x1  }
0x31d: {  	v11 =	vor.u32 s5, v3  }
0x31e: {  	(v2sf) =	vpush v12, $0xF;
	vm3 =	vlt.s32 v11, v8;
	v11 =	vor.u32 $0x80000000, v9;
	v9, _, _ =	vpop (xrf0)  }
0x31f: {  	(v2sf) =	vpush v9, $0xF;
	_ =	sdelay $0x2  }
0x320: {  	p0 =	seq.s32 s2, $0x50  }
.Ltmp49:
0x321: {  	_ = 	snop;
	(pc) =	sbr.rel @p0 .LBB2_121-.Ltmp49, $3  }
0x322: {  	_ =	sdelay $0x1  }
0x323: {  	(xrf0) =	vmax.scan.msk.u32 $0xffff, v10;
	s30 =	simm.s32 $0x15A40;
	v63 =	vnsel vm3, $0x800000FF, v11  }
0x324: {  	s10 =	simm.s32 $0x50;
	p4 =	por $0x1, $0x1;
	v10 =	vnsel vm3, $0x80000000, v11;
	(xrf0) =	vmin.scan.msk.u32 $0xffff, v63;
	v9 =	vld [tilespmem:s30+$0x0];
	v11, _, _ =	vpop (xrf0)  }
0x325: {  	_ =	sdelay $0x3  }
0x326: {  	v9 =	vshrl.u32 v9, $0x18;
	_ =	sdelay $0x1  }
0x327: {  	v12 =	vor.u32 s6, v3  }
0x328: {  	(v2sf) =	vpush v11, $0xF;
	vm3 =	vlt.s32 v12, v8;
	v12 =	vor.u32 $0x80000000, v9;
	v9, _, _ =	vpop (xrf0)  }
0x329: {  	(v2sf) =	vpush v9, $0xF;
	_ =	sdelay $0x1  }
0x32a: {  	p0 =	seq.s32 s2, $0x60  }
.Ltmp50:
0x32b: {  	_ = 	snop;
	(pc) =	sbr.rel @p0 .LBB2_123-.Ltmp50, $4  }
0x32c: {  	s11 =	simm.s32 $0x60;
	(xrf0) =	vmax.scan.msk.u32 $0xffff, v10  }
0x32d: {  	s5 =	spop (v2sf);
	s6 =	simm.s32 $0x15A50;
	p5 =	por $0x1, $0x1  }
0x32e: {  	s7 =	simm.s32 $0x0;
	s9 =	sxor.u32 $0x80000000, s5;
	s30 =	spop (v2sf);
	v13 =	vnsel vm3, $0x800000FF, v12  }
0x32f: {  	s5 =	simm.s32 $0xFF;
	s8 =	sxor.u32 $0x80000000, s30;
	p6 =	sgt.s32 s9, $0xFF;
	v10 =	vnsel vm3, $0x80000000, v12;
	(xrf0) =	vmin.scan.msk.u32 $0xffff, v13;
	v9 =	vld [tilespmem:s6+$0x0];
	v12, _, _ =	vpop (xrf0)  }
.LBB2_124:
0x330: {  	s12 =	smov.u32 s7;
	s7 =	smov.u32 s5;
	s5 =	smov.u32 s9  }
0x331: {  	s9 =	smov.u32 s11;
	s11 =	sadd.s32 $0x10, s11;
	s5 =	smov.u32 @p6 s7  }
0x332: {  	(xrf0) =	vmax.scan.msk.u32 $0xffff, v10;
	(v2sf) =	vpush v12, $0xF;
	v10, _, _ =	vpop (xrf0);
	p6 =	sgt.s32 s12, s8;
	p0 =	seq.s32 s2, s11;
	s7 =	smov.u32 s8  }
.Ltmp51:
0x333: {  	(v2sf) =	vpush v10, $0xF;
	s7 =	smov.u32 @p6 s12;
	(pc) =	sbr.rel @!p0 .LBB2_124-.Ltmp51, $4  }
0x334: {  	s6 =	sadd.s32 $0x10, s6;
	v10 =	vor.u32 s10, v3;
	v12 =	vshrl.u32 v9, $0x18;
	s10 =	smov.u32 s9  }
0x335: {  	vm3 =	vlt.s32 v10, v8;
	v10 =	vor.u32 $0x80000000, v12;
	v9 =	vld [tilespmem:s6+$0x0];
	s8 =	spop (v2sf)  }
0x336: {  	v13 =	vnsel vm3, $0x800000FF, v10;
	v10 =	vnsel vm3, $0x80000000, v10;
	s9 =	sxor.u32 $0x80000000, s8;
	s8 =	spop (v2sf)  }
0x337: {  	(xrf0) =	vmin.scan.msk.u32 $0xffff, v13;
	v12, _, _ =	vpop (xrf0);
	s8 =	sxor.u32 $0x80000000, s8;
	p6 =	slt.s32 s5, s9  }
0x338: {  	s6 =	smov.u32 s10  }
.LBB2_126:
0x339: {  	(v2sf) =	vpush @p2 v12, $0xF;
	(xrf0) =	vmax.scan.msk.u32 @p1 $0xffff, v10;
	v10, _, _ =	vpop @p2 (xrf0)  }
0x33a: {  	p0 =	por !p6, !p5;
	(v2sf) =	vpush @p2 v10, $0xF;
	v10 =	vor.u32 s6, v3;
	v9 =	vshrl.u32 v9, $0x18  }
0x33b: {  	s2 =	spop @p4 (v2sf);
	s5 =	smov.u32 @p0 s9;
	vm3 =	vlt.s32 v10, v8;
	v9 =	vor.u32 $0x80000000, v9  }
0x33c: {  	p0 =	sgt.s32 @p5 s7, s8;
	s6 =	simm.s32 $0xFF;
	s2 =	sxor.u32 @p4 $0x80000000, s2;
	v10 =	vnsel vm3, $0x800000FF, v9;
	v9 =	vnsel vm3, $0x80000000, v9  }
0x33d: {  	p0 =	por !p0, !p5;
	s6 =	smov.u32 @p5 s5;
	s5 =	spop @p4 (v2sf);
	v12, _, _ =	vpop @p1 (xrf0);
	(xrf0) =	vmin.scan.msk.u32 $0xffff, v10  }
0x33e: {  	s7 =	smov.u32 @p0 s8;
	p0 =	slt.s32 @p4 s6, s2;
	s5 =	sxor.u32 @p4 $0x80000000, s5;
	v10 =	vpsel p1, v12, v11;
	(xrf0) =	vmax.scan.msk.u32 $0xffff, v9  }
0x33f: {  	s8 =	simm.s32 $0x0;
	s2 =	smov.u32 @p4 s2;
	p0 =	por @!p4 p0, p0;
	(v2sf) =	vpush @p1 v10, $0xF;
	v9, _, _ =	vpop @p1 (xrf0)  }
0x340: {  	s8 =	smov.u32 @p5 s7;
	s5 =	smov.u32 @p4 s5;
	p0 =	por !p0, !p4;
	(v2sf) =	vpush @p1 v9, $0xF  }
0x341: {  	s6 =	smov.u32 @p0 s2;
	p0 =	sgt.s32 @p4 s8, s5  }
0x342: {  	s7 =	simm.s32 $0xFF;
	p0 =	por !p0, !p4;
	s2 =	spop @p3 (v2sf)  }
0x343: {  	s7 =	smov.u32 @p4 s6;
	s6 =	simm.s32 $0x0;
	s2 =	sxor.u32 @p3 $0x80000000, s2;
	v9, _, _ =	vpop (xrf0)  }
0x344: {  	s8 =	smov.u32 @p0 s5;
	s5 =	spop @p3 (v2sf);
	p0 =	slt.s32 @p3 s7, s2;
	(v2sf) =	vpush v9, $0xF;
	v9, _, _ =	vpop (xrf0)  }
0x345: {  	s6 =	smov.u32 @p4 s8;
	s5 =	sxor.u32 @p3 $0x80000000, s5;
	p0 =	por @!p3 p0, p0;
	(v2sf) =	vpush v9, $0xF  }
0x346: {  	s2 =	smov.u32 @p3 s2;
	s5 =	smov.u32 @p3 s5;
	p0 =	por !p0, !p3  }
0x347: {  	s7 =	smov.u32 @p0 s2;
	p0 =	sgt.s32 @p3 s6, s5  }
0x348: {  	s8 =	simm.s32 $0xFF;
	p0 =	por !p0, !p3;
	s2 =	spop @p2 (v2sf)  }
0x349: {  	s8 =	smov.u32 @p3 s7;
	s7 =	simm.s32 $0x0;
	s2 =	sxor.u32 @p2 $0x80000000, s2  }
0x34a: {  	s6 =	smov.u32 @p0 s5;
	s5 =	spop @p2 (v2sf);
	p0 =	slt.s32 @p2 s8, s2  }
0x34b: {  	s7 =	smov.u32 @p3 s6;
	s5 =	sxor.u32 @p2 $0x80000000, s5;
	p0 =	por @!p2 p0, p0  }
0x34c: {  	s2 =	smov.u32 @p2 s2;
	s5 =	smov.u32 @p2 s5;
	p0 =	por !p0, !p2  }
0x34d: {  	s6 =	simm.s32 $0xFF;
	s8 =	smov.u32 @p0 s2;
	p0 =	sgt.s32 @p2 s7, s5  }
0x34e: {  	s2 =	spop @p1 (v2sf);
	p0 =	por !p0, !p2;
	s6 =	smov.u32 @p2 s8  }
0x34f: {  	s2 =	sxor.u32 @p1 $0x80000000, s2;
	s7 =	smov.u32 @p0 s5;
	s5 =	spop @p1 (v2sf)  }
0x350: {  	s8 =	simm.s32 $0x0;
	p0 =	slt.s32 @p1 s6, s2;
	s5 =	sxor.u32 @p1 $0x80000000, s5  }
0x351: {  	s8 =	smov.u32 @p2 s7;
	p0 =	por @!p1 p0, p0;
	s5 =	smov.u32 @p1 s5  }
0x352: {  	s2 =	smov.u32 @p1 s2;
	p0 =	por !p0, !p1;
	p2 =	sgt.s32 @p1 s8, s5  }
0x353: {  	s6 =	smov.u32 @p0 s2;
	p0 =	por !p2, !p1;
	s29 =	spop (v2sf)  }
0x354: {  	s8 =	smov.u32 @p0 s5;
	s2 =	sxor.u32 $0x80000000, s29;
	s30 =	spop (v2sf)  }
0x355: {  	s4 =	smov.u32 @p1 s6;
	s5 =	sxor.u32 $0x80000000, s30;
	s1 =	smov.u32 @p1 s8  }
0x356: {  	p0 =	slt.s32 s4, s2;
	p1 =	sgt.s32 s1, s5  }
0x357: {  	s2 =	smov.u32 @p0 s4;
	s5 =	smov.u32 @p1 s1  }
.Ltmp52:
0x358: {  	(pc) =	sbr.rel .LBB2_79-.Ltmp52, $2  }
0x359: {  	s1 =	sld [smem:$0x7F4];
	_ =	sdelay $0x2  }
0x35a: {  	p2 =	seq.s32 s2, s5;
	p6 =	seq.s32 s1, $0x1  }
.LBB2_77:
0x35b: {  	p2 =	por $0x0, $0x0  }
.LBB2_79:
0x35c: {  	[tilespmem:$0x13800] =	vst v0  }
0x35d: {  	[tilespmem:$0x13810] =	vst v0  }
0x35e: {  	[tilespmem:$0x13820] =	vst v0  }
0x35f: {  	[tilespmem:$0x13830] =	vst v0  }
0x360: {  	[tilespmem:$0x13840] =	vst v0  }
0x361: {  	[tilespmem:$0x13850] =	vst v0  }
0x362: {  	[tilespmem:$0x13860] =	vst v0  }
0x363: {  	[tilespmem:$0x13870] =	vst v0  }
0x364: {  	[tilespmem:$0x13880] =	vst v0  }
0x365: {  	[tilespmem:$0x13890] =	vst v0  }
0x366: {  	[tilespmem:$0x138A0] =	vst v0;
	p1 =	sgt.s32 s3, $0x0  }
.Ltmp53:
0x367: {  	[tilespmem:$0x138B0] =	vst v0;
	(pc) =	sbr.rel @!p1 .LBB2_83-.Ltmp53, $4  }
0x368: {  	[tilespmem:$0x138C0] =	vst v0  }
0x369: {  	[tilespmem:$0x138D0] =	vst v0  }
0x36a: {  	[tilespmem:$0x138E0] =	vst v0  }
0x36b: {  	[tilespmem:$0x138F0] =	vst v0  }
0x36c: {  	s1 =	simm.s32 $0x15A00  }
0x36d: {  	v9 =	vld [tilespmem:s1+$0x0];
	_ =	sdelay $0x2  }
0x36e: {  	s2 =	simm.s32 $0x0  }
0x36f: {  	v10 =	vor.u32 s2, v3  }
0x370: {  	vm3 =	vlt.s32 v10, v8;
	v9 =	vandn.u32 $0xFF, v9  }
0x371: {  	(xrf1) =	vunique.msk.u32 vm3, v9;
	_ =	sdelay $0xd  }
0x372: {  	s2 =	sshll.u32 s0, $0x4;
	v10 =	vld.idx.msk [tilespmem:v9+s14+$0x0], $0xffff;
	_, v11, vm8 =	vpop (xrf1)  }
0x373: {  	p0 =	sne.s32 s2, $0x10;
	vm8 =	vmand vm3, vm8  }
.Ltmp54:
0x374: {  	_ = 	snop;
	(pc) =	sbr.rel @!p0 .LBB2_82-.Ltmp54, $3  }
0x375: {  	_ =	sdelay $0x1  }
0x376: {  	v10 =	vadd.s32 v10, v1  }
0x377: {  	s3 =	simm.s32 $0x10;
	v10 =	vadd.s32 v11, v10  }
.LBB2_81:
0x378: {  	[tilespmem:v9+s14+$0x0] =	vst.idx.msk vm8, v10;
	s1 =	sadd.s32 $0x10, s1;
	s4 =	smov.u32 s3;
	s3 =	sadd.s32 $0x10, s3  }
0x379: {  	v9 =	vld [tilespmem:s1+$0x0];
	p3 =	sne.s32 s2, s3;
	_ =	sdelay $0x3  }
0x37a: {  	v10 =	vor.u32 s4, v3  }
0x37b: {  	vm3 =	vlt.s32 v10, v8;
	v9 =	vandn.u32 $0xFF, v9  }
0x37c: {  	(xrf1) =	vunique.msk.u32 vm3, v9;
	_ =	sdelay $0xc  }
0x37d: {  	v10 =	vld.idx.msk [tilespmem:v9+s14+$0x0], $0xffff  }
0x37e: {  	_, v11, vm8 =	vpop (xrf1)  }
0x37f: {  	vm8 =	vmand vm3, vm8  }
.Ltmp55:
0x380: {  	(pc) =	sbr.rel @p3 .LBB2_81-.Ltmp55, $3  }
0x381: {  	_ =	sdelay $0x1  }
0x382: {  	v10 =	vadd.s32 v10, v1  }
0x383: {  	v10 =	vadd.s32 v11, v10  }
.LBB2_82:
0x384: {  	_ =	sdelay $0x4  }
0x385: {  	[tilespmem:v9+s14+$0x0] =	vst.idx.msk vm8, v10;
	vm5 =	vcmask $0x2F2C  }
.LBB2_83:
0x386: {  	v9 =	vld [tilespmem:$0x13800]  }
0x387: {  	v10 =	vld [tilespmem:$0x13810]  }
0x388: {  	v11 =	vld [tilespmem:$0x13820]  }
0x389: {  	v12 =	vld [tilespmem:$0x13830]  }
0x38a: {  	v13 =	vld [tilespmem:$0x13840]  }
0x38b: {  	v14 =	vld [tilespmem:$0x13850];
	(xrf0) =	vadd.scan.msk.s32 $0xffff, v9  }
0x38c: {  	v15 =	vld [tilespmem:$0x13860];
	(xrf0) =	vadd.scan.msk.s32 $0xffff, v10  }
0x38d: {  	v16 =	vld [tilespmem:$0x13870];
	(xrf0) =	vadd.scan.msk.s32 $0xffff, v11  }
0x38e: {  	v17 =	vld [tilespmem:$0x13880];
	(xrf0) =	vadd.scan.msk.s32 $0xffff, v12  }
0x38f: {  	v18 =	vld [tilespmem:$0x13890];
	(xrf0) =	vadd.scan.msk.s32 $0xffff, v13  }
0x390: {  	v19 =	vld [tilespmem:$0x138A0];
	(xrf0) =	vadd.scan.msk.s32 $0xffff, v14  }
0x391: {  	v21 =	vld [tilespmem:$0x138B0];
	v20, _, _ =	vpop (xrf0);
	(xrf0) =	vadd.scan.msk.s32 $0xffff, v15  }
0x392: {  	v23 =	vld [tilespmem:$0x138C0];
	(v2sf) =	vpush v20, $0xF;
	v22, _, _ =	vpop (xrf0);
	(xrf0) =	vadd.scan.msk.s32 $0xffff, v16  }
0x393: {  	v25 =	vld [tilespmem:$0x138D0];
	(v2sf) =	vpush v22, $0xF;
	v24, _, _ =	vpop (xrf0);
	(xrf0) =	vadd.scan.msk.s32 $0xffff, v17  }
0x394: {  	v27 =	vld [tilespmem:$0x138E0];
	(v2sf) =	vpush v24, $0xF;
	v26, _, _ =	vpop (xrf0);
	(xrf0) =	vadd.scan.msk.s32 $0xffff, v18  }
0x395: {  	(v2sf) =	vpush v26, $0xF;
	v28, _, _ =	vpop (xrf0);
	(xrf0) =	vadd.scan.msk.s32 $0xffff, v19  }
0x396: {  	(v2sf) =	vpush v28, $0xF;
	v29, _, _ =	vpop (xrf0);
	(xrf0) =	vadd.scan.msk.s32 $0xffff, v21  }
0x397: {  	(v2sf) =	vpush v29, $0xF;
	v30, _, _ =	vpop (xrf0);
	(xrf0) =	vadd.scan.msk.s32 $0xffff, v23  }
0x398: {  	(v2sf) =	vpush v30, $0xF;
	v31, _, _ =	vpop (xrf0);
	(xrf0) =	vadd.scan.msk.s32 $0xffff, v25  }
0x399: {  	(v2sf) =	vpush v31, $0xF;
	v32, _, _ =	vpop (xrf0);
	(xrf0) =	vadd.scan.msk.s32 $0xffff, v27  }
0x39a: {  	v33, _, _ =	vpop (xrf0);
	(v2sf) =	vpush v32, $0xF  }
0x39b: {  	v34, _, _ =	vpop (xrf0);
	(v2sf) =	vpush v33, $0xF  }
0x39c: {  	v35, _, _ =	vpop (xrf0);
	(v2sf) =	vpush v34, $0xF  }
0x39d: {  	v36, _, _ =	vpop (xrf0);
	(v2sf) =	vpush v35, $0xF  }
0x39e: {  	v37, _, _ =	vpop (xrf0);
	(v2sf) =	vpush v36, $0xF  }
0x39f: {  	(v2sf) =	vpush v37, $0xF;
	v38, _, _ =	vpop (xrf0)  }
0x3a0: {  	v39 =	vbroadcast v20, $0xF;
	(v2sf) =	vpush v38, $0xF  }
0x3a1: {  	s1 =	spop (v2sf)  }
0x3a2: {  	v9 =	vsub.s32 v20, v9;
	v10 =	vsub.s32 v39, v10;
	s2 =	spop (v2sf)  }
0x3a3: {  	[tilespmem:$0x13800] =	vst v9;
	v9 =	vadd.s32 v22, v10;
	v10 =	vsub.s32 v24, v11;
	s1 =	sadd.s32 s1, s2;
	s12 =	spop (v2sf)  }
0x3a4: {  	v11 =	vld [tilespmem:$0x138F0];
	[tilespmem:$0x13810] =	vst v9;
	v9 =	vadd.s32 s1, v10;
	s1 =	sadd.s32 s1, s12;
	s13 =	spop (v2sf);
	v10 =	vsub.s32 v26, v12  }
0x3a5: {  	[tilespmem:$0x13820] =	vst v9;
	v9 =	vsub.s32 v28, v13;
	v10 =	vadd.s32 s1, v10;
	s1 =	sadd.s32 s1, s13;
	s19 =	spop (v2sf)  }
0x3a6: {  	[tilespmem:$0x13830] =	vst v10;
	v10 =	vsub.s32 v29, v14;
	v9 =	vadd.s32 s1, v9;
	s1 =	sadd.s32 s1, s19;
	s20 =	spop (v2sf)  }
0x3a7: {  	[tilespmem:$0x13840] =	vst v9;
	v9 =	vsub.s32 v30, v15;
	v10 =	vadd.s32 s1, v10;
	s1 =	sadd.s32 s1, s20;
	s21 =	spop (v2sf)  }
0x3a8: {  	[tilespmem:$0x13850] =	vst v10;
	v10 =	vsub.s32 v31, v16;
	v9 =	vadd.s32 s1, v9;
	s1 =	sadd.s32 s1, s21;
	s22 =	spop (v2sf)  }
0x3a9: {  	(xrf0) =	vadd.scan.msk.s32 $0xffff, v11;
	[tilespmem:$0x13860] =	vst v9;
	v9 =	vsub.s32 v32, v17;
	v10 =	vadd.s32 s1, v10;
	s1 =	sadd.s32 s1, s22;
	s23 =	spop (v2sf)  }
0x3aa: {  	[tilespmem:$0x13870] =	vst v10;
	v10 =	vsub.s32 v33, v18;
	v9 =	vadd.s32 s1, v9;
	s1 =	sadd.s32 s1, s23;
	s24 =	spop (v2sf)  }
0x3ab: {  	[tilespmem:$0x13880] =	vst v9;
	v9 =	vsub.s32 v34, v19;
	v10 =	vadd.s32 s1, v10;
	s1 =	sadd.s32 s1, s24;
	s25 =	spop (v2sf)  }
0x3ac: {  	[tilespmem:$0x13890] =	vst v10;
	v10 =	vsub.s32 v35, v21;
	v9 =	vadd.s32 s1, v9;
	s1 =	sadd.s32 s1, s25;
	s26 =	spop (v2sf)  }
0x3ad: {  	[tilespmem:$0x138A0] =	vst v9;
	v9 =	vsub.s32 v36, v23;
	v10 =	vadd.s32 s1, v10;
	s1 =	sadd.s32 s1, s26;
	s28 =	spop (v2sf)  }
.Ltmp56:
0x3ae: {  	[tilespmem:$0x138B0] =	vst v10;
	v10 =	vsub.s32 v37, v25;
	v9 =	vadd.s32 s1, v9;
	s1 =	sadd.s32 s1, s28;
	s29 =	spop (v2sf);
	(pc) =	sbr.rel @p6 .LBB2_87-.Ltmp56, $4  }
0x3af: {  	v63, _, _ =	vpop (xrf0);
	[tilespmem:$0x138C0] =	vst v9;
	v9 =	vadd.s32 s1, v10;
	s1 =	sadd.s32 s1, s29;
	v10 =	vsub.s32 v38, v27;
	s30 =	spop (v2sf)  }
0x3b0: {  	[tilespmem:$0x138D0] =	vst v9;
	v9 =	vadd.s32 s1, v10;
	s1 =	sadd.s32 s1, s30;
	v10 =	vsub.s32 v63, v11  }
0x3b1: {  	[tilespmem:$0x138E0] =	vst v9;
	v9 =	vadd.s32 s1, v10  }
0x3b2: {  	[tilespmem:$0x138F0] =	vst v9  }
0x3b3: {  	s2 =	simm.s32 $0x15A00  }
0x3b4: {  	v10 =	vld [tilespmem:s2+$0x0];
	_ =	sdelay $0x2  }
0x3b5: {  	s4 =	simm.s32 $0x0  }
0x3b6: {  	v9 =	vor.u32 s4, v3  }
0x3b7: {  	vm3 =	vlt.s32 v9, v8;
	v9 =	vandn.u32 $0xFF, v10  }
0x3b8: {  	(xrf1) =	vunique.msk.u32 vm3, v9;
	_ =	sdelay $0x8  }
0x3b9: {  	v11 =	vld.idx.msk [tilespmem:v9+s14+$0x0], $0xffff;
	_ =	sdelay $0x4  }
0x3ba: {  	v11 =	vadd.s32 v2, v11;
	_, v12, vm8 =	vpop (xrf1)  }
0x3bb: {  	s1 =	sshll.u32 s0, $0x4;
	s3 =	simm.s32 $0x15C80;
	v11 =	vadd.s32 v12, v11  }
0x3bc: {  	v63 =	vld [tilespmem:s3+$0x0];
	p0 =	seq.s32 s1, $0x10  }
.Ltmp57:
0x3bd: {  	vm8 =	vmand vm3, vm8;
	(pc) =	sbr.rel @p0 .LBB2_86-.Ltmp57, $3  }
0x3be: {  	_ =	sdelay $0x1  }
0x3bf: {  	[tilespmem:v11+s15+$0x0] =	vst.idx.msk vm3, v10  }
0x3c0: {  	s4 =	simm.s32 $0x10;
	v10 =	vadd.s32 $0x1, v11;
	[tilespmem:v11+s16+$0x0] =	vst.idx.msk vm3, v63  }
.LBB2_85:
0x3c1: {  	s2 =	sadd.s32 $0x10, s2  }
0x3c2: {  	[tilespmem:v9+s14+$0x0] =	vst.idx.msk vm8, v10;
	s3 =	sadd.s32 $0x10, s3;
	s5 =	smov.u32 s4;
	s4 =	sadd.s32 $0x10, s4  }
0x3c3: {  	v10 =	vld [tilespmem:s2+$0x0];
	p3 =	seq.s32 s1, s4;
	_ =	sdelay $0x3  }
0x3c4: {  	v9 =	vor.u32 s5, v3  }
0x3c5: {  	vm3 =	vlt.s32 v9, v8;
	v9 =	vandn.u32 $0xFF, v10  }
0x3c6: {  	(xrf1) =	vunique.msk.u32 vm3, v9;
	_ =	sdelay $0x7  }
0x3c7: {  	v11 =	vld.idx.msk [tilespmem:v9+s14+$0x0], $0xffff;
	_ =	sdelay $0x5  }
0x3c8: {  	v11 =	vadd.s32 v2, v11;
	_, v12, vm8 =	vpop (xrf1)  }
0x3c9: {  	v11 =	vadd.s32 v12, v11  }
0x3ca: {  	vm8 =	vmand vm3, vm8;
	v12 =	vld [tilespmem:s3+$0x0]  }
.Ltmp58:
0x3cb: {  	(pc) =	sbr.rel @!p3 .LBB2_85-.Ltmp58, $3  }
0x3cc: {  	_ =	sdelay $0x1  }
0x3cd: {  	[tilespmem:v11+s15+$0x0] =	vst.idx.msk vm3, v10  }
0x3ce: {  	v10 =	vadd.s32 $0x1, v11;
	[tilespmem:v11+s16+$0x0] =	vst.idx.msk vm3, v12  }
.LBB2_86:
0x3cf: {  	_ =	sdelay $0x4  }
0x3d0: {  	[tilespmem:v9+s14+$0x0] =	vst.idx.msk vm8, v10;
	vm5 =	vcmask $0x2F2C  }
.LBB2_87:
0x3d1: {  	[tilespmem:$0x13800] =	vst v0  }
0x3d2: {  	[tilespmem:$0x13810] =	vst v0  }
0x3d3: {  	[tilespmem:$0x13820] =	vst v0  }
0x3d4: {  	[tilespmem:$0x13830] =	vst v0  }
0x3d5: {  	[tilespmem:$0x13840] =	vst v0  }
0x3d6: {  	[tilespmem:$0x13850] =	vst v0  }
0x3d7: {  	[tilespmem:$0x13860] =	vst v0  }
0x3d8: {  	[tilespmem:$0x13870] =	vst v0  }
0x3d9: {  	[tilespmem:$0x13880] =	vst v0  }
0x3da: {  	[tilespmem:$0x13890] =	vst v0  }
0x3db: {  	[tilespmem:$0x138A0] =	vst v0  }
.Ltmp59:
0x3dc: {  	[tilespmem:$0x138B0] =	vst v0;
	(pc) =	sbr.rel @!p1 .LBB2_91-.Ltmp59, $4  }
0x3dd: {  	[tilespmem:$0x138C0] =	vst v0  }
0x3de: {  	[tilespmem:$0x138D0] =	vst v0  }
0x3df: {  	[tilespmem:$0x138E0] =	vst v0  }
0x3e0: {  	[tilespmem:$0x138F0] =	vst v0  }
0x3e1: {  	s1 =	simm.s32 $0x15F00  }
0x3e2: {  	v9 =	vld [tilespmem:s1+$0x0];
	_ =	sdelay $0x4  }
0x3e3: {  	s2 =	simm.s32 $0x0;
	v9 =	vxor.u32 $0xFFFFFFFF, v9  }
0x3e4: {  	v10 =	vor.u32 s2, v3;
	v9 =	vshrl.u32 v9, $0x8  }
0x3e5: {  	vm3 =	vlt.s32 v10, v8;
	v9 =	vand.u32 $0xFF, v9  }
0x3e6: {  	(xrf1) =	vunique.msk.u32 vm3, v9;
	_ =	sdelay $0xd  }
0x3e7: {  	s2 =	sshll.u32 s0, $0x4;
	v10 =	vld.idx.msk [tilespmem:v9+s14+$0x0], $0xffff;
	_, v11, vm8 =	vpop (xrf1)  }
0x3e8: {  	p0 =	sne.s32 s2, $0x10;
	vm8 =	vmand vm3, vm8  }
.Ltmp60:
0x3e9: {  	_ = 	snop;
	(pc) =	sbr.rel @!p0 .LBB2_90-.Ltmp60, $3  }
0x3ea: {  	_ =	sdelay $0x1  }
0x3eb: {  	v10 =	vadd.s32 v10, v1  }
0x3ec: {  	s3 =	simm.s32 $0x10;
	v10 =	vadd.s32 v11, v10  }
.LBB2_89:
0x3ed: {  	[tilespmem:v9+s14+$0x0] =	vst.idx.msk vm8, v10;
	s1 =	sadd.s32 $0x10, s1;
	s4 =	smov.u32 s3;
	s3 =	sadd.s32 $0x10, s3  }
0x3ee: {  	v9 =	vld [tilespmem:s1+$0x0];
	p3 =	sne.s32 s2, s3;
	_ =	sdelay $0x4  }
0x3ef: {  	v9 =	vxor.u32 $0xFFFFFFFF, v9  }
0x3f0: {  	v10 =	vor.u32 s4, v3;
	v9 =	vshrl.u32 v9, $0x8  }
0x3f1: {  	vm3 =	vlt.s32 v10, v8;
	v9 =	vand.u32 $0xFF, v9  }
0x3f2: {  	(xrf1) =	vunique.msk.u32 vm3, v9;
	_ =	sdelay $0xc  }
0x3f3: {  	v10 =	vld.idx.msk [tilespmem:v9+s14+$0x0], $0xffff  }
0x3f4: {  	_, v11, vm8 =	vpop (xrf1)  }
0x3f5: {  	vm8 =	vmand vm3, vm8  }
.Ltmp61:
0x3f6: {  	(pc) =	sbr.rel @p3 .LBB2_89-.Ltmp61, $3  }
0x3f7: {  	_ =	sdelay $0x1  }
0x3f8: {  	v10 =	vadd.s32 v10, v1  }
0x3f9: {  	v10 =	vadd.s32 v11, v10  }
.LBB2_90:
0x3fa: {  	_ =	sdelay $0x4  }
0x3fb: {  	[tilespmem:v9+s14+$0x0] =	vst.idx.msk vm8, v10;
	vm5 =	vcmask $0x2F2C  }
.LBB2_91:
0x3fc: {  	v9 =	vld [tilespmem:$0x13800]  }
0x3fd: {  	v10 =	vld [tilespmem:$0x13810]  }
0x3fe: {  	v11 =	vld [tilespmem:$0x13820]  }
0x3ff: {  	v12 =	vld [tilespmem:$0x13830]  }
0x400: {  	v13 =	vld [tilespmem:$0x13840]  }
0x401: {  	v14 =	vld [tilespmem:$0x13850];
	(xrf0) =	vadd.scan.msk.s32 $0xffff, v9  }
0x402: {  	v15 =	vld [tilespmem:$0x13860];
	(xrf0) =	vadd.scan.msk.s32 $0xffff, v10  }
0x403: {  	v16 =	vld [tilespmem:$0x13870];
	(xrf0) =	vadd.scan.msk.s32 $0xffff, v11  }
0x404: {  	v17 =	vld [tilespmem:$0x13880];
	(xrf0) =	vadd.scan.msk.s32 $0xffff, v12  }
0x405: {  	v18 =	vld [tilespmem:$0x13890];
	(xrf0) =	vadd.scan.msk.s32 $0xffff, v13  }
0x406: {  	v19 =	vld [tilespmem:$0x138A0];
	(xrf0) =	vadd.scan.msk.s32 $0xffff, v14  }
0x407: {  	v21 =	vld [tilespmem:$0x138B0];
	v20, _, _ =	vpop (xrf0);
	(xrf0) =	vadd.scan.msk.s32 $0xffff, v15  }
0x408: {  	v23 =	vld [tilespmem:$0x138C0];
	(v2sf) =	vpush v20, $0xF;
	v22, _, _ =	vpop (xrf0);
	(xrf0) =	vadd.scan.msk.s32 $0xffff, v16  }
0x409: {  	v25 =	vld [tilespmem:$0x138D0];
	(v2sf) =	vpush v22, $0xF;
	v24, _, _ =	vpop (xrf0);
	(xrf0) =	vadd.scan.msk.s32 $0xffff, v17  }
0x40a: {  	v27 =	vld [tilespmem:$0x138E0];
	(v2sf) =	vpush v24, $0xF;
	v26, _, _ =	vpop (xrf0);
	(xrf0) =	vadd.scan.msk.s32 $0xffff, v18  }
0x40b: {  	(v2sf) =	vpush v26, $0xF;
	v28, _, _ =	vpop (xrf0);
	(xrf0) =	vadd.scan.msk.s32 $0xffff, v19  }
0x40c: {  	(v2sf) =	vpush v28, $0xF;
	v29, _, _ =	vpop (xrf0);
	(xrf0) =	vadd.scan.msk.s32 $0xffff, v21  }
0x40d: {  	(v2sf) =	vpush v29, $0xF;
	v30, _, _ =	vpop (xrf0);
	(xrf0) =	vadd.scan.msk.s32 $0xffff, v23  }
0x40e: {  	(v2sf) =	vpush v30, $0xF;
	v31, _, _ =	vpop (xrf0);
	(xrf0) =	vadd.scan.msk.s32 $0xffff, v25  }
0x40f: {  	(v2sf) =	vpush v31, $0xF;
	v32, _, _ =	vpop (xrf0);
	(xrf0) =	vadd.scan.msk.s32 $0xffff, v27  }
0x410: {  	v33, _, _ =	vpop (xrf0);
	(v2sf) =	vpush v32, $0xF  }
0x411: {  	v34, _, _ =	vpop (xrf0);
	(v2sf) =	vpush v33, $0xF  }
0x412: {  	v35, _, _ =	vpop (xrf0);
	(v2sf) =	vpush v34, $0xF  }
0x413: {  	v36, _, _ =	vpop (xrf0);
	(v2sf) =	vpush v35, $0xF  }
0x414: {  	v37, _, _ =	vpop (xrf0);
	(v2sf) =	vpush v36, $0xF  }
0x415: {  	(v2sf) =	vpush v37, $0xF;
	v38, _, _ =	vpop (xrf0)  }
0x416: {  	v39 =	vbroadcast v20, $0xF;
	(v2sf) =	vpush v38, $0xF  }
0x417: {  	s1 =	spop (v2sf)  }
0x418: {  	v9 =	vsub.s32 v20, v9;
	v10 =	vsub.s32 v39, v10;
	s2 =	spop (v2sf)  }
0x419: {  	[tilespmem:$0x13800] =	vst v9;
	v9 =	vadd.s32 v22, v10;
	v10 =	vsub.s32 v24, v11;
	s1 =	sadd.s32 s1, s2;
	s12 =	spop (v2sf)  }
0x41a: {  	v11 =	vld [tilespmem:$0x138F0];
	[tilespmem:$0x13810] =	vst v9;
	v9 =	vadd.s32 s1, v10;
	s1 =	sadd.s32 s1, s12;
	s13 =	spop (v2sf);
	v10 =	vsub.s32 v26, v12  }
0x41b: {  	[tilespmem:$0x13820] =	vst v9;
	v9 =	vsub.s32 v28, v13;
	v10 =	vadd.s32 s1, v10;
	s1 =	sadd.s32 s1, s13;
	s19 =	spop (v2sf)  }
0x41c: {  	[tilespmem:$0x13830] =	vst v10;
	v10 =	vsub.s32 v29, v14;
	v9 =	vadd.s32 s1, v9;
	s1 =	sadd.s32 s1, s19;
	s20 =	spop (v2sf)  }
0x41d: {  	[tilespmem:$0x13840] =	vst v9;
	v9 =	vsub.s32 v30, v15;
	v10 =	vadd.s32 s1, v10;
	s1 =	sadd.s32 s1, s20;
	s21 =	spop (v2sf)  }
0x41e: {  	[tilespmem:$0x13850] =	vst v10;
	v10 =	vsub.s32 v31, v16;
	v9 =	vadd.s32 s1, v9;
	s1 =	sadd.s32 s1, s21;
	s22 =	spop (v2sf)  }
0x41f: {  	(xrf0) =	vadd.scan.msk.s32 $0xffff, v11;
	[tilespmem:$0x13860] =	vst v9;
	v9 =	vsub.s32 v32, v17;
	v10 =	vadd.s32 s1, v10;
	s1 =	sadd.s32 s1, s22;
	s23 =	spop (v2sf)  }
0x420: {  	[tilespmem:$0x13870] =	vst v10;
	v10 =	vsub.s32 v33, v18;
	v9 =	vadd.s32 s1, v9;
	s1 =	sadd.s32 s1, s23;
	s24 =	spop (v2sf)  }
0x421: {  	[tilespmem:$0x13880] =	vst v9;
	v9 =	vsub.s32 v34, v19;
	v10 =	vadd.s32 s1, v10;
	s1 =	sadd.s32 s1, s24;
	s25 =	spop (v2sf)  }
0x422: {  	[tilespmem:$0x13890] =	vst v10;
	v10 =	vsub.s32 v35, v21;
	v9 =	vadd.s32 s1, v9;
	s1 =	sadd.s32 s1, s25;
	s26 =	spop (v2sf)  }
0x423: {  	[tilespmem:$0x138A0] =	vst v9;
	v9 =	vsub.s32 v36, v23;
	v10 =	vadd.s32 s1, v10;
	s1 =	sadd.s32 s1, s26;
	s28 =	spop (v2sf)  }
.Ltmp62:
0x424: {  	[tilespmem:$0x138B0] =	vst v10;
	v10 =	vsub.s32 v37, v25;
	v9 =	vadd.s32 s1, v9;
	s1 =	sadd.s32 s1, s28;
	s29 =	spop (v2sf);
	(pc) =	sbr.rel @p6 .LBB2_95-.Ltmp62, $4  }
0x425: {  	v63, _, _ =	vpop (xrf0);
	[tilespmem:$0x138C0] =	vst v9;
	v9 =	vadd.s32 s1, v10;
	s1 =	sadd.s32 s1, s29;
	v10 =	vsub.s32 v38, v27;
	s30 =	spop (v2sf)  }
0x426: {  	[tilespmem:$0x138D0] =	vst v9;
	v9 =	vadd.s32 s1, v10;
	s1 =	sadd.s32 s1, s30;
	v10 =	vsub.s32 v63, v11  }
0x427: {  	[tilespmem:$0x138E0] =	vst v9;
	v9 =	vadd.s32 s1, v10  }
0x428: {  	[tilespmem:$0x138F0] =	vst v9  }
0x429: {  	s2 =	simm.s32 $0x15F00  }
0x42a: {  	v10 =	vld [tilespmem:s2+$0x0];
	_ =	sdelay $0x4  }
0x42b: {  	s4 =	simm.s32 $0x0;
	v9 =	vxor.u32 $0xFFFFFFFF, v10  }
0x42c: {  	v11 =	vor.u32 s4, v3;
	v9 =	vshrl.u32 v9, $0x8  }
0x42d: {  	vm3 =	vlt.s32 v11, v8;
	v9 =	vand.u32 $0xFF, v9  }
0x42e: {  	(xrf1) =	vunique.msk.u32 vm3, v9;
	_ =	sdelay $0x8  }
0x42f: {  	v11 =	vld.idx.msk [tilespmem:v9+s14+$0x0], $0xffff;
	_ =	sdelay $0x4  }
0x430: {  	v11 =	vadd.s32 v2, v11;
	_, v12, vm8 =	vpop (xrf1)  }
0x431: {  	s1 =	sshll.u32 s0, $0x4;
	s3 =	simm.s32 $0x16180;
	v11 =	vadd.s32 v12, v11  }
0x432: {  	v63 =	vld [tilespmem:s3+$0x0];
	p0 =	seq.s32 s1, $0x10  }
.Ltmp63:
0x433: {  	vm8 =	vmand vm3, vm8;
	(pc) =	sbr.rel @p0 .LBB2_94-.Ltmp63, $3  }
0x434: {  	_ =	sdelay $0x1  }
0x435: {  	[tilespmem:v11+s17+$0x0] =	vst.idx.msk vm3, v10  }
0x436: {  	s4 =	simm.s32 $0x10;
	v10 =	vadd.s32 $0x1, v11;
	[tilespmem:v11+s18+$0x0] =	vst.idx.msk vm3, v63  }
.LBB2_93:
0x437: {  	s2 =	sadd.s32 $0x10, s2  }
0x438: {  	[tilespmem:v9+s14+$0x0] =	vst.idx.msk vm8, v10;
	s3 =	sadd.s32 $0x10, s3;
	s5 =	smov.u32 s4;
	s4 =	sadd.s32 $0x10, s4  }
0x439: {  	v10 =	vld [tilespmem:s2+$0x0];
	p3 =	seq.s32 s1, s4;
	_ =	sdelay $0x4  }
0x43a: {  	v9 =	vxor.u32 $0xFFFFFFFF, v10  }
0x43b: {  	v11 =	vor.u32 s5, v3;
	v9 =	vshrl.u32 v9, $0x8  }
0x43c: {  	vm3 =	vlt.s32 v11, v8;
	v9 =	vand.u32 $0xFF, v9  }
0x43d: {  	(xrf1) =	vunique.msk.u32 vm3, v9;
	_ =	sdelay $0x7  }
0x43e: {  	v11 =	vld.idx.msk [tilespmem:v9+s14+$0x0], $0xffff;
	_ =	sdelay $0x5  }
0x43f: {  	v11 =	vadd.s32 v2, v11;
	_, v12, vm8 =	vpop (xrf1)  }
0x440: {  	v11 =	vadd.s32 v12, v11  }
0x441: {  	vm8 =	vmand vm3, vm8;
	v12 =	vld [tilespmem:s3+$0x0]  }
.Ltmp64:
0x442: {  	(pc) =	sbr.rel @!p3 .LBB2_93-.Ltmp64, $3  }
0x443: {  	_ =	sdelay $0x1  }
0x444: {  	[tilespmem:v11+s17+$0x0] =	vst.idx.msk vm3, v10  }
0x445: {  	v10 =	vadd.s32 $0x1, v11;
	[tilespmem:v11+s18+$0x0] =	vst.idx.msk vm3, v12  }
.LBB2_94:
0x446: {  	_ =	sdelay $0x4  }
0x447: {  	[tilespmem:v9+s14+$0x0] =	vst.idx.msk vm8, v10;
	vm5 =	vcmask $0x2F2C  }
.LBB2_95:
0x448: {  	[tilespmem:$0x13800] =	vst v0  }
0x449: {  	[tilespmem:$0x13810] =	vst v0  }
0x44a: {  	[tilespmem:$0x13820] =	vst v0  }
0x44b: {  	[tilespmem:$0x13830] =	vst v0  }
0x44c: {  	[tilespmem:$0x13840] =	vst v0  }
0x44d: {  	[tilespmem:$0x13850] =	vst v0  }
0x44e: {  	[tilespmem:$0x13860] =	vst v0  }
0x44f: {  	[tilespmem:$0x13870] =	vst v0  }
0x450: {  	[tilespmem:$0x13880] =	vst v0  }
0x451: {  	[tilespmem:$0x13890] =	vst v0  }
0x452: {  	[tilespmem:$0x138A0] =	vst v0  }
.Ltmp65:
0x453: {  	[tilespmem:$0x138B0] =	vst v0;
	(pc) =	sbr.rel @!p1 .LBB2_99-.Ltmp65, $4  }
0x454: {  	[tilespmem:$0x138C0] =	vst v0  }
0x455: {  	[tilespmem:$0x138D0] =	vst v0  }
0x456: {  	[tilespmem:$0x138E0] =	vst v0  }
0x457: {  	[tilespmem:$0x138F0] =	vst v0  }
0x458: {  	s1 =	simm.s32 $0x15A00  }
0x459: {  	v9 =	vld [tilespmem:s1+$0x0];
	_ =	sdelay $0x4  }
0x45a: {  	s2 =	simm.s32 $0x0;
	v9 =	vxor.u32 $0xFFFFFFFF, v9  }
0x45b: {  	v10 =	vor.u32 s2, v3;
	v9 =	vshrl.u32 v9, $0x10  }
0x45c: {  	vm3 =	vlt.s32 v10, v8;
	v9 =	vand.u32 $0xFF, v9  }
0x45d: {  	(xrf1) =	vunique.msk.u32 vm3, v9;
	_ =	sdelay $0xd  }
0x45e: {  	s2 =	sshll.u32 s0, $0x4;
	v10 =	vld.idx.msk [tilespmem:v9+s14+$0x0], $0xffff;
	_, v11, vm8 =	vpop (xrf1)  }
0x45f: {  	p0 =	sne.s32 s2, $0x10;
	vm8 =	vmand vm3, vm8  }
.Ltmp66:
0x460: {  	_ = 	snop;
	(pc) =	sbr.rel @!p0 .LBB2_98-.Ltmp66, $3  }
0x461: {  	_ =	sdelay $0x1  }
0x462: {  	v10 =	vadd.s32 v10, v1  }
0x463: {  	s3 =	simm.s32 $0x10;
	v10 =	vadd.s32 v11, v10  }
.LBB2_97:
0x464: {  	[tilespmem:v9+s14+$0x0] =	vst.idx.msk vm8, v10;
	s1 =	sadd.s32 $0x10, s1;
	s4 =	smov.u32 s3;
	s3 =	sadd.s32 $0x10, s3  }
0x465: {  	v9 =	vld [tilespmem:s1+$0x0];
	p3 =	sne.s32 s2, s3;
	_ =	sdelay $0x4  }
0x466: {  	v9 =	vxor.u32 $0xFFFFFFFF, v9  }
0x467: {  	v10 =	vor.u32 s4, v3;
	v9 =	vshrl.u32 v9, $0x10  }
0x468: {  	vm3 =	vlt.s32 v10, v8;
	v9 =	vand.u32 $0xFF, v9  }
0x469: {  	(xrf1) =	vunique.msk.u32 vm3, v9;
	_ =	sdelay $0xc  }
0x46a: {  	v10 =	vld.idx.msk [tilespmem:v9+s14+$0x0], $0xffff  }
0x46b: {  	_, v11, vm8 =	vpop (xrf1)  }
0x46c: {  	vm8 =	vmand vm3, vm8  }
.Ltmp67:
0x46d: {  	(pc) =	sbr.rel @p3 .LBB2_97-.Ltmp67, $3  }
0x46e: {  	_ =	sdelay $0x1  }
0x46f: {  	v10 =	vadd.s32 v10, v1  }
0x470: {  	v10 =	vadd.s32 v11, v10  }
.LBB2_98:
0x471: {  	_ =	sdelay $0x4  }
0x472: {  	[tilespmem:v9+s14+$0x0] =	vst.idx.msk vm8, v10;
	vm5 =	vcmask $0x2F2C  }
.LBB2_99:
0x473: {  	v9 =	vld [tilespmem:$0x13800]  }
0x474: {  	v10 =	vld [tilespmem:$0x13810]  }
0x475: {  	v11 =	vld [tilespmem:$0x13820]  }
0x476: {  	v12 =	vld [tilespmem:$0x13830]  }
0x477: {  	v13 =	vld [tilespmem:$0x13840]  }
0x478: {  	v14 =	vld [tilespmem:$0x13850];
	(xrf0) =	vadd.scan.msk.s32 $0xffff, v9  }
0x479: {  	v15 =	vld [tilespmem:$0x13860];
	(xrf0) =	vadd.scan.msk.s32 $0xffff, v10  }
0x47a: {  	v16 =	vld [tilespmem:$0x13870];
	(xrf0) =	vadd.scan.msk.s32 $0xffff, v11  }
0x47b: {  	v17 =	vld [tilespmem:$0x13880];
	(xrf0) =	vadd.scan.msk.s32 $0xffff, v12  }
0x47c: {  	v18 =	vld [tilespmem:$0x13890];
	(xrf0) =	vadd.scan.msk.s32 $0xffff, v13  }
0x47d: {  	v19 =	vld [tilespmem:$0x138A0];
	(xrf0) =	vadd.scan.msk.s32 $0xffff, v14  }
0x47e: {  	v21 =	vld [tilespmem:$0x138B0];
	v20, _, _ =	vpop (xrf0);
	(xrf0) =	vadd.scan.msk.s32 $0xffff, v15  }
0x47f: {  	v23 =	vld [tilespmem:$0x138C0];
	(v2sf) =	vpush v20, $0xF;
	v22, _, _ =	vpop (xrf0);
	(xrf0) =	vadd.scan.msk.s32 $0xffff, v16  }
0x480: {  	v25 =	vld [tilespmem:$0x138D0];
	(v2sf) =	vpush v22, $0xF;
	v24, _, _ =	vpop (xrf0);
	(xrf0) =	vadd.scan.msk.s32 $0xffff, v17  }
0x481: {  	v27 =	vld [tilespmem:$0x138E0];
	(v2sf) =	vpush v24, $0xF;
	v26, _, _ =	vpop (xrf0);
	(xrf0) =	vadd.scan.msk.s32 $0xffff, v18  }
0x482: {  	(v2sf) =	vpush v26, $0xF;
	v28, _, _ =	vpop (xrf0);
	(xrf0) =	vadd.scan.msk.s32 $0xffff, v19  }
0x483: {  	(v2sf) =	vpush v28, $0xF;
	v29, _, _ =	vpop (xrf0);
	(xrf0) =	vadd.scan.msk.s32 $0xffff, v21  }
0x484: {  	(v2sf) =	vpush v29, $0xF;
	v30, _, _ =	vpop (xrf0);
	(xrf0) =	vadd.scan.msk.s32 $0xffff, v23  }
0x485: {  	(v2sf) =	vpush v30, $0xF;
	v31, _, _ =	vpop (xrf0);
	(xrf0) =	vadd.scan.msk.s32 $0xffff, v25  }
0x486: {  	(v2sf) =	vpush v31, $0xF;
	v32, _, _ =	vpop (xrf0);
	(xrf0) =	vadd.scan.msk.s32 $0xffff, v27  }
0x487: {  	v33, _, _ =	vpop (xrf0);
	(v2sf) =	vpush v32, $0xF  }
0x488: {  	v34, _, _ =	vpop (xrf0);
	(v2sf) =	vpush v33, $0xF  }
0x489: {  	v35, _, _ =	vpop (xrf0);
	(v2sf) =	vpush v34, $0xF  }
0x48a: {  	v36, _, _ =	vpop (xrf0);
	(v2sf) =	vpush v35, $0xF  }
0x48b: {  	v37, _, _ =	vpop (xrf0);
	(v2sf) =	vpush v36, $0xF  }
0x48c: {  	(v2sf) =	vpush v37, $0xF;
	v38, _, _ =	vpop (xrf0)  }
0x48d: {  	v39 =	vbroadcast v20, $0xF;
	(v2sf) =	vpush v38, $0xF  }
0x48e: {  	s1 =	spop (v2sf)  }
0x48f: {  	v9 =	vsub.s32 v20, v9;
	v10 =	vsub.s32 v39, v10;
	s2 =	spop (v2sf)  }
0x490: {  	[tilespmem:$0x13800] =	vst v9;
	v9 =	vadd.s32 v22, v10;
	v10 =	vsub.s32 v24, v11;
	s1 =	sadd.s32 s1, s2;
	s12 =	spop (v2sf)  }
0x491: {  	v11 =	vld [tilespmem:$0x138F0];
	[tilespmem:$0x13810] =	vst v9;
	v9 =	vadd.s32 s1, v10;
	s1 =	sadd.s32 s1, s12;
	s13 =	spop (v2sf);
	v10 =	vsub.s32 v26, v12  }
0x492: {  	[tilespmem:$0x13820] =	vst v9;
	v9 =	vsub.s32 v28, v13;
	v10 =	vadd.s32 s1, v10;
	s1 =	sadd.s32 s1, s13;
	s19 =	spop (v2sf)  }
0x493: {  	[tilespmem:$0x13830] =	vst v10;
	v10 =	vsub.s32 v29, v14;
	v9 =	vadd.s32 s1, v9;
	s1 =	sadd.s32 s1, s19;
	s20 =	spop (v2sf)  }
0x494: {  	[tilespmem:$0x13840] =	vst v9;
	v9 =	vsub.s32 v30, v15;
	v10 =	vadd.s32 s1, v10;
	s1 =	sadd.s32 s1, s20;
	s21 =	spop (v2sf)  }
0x495: {  	[tilespmem:$0x13850] =	vst v10;
	v10 =	vsub.s32 v31, v16;
	v9 =	vadd.s32 s1, v9;
	s1 =	sadd.s32 s1, s21;
	s22 =	spop (v2sf)  }
0x496: {  	(xrf0) =	vadd.scan.msk.s32 $0xffff, v11;
	[tilespmem:$0x13860] =	vst v9;
	v9 =	vsub.s32 v32, v17;
	v10 =	vadd.s32 s1, v10;
	s1 =	sadd.s32 s1, s22;
	s23 =	spop (v2sf)  }
0x497: {  	[tilespmem:$0x13870] =	vst v10;
	v10 =	vsub.s32 v33, v18;
	v9 =	vadd.s32 s1, v9;
	s1 =	sadd.s32 s1, s23;
	s24 =	spop (v2sf)  }
0x498: {  	[tilespmem:$0x13880] =	vst v9;
	v9 =	vsub.s32 v34, v19;
	v10 =	vadd.s32 s1, v10;
	s1 =	sadd.s32 s1, s24;
	s25 =	spop (v2sf)  }
0x499: {  	[tilespmem:$0x13890] =	vst v10;
	v10 =	vsub.s32 v35, v21;
	v9 =	vadd.s32 s1, v9;
	s1 =	sadd.s32 s1, s25;
	s26 =	spop (v2sf)  }
0x49a: {  	[tilespmem:$0x138A0] =	vst v9;
	v9 =	vsub.s32 v36, v23;
	v10 =	vadd.s32 s1, v10;
	s1 =	sadd.s32 s1, s26;
	s28 =	spop (v2sf)  }
.Ltmp68:
0x49b: {  	[tilespmem:$0x138B0] =	vst v10;
	v10 =	vsub.s32 v37, v25;
	v9 =	vadd.s32 s1, v9;
	s1 =	sadd.s32 s1, s28;
	s29 =	spop (v2sf);
	(pc) =	sbr.rel @p6 .LBB2_103-.Ltmp68, $4  }
0x49c: {  	v63, _, _ =	vpop (xrf0);
	[tilespmem:$0x138C0] =	vst v9;
	v9 =	vadd.s32 s1, v10;
	s1 =	sadd.s32 s1, s29;
	v10 =	vsub.s32 v38, v27;
	s30 =	spop (v2sf)  }
0x49d: {  	[tilespmem:$0x138D0] =	vst v9;
	v9 =	vadd.s32 s1, v10;
	s1 =	sadd.s32 s1, s30;
	v10 =	vsub.s32 v63, v11  }
0x49e: {  	[tilespmem:$0x138E0] =	vst v9;
	v9 =	vadd.s32 s1, v10  }
0x49f: {  	[tilespmem:$0x138F0] =	vst v9  }
0x4a0: {  	s1 =	simm.s32 $0x15A00  }
0x4a1: {  	v10 =	vld [tilespmem:s1+$0x0];
	_ =	sdelay $0x4  }
0x4a2: {  	s2 =	simm.s32 $0x0;
	v9 =	vxor.u32 $0xFFFFFFFF, v10  }
0x4a3: {  	v11 =	vor.u32 s2, v3;
	v9 =	vshrl.u32 v9, $0x10  }
0x4a4: {  	vm3 =	vlt.s32 v11, v8;
	v9 =	vand.u32 $0xFF, v9  }
0x4a5: {  	(xrf1) =	vunique.msk.u32 vm3, v9;
	_ =	sdelay $0x8  }
0x4a6: {  	v11 =	vld.idx.msk [tilespmem:v9+s14+$0x0], $0xffff;
	_ =	sdelay $0x4  }
0x4a7: {  	v11 =	vadd.s32 v2, v11;
	_, v12, vm8 =	vpop (xrf1)  }
0x4a8: {  	s3 =	sshll.u32 s0, $0x4;
	s2 =	simm.s32 $0x15C80;
	v11 =	vadd.s32 v12, v11  }
0x4a9: {  	p0 =	sne.s32 s3, $0x10;
	v63 =	vld [tilespmem:s2+$0x0]  }
.Ltmp69:
0x4aa: {  	vm8 =	vmand vm3, vm8;
	(pc) =	sbr.rel @!p0 .LBB2_102-.Ltmp69, $3  }
0x4ab: {  	_ =	sdelay $0x1  }
0x4ac: {  	[tilespmem:v11+s15+$0x0] =	vst.idx.msk vm3, v10  }
0x4ad: {  	s4 =	simm.s32 $0x10;
	v10 =	vadd.s32 $0x1, v11;
	[tilespmem:v11+s16+$0x0] =	vst.idx.msk vm3, v63  }
.LBB2_101:
0x4ae: {  	s1 =	sadd.s32 $0x10, s1  }
0x4af: {  	[tilespmem:v9+s14+$0x0] =	vst.idx.msk vm8, v10;
	s2 =	sadd.s32 $0x10, s2;
	s5 =	smov.u32 s4;
	s4 =	sadd.s32 $0x10, s4  }
0x4b0: {  	v10 =	vld [tilespmem:s1+$0x0];
	p3 =	sne.s32 s3, s4;
	_ =	sdelay $0x4  }
0x4b1: {  	v9 =	vxor.u32 $0xFFFFFFFF, v10  }
0x4b2: {  	v11 =	vor.u32 s5, v3;
	v9 =	vshrl.u32 v9, $0x10  }
0x4b3: {  	vm3 =	vlt.s32 v11, v8;
	v9 =	vand.u32 $0xFF, v9  }
0x4b4: {  	(xrf1) =	vunique.msk.u32 vm3, v9;
	_ =	sdelay $0x7  }
0x4b5: {  	v11 =	vld.idx.msk [tilespmem:v9+s14+$0x0], $0xffff;
	_ =	sdelay $0x5  }
0x4b6: {  	v11 =	vadd.s32 v2, v11;
	_, v12, vm8 =	vpop (xrf1)  }
0x4b7: {  	v11 =	vadd.s32 v12, v11  }
0x4b8: {  	vm8 =	vmand vm3, vm8;
	v12 =	vld [tilespmem:s2+$0x0]  }
.Ltmp70:
0x4b9: {  	(pc) =	sbr.rel @p3 .LBB2_101-.Ltmp70, $3  }
0x4ba: {  	_ =	sdelay $0x1  }
0x4bb: {  	[tilespmem:v11+s15+$0x0] =	vst.idx.msk vm3, v10  }
0x4bc: {  	v10 =	vadd.s32 $0x1, v11;
	[tilespmem:v11+s16+$0x0] =	vst.idx.msk vm3, v12  }
.LBB2_102:
0x4bd: {  	_ =	sdelay $0x4  }
0x4be: {  	[tilespmem:v9+s14+$0x0] =	vst.idx.msk vm8, v10;
	vm5 =	vcmask $0x2F2C  }
.LBB2_103:
.Ltmp71:
0x4bf: {  	(pc) =	sbr.rel @!p2 .LBB2_104-.Ltmp71, $1  }
0x4c0: {  	_ =	sdelay $0x3  }
0x4c1: {  	s0 =	sshrl.u32 s31, $0x1E  }
0x4c2: {  	s0 =	sadd.s32 s0, s31  }
0x4c3: {  	s0 =	sand.u32 $0xFFFFFFFC, s0  }
0x4c4: {  	p0 =	slt.s32 s0, $0x1  }
.Ltmp72:
0x4c5: {  	_ = 	snop;
	(pc) =	sbr.rel @p0 .LBB2_130-.Ltmp72, $1  }
0x4c6: {  	_ =	sdelay $0x3  }
0x4c7: {  	s4 =	simm.s32 $0x15F20  }
0x4c8: {  	v9 =	vld [tilespmem:s4+$0x10]  }
0x4c9: {  	v10 =	vld [tilespmem:s4+$0xFFFFFFF0]  }
0x4ca: {  	p1 =	sgt.s32 s0, $0x4;
	v11 =	vld [tilespmem:s4+$0x0]  }
.Ltmp73:
0x4cb: {  	_ = 	snop;
	(pc) =	sbr.rel @!p1 .LBB2_129-.Ltmp73, $4  }
0x4cc: {  	s3 =	simm.s32 $0x15A20  }
0x4cd: {  	s2 =	simm.s32 $0x161A0;
	v8 =	vld [tilespmem:s4+$0xFFFFFFE0];
	[tilespmem:s3+$0x10] =	vst v9  }
0x4ce: {  	[tilespmem:s3+$0xFFFFFFF0] =	vst v10;
	v10 =	vld [tilespmem:s2+$0x10]  }
0x4cf: {  	s1 =	simm.s32 $0x15CA0;
	p0 =	por $0x0, $0x0;
	s4 =	simm.s32 $0x15F60;
	[tilespmem:s3+$0x0] =	vst v11;
	v9 =	vld [tilespmem:s2+$0xFFFFFFF0]  }
0x4d0: {  	v13 =	vld [tilespmem:s4+$0x10]  }
0x4d1: {  	v14 =	vld [tilespmem:s4+$0xFFFFFFF0]  }
0x4d2: {  	v15 =	vld [tilespmem:s4+$0x0];
	p1 =	sgt.s32 s0, $0x8;
	[tilespmem:s3+$0xFFFFFFE0] =	vst v8  }
.Ltmp74:
0x4d3: {  	v8 =	vld [tilespmem:s4+$0xFFFFFFE0];
	[tilespmem:s1+$0x10] =	vst v10;
	(pc) =	sbr.rel @!p1 .LBB2_139-.Ltmp74, $4  }
0x4d4: {  	s3 =	simm.s32 $0x15A60;
	v11 =	vld [tilespmem:s2+$0xFFFFFFE0];
	[tilespmem:s1+$0xFFFFFFF0] =	vst v9  }
0x4d5: {  	v12 =	vld [tilespmem:s2+$0x0];
	s2 =	simm.s32 $0x161E0;
	[tilespmem:s3+$0x10] =	vst v13  }
0x4d6: {  	s5 =	simm.s32 $0x8;
	[tilespmem:s3+$0xFFFFFFF0] =	vst v14;
	v10 =	vld [tilespmem:s2+$0x10]  }
0x4d7: {  	s6 =	simm.s32 $0x15FA0;
	p0 =	por $0x1, $0x1;
	s4 =	simm.s32 $0x15CA0;
	[tilespmem:s3+$0x0] =	vst v15;
	v9 =	vld [tilespmem:s2+$0xFFFFFFF0]  }
.LBB2_140:
0x4d8: {  	v13 =	vld [tilespmem:s6+$0x10];
	s5 =	sadd.s32 $0x4, s5;
	[tilespmem:s3+$0xFFFFFFE0] =	vst v8  }
0x4d9: {  	v14 =	vld [tilespmem:s6+$0xFFFFFFF0];
	p1 =	slt.s32 s5, s0;
	[tilespmem:s4+$0xFFFFFFE0] =	vst v11  }
0x4da: {  	v15 =	vld [tilespmem:s6+$0x0];
	[tilespmem:s4+$0x0] =	vst v12;
	s4 =	sadd.s32 $0x40, s4  }
.Ltmp75:
0x4db: {  	v8 =	vld [tilespmem:s6+$0xFFFFFFE0];
	[tilespmem:s4+$0x10] =	vst v10;
	(pc) =	sbr.rel @p1 .LBB2_140-.Ltmp75, $4  }
0x4dc: {  	s3 =	sadd.s32 $0x40, s3;
	v11 =	vld [tilespmem:s2+$0xFFFFFFE0];
	[tilespmem:s4+$0xFFFFFFF0] =	vst v9  }
0x4dd: {  	[tilespmem:s3+$0x10] =	vst v13;
	v12 =	vld [tilespmem:s2+$0x0];
	s2 =	sadd.s32 $0x40, s2  }
0x4de: {  	[tilespmem:s3+$0xFFFFFFF0] =	vst v14;
	v10 =	vld [tilespmem:s2+$0x10]  }
0x4df: {  	s6 =	sadd.s32 $0x40, s6;
	v9 =	vld [tilespmem:s2+$0xFFFFFFF0];
	[tilespmem:s3+$0x0] =	vst v15  }
.LBB2_141:
0x4e0: {  	[tilespmem:s3+$0xFFFFFFE0] =	vst v8;
	v63 =	vld [tilespmem:s2+$0x0]  }
0x4e1: {  	s3 =	sadd.s32 @p0 $0x40, s4;
	v8 =	vld [tilespmem:s2+$0xFFFFFFE0];
	[tilespmem:s4+$0xFFFFFFE0] =	vst @p0 v11  }
0x4e2: {  	s1 =	smov.u32 @p0 s3;
	[tilespmem:s4+$0x0] =	vst @p0 v12  }
0x4e3: {  	[tilespmem:s1+$0x10] =	vst v10  }
0x4e4: {  	[tilespmem:s1+$0xFFFFFFF0] =	vst v9  }
0x4e5: {  	[tilespmem:s1+$0x0] =	vst v63  }
0x4e6: {  	[tilespmem:s1+$0xFFFFFFE0] =	vst v8  }
.LBB2_130:
0x4e7: {  	s1 =	ssub.s32 s31, s0  }
0x4e8: {  	p0 =	slt.s32 s1, $0x1  }
.Ltmp76:
0x4e9: {  	_ = 	snop;
	(pc) =	sbr.rel @p0 .LBB2_133-.Ltmp76, $1  }
0x4ea: {  	_ =	sdelay $0x3  }
0x4eb: {  	s2 =	sshll.u32 s31, $0x6;
	s1 =	sshll.u32 s1, $0x6  }
0x4ec: {  	s1 =	ssub.s32 s2, s1  }
0x4ed: {  	s4 =	sshra.s32 s1, $0x2  }
0x4ee: {  	s1 =	sadd.s32 $0x15F00, s4  }
0x4ef: {  	s2 =	sadd.s32 $0x15A00, s4;
	s3 =	sadd.s32 $0x16180, s4;
	s4 =	sadd.s32 $0x15C80, s4  }
.LBB2_132:
0x4f0: {  	v8 =	vld [tilespmem:s1+$0x0];
	_ =	sdelay $0x4  }
0x4f1: {  	s0 =	sadd.s32 $0x1, s0;
	[tilespmem:s2+$0x0] =	vst v8  }
0x4f2: {  	p0 =	slt.s32 s0, s31;
	v8 =	vld [tilespmem:s3+$0x0]  }
.Ltmp77:
0x4f3: {  	_ = 	snop;
	(pc) =	sbr.rel @p0 .LBB2_132-.Ltmp77, $3  }
0x4f4: {  	_ =	sdelay $0x1  }
0x4f5: {  	s1 =	sadd.s32 $0x10, s1  }
0x4f6: {  	s2 =	sadd.s32 $0x10, s2;
	s3 =	sadd.s32 $0x10, s3;
	[tilespmem:s4+$0x0] =	vst v8;
	s4 =	sadd.s32 $0x10, s4  }
.Ltmp78:
0x4f7: {  	_ = 	snop;
	(pc) =	sbr.rel .LBB2_133-.Ltmp78, $1  }
0x4f8: {  	_ =	sdelay $0x3  }
.LBB2_104:
0x4f9: {  	[tilespmem:$0x13800] =	vst v0  }
0x4fa: {  	[tilespmem:$0x13810] =	vst v0  }
0x4fb: {  	[tilespmem:$0x13820] =	vst v0  }
0x4fc: {  	[tilespmem:$0x13830] =	vst v0  }
0x4fd: {  	[tilespmem:$0x13840] =	vst v0  }
0x4fe: {  	[tilespmem:$0x13850] =	vst v0  }
0x4ff: {  	[tilespmem:$0x13860] =	vst v0  }
0x500: {  	[tilespmem:$0x13870] =	vst v0  }
0x501: {  	[tilespmem:$0x13880] =	vst v0  }
0x502: {  	[tilespmem:$0x13890] =	vst v0  }
0x503: {  	[tilespmem:$0x138A0] =	vst v0  }
.Ltmp79:
0x504: {  	[tilespmem:$0x138B0] =	vst v0;
	(pc) =	sbr.rel @!p1 .LBB2_108-.Ltmp79, $4  }
0x505: {  	[tilespmem:$0x138C0] =	vst v0  }
0x506: {  	[tilespmem:$0x138D0] =	vst v0  }
0x507: {  	[tilespmem:$0x138E0] =	vst v0  }
0x508: {  	[tilespmem:$0x138F0] =	vst v0  }
0x509: {  	s1 =	simm.s32 $0x15F00  }
0x50a: {  	v9 =	vld [tilespmem:s1+$0x0];
	_ =	sdelay $0x3  }
0x50b: {  	s2 =	simm.s32 $0x0  }
0x50c: {  	v10 =	vor.u32 s2, v3;
	v11 =	vxor.u32 $0xFFFFFFFF, v9  }
0x50d: {  	vm3 =	vlt.s32 v10, v8;
	v10 =	vshrl.u32 v11, $0x18  }
0x50e: {  	(xrf1) =	vunique.msk.u32 vm3, v10;
	_ =	sdelay $0x6  }
0x50f: {  	vm8 =	vlt.s32 v9, $0x0  }
0x510: {  	v9 =	vand.u32 $0x7F, v10;
	v10 =	vsel vm8, $0x0, v7  }
0x511: {  	v9 =	vor.u32 v9, v10;
	_ =	sdelay $0x4  }
0x512: {  	s2 =	sshll.u32 s0, $0x4;
	v10 =	vld.idx.msk [tilespmem:v9+s14+$0x0], $0xffff;
	_, v11, vm8 =	vpop (xrf1)  }
0x513: {  	p0 =	sne.s32 s2, $0x10;
	vm8 =	vmand vm3, vm8  }
.Ltmp80:
0x514: {  	_ = 	snop;
	(pc) =	sbr.rel @!p0 .LBB2_107-.Ltmp80, $3  }
0x515: {  	_ =	sdelay $0x1  }
0x516: {  	v10 =	vadd.s32 v10, v1  }
0x517: {  	s3 =	simm.s32 $0x10;
	v10 =	vadd.s32 v11, v10  }
.LBB2_106:
0x518: {  	[tilespmem:v9+s14+$0x0] =	vst.idx.msk vm8, v10;
	s1 =	sadd.s32 $0x10, s1;
	s4 =	smov.u32 s3;
	s3 =	sadd.s32 $0x10, s3  }
0x519: {  	v9 =	vld [tilespmem:s1+$0x0];
	p1 =	sne.s32 s2, s3;
	_ =	sdelay $0x4  }
0x51a: {  	v10 =	vor.u32 s4, v3;
	v11 =	vxor.u32 $0xFFFFFFFF, v9;
	vm3 =	vlt.s32 v9, $0x0  }
0x51b: {  	vm8 =	vlt.s32 v10, v8;
	v9 =	vshrl.u32 v11, $0x18  }
0x51c: {  	v10 =	vand.u32 $0x7F, v9;
	(xrf1) =	vunique.msk.u32 vm8, v9;
	_ =	sdelay $0x6  }
0x51d: {  	v9 =	vsel vm3, $0x0, v7  }
0x51e: {  	v9 =	vor.u32 v10, v9;
	_ =	sdelay $0x4  }
0x51f: {  	v10 =	vld.idx.msk [tilespmem:v9+s14+$0x0], $0xffff  }
0x520: {  	_, v11, vm3 =	vpop (xrf1)  }
0x521: {  	vm8 =	vmand vm8, vm3  }
.Ltmp81:
0x522: {  	(pc) =	sbr.rel @p1 .LBB2_106-.Ltmp81, $3  }
0x523: {  	_ =	sdelay $0x1  }
0x524: {  	v10 =	vadd.s32 v10, v1  }
0x525: {  	v10 =	vadd.s32 v11, v10  }
.LBB2_107:
0x526: {  	_ =	sdelay $0x4  }
0x527: {  	[tilespmem:v9+s14+$0x0] =	vst.idx.msk vm8, v10;
	vm5 =	vcmask $0x2F2C  }
.LBB2_108:
0x528: {  	v9 =	vld [tilespmem:$0x13800]  }
0x529: {  	v10 =	vld [tilespmem:$0x13810]  }
0x52a: {  	v11 =	vld [tilespmem:$0x13820]  }
0x52b: {  	v12 =	vld [tilespmem:$0x13830]  }
0x52c: {  	v13 =	vld [tilespmem:$0x13840]  }
0x52d: {  	v14 =	vld [tilespmem:$0x13850];
	(xrf0) =	vadd.scan.msk.s32 $0xffff, v9  }
0x52e: {  	v15 =	vld [tilespmem:$0x13860];
	(xrf0) =	vadd.scan.msk.s32 $0xffff, v10  }
0x52f: {  	v16 =	vld [tilespmem:$0x13870];
	(xrf0) =	vadd.scan.msk.s32 $0xffff, v11  }
0x530: {  	v17 =	vld [tilespmem:$0x13880];
	(xrf0) =	vadd.scan.msk.s32 $0xffff, v12  }
0x531: {  	v18 =	vld [tilespmem:$0x13890];
	(xrf0) =	vadd.scan.msk.s32 $0xffff, v13  }
0x532: {  	v19 =	vld [tilespmem:$0x138A0];
	(xrf0) =	vadd.scan.msk.s32 $0xffff, v14  }
0x533: {  	v21 =	vld [tilespmem:$0x138B0];
	v20, _, _ =	vpop (xrf0);
	(xrf0) =	vadd.scan.msk.s32 $0xffff, v15  }
0x534: {  	v23 =	vld [tilespmem:$0x138C0];
	(v2sf) =	vpush v20, $0xF;
	v22, _, _ =	vpop (xrf0);
	(xrf0) =	vadd.scan.msk.s32 $0xffff, v16  }
0x535: {  	v25 =	vld [tilespmem:$0x138D0];
	(v2sf) =	vpush v22, $0xF;
	v24, _, _ =	vpop (xrf0);
	(xrf0) =	vadd.scan.msk.s32 $0xffff, v17  }
0x536: {  	v27 =	vld [tilespmem:$0x138E0];
	(v2sf) =	vpush v24, $0xF;
	v26, _, _ =	vpop (xrf0);
	(xrf0) =	vadd.scan.msk.s32 $0xffff, v18  }
0x537: {  	(v2sf) =	vpush v26, $0xF;
	v28, _, _ =	vpop (xrf0);
	(xrf0) =	vadd.scan.msk.s32 $0xffff, v19  }
0x538: {  	(v2sf) =	vpush v28, $0xF;
	v29, _, _ =	vpop (xrf0);
	(xrf0) =	vadd.scan.msk.s32 $0xffff, v21  }
0x539: {  	(v2sf) =	vpush v29, $0xF;
	v30, _, _ =	vpop (xrf0);
	(xrf0) =	vadd.scan.msk.s32 $0xffff, v23  }
0x53a: {  	(v2sf) =	vpush v30, $0xF;
	v31, _, _ =	vpop (xrf0);
	(xrf0) =	vadd.scan.msk.s32 $0xffff, v25  }
0x53b: {  	(v2sf) =	vpush v31, $0xF;
	v32, _, _ =	vpop (xrf0);
	(xrf0) =	vadd.scan.msk.s32 $0xffff, v27  }
0x53c: {  	v33, _, _ =	vpop (xrf0);
	(v2sf) =	vpush v32, $0xF  }
0x53d: {  	v34, _, _ =	vpop (xrf0);
	(v2sf) =	vpush v33, $0xF  }
0x53e: {  	v35, _, _ =	vpop (xrf0);
	(v2sf) =	vpush v34, $0xF  }
0x53f: {  	v36, _, _ =	vpop (xrf0);
	(v2sf) =	vpush v35, $0xF  }
0x540: {  	v37, _, _ =	vpop (xrf0);
	(v2sf) =	vpush v36, $0xF  }
0x541: {  	(v2sf) =	vpush v37, $0xF;
	v38, _, _ =	vpop (xrf0)  }
0x542: {  	v39 =	vbroadcast v20, $0xF;
	(v2sf) =	vpush v38, $0xF  }
0x543: {  	s1 =	spop (v2sf)  }
0x544: {  	v9 =	vsub.s32 v20, v9;
	v10 =	vsub.s32 v39, v10;
	s2 =	spop (v2sf)  }
0x545: {  	[tilespmem:$0x13800] =	vst v9;
	v9 =	vadd.s32 v22, v10;
	v10 =	vsub.s32 v24, v11;
	s1 =	sadd.s32 s1, s2;
	s16 =	spop (v2sf)  }
0x546: {  	v11 =	vld [tilespmem:$0x138F0];
	[tilespmem:$0x13810] =	vst v9;
	v9 =	vadd.s32 s1, v10;
	s1 =	sadd.s32 s1, s16;
	s19 =	spop (v2sf);
	v10 =	vsub.s32 v26, v12  }
0x547: {  	[tilespmem:$0x13820] =	vst v9;
	v9 =	vsub.s32 v28, v13;
	v10 =	vadd.s32 s1, v10;
	s1 =	sadd.s32 s1, s19;
	s20 =	spop (v2sf)  }
0x548: {  	[tilespmem:$0x13830] =	vst v10;
	v10 =	vsub.s32 v29, v14;
	v9 =	vadd.s32 s1, v9;
	s1 =	sadd.s32 s1, s20;
	s21 =	spop (v2sf)  }
0x549: {  	[tilespmem:$0x13840] =	vst v9;
	v9 =	vsub.s32 v30, v15;
	v10 =	vadd.s32 s1, v10;
	s1 =	sadd.s32 s1, s21;
	s22 =	spop (v2sf)  }
0x54a: {  	[tilespmem:$0x13850] =	vst v10;
	v10 =	vsub.s32 v31, v16;
	v9 =	vadd.s32 s1, v9;
	s1 =	sadd.s32 s1, s22;
	s23 =	spop (v2sf)  }
0x54b: {  	(xrf0) =	vadd.scan.msk.s32 $0xffff, v11;
	[tilespmem:$0x13860] =	vst v9;
	v9 =	vsub.s32 v32, v17;
	v10 =	vadd.s32 s1, v10;
	s1 =	sadd.s32 s1, s23;
	s24 =	spop (v2sf)  }
0x54c: {  	[tilespmem:$0x13870] =	vst v10;
	v10 =	vsub.s32 v33, v18;
	v9 =	vadd.s32 s1, v9;
	s1 =	sadd.s32 s1, s24;
	s25 =	spop (v2sf)  }
0x54d: {  	[tilespmem:$0x13880] =	vst v9;
	v9 =	vsub.s32 v34, v19;
	v10 =	vadd.s32 s1, v10;
	s1 =	sadd.s32 s1, s25;
	s26 =	spop (v2sf)  }
0x54e: {  	[tilespmem:$0x13890] =	vst v10;
	v10 =	vsub.s32 v35, v21;
	v9 =	vadd.s32 s1, v9;
	s1 =	sadd.s32 s1, s26;
	s28 =	spop (v2sf)  }
0x54f: {  	[tilespmem:$0x138A0] =	vst v9;
	v9 =	vsub.s32 v36, v23;
	v10 =	vadd.s32 s1, v10;
	s1 =	sadd.s32 s1, s28;
	s29 =	spop (v2sf)  }
.Ltmp82:
0x550: {  	[tilespmem:$0x138B0] =	vst v10;
	v10 =	vsub.s32 v37, v25;
	v9 =	vadd.s32 s1, v9;
	s1 =	sadd.s32 s1, s29;
	s30 =	spop (v2sf);
	(pc) =	sbr.rel @p6 .LBB2_133-.Ltmp82, $4  }
0x551: {  	v63, _, _ =	vpop (xrf0);
	[tilespmem:$0x138C0] =	vst v9;
	v9 =	vadd.s32 s1, v10;
	s1 =	sadd.s32 s1, s30;
	v10 =	vsub.s32 v38, v27;
	s31 =	spop (v2sf)  }
0x552: {  	[tilespmem:$0x138D0] =	vst v9;
	v9 =	vadd.s32 s1, v10;
	s1 =	sadd.s32 s1, s31;
	v10 =	vsub.s32 v63, v11  }
0x553: {  	[tilespmem:$0x138E0] =	vst v9;
	v9 =	vadd.s32 s1, v10  }
0x554: {  	[tilespmem:$0x138F0] =	vst v9  }
0x555: {  	s1 =	simm.s32 $0x15F00  }
0x556: {  	v10 =	vld [tilespmem:s1+$0x0];
	_ =	sdelay $0x3  }
0x557: {  	s2 =	simm.s32 $0x0  }
0x558: {  	v9 =	vor.u32 s2, v3;
	v11 =	vxor.u32 $0xFFFFFFFF, v10  }
0x559: {  	vm3 =	vlt.s32 v9, v8;
	v9 =	vshrl.u32 v11, $0x18  }
0x55a: {  	(xrf1) =	vunique.msk.u32 vm3, v9;
	_ =	sdelay $0x1  }
0x55b: {  	vm8 =	vlt.s32 v10, $0x0  }
0x55c: {  	v11 =	vsel vm8, $0x0, v7;
	v9 =	vand.u32 $0x7F, v9  }
0x55d: {  	v9 =	vor.u32 v9, v11;
	_ =	sdelay $0x4  }
0x55e: {  	v11 =	vld.idx.msk [tilespmem:v9+s14+$0x0], $0xffff;
	_ =	sdelay $0x4  }
0x55f: {  	v11 =	vadd.s32 v2, v11;
	_, v12, vm8 =	vpop (xrf1)  }
0x560: {  	s0 =	sshll.u32 s0, $0x4;
	s2 =	simm.s32 $0x16180;
	v11 =	vadd.s32 v12, v11  }
0x561: {  	p0 =	sne.s32 s0, $0x10;
	v63 =	vld [tilespmem:s2+$0x0]  }
.Ltmp83:
0x562: {  	vm9 =	vmand vm3, vm8;
	(pc) =	sbr.rel @!p0 .LBB2_111-.Ltmp83, $3  }
0x563: {  	_ =	sdelay $0x1  }
0x564: {  	[tilespmem:v11+s17+$0x0] =	vst.idx.msk vm3, v10  }
0x565: {  	s3 =	simm.s32 $0x10;
	v10 =	vadd.s32 $0x1, v11;
	[tilespmem:v11+s18+$0x0] =	vst.idx.msk vm3, v63  }
.LBB2_110:
0x566: {  	s1 =	sadd.s32 $0x10, s1  }
0x567: {  	[tilespmem:v9+s14+$0x0] =	vst.idx.msk vm9, v10;
	s2 =	sadd.s32 $0x10, s2;
	s4 =	smov.u32 s3;
	s3 =	sadd.s32 $0x10, s3  }
0x568: {  	v10 =	vld [tilespmem:s1+$0x0];
	p0 =	sne.s32 s0, s3;
	_ =	sdelay $0x4  }
0x569: {  	v9 =	vor.u32 s4, v3;
	v11 =	vxor.u32 $0xFFFFFFFF, v10;
	vm3 =	vlt.s32 v10, $0x0  }
0x56a: {  	vm8 =	vlt.s32 v9, v8;
	v9 =	vshrl.u32 v11, $0x18  }
0x56b: {  	v11 =	vand.u32 $0x7F, v9;
	(xrf1) =	vunique.msk.u32 vm8, v9;
	_ =	sdelay $0x1  }
0x56c: {  	v9 =	vsel vm3, $0x0, v7  }
0x56d: {  	v9 =	vor.u32 v11, v9;
	_ =	sdelay $0x4  }
0x56e: {  	v11 =	vld.idx.msk [tilespmem:v9+s14+$0x0], $0xffff;
	_ =	sdelay $0x5  }
0x56f: {  	v11 =	vadd.s32 v2, v11;
	_, v12, vm3 =	vpop (xrf1)  }
0x570: {  	v11 =	vadd.s32 v12, v11  }
0x571: {  	vm9 =	vmand vm8, vm3;
	v12 =	vld [tilespmem:s2+$0x0]  }
.Ltmp84:
0x572: {  	(pc) =	sbr.rel @p0 .LBB2_110-.Ltmp84, $3  }
0x573: {  	_ =	sdelay $0x1  }
0x574: {  	[tilespmem:v11+s17+$0x0] =	vst.idx.msk vm8, v10  }
0x575: {  	v10 =	vadd.s32 $0x1, v11;
	[tilespmem:v11+s18+$0x0] =	vst.idx.msk vm8, v12  }
.LBB2_111:
0x576: {  	_ =	sdelay $0x4  }
0x577: {  	[tilespmem:v9+s14+$0x0] =	vst.idx.msk vm9, v10;
	vm15 =	vcmask $0x300;
	vm5 =	vcmask $0x2F2C  }
.LBB2_133:
0x578: {  	s0 =	simm.s32 $0x15C90  }
0x579: {  	v13 =	vld [tilespmem:s0+$0x0];
	_ =	sdelay $0x4  }
0x57a: {  	(v2sf) =	vpush v13, $0xF  }
0x57b: {  	(v2sf) =	vpush v13, $0xB  }
0x57c: {  	(v2sf) =	vpush v13, $0x6  }
0x57d: {  	(v2sf) =	vpush v13, $0xE  }
0x57e: {  	(v2sf) =	vpush v13, $0xA  }
0x57f: {  	(v2sf) =	vpush v13, $0xD  }
0x580: {  	(v2sf) =	vpush v13, $0x9  }
0x581: {  	(v2sf) =	vpush v13, $0x5  }
0x582: {  	(v2sf) =	vpush v13, $0xC  }
0x583: {  	(v2sf) =	vpush v13, $0x8;
	_ =	sdelay $0x3  }
0x584: {  	(v2sf) =	vpush v13, $0x4  }
0x585: {  	(v2sf) =	vpush v13, $0x3  }
0x586: {  	s1 =	spop (v2sf)  }
0x587: {  	s2 =	spop (v2sf)  }
0x588: {  	s3 =	spop (v2sf)  }
0x589: {  	s6 =	smulhi.u32 $0x66666667, s1;
	s24 =	spop (v2sf)  }
0x58a: {  	(v2sf) =	vpush v13, $0x2;
	s11 =	smulhi.u32 $0x66666667, s2;
	s5 =	spop (v2sf)  }
0x58b: {  	s17 =	sshra.s32 s2, $0x1F;
	s4 =	smulhi.u32 $0x66666667, s3;
	s10 =	spop (v2sf)  }
0x58c: {  	s25 =	smul.u32 $0x66666667, s17;
	s12 =	spop (v2sf)  }
0x58d: {  	s22 =	smulhi.u32 $0x66666667, s24;
	s13 =	spop (v2sf)  }
0x58e: {  	s20 =	smulhi.u32 $0x66666667, s5;
	s14 =	spop (v2sf)  }
0x58f: {  	s23 =	smulhi.u32 $0x66666667, s10;
	s15 =	spop (v2sf)  }
0x590: {  	s7 =	smulhi.u32 $0x66666667, s15  }
0x591: {  	[smem:$0x7D4] =	sst s4;
	s26 =	smulhi.u32 $0x66666667, s12  }
0x592: {  	(v2sf) =	vpush v13, $0x1;
	s18 =	smulhi.u32 $0x66666667, s13;
	[smem:$0x7CB] =	sst s7  }
0x593: {  	(v2sf) =	vpush v13, $0x0;
	s28 =	smulhi.u32 $0x66666667, s14;
	s16 =	spop (v2sf);
	v12 =	vld [tilespmem:s0+$0xFFFFFFF0]  }
0x594: {  	s7 =	smulhi.u32 $0x66666667, s16;
	s0 =	spop (v2sf)  }
0x595: {  	s19 =	sshra.s32 s3, $0x1F;
	s24 =	sshra.s32 s24, $0x1F;
	s8 =	smulhi.u32 $0x66666667, s0  }
0x596: {  	s4 =	sshra.s32 s10, $0x1F;
	(v2sf) =	vpush v13, $0x7;
	[smem:$0x7CD] =	sst s7;
	s7 =	smul.u32 $0x66666667, s24  }
0x597: {  	s3 =	sshra.s32 s5, $0x1F;
	s5 =	sshra.s32 s12, $0x1F;
	s24 =	smul.u32 $0x66666667, s4  }
0x598: {  	s10 =	sshra.s32 s14, $0x1F;
	s4 =	smul.u32 $0x66666667, s5;
	(v2sf) =	vpush v12, $0x7  }
0x599: {  	s11 =	sadd.s32 s25, s11;
	s21 =	spop (v2sf);
	s5 =	smul.u32 $0x66666667, s10  }
0x59a: {  	[smem:$0x7E8] =	sst s11;
	s0 =	sshra.s32 s0, $0x1F;
	s9 =	smulhi.u32 $0x66666667, s21;
	(v2sf) =	vpush v12, $0x0  }
0x59b: {  	s1 =	sshra.s32 s1, $0x1F;
	s11 =	sld [smem:$0x7CB];
	s0 =	smul.u32 $0x66666667, s0;
	(v2sf) =	vpush v12, $0x1  }
0x59c: {  	s12 =	sshra.s32 s15, $0x1F;
	[smem:$0x7D2] =	sst s8;
	s8 =	smul.u32 $0x66666667, s1  }
0x59d: {  	s14 =	sshra.s32 s21, $0x1F;
	s1 =	smul.u32 $0x66666667, s19;
	[smem:$0x7CE] =	sst s9;
	(v2sf) =	vpush v12, $0x2  }
0x59e: {  	s19 =	smul.u32 $0x66666667, s3;
	s23 =	sadd.s32 s24, s23;
	[smem:$0x7D3] =	sst s0;
	(v2sf) =	vpush v12, $0x3  }
0x59f: {  	s15 =	smul.u32 $0x66666667, s14;
	s9 =	sshra.s32 s13, $0x1F;
	[smem:$0x7E3] =	sst s23  }
0x5a0: {  	[smem:$0x7D5] =	sst s1;
	s9 =	smul.u32 $0x66666667, s9  }
0x5a1: {  	s13 =	sshra.s32 s16, $0x1F;
	s1 =	smul.u32 $0x66666667, s12;
	s16 =	spop (v2sf)  }
0x5a2: {  	s17 =	smulhi.u32 $0x66666667, s16;
	s21 =	spop (v2sf)  }
0x5a3: {  	s0 =	sshra.s32 s16, $0x1F;
	[smem:$0x7CC] =	sst s1;
	s29 =	smulhi.u32 $0x66666667, s21;
	(v2sf) =	vpush v12, $0x4  }
0x5a4: {  	s1 =	sshra.s32 s21, $0x1F;
	s0 =	smul.u32 $0x66666667, s0;
	[smem:$0x7D0] =	sst s17  }
0x5a5: {  	s21 =	smul.u32 $0x66666667, s1;
	(v2sf) =	vpush v12, $0xC;
	s1 =	spop (v2sf)  }
0x5a6: {  	[smem:$0x7D1] =	sst s0;
	s17 =	smulhi.u32 $0x66666667, s1;
	s0 =	sshra.s32 s1, $0x1F  }
0x5a7: {  	(v2sf) =	vpush v12, $0x8;
	s3 =	smul.u32 $0x66666667, s0;
	s2 =	spop (v2sf)  }
0x5a8: {  	[smem:$0x7CF] =	sst s15;
	s14 =	sshra.s32 s2, $0x1F;
	s10 =	smulhi.u32 $0x66666667, s2  }
0x5a9: {  	s16 =	spop (v2sf);
	s15 =	smul.u32 $0x66666667, s14  }
0x5aa: {  	(v2sf) =	vpush v12, $0xD;
	s1 =	sshra.s32 s16, $0x1F;
	s12 =	spop (v2sf);
	s16 =	smulhi.u32 $0x66666667, s16  }
0x5ab: {  	s2 =	smul.u32 $0x66666667, s1;
	[smem:$0x7D6] =	sst s15  }
0x5ac: {  	s0 =	sshra.s32 s12, $0x1F;
	s14 =	spop (v2sf);
	[smem:$0x7D8] =	sst s16  }
0x5ad: {  	s1 =	smul.u32 $0x66666667, s0;
	s16 =	spop (v2sf)  }
0x5ae: {  	[smem:$0x7D7] =	sst s2;
	s2 =	smulhi.u32 $0x66666667, s12  }
0x5af: {  	s12 =	sshra.s32 s14, $0x1F;
	s0 =	smulhi.u32 $0x66666667, s16;
	[smem:$0x7D9] =	sst s1  }
0x5b0: {  	s15 =	smul.u32 $0x66666667, s12;
	[smem:$0x7DA] =	sst s2  }
0x5b1: {  	s2 =	sadd.s32 s8, s6;
	s6 =	smulhi.u32 $0x66666667, s14;
	[smem:$0x7DE] =	sst s0  }
0x5b2: {  	s8 =	sshra.s32 s16, $0x1F;
	s14 =	spop (v2sf);
	[smem:$0x7DB] =	sst s15  }
0x5b3: {  	[smem:$0x7E7] =	sst s2;
	s12 =	smul.u32 $0x66666667, s8  }
0x5b4: {  	s15 =	sshra.s32 s14, $0x1F;
	s24 =	spop (v2sf);
	s1 =	smulhi.u32 $0x66666667, s14  }
0x5b5: {  	(v2sf) =	vpush v12, $0x9;
	[smem:$0x7DC] =	sst s6;
	s0 =	smul.u32 $0x66666667, s15  }
0x5b6: {  	(v2sf) =	vpush v12, $0x5;
	s25 =	spop (v2sf);
	s6 =	sshra.s32 s24, $0x1F;
	s15 =	sadd.s32 s19, s20  }
0x5b7: {  	(v2sf) =	vpush v12, $0xE;
	s20 =	sadd.s32 s5, s28;
	s28 =	sadd.s32 s9, s18;
	s18 =	sld [smem:$0x7CE]  }
0x5b8: {  	s29 =	sadd.s32 s21, s29;
	[smem:$0x7DD] =	sst s12;
	s12 =	smul.u32 $0x66666667, s6  }
0x5b9: {  	s16 =	simm.s32 $0x15CB0;
	s19 =	spop (v2sf);
	[smem:$0x7DF] =	sst s0  }
0x5ba: {  	s6 =	sshra.s32 s19, $0x1F;
	s21 =	smulhi.u32 $0x66666667, s19;
	s19 =	sld [smem:$0x7CF]  }
0x5bb: {  	(v2sf) =	vpush v12, $0xA;
	s8 =	sadd.s32 s7, s22;
	v9 =	vld [tilespmem:s16+$0x0];
	[smem:$0x7E0] =	sst s1  }
0x5bc: {  	[smem:$0x7E5] =	sst s8  }
0x5bd: {  	(v2sf) =	vpush v12, $0xF;
	[smem:$0x7E1] =	sst s12  }
0x5be: {  	[smem:$0x7E6] =	sst s15  }
0x5bf: {  	s13 =	smul.u32 $0x66666667, s13;
	s12 =	sld [smem:$0x7CC]  }
0x5c0: {  	s3 =	sadd.s32 s3, s17;
	s22 =	smulhi.u32 $0x66666667, s24;
	s15 =	sld [smem:$0x7CD]  }
0x5c1: {  	s16 =	sadd.s32 s4, s26;
	s26 =	smul.u32 $0x66666667, s6;
	s6 =	sld [smem:$0x7D0]  }
0x5c2: {  	s14 =	sshra.s32 s25, $0x1F;
	s23 =	smulhi.u32 $0x66666667, s25;
	[smem:$0x7E4] =	sst s16  }
0x5c3: {  	s31 =	smul.u32 $0x66666667, s14;
	s16 =	sadd.s32 s12, s11;
	s11 =	sld [smem:$0x7D3]  }
0x5c4: {  	(v2sf) =	vpush v12, $0xB;
	s0 =	spop (v2sf);
	s24 =	sadd.s32 s13, s15;
	s13 =	sld [smem:$0x7D4]  }
0x5c5: {  	(v2sf) =	vpush v12, $0x6;
	s7 =	spop (v2sf);
	s8 =	sshra.s32 s0, $0x1F;
	s17 =	smulhi.u32 $0x66666667, s0  }
0x5c6: {  	s12 =	sadd.s32 s19, s18;
	s30 =	smul.u32 $0x66666667, s8;
	s14 =	spop (v2sf)  }
0x5c7: {  	s19 =	sld [smem:$0x7D5];
	s18 =	smulhi.u32 $0x66666667, s7;
	s4 =	sshra.s32 s14, $0x1F  }
0x5c8: {  	s9 =	sshra.s32 s7, $0x1F;
	s15 =	smul.u32 $0x66666667, s4;
	s4 =	sld [smem:$0x7D6]  }
0x5c9: {  	s7 =	sld [smem:$0x7D1];
	s25 =	smul.u32 $0x66666667, s9  }
0x5ca: {  	s0 =	spop (v2sf);
	s9 =	sld [smem:$0x7D2]  }
0x5cb: {  	s19 =	sadd.s32 s19, s13;
	s8 =	sshra.s32 s0, $0x1F;
	s1 =	sadd.s32 s4, s10  }
0x5cc: {  	s5 =	sadd.s32 s7, s6;
	[smem:$0x7E9] =	sst s1;
	s1 =	spop (v2sf)  }
0x5cd: {  	s13 =	smul.u32 $0x66666667, s8;
	s4 =	sld [smem:$0x7D9];
	s6 =	sshra.s32 s1, $0x1F  }
0x5ce: {  	s8 =	smul.u32 $0x66666667, s6;
	s6 =	sld [smem:$0x7DA]  }
0x5cf: {  	s7 =	sld [smem:$0x7D7]  }
0x5d0: {  	s9 =	sadd.s32 s11, s9;
	s11 =	smulhi.u32 $0x66666667, s14;
	s14 =	sld [smem:$0x7D8]  }
0x5d1: {  	s4 =	sadd.s32 s4, s6;
	s6 =	sld [smem:$0x7DC]  }
0x5d2: {  	s10 =	smulhi.u32 $0x66666667, s0;
	[smem:$0x7EA] =	sst s4  }
0x5d3: {  	s0 =	spop (v2sf);
	s4 =	sld [smem:$0x7DB]  }
0x5d4: {  	[smem:$0x7E2] =	sst s3;
	s2 =	spop (v2sf);
	s3 =	sshra.s32 s0, $0x1F  }
0x5d5: {  	s14 =	sadd.s32 s7, s14;
	s7 =	smul.u32 $0x66666667, s3;
	s3 =	sshra.s32 s2, $0x1F  }
0x5d6: {  	(v2sf) =	vpush v9, $0xF;
	s4 =	sadd.s32 s4, s6;
	s6 =	smul.u32 $0x66666667, s3;
	s3 =	sld [smem:$0x7DD]  }
0x5d7: {  	[smem:$0x7EB] =	sst s4  }
0x5d8: {  	(v2sf) =	vpush v9, $0xB;
	s4 =	sld [smem:$0x7DE]  }
0x5d9: {  	(v2sf) =	vpush v9, $0x6;
	_ =	sdelay $0x1  }
0x5da: {  	(v2sf) =	vpush v9, $0xE;
	s3 =	sadd.s32 s3, s4;
	s4 =	sld [smem:$0x7E0]  }
0x5db: {  	(v2sf) =	vpush v9, $0xA;
	[smem:$0x7EC] =	sst s3  }
0x5dc: {  	(v2sf) =	vpush v9, $0xD;
	s3 =	sld [smem:$0x7DF];
	_ =	sdelay $0x2  }
0x5dd: {  	s3 =	sadd.s32 s3, s4  }
0x5de: {  	[smem:$0x7ED] =	sst s3  }
0x5df: {  	s3 =	sld [smem:$0x7E1];
	_ =	sdelay $0x1  }
0x5e0: {  	s17 =	sadd.s32 s30, s17;
	s4 =	smulhi.u32 $0x66666667, s1  }
0x5e1: {  	s1 =	sadd.s32 s3, s22;
	s3 =	smulhi.u32 $0x66666667, s0;
	s0 =	spop (v2sf)  }
0x5e2: {  	s22 =	sadd.s32 s31, s23;
	s31 =	smulhi.u32 $0x66666667, s2;
	[smem:$0x7EE] =	sst s1  }
0x5e3: {  	s25 =	sadd.s32 s25, s18;
	[smem:$0x7EF] =	sst s22;
	s2 =	spop (v2sf)  }
0x5e4: {  	s22 =	smulhi.u32 $0x66666667, s0;
	s0 =	sshra.s32 s0, $0x1F;
	s23 =	spop (v2sf)  }
0x5e5: {  	s1 =	smul.u32 $0x66666667, s0;
	[smem:$0x7F1] =	sst s23;
	s23 =	sadd.s32 s26, s21  }
0x5e6: {  	s15 =	sadd.s32 s15, s11;
	s21 =	spop (v2sf);
	[smem:$0x7F0] =	sst s23  }
0x5e7: {  	s26 =	sshra.s32 s2, $0x1F;
	s23 =	smulhi.u32 $0x66666667, s2;
	s2 =	spop (v2sf)  }
0x5e8: {  	s11 =	sadd.s32 s13, s10;
	s0 =	smul.u32 $0x66666667, s26;
	s26 =	spop (v2sf)  }
0x5e9: {  	s10 =	sshrl.u32 s16, $0x1F;
	s18 =	smulhi.u32 $0x66666667, s26;
	s26 =	sshra.s32 s26, $0x1F  }
0x5ea: {  	s30 =	sadd.s32 s7, s3;
	s1 =	sadd.s32 s1, s22;
	s13 =	smul.u32 $0x66666667, s26  }
0x5eb: {  	[smem:$0x7F2] =	sst s1;
	s0 =	sadd.s32 s0, s23;
	s26 =	sadd.s32 s8, s4  }
0x5ec: {  	s4 =	sadd.s32 s6, s31;
	s31 =	sadd.s32 s13, s18;
	s18 =	sld [smem:$0x7E2]  }
0x5ed: {  	s3 =	sshra.s32 s29, $0x5;
	s7 =	sshrl.u32 s29, $0x1F;
	[smem:$0x7F3] =	sst s0  }
0x5ee: {  	vm9 =	vmmov vm2;
	(v2sf) =	vpush v9, $0x9;
	s1 =	sshra.s32 s20, $0x5;
	s0 =	sshrl.u32 s20, $0x1F;
	s20 =	sld [smem:$0x7E3]  }
0x5ef: {  	vm8 =	vmmov vm12;
	vm11 =	vmmov vm14;
	vm3 =	vmmov vm7;
	s13 =	sshra.s32 s16, $0x5;
	s16 =	sld [smem:$0x7E5];
	s23 =	sshra.s32 s18, $0x1F  }
0x5f0: {  	(v2sf) =	vpush v9, $0x5;
	v15 =	vmov s7;
	s7 =	sshrl.u32 s28, $0x1F;
	s6 =	sshra.s32 s29, $0x1F;
	v8 =	vmov s23;
	s23 =	sld [smem:$0x7E4]  }
0x5f1: {  	v11 =	vmov s10;
	(v2sf) =	vpush v9, $0xC;
	v10 =	vmov s0;
	s22 =	sshrl.u32 s20, $0x1F;
	s0 =	sshra.s32 s20, $0x5;
	s20 =	sshra.s32 s5, $0x5  }
0x5f2: {  	v14 =	vmov s1;
	v10 =	vsel vm1, s22, v10;
	s22 =	sshra.s32 s5, $0x1F;
	s5 =	sshrl.u32 s5, $0x1F;
	s1 =	sshrl.u32 s16, $0x1F;
	v8 =	vsel vm15, s3, v8  }
0x5f3: {  	v15 =	vnsel vm15, $0x0, v15;
	v16 =	vmov s13;
	v8 =	vsel vm14, s6, v8;
	s3 =	sshrl.u32 s23, $0x1F;
	s8 =	sshra.s32 s23, $0x5;
	s23 =	sld [smem:$0x7E6]  }
0x5f4: {  	s13 =	sld [smem:$0x7E8];
	v15 =	vsel vm1, s5, v15;
	s5 =	sshra.s32 s28, $0x1F;
	v10 =	vsel vm6, s1, v10;
	s1 =	sshrl.u32 s12, $0x1F;
	v8 =	vsel vm1, s20, v8  }
0x5f5: {  	(v2sf) =	vpush v9, $0x8;
	v14 =	vsel vm1, s0, v14;
	s6 =	sshra.s32 s16, $0x5;
	s16 =	sshra.s32 s12, $0x5;
	v8 =	vsel vm12, s22, v8;
	s22 =	sld [smem:$0x7E7]  }
0x5f6: {  	s20 =	sshra.s32 s12, $0x1F;
	s12 =	sshra.s32 s9, $0x1F;
	v14 =	vsel vm6, s6, v14;
	v11 =	vsel vm1, s3, v11;
	v8 =	vsel vm6, s16, v8;
	s10 =	sshrl.u32 s23, $0x1F  }
0x5f7: {  	s6 =	sshra.s32 s13, $0x5;
	v16 =	vsel vm1, s8, v16;
	s0 =	sshra.s32 s23, $0x5;
	v8 =	vsel vm7, s20, v8;
	v11 =	vsel vm6, s10, v11;
	s10 =	sshra.s32 s9, $0x5  }
0x5f8: {  	v15 =	vsel vm6, s1, v15;
	s16 =	sshrl.u32 s13, $0x1F;
	s23 =	sshrl.u32 s22, $0x1F;
	s8 =	sshra.s32 s22, $0x5;
	v16 =	vsel vm6, s0, v16;
	v8 =	vsel vm2, s10, v8  }
0x5f9: {  	s13 =	sshrl.u32 s19, $0x1F;
	s20 =	sshra.s32 s24, $0x5;
	s9 =	sshrl.u32 s9, $0x1F;
	v10 =	vsel vm2, s23, v10;
	v11 =	vsel vm2, s16, v11;
	v14 =	vsel vm2, s8, v14  }
0x5fa: {  	s22 =	sshra.s32 s24, $0x1F;
	s23 =	sshrl.u32 s24, $0x1F;
	s24 =	sshra.s32 s28, $0x5;
	v15 =	vsel vm2, s9, v15;
	v16 =	vsel vm2, s6, v16;
	vm2 =	vmmov vm6  }
0x5fb: {  	s16 =	sshra.s32 s19, $0x1F;
	s9 =	smulhi.u32 $0x66666667, s21;
	vm6 =	vcmask $0x2B28;
	v8 =	vsel vm10, s12, v8;
	v15 =	vsel vm4, s23, v15;
	s23 =	sld [smem:$0x7E9]  }
0x5fc: {  	vm7 =	vcmask $0x3330;
	s10 =	sshra.s32 s14, $0x5;
	s6 =	sshrl.u32 s14, $0x1F;
	s12 =	sshra.s32 s19, $0x5;
	v8 =	vsel vm4, s20, v8;
	v15 =	vsel vm6, s7, v15  }
0x5fd: {  	vm12 =	vmmov vm11;
	s20 =	sshra.s32 s18, $0x5;
	v8 =	vsel vm0, s22, v8;
	s22 =	sshra.s32 s21, $0x1F;
	v15 =	vsel vm7, s13, v15;
	s13 =	spop (v2sf)  }
0x5fe: {  	vm11 =	vmmov vm8;
	vm8 =	vmmov vm0;
	v8 =	vsel vm6, s24, v8;
	s24 =	sshrl.u32 s18, $0x1F;
	s19 =	sshra.s32 s23, $0x1F;
	s3 =	smul.u32 $0x66666667, s22  }
0x5ff: {  	vm0 =	vcmask $0x3B38;
	s0 =	spop (v2sf);
	v8 =	vsel vm5, s5, v8;
	v17 =	vmov s19;
	s5 =	smulhi.u32 $0x66666667, s2;
	s2 =	sshra.s32 s2, $0x1F  }
0x600: {  	v15 =	vsel vm0, s24, v15;
	s24 =	spop (v2sf);
	v8 =	vsel vm7, s12, v8;
	v17 =	vsel vm15, s10, v17;
	s12 =	sshra.s32 s14, $0x1F;
	s2 =	smul.u32 $0x66666667, s2  }
0x601: {  	vm14 =	vmmov vm4;
	vm4 =	vcmask $0x3734;
	s14 =	sld [smem:$0x7EB];
	s18 =	sshra.s32 s24, $0x1F;
	v17 =	vsel vm12, s12, v17;
	s12 =	smulhi.u32 $0x66666667, s24  }
0x602: {  	s29 =	simm.s32 $0x16580;
	v8 =	vsel vm4, s16, v8;
	s16 =	sld [smem:$0x7EA];
	s1 =	smul.u32 $0x66666667, s18  }
0x603: {  	(v2sf) =	vpush v9, $0x4;
	s28 =	simm.s32 $0x15A10;
	s8 =	sadd.s32 s3, s9;
	v18 =	vsel vm0, s20, v8;
	s20 =	smulhi.u32 $0x66666667, s13  }
0x604: {  	s9 =	sadd.s32 s2, s5;
	s10 =	sshra.s32 s14, $0x5;
	s19 =	sshra.s32 s14, $0x1F  }
0x605: {  	v10 =	vcombine.low v11, v10;
	(v2sf) =	vpush v9, $0x3;
	s2 =	sadd.s32 s1, s12;
	s12 =	sld [smem:$0x7ED];
	s21 =	sshra.s32 s16, $0x5  }
0x606: {  	v14 =	vcombine.low v16, v14;
	(v2sf) =	vpush v9, $0x2;
	s22 =	sshra.s32 s16, $0x1F;
	v17 =	vsel vm1, s21, v17;
	s21 =	sshra.s32 s13, $0x1F;
	s13 =	sld [smem:$0x7EC]  }
0x607: {  	(v2sf) =	vpush v9, $0x1;
	s1 =	sshra.s32 s15, $0x5;
	v8 =	vsel vm11, s22, v17;
	v17 =	vmov s6;
	s3 =	smul.u32 $0x66666667, s21;
	s6 =	simm.s32 $0x15CB0  }
0x608: {  	vm13 =	vmmov vm10;
	v10 =	vperm.xlane v10, v6;
	s7 =	sshrl.u32 s16, $0x1F;
	s18 =	sshra.s32 s12, $0x5;
	v8 =	vsel vm2, s10, v8;
	v11 =	vld [tilespmem:s6+$0xFFFFFFF0];
	s6 =	sld [smem:$0x7EF]  }
0x609: {  	v14 =	vperm.xlane v14, v6;
	(v2sf) =	vpush v9, $0x0;
	v19 =	vsel vm3, s19, v8;
	s22 =	sshra.s32 s13, $0x5;
	s21 =	sadd.s32 s3, s20;
	s20 =	sld [smem:$0x7EE]  }
0x60a: {  	s16 =	sshra.s32 s12, $0x1F;
	s10 =	simm.s32 $0x10;
	v17 =	vnsel vm15, $0x0, v17;
	v8 =	vmul.u32 $0x2, v3;
	s24 =	sshra.s32 s13, $0x1F;
	v16 =	vsel vm9, s22, v19  }
0x60b: {  	(v2sf) =	vpush v9, $0x7;
	v17 =	vsel vm1, s7, v17;
	s3 =	sshrl.u32 s14, $0x1F;
	v16 =	vsel vm13, s24, v16;
	s19 =	sshrl.u32 s6, $0x1F;
	s7 =	sshra.s32 s6, $0x5  }
0x60c: {  	vm4 =	vmmov $0xff;
	v15 =	vperm.xlane v15, v8;
	s24 =	sshrl.u32 s20, $0x1F;
	v16 =	vsel vm14, s18, v16;
	s14 =	sshra.s32 s20, $0x5;
	s18 =	smov.u32 s12  }
0x60d: {  	v18 =	vperm.xlane v18, v8;
	s20 =	sld [smem:$0x7F0];
	s12 =	sshrl.u32 s17, $0x1F;
	v21 =	vmov s7;
	s7 =	sshrl.u32 s26, $0x1F;
	v16 =	vsel vm8, s16, v16  }
0x60e: {  	v10 =	vsel vm4, v15, v10;
	v15 =	vsel vm2, s3, v17;
	v17 =	vmov s24;
	s24 =	sshrl.u32 s13, $0x1F;
	s13 =	sshra.s32 s17, $0x5;
	s16 =	sshrl.u32 s15, $0x1F  }
0x60f: {  	v14 =	vsel vm4, v18, v14;
	s17 =	sshrl.u32 s18, $0x1F;
	s18 =	sshrl.u32 s11, $0x1F;
	s11 =	sshra.s32 s11, $0x5  }
0x610: {  	v18 =	vadd.s32 v10, v14;
	v10 =	vmov s19;
	s19 =	smulhi.u32 $0x66666667, s0;
	s0 =	sshra.s32 s0, $0x1F;
	v15 =	vsel vm9, s24, v15;
	s24 =	spop (v2sf)  }
0x611: {  	v19 =	vmov s10;
	s10 =	sshrl.u32 s20, $0x1F;
	s5 =	sshra.s32 s20, $0x5;
	s0 =	smul.u32 $0x66666667, s0  }
0x612: {  	vm10 =	vmmov vm3;
	(v2sf) =	vpush v11, $0x7;
	s20 =	sshra.s32 s25, $0x5;
	s15 =	spop (v2sf);
	v10 =	vsel vm1, s12, v10;
	s12 =	sshra.s32 s26, $0x5  }
0x613: {  	v14 =	vmov s14;
	(v2sf) =	vpush v11, $0x0;
	v16 =	vsel vm6, s20, v16;
	s20 =	sshra.s32 s24, $0x1F;
	s14 =	sadd.s32 s0, s19;
	s19 =	smulhi.u32 $0x66666667, s24  }
0x614: {  	v21 =	vsel vm1, s13, v21;
	v17 =	vsel vm1, s10, v17;
	s10 =	sshrl.u32 s25, $0x1F;
	s3 =	spop (v2sf);
	v14 =	vsel vm1, s5, v14;
	s5 =	smul.u32 $0x66666667, s20  }
0x615: {  	vm3 =	vgt.s32 v18, $0x0;
	v15 =	vsel vm14, s17, v15;
	s0 =	sshra.s32 s25, $0x1F;
	s17 =	spop (v2sf);
	v17 =	vsel vm2, s16, v17;
	s16 =	smulhi.u32 $0x66666667, s15  }
0x616: {  	(v2sf) =	vpush v11, $0x1;
	v14 =	vsel vm2, s1, v14;
	s25 =	sshrl.u32 s30, $0x1F;
	s13 =	spop (v2sf);
	v17 =	vsel vm9, s7, v17;
	s7 =	smulhi.u32 $0x66666667, s17  }
0x617: {  	v21 =	vsel vm2, s11, v21;
	v10 =	vsel vm2, s18, v10;
	v28 =	vsel vm9, s12, v14;
	s6 =	sadd.s32 s5, s19;
	s19 =	sshra.s32 s15, $0x1F;
	s12 =	smulhi.u32 $0x66666667, s13  }
0x618: {  	v20 =	vnsel vm3, $0x0, v18;
	v25 =	vsel vm5, s0, v16;
	v26 =	vsel vm9, s25, v10;
	s25 =	sshra.s32 s4, $0x5;
	s18 =	spop (v2sf);
	s1 =	smul.u32 $0x66666667, s19  }
0x619: {  	(v2sf) =	vpush v11, $0x2;
	s0 =	sshra.s32 s30, $0x5;
	v14 =	vshll.u32 v19, $0x2;
	v19 =	vsel vm7, s25, v25;
	s25 =	sshra.s32 s17, $0x1F;
	s15 =	smulhi.u32 $0x66666667, s18  }
0x61a: {  	s22 =	simm.s32 $0x0;
	v20 =	vmin.u32 v20, $0x383;
	(v2sf) =	vpush v11, $0x3;
	v21 =	vsel vm9, s0, v21;
	s13 =	sshra.s32 s13, $0x1F;
	s0 =	smul.u32 $0x66666667, s25  }
0x61b: {  	v18 =	vmul.u32 $0xFFFFFFB0, v18;
	v20 =	vshll.u32 v20, $0x2;
	(v2sf) =	vpush v11, $0x4;
	s17 =	sshrl.u32 s2, $0x1F;
	s2 =	sshra.s32 s2, $0x5;
	s13 =	smul.u32 $0x66666667, s13  }
0x61c: {  	s24 =	simm.s32 $0x16A90;
	v22 =	vor.u32 $0x2, v20;
	(v2sf) =	vpush v11, $0xC;
	s26 =	spop (v2sf);
	v44 =	vmov s2;
	s2 =	smulhi.u32 $0x66666667, s3  }
0x61d: {  	vm3 =	vcmask $0x3734;
	s20 =	simm.s32 $0x11980;
	v27 =	vsel vm6, s10, v15;
	(v2sf) =	vpush v11, $0x8;
	s3 =	sshra.s32 s3, $0x1F;
	s5 =	smulhi.u32 $0x66666667, s26  }
0x61e: {  	s10 =	sshrl.u32 s23, $0x1F;
	v23 =	vor.u32 $0x3, v20;
	v24 =	vor.u32 $0x1, v20;
	v37 =	vcombine.low v26, v17;
	s11 =	sshra.s32 s26, $0x1F;
	s3 =	smul.u32 $0x66666667, s3  }
0x61f: {  	v42 =	vmov s17;
	v21 =	vcombine.low v21, v28;
	(v2sf) =	vpush v11, $0xD;
	s26 =	sshrl.u32 s4, $0x1F;
	s4 =	sshra.s32 s4, $0x1F;
	s11 =	smul.u32 $0x66666667, s11  }
0x620: {  	(v2sf) =	vpush v11, $0x9;
	s1 =	sadd.s32 s1, s16;
	s16 =	sshra.s32 s18, $0x1F;
	v36 =	vsel vm7, s26, v27;
	v38 =	vsel vm3, s4, v19;
	s26 =	sshra.s32 s23, $0x5  }
0x621: {  	v39 =	vperm.xlane v37, v6;
	(v2sf) =	vpush v11, $0x5;
	v40 =	vsel vm0, s26, v38;
	s26 =	sshrl.u32 s6, $0x1F;
	v22 =	vld.idx.msk [tilespmem:v22+s20+$0x0], $0xffff;
	s19 =	sadd.s32 s11, s5;
	s11 =	smul.u32 $0x66666667, s16  }
0x622: {  	v19 =	vadd.s32 v13, v18;
	v21 =	vperm.xlane v21, v6;
	v29 =	vld.idx.msk [tilespmem:v20+s20+$0x0], $0xffff;
	s6 =	sshra.s32 s6, $0x5;
	s2 =	sadd.s32 s3, s2;
	(v2sf) =	vpush v11, $0xE;
	s5 =	sadd.s32 s0, s7  }
0x623: {  	v63 =	vld.idx.msk [tilespmem:v24+s20+$0x0], $0xffff;
	v24 =	vsel vm0, s10, v36;
	s7 =	sadd.s32 s13, s12;
	v43 =	vmov s26;
	v25 =	vperm.xlane v40, v8;
	s11 =	sadd.s32 s11, s15;
	s15 =	sshra.s32 s19, $0x1F  }
0x624: {  	v45 =	vmov s6;
	s26 =	sshrl.u32 s21, $0x1F;
	v24 =	vperm.xlane v24, v8;
	s17 =	sshra.s32 s7, $0x5;
	v41 =	vmov s15;
	s25 =	sshra.s32 s11, $0x5  }
0x625: {  	v47 =	vsel vm1, s26, v43;
	v21 =	vsel vm4, v25, v21;
	s13 =	sshra.s32 s11, $0x1F;
	s11 =	sshrl.u32 s11, $0x1F;
	s18 =	spop (v2sf);
	v26 =	vsel vm15, s25, v41  }
0x626: {  	s12 =	sshra.s32 s7, $0x1F;
	s26 =	sshra.s32 s5, $0x5;
	v30 =	vmov s11;
	v22 =	vmul.f32 $5.000000000e-01, v22;
	s16 =	spop (v2sf);
	v26 =	vsel vm12, s13, v26  }
0x627: {  	s7 =	sshrl.u32 s7, $0x1F;
	s25 =	sshrl.u32 s31, $0x1F;
	(v2sf) =	vpush v11, $0xA;
	v51 =	vnsel vm15, $0x0, v30;
	s4 =	spop (v2sf);
	v26 =	vsel vm1, s17, v26  }
0x628: {  	s13 =	sshra.s32 s31, $0x5;
	s17 =	sshra.s32 s21, $0x5;
	v18 =	vsub.f32 v29, v22;
	v13 =	vadd.f32 v22, v29;
	s23 =	spop (v2sf);
	v22 =	vsel vm4, v24, v39  }
0x629: {  	v48 =	vsel vm11, s12, v26;
	v24 =	vsel vm1, s17, v45;
	s17 =	sshra.s32 s5, $0x1F;
	v29 =	vsel vm1, s7, v51;
	s7 =	sshra.s32 s2, $0x1F;
	s0 =	spop (v2sf)  }
0x62a: {  	(v2sf) =	vpush v11, $0xF;
	s5 =	sshrl.u32 s5, $0x1F;
	v21 =	vadd.s32 v22, v21;
	v22 =	vsel vm2, s26, v48;
	s26 =	sld [smem:$0x7F1];
	s15 =	spop (v2sf)  }
0x62b: {  	(v2sf) =	vpush v11, $0xB;
	v29 =	vsel vm2, s5, v29;
	s5 =	simm.s32 $0x2;
	v22 =	vsel vm10, s17, v22;
	s17 =	sshrl.u32 s9, $0x1F;
	s10 =	spop (v2sf)  }
0x62c: {  	v46 =	vsel vm1, s25, v42;
	v27 =	vsel vm2, s17, v47;
	s17 =	sshra.s32 s9, $0x5;
	s9 =	sld [smem:$0x7F2];
	s25 =	spop (v2sf)  }
0x62d: {  	v10 =	vmul.u32 $0x4, v3;
	v23 =	vld.idx.msk [tilespmem:v23+s20+$0x0], $0xffff;
	s21 =	smov.u32 s10;
	s10 =	sshrl.u32 s8, $0x1F;
	s11 =	smulhi.u32 $0x66666667, s26  }
0x62e: {  	v16 =	vmov s22;
	v49 =	vsel vm1, s13, v44;
	s6 =	sshra.s32 s26, $0x1F;
	s8 =	sshra.s32 s8, $0x5;
	s12 =	spop (v2sf)  }
0x62f: {  	v15 =	vor.u32 v10, v14;
	v25 =	vsel vm2, s10, v46;
	v26 =	vsel vm2, s8, v49;
	s10 =	sshra.s32 s2, $0x5;
	s6 =	smul.u32 $0x66666667, s6;
	s8 =	sld [smem:$0x7F3]  }
0x630: {  	vm3 =	vgt.s32 v21, $0x0;
	v50 =	vmul.u32 $0xFFFFFFB0, v21;
	s2 =	sshrl.u32 s2, $0x1F;
	s13 =	spop (v2sf);
	v22 =	vsel vm9, s10, v22;
	s10 =	sshrl.u32 s9, $0x1F  }
0x631: {  	v21 =	vnsel vm3, $0x0, v21;
	s26 =	spop (v2sf);
	v22 =	vsel vm13, s7, v22;
	v25 =	vsel vm9, s10, v25;
	s7 =	sshra.s32 s1, $0x5;
	s10 =	sshra.s32 s9, $0x5  }
0x632: {  	v23 =	vmul.f32 $5.000000000e-01, v23;
	(v2sf) =	vpush v11, $0x6;
	v21 =	vmin.u32 v21, $0x383;
	s3 =	sadd.s32 s6, s11;
	s9 =	sshra.s32 s14, $0x5;
	[dreg:$0x9] =	wrdreg s26  }
0x633: {  	v14 =	vor.u32 $0x1, v15;
	v21 =	vshll.u32 v21, $0x2;
	s26 =	spop (v2sf);
	v26 =	vsel vm9, s10, v26;
	s10 =	simm.s32 $0x16410;
	s6 =	sshra.s32 s3, $0x5  }
0x634: {  	v17 =	vsub.f32 v63, v23;
	v24 =	vsel vm2, s17, v24;
	v52 =	vor.u32 $0x2, v21;
	[dreg:$0x8] =	wrdreg s26;
	s26 =	sshrl.u32 s8, $0x1F;
	s8 =	sshra.s32 s8, $0x5  }
0x635: {  	v31 =	vor.u32 $0x3, v21;
	v22 =	vsel vm14, s7, v22;
	v27 =	vsel vm9, s26, v27;
	s26 =	sshra.s32 s1, $0x1F;
	v32 =	vld [tilespmem:s28+$0x0];
	[dreg:$0x6] =	wrdreg s5;
	s1 =	sshrl.u32 s1, $0x1F  }
0x636: {  	v53 =	vsel vm9, s2, v29;
	v24 =	vsel vm9, s8, v24;
	s8 =	sshrl.u32 s14, $0x1F;
	v22 =	vsel vm8, s26, v22;
	s26 =	sshra.s32 s14, $0x1F;
	s14 =	sshra.s32 s16, $0x1F  }
0x637: {  	v20 =	vadd.f32 v23, v63;
	v23 =	vsel vm14, s1, v53;
	v22 =	vsel vm6, s9, v22;
	s9 =	sshrl.u32 s3, $0x1F;
	s3 =	sshra.s32 s3, $0x1F;
	s2 =	smul.u32 $0x66666667, s14  }
0x638: {  	v28 =	vadd.s32 v12, v50;
	v12 =	vor.u32 $0x1, v21;
	v23 =	vsel vm6, s8, v23;
	s8 =	sshra.s32 s19, $0x5;
	s14 =	sshra.s32 s23, $0x1F;
	s17 =	spop (v2sf)  }
0x639: {  	v16 =	vshll.u32 v16, $0x2;
	v54 =	vor.u32 $0x2, v15;
	v30 =	vld.idx.msk [tilespmem:v52+s20+$0x0], $0xffff;
	v22 =	vsel vm5, s26, v22;
	s26 =	sshrl.u32 s19, $0x1F;
	s19 =	smov.u32 s13;
	s30 =	spop (v2sf)  }
0x63a: {  	v16 =	vor.u32 v10, v16;
	v55 =	vor.u32 $0x3, v15;
	v31 =	vld.idx.msk [tilespmem:v31+s20+$0x0], $0xffff;
	v23 =	vsel vm7, s9, v23;
	s9 =	sshra.s32 s4, $0x1F;
	s13 =	smulhi.u32 $0x66666667, s16;
	[tilespmem:s24+$0x0] =	vst v32;
	s7 =	spop (v2sf)  }
0x63b: {  	v61 =	vimm.s32 $0x0;
	v57 =	vor.u32 $0x1, v16;
	v25 =	vcombine.low v27, v25;
	v56 =	vld [tilespmem:s28+$0xFFFFFFF0];
	s16 =	smul.u32 $0x66666667, s9;
	[tilespmem:s10+$0x0] =	vst v19;
	s11 =	smov.u32 s7;
	s7 =	sshra.s32 s18, $0x1F  }
0x63c: {  	vm3 =	vcmask $0x3734;
	v24 =	vcombine.low v24, v26;
	v22 =	vsel vm7, s6, v22;
	s9 =	sshra.s32 s0, $0x1F;
	s6 =	sshra.s32 s25, $0x1F;
	v19 =	vld.idx.msk [tilespmem:v21+s20+$0x0], $0xffff;
	[tilespmem:v15+s29+$0x0] =	vst.idx.msk $0xffff, v18;
	s5 =	smul.u32 $0x66666667, s7  }
0x63d: {  	v58 =	vperm.xlane v25, v6;
	s1 =	sshra.s32 s19, $0x1F;
	v22 =	vsel vm3, s3, v22;
	s2 =	sadd.s32 s2, s13;
	v15 =	vld.idx.msk [tilespmem:v12+s20+$0x0], $0xffff;
	v12 =	vsel vm0, s26, v23;
	s7 =	smulhi.u32 $0x66666667, s18;
	[tilespmem:v14+s29+$0x0] =	vst.idx.msk $0xffff, v17  }
0x63e: {  	s13 =	sshra.s32 s21, $0x1F;
	v22 =	vsel vm0, s8, v22;
	s8 =	sshra.s32 s2, $0x5;
	v18 =	vperm.xlane v24, v6;
	s20 =	smulhi.u32 $0x66666667, s4;
	v12 =	vperm.xlane v12, v8;
	[tilespmem:v54+s29+$0x0] =	vst.idx.msk $0xffff, v13  }
0x63f: {  	v17 =	vperm.xlane v22, v8;
	v13 =	vmul.f32 $5.000000000e-01, v30;
	s26 =	sadd.s32 s5, s7;
	[tilespmem:v55+s29+$0x0] =	vst.idx.msk $0xffff, v20;
	v20 =	vsel vm4, $0xFFFFFFFF, v61;
	s7 =	smul.u32 $0x66666667, s14;
	s14 =	simm.s32 $0x16A90  }
0x640: {  	v59 =	vor.u32 $0x3, v16;
	v60 =	vmul.f32 $5.000000000e-01, v31;
	s4 =	sshra.s32 s15, $0x1F;
	s18 =	smov.u32 s12;
	v14 =	vor.u32 $0x2, v16;
	[tilespmem:$0x1FFF0] =	vst v20;
	[dreg:$0x3] =	wrdreg s14  }
0x641: {  	s31 =	spop (v2sf);
	v12 =	vsel vm4, v12, v58;
	v17 =	vsel vm4, v17, v18;
	s5 =	sshra.s32 s26, $0x1F;
	v62 =	vsub.f32 v19, v13;
	[tilespmem:s24+$0xFFFFFFF0] =	vst v56;
	s24 =	simm.s32 $0x16410  }
0x642: {  	s3 =	sadd.s32 s16, s20;
	s20 =	smulhi.u32 $0x66666667, s23;
	v12 =	vadd.s32 v12, v17;
	v13 =	vadd.f32 v13, v19;
	v18 =	vmov s5;
	[dreg:$0x5] =	wrdreg s24  }
0x643: {  	s16 =	sshra.s32 s2, $0x1F;
	s14 =	sshra.s32 s3, $0x5;
	vm3 =	vgt.s32 v12, $0x0;
	v17 =	vsel vm15, s8, v18;
	v18 =	vsub.f32 v15, v60;
	[tilespmem:s10+$0xFFFFFFF0] =	vst v28;
	s10 =	smul.u32 $0x66666667, s9  }
0x644: {  	s8 =	sshrl.u32 s2, $0x1F;
	v63 =	vnsel vm3, $0x0, v12;
	v15 =	vadd.f32 v60, v15;
	v17 =	vsel vm12, s16, v17;
	s16 =	sadd.s32 s7, s20;
	s20 =	smulhi.u32 $0x66666667, s0;
	[tilespmem:v16+s29+$0x0] =	vst.idx.msk $0xffff, v62  }
0x645: {  	s23 =	smov.u32 s25;
	s24 =	sshra.s32 s3, $0x1F;
	s0 =	smul.u32 $0x66666667, s4;
	v16 =	vmov s8;
	v17 =	vsel vm1, s14, v17;
	[tilespmem:v57+s29+$0x0] =	vst.idx.msk $0xffff, v18;
	v18 =	vmin.u32 v63, $0x383  }
0x646: {  	s5 =	sshra.s32 s12, $0x1F;
	s7 =	smulhi.u32 $0x66666667, s15;
	s25 =	sshra.s32 s16, $0x5;
	v19 =	vsel vm11, s24, v17;
	v17 =	vnsel vm15, $0x0, v16;
	[tilespmem:v14+s29+$0x0] =	vst.idx.msk $0xffff, v13;
	v13 =	vshll.u32 v18, $0x2  }
0x647: {  	s4 =	sshra.s32 s16, $0x1F;
	s2 =	sadd.s32 s10, s20;
	v14 =	vsel vm2, s25, v19;
	s25 =	simm.s32 $0x15CD0;
	[tilespmem:v59+s29+$0x0] =	vst.idx.msk $0xffff, v15;
	v16 =	vor.u32 $0x2, v13;
	v15 =	vor.u32 $0x3, v13  }
.LBB2_134:
0x648: {  	s8 =	smul.u32 $0x66666667, s13  }
0x649: {  	s20 =	rddreg [dreg:$0x9];
	s10 =	sshra.s32 s2, $0x5;
	s6 =	smul.u32 $0x66666667, s6  }
0x64a: {  	s12 =	sshra.s32 s2, $0x1F;
	s28 =	sadd.s32 $0x20, s28;
	s14 =	smulhi.u32 $0x66666667, s23  }
0x64b: {  	s24 =	rddreg [dreg:$0x8];
	s22 =	sadd.s32 $0x20, s22;
	s5 =	smul.u32 $0x66666667, s5  }
0x64c: {  	v18 =	vld [tilespmem:s25+$0x0];
	s3 =	sshrl.u32 s3, $0x1F;
	s16 =	sshrl.u32 s16, $0x1F;
	s23 =	rddreg [dreg:$0x3]  }
0x64d: {  	vm11 =	vcmask $0x1714;
	s9 =	sshra.s32 s20, $0x1F;
	[dreg:$0x4] =	wrdreg s28;
	v17 =	vsel vm1, s3, v17;
	s3 =	smulhi.u32 $0x66666667, s19  }
0x64e: {  	v19 =	vsel vm11, s4, v14;
	s13 =	sshra.s32 s24, $0x1F;
	s0 =	sadd.s32 s0, s7;
	s19 =	smulhi.u32 $0x66666667, s20  }
0x64f: {  	v20 =	vor.u32 $0x1, v13;
	[dreg:$0x7] =	wrdreg s22;
	s15 =	sadd.s32 $0x10, s22;
	v19 =	vsel vm9, s10, v19;
	s10 =	smulhi.u32 $0x66666667, s21  }
0x650: {  	v21 =	vld [tilespmem:s28+$0x0];
	s4 =	sshra.s32 s30, $0x1F;
	s21 =	simm.s32 $0x11980;
	s7 =	smul.u32 $0x66666667, s9  }
0x651: {  	vm10 =	vcmask $0x1F1C;
	s6 =	sadd.s32 s6, s14;
	s9 =	smulhi.u32 $0x66666667, s18;
	s14 =	sshra.s32 s11, $0x1F;
	v22 =	vld.idx.msk [tilespmem:v16+s21+$0x0], $0xffff;
	(v2sf) =	vpush v18, $0xF  }
0x652: {  	s13 =	smul.u32 $0x66666667, s13;
	s20 =	sshra.s32 s0, $0x1F;
	v19 =	vsel vm10, s12, v19;
	s12 =	sshra.s32 s17, $0x1F;
	v15 =	vld.idx.msk [tilespmem:v15+s21+$0x0], $0xffff;
	(v2sf) =	vpush v18, $0xB  }
0x653: {  	vm6 =	vcmask $0x2320;
	v16 =	vmov s22;
	s22 =	sshra.s32 s0, $0x5;
	v23 =	vld.idx.msk [tilespmem:v13+s21+$0x0], $0xffff;
	v13 =	vmov s15;
	s18 =	sshrl.u32 s6, $0x1F;
	s17 =	smulhi.u32 $0x66666667, s17  }
0x654: {  	v12 =	vmul.u32 $0xFFFFFFB0, v12;
	s6 =	sshra.s32 s6, $0x5;
	s14 =	smul.u32 $0x66666667, s14;
	s8 =	sadd.s32 s8, s10;
	v24 =	vshll.u32 v13, $0x2;
	v20 =	vld.idx.msk [tilespmem:v20+s21+$0x0], $0xffff;
	(v2sf) =	vpush v18, $0x6  }
0x655: {  	s10 =	smul.u32 $0x66666667, s1;
	v19 =	vsel vm6, s22, v19;
	s1 =	sshra.s32 s31, $0x1F;
	s22 =	smov.u32 s11;
	v24 =	vor.u32 v10, v24;
	(v2sf) =	vpush v18, $0xE  }
0x656: {  	v12 =	vadd.s32 v9, v12;
	s11 =	sadd.s32 $0x20, s23;
	s12 =	smul.u32 $0x66666667, s12;
	s23 =	smov.u32 s31;
	v25 =	vor.u32 $0x1, v24;
	v22 =	vmul.f32 $5.000000000e-01, v22  }
0x657: {  	s31 =	rddreg [dreg:$0x5];
	s5 =	sadd.s32 s5, s9;
	s9 =	smulhi.u32 $0x66666667, s24;
	v26 =	vor.u32 $0x2, v24;
	v15 =	vmul.f32 $5.000000000e-01, v15;
	(v2sf) =	vpush v18, $0xA  }
0x658: {  	s24 =	sshrl.u32 s2, $0x1F;
	s15 =	sshrl.u32 s8, $0x1F;
	s31 =	sadd.s32 $0x20, s31;
	v27 =	vor.u32 $0x3, v24;
	[tilespmem:s11+$0x0] =	vst v21;
	(v2sf) =	vpush v18, $0xD;
	v54 =	vsub.f32 v23, v22  }
0x659: {  	vm13 =	vcmask $0x2724;
	s8 =	sshra.s32 s8, $0x5;
	s1 =	smul.u32 $0x66666667, s1;
	[dreg:$0x3] =	wrdreg s11;
	[tilespmem:s31+$0x0] =	vst v12;
	v12 =	vsub.f32 v20, v15;
	(v2sf) =	vpush v18, $0x9  }
0x65a: {  	v9 =	vmov v18;
	s10 =	sadd.s32 s10, s3;
	s3 =	sadd.s32 s7, s19;
	s7 =	smul.u32 $0x66666667, s4;
	v18 =	vsel vm13, s20, v19;
	v19 =	vadd.f32 v22, v23;
	[tilespmem:v24+s29+$0x0] =	vst.idx.msk $0xffff, v54  }
0x65b: {  	s9 =	sadd.s32 s13, s9;
	s12 =	sadd.s32 s12, s17;
	[dreg:$0x5] =	wrdreg s31;
	(v2sf) =	vpush v9, $0x5;
	[tilespmem:v25+s29+$0x0] =	vst.idx.msk $0xffff, v12;
	v12 =	vadd.f32 v15, v20  }
0x65c: {  	v55 =	vmov s15;
	s19 =	sshrl.u32 s10, $0x1F;
	s20 =	sshrl.u32 s5, $0x1F;
	v15 =	vmov s18;
	s18 =	smulhi.u32 $0x66666667, s30;
	[tilespmem:v26+s29+$0x0] =	vst.idx.msk $0xffff, v19  }
0x65d: {  	v17 =	vsel vm2, s16, v17;
	s10 =	sshra.s32 s10, $0x5;
	s15 =	sshra.s32 s3, $0x5;
	(v2sf) =	vpush v9, $0xC;
	[tilespmem:v27+s29+$0x0] =	vst.idx.msk $0xffff, v12;
	v12 =	vsel vm1, s20, v55;
	s20 =	smulhi.u32 $0x66666667, s22  }
0x65e: {  	v17 =	vsel vm9, s24, v17;
	s16 =	sshrl.u32 s9, $0x1F;
	s5 =	sshra.s32 s5, $0x5;
	s22 =	smulhi.u32 $0x66666667, s23  }
0x65f: {  	(v2sf) =	vpush v9, $0x8;
	v19 =	vmov s6;
	v15 =	vsel vm1, s19, v15;
	s19 =	sshrl.u32 s12, $0x1F;
	s6 =	sshra.s32 s3, $0x1F;
	s24 =	sadd.s32 s7, s18  }
0x660: {  	vm8 =	vcmask $0x2F2C;
	v56 =	vmov s8;
	s13 =	sadd.s32 s14, s20;
	s1 =	sadd.s32 s1, s22;
	s4 =	spop (v2sf)  }
0x661: {  	vm10 =	vcmask $0x2B28;
	v20 =	vsel vm1, s5, v56;
	(v2sf) =	vpush v9, $0x4;
	s14 =	sshrl.u32 s24, $0x1F;
	s7 =	smulhi.u32 $0x66666667, s4;
	s5 =	spop (v2sf)  }
0x662: {  	v18 =	vsel vm10, s15, v18;
	v57 =	vsel vm2, s19, v15;
	v12 =	vsel vm2, s16, v12;
	s22 =	sshra.s32 s24, $0x5;
	s16 =	sshrl.u32 s13, $0x1F;
	s19 =	smulhi.u32 $0x66666667, s5  }
0x663: {  	v18 =	vsel vm8, s6, v18;
	(v2sf) =	vpush v9, $0x3;
	s24 =	sshra.s32 s13, $0x5;
	s6 =	spop (v2sf);
	[dreg:$0x11] =	wrdreg s7  }
0x664: {  	vm5 =	vcmask $0x3330;
	v19 =	vsel vm1, s10, v19;
	s13 =	sshra.s32 s1, $0x5;
	s10 =	smulhi.u32 $0x66666667, s6;
	s7 =	spop (v2sf)  }
0x665: {  	(v2sf) =	vpush v9, $0x2;
	v18 =	vsel vm5, s13, v18;
	s13 =	rddreg [dreg:$0x6];
	s15 =	smulhi.u32 $0x66666667, s7  }
0x666: {  	s9 =	sshra.s32 s9, $0x5;
	s8 =	spop (v2sf);
	[dreg:$0xa] =	wrdreg s10  }
0x667: {  	v20 =	vsel vm2, s9, v20;
	s23 =	sshra.s32 s12, $0x5;
	s17 =	smulhi.u32 $0x66666667, s8;
	s9 =	spop (v2sf)  }
0x668: {  	v14 =	vld [tilespmem:s25+$0xFFFFFFF0];
	(v2sf) =	vpush v9, $0x1;
	s2 =	sadd.s32 $0x2, s13;
	s20 =	smulhi.u32 $0x66666667, s9;
	s10 =	spop (v2sf)  }
0x669: {  	v19 =	vsel vm2, s23, v19;
	[dreg:$0x6] =	wrdreg s2;
	s29 =	sshra.s32 s9, $0x1F;
	s23 =	smulhi.u32 $0x66666667, s10  }
0x66a: {  	s18 =	sshrl.u32 s3, $0x1F;
	(v2sf) =	vpush v9, $0x0;
	s12 =	spop (v2sf);
	s29 =	smul.u32 $0x66666667, s29  }
0x66b: {  	[dreg:$0x14] =	wrdreg s15;
	s10 =	sshra.s32 s10, $0x1F;
	s3 =	smulhi.u32 $0x66666667, s12  }
0x66c: {  	s0 =	sshrl.u32 s0, $0x1F;
	v13 =	vld [tilespmem:s28+$0xFFFFFFF0];
	(v2sf) =	vpush v9, $0x7;
	s28 =	spop (v2sf);
	s10 =	smul.u32 $0x66666667, s10  }
0x66d: {  	v17 =	vsel vm6, s0, v17;
	v21 =	vsel vm9, s16, v57;
	(v2sf) =	vpush v14, $0x7;
	[dreg:$0x16] =	wrdreg s20;
	s12 =	sshra.s32 s12, $0x1F;
	s16 =	smulhi.u32 $0x66666667, s28  }
0x66e: {  	v59 =	vsel vm10, s18, v17;
	s18 =	sshrl.u32 s26, $0x1F;
	(v2sf) =	vpush v14, $0x0;
	s20 =	spop (v2sf);
	s12 =	smul.u32 $0x66666667, s12  }
0x66f: {  	[dreg:$0x15] =	wrdreg s17;
	s28 =	sshra.s32 s28, $0x1F;
	s15 =	smulhi.u32 $0x66666667, s20  }
0x670: {  	v58 =	vsel vm9, s14, v12;
	s14 =	sshrl.u32 s1, $0x1F;
	(v2sf) =	vpush v14, $0x1;
	s0 =	spop (v2sf);
	s28 =	smul.u32 $0x66666667, s28  }
0x671: {  	vm7 =	vcmask $0x3734;
	vm4 =	vcmask $0x3B38;
	v20 =	vsel vm9, s22, v20;
	[dreg:$0x18] =	wrdreg s3;
	s20 =	sshra.s32 s20, $0x1F;
	s3 =	smulhi.u32 $0x66666667, s0  }
0x672: {  	v19 =	vsel vm9, s24, v19;
	v60 =	vsel vm5, s14, v59;
	(v2sf) =	vpush v14, $0x2;
	s17 =	sshra.s32 s1, $0x1F;
	s1 =	spop (v2sf);
	s20 =	smul.u32 $0x66666667, s20  }
0x673: {  	v61 =	vld [tilespmem:$0x1FFF0];
	v21 =	vcombine.low v21, v58;
	v19 =	vcombine.low v19, v20;
	(v2sf) =	vpush v14, $0x3;
	[dreg:$0x17] =	wrdreg s23;
	s0 =	sshra.s32 s0, $0x1F;
	s22 =	smulhi.u32 $0x66666667, s1  }
0x674: {  	v20 =	vsel vm4, s18, v60;
	(v2sf) =	vpush v14, $0x4;
	v18 =	vsel vm7, s17, v18;
	s23 =	sshra.s32 s26, $0x5;
	s17 =	spop (v2sf);
	s0 =	smul.u32 $0x66666667, s0  }
0x675: {  	v20 =	vperm.xlane v20, v8;
	(v2sf) =	vpush v14, $0xC;
	[dreg:$0x19] =	wrdreg s15;
	s15 =	sshra.s32 s4, $0x1F;
	s24 =	smulhi.u32 $0x66666667, s17  }
0x676: {  	p0 =	slt.u32 s2, $0x10;
	v21 =	vperm.xlane v21, v6;
	(v2sf) =	vpush v14, $0x8;
	v18 =	vsel vm4, s23, v18;
	s1 =	sshra.s32 s1, $0x1F;
	s2 =	smul.u32 $0x66666667, s15  }
0x677: {  	v19 =	vperm.xlane v19, v6;
	(v2sf) =	vpush v14, $0xD;
	v18 =	vperm.xlane v18, v8;
	s14 =	spop (v2sf);
	s1 =	smul.u32 $0x66666667, s1  }
0x678: {  	vm0 =	vnez.u8 v61;
	(v2sf) =	vpush v14, $0x9;
	s17 =	sshra.s32 s17, $0x1F;
	[dreg:$0x13] =	wrdreg s22;
	s26 =	smulhi.u32 $0x66666667, s14  }
0x679: {  	v20 =	vsel vm0, v20, v21;
	(v2sf) =	vpush v14, $0x5;
	v18 =	vsel vm0, v18, v19;
	s30 =	spop (v2sf);
	s17 =	smul.u32 $0x66666667, s17  }
0x67a: {  	(v2sf) =	vpush v14, $0xE;
	v18 =	vadd.s32 v20, v18;
	[dreg:$0x1b] =	wrdreg s24;
	s13 =	smulhi.u32 $0x66666667, s30  }
0x67b: {  	(v2sf) =	vpush v14, $0xA;
	s23 =	spop (v2sf);
	vm3 =	vgt.s32 v18, $0x0;
	[dreg:$0x1a] =	wrdreg s26  }
0x67c: {  	(v2sf) =	vpush v14, $0xF;
	v19 =	vmul.u32 $0xFFFFFFB0, v18;
	s22 =	smulhi.u32 $0x66666667, s23;
	s18 =	spop (v2sf);
	v18 =	vnsel vm3, $0x0, v18  }
0x67d: {  	(v2sf) =	vpush v14, $0xB;
	s24 =	sshra.s32 s5, $0x1F;
	[dreg:$0x10] =	wrdreg s18;
	s26 =	spop (v2sf);
	v18 =	vmin.u32 v18, $0x383  }
0x67e: {  	s6 =	sshra.s32 s6, $0x1F;
	(v2sf) =	vpush v14, $0x6;
	s18 =	smul.u32 $0x66666667, s24;
	v19 =	vadd.s32 v11, v19;
	v11 =	vmovc v14;
	[dreg:$0xc] =	wrdreg s26;
	v14 =	vshll.u32 v18, $0x2  }
0x67f: {  	s24 =	sshra.s32 s7, $0x1F;
	s15 =	spop (v2sf);
	s26 =	smul.u32 $0x66666667, s6;
	v62 =	vor.u32 $0x2, v14  }
0x680: {  	s7 =	sshra.s32 s8, $0x1F;
	[dreg:$0xb] =	wrdreg s15;
	s15 =	smul.u32 $0x66666667, s24;
	v63 =	vor.u32 $0x3, v14  }
0x681: {  	s5 =	spop (v2sf);
	s24 =	smul.u32 $0x66666667, s7;
	v18 =	vor.u32 $0x1, v14  }
0x682: {  	[dreg:$0x12] =	wrdreg s26;
	s8 =	spop (v2sf)  }
0x683: {  	[dreg:$0xe] =	wrdreg s5;
	s9 =	spop (v2sf);
	v14 =	vld.idx.msk [tilespmem:v14+s21+$0x0], $0xffff  }
0x684: {  	[dreg:$0xd] =	wrdreg s8;
	s8 =	spop (v2sf);
	v20 =	vld.idx.msk [tilespmem:v62+s21+$0x0], $0xffff  }
0x685: {  	s14 =	sshra.s32 s14, $0x1F;
	[dreg:$0xf] =	wrdreg s9;
	s7 =	spop (v2sf);
	v21 =	vld.idx.msk [tilespmem:v63+s21+$0x0], $0xffff  }
0x686: {  	s5 =	spop (v2sf);
	v18 =	vld.idx.msk [tilespmem:v18+s21+$0x0], $0xffff;
	s21 =	sshra.s32 s30, $0x1F;
	s30 =	smul.u32 $0x66666667, s14  }
0x687: {  	s14 =	sshra.s32 s23, $0x1F;
	s23 =	rddreg [dreg:$0x11];
	s9 =	spop (v2sf)  }
0x688: {  	s19 =	sadd.s32 s18, s19;
	s18 =	smul.u32 $0x66666667, s14;
	s14 =	rddreg [dreg:$0x14]  }
0x689: {  	s26 =	spop (v2sf);
	s14 =	sadd.s32 s15, s14;
	s15 =	rddreg [dreg:$0x15]  }
0x68a: {  	s25 =	sadd.s32 $0x20, s25;
	[dreg:$0x9] =	wrdreg s26;
	s6 =	spop (v2sf)  }
0x68b: {  	s3 =	sadd.s32 s0, s3;
	s21 =	smul.u32 $0x66666667, s21;
	[dreg:$0x8] =	wrdreg s6  }
0x68c: {  	s0 =	sadd.s32 s18, s22;
	s6 =	sadd.s32 s2, s23;
	s23 =	rddreg [dreg:$0x16]  }
0x68d: {  	s2 =	sadd.s32 s24, s15;
	s15 =	sadd.s32 s28, s16;
	s28 =	rddreg [dreg:$0x4]  }
0x68e: {  	s18 =	sadd.s32 s21, s13;
	s4 =	spop (v2sf);
	s24 =	rddreg [dreg:$0x17]  }
0x68f: {  	v15 =	vshll.u32 v16, $0x2;
	s26 =	spop (v2sf);
	s23 =	sadd.s32 s29, s23;
	s10 =	sadd.s32 s10, s24  }
0x690: {  	v15 =	vor.u32 v10, v15;
	s24 =	rddreg [dreg:$0x18];
	s29 =	simm.s32 $0x16580;
	s22 =	sshrl.u32 s15, $0x1F  }
0x691: {  	[tilespmem:s11+$0xFFFFFFF0] =	vst v13;
	v13 =	vmul.f32 $5.000000000e-01, v20;
	s15 =	sshra.s32 s15, $0x5;
	s16 =	sadd.s32 s12, s24;
	s24 =	rddreg [dreg:$0x19]  }
0x692: {  	v16 =	vor.u32 $0x1, v15;
	[tilespmem:s31+$0xFFFFFFF0] =	vst v19;
	v19 =	vmul.f32 $5.000000000e-01, v21;
	s11 =	spop (v2sf);
	s12 =	sadd.s32 s20, s24;
	s24 =	rddreg [dreg:$0x1b]  }
0x693: {  	vm15 =	vcmask $0x300;
	v12 =	vor.u32 $0x2, v15;
	s31 =	spop (v2sf);
	v20 =	vsub.f32 v14, v13;
	s13 =	sadd.s32 s17, s24;
	s24 =	rddreg [dreg:$0x1a]  }
0x694: {  	v17 =	vor.u32 $0x3, v15;
	v13 =	vadd.f32 v13, v14;
	s20 =	sshra.s32 s0, $0x1F;
	v14 =	vsub.f32 v18, v19;
	s21 =	sadd.s32 s30, s24;
	s30 =	smov.u32 s26  }
0x695: {  	v18 =	vadd.f32 v19, v18;
	v19 =	vmov s20;
	s26 =	sshra.s32 s18, $0x5;
	[tilespmem:v15+s29+$0x0] =	vst.idx.msk $0xffff, v20;
	v15 =	vmov s22;
	s24 =	sshrl.u32 s12, $0x1F;
	s22 =	rddreg [dreg:$0x7]  }
0x696: {  	s12 =	sshra.s32 s12, $0x5;
	v19 =	vsel vm15, s26, v19;
	s26 =	sshra.s32 s18, $0x1F;
	s18 =	sshrl.u32 s18, $0x1F  }
0x697: {  	vm14 =	vcmask $0x704;
	[tilespmem:v16+s29+$0x0] =	vst.idx.msk $0xffff, v14;
	v14 =	vmov s24;
	s20 =	sshra.s32 s21, $0x5;
	s24 =	sshrl.u32 s23, $0x1F;
	s17 =	sshra.s32 s21, $0x1F  }
0x698: {  	v16 =	vmov s15;
	s15 =	sshra.s32 s3, $0x1F;
	v19 =	vsel vm14, s26, v19;
	[tilespmem:v12+s29+$0x0] =	vst.idx.msk $0xffff, v13;
	s26 =	sshrl.u32 s10, $0x1F;
	v12 =	vmov s18;
	s18 =	smov.u32 s5  }
0x699: {  	v13 =	vmov s12;
	v15 =	vsel vm1, s24, v15;
	s10 =	sshra.s32 s10, $0x5;
	s24 =	sshra.s32 s13, $0x5;
	s12 =	sshra.s32 s3, $0x5  }
0x69a: {  	v19 =	vsel vm1, s20, v19;
	s20 =	sshra.s32 s23, $0x5;
	s23 =	smov.u32 s7;
	s7 =	rddreg [dreg:$0x13]  }
0x69b: {  	vm12 =	vcmask $0xF0C;
	v14 =	vsel vm1, s26, v14;
	s26 =	sshrl.u32 s14, $0x1F;
	s14 =	sshra.s32 s14, $0x5;
	s1 =	sadd.s32 s1, s7  }
0x69c: {  	[tilespmem:v17+s29+$0x0] =	vst.idx.msk $0xffff, v18;
	v17 =	vsel vm12, s17, v19;
	v16 =	vsel vm1, s20, v16;
	s20 =	sshra.s32 s13, $0x1F;
	s17 =	smov.u32 s4;
	s4 =	sshrl.u32 s21, $0x1F  }
0x69d: {  	s21 =	smov.u32 s8;
	s7 =	sshrl.u32 s6, $0x1F;
	s8 =	sshrl.u32 s19, $0x1F  }
0x69e: {  	v15 =	vsel vm2, s26, v15;
	s6 =	sshra.s32 s6, $0x5;
	v17 =	vsel vm2, s24, v17;
	s24 =	sshrl.u32 s2, $0x1F;
	s26 =	sshra.s32 s1, $0x5  }
0x69f: {  	vm3 =	vcmask $0x1F1C;
	v16 =	vsel vm2, s14, v16;
	s2 =	sshra.s32 s2, $0x5;
	s5 =	sshra.s32 s1, $0x1F;
	s14 =	sshrl.u32 s13, $0x1F  }
0x6a0: {  	v12 =	vnsel vm15, $0x0, v12;
	v15 =	vsel vm9, s7, v15;
	s1 =	sshrl.u32 s1, $0x1F;
	s7 =	rddreg [dreg:$0x12];
	s13 =	sshrl.u32 s0, $0x1F;
	v17 =	vsel vm11, s20, v17  }
0x6a1: {  	v13 =	vsel vm1, s10, v13;
	v12 =	vsel vm1, s4, v12;
	s0 =	sshra.s32 s0, $0x5;
	s4 =	rddreg [dreg:$0xb];
	s20 =	sshra.s32 s19, $0x5;
	v17 =	vsel vm9, s26, v17  }
0x6a2: {  	v14 =	vsel vm2, s24, v14;
	v13 =	vsel vm2, s2, v13;
	s19 =	smov.u32 s9;
	s24 =	sshra.s32 s16, $0x5;
	s9 =	rddreg [dreg:$0x10];
	v17 =	vsel vm3, s5, v17  }
0x6a3: {  	v12 =	vsel vm2, s14, v12;
	v16 =	vsel vm9, s6, v16;
	s14 =	sshra.s32 s9, $0x1F;
	s6 =	smulhi.u32 $0x66666667, s9;
	s9 =	rddreg [dreg:$0xf];
	v17 =	vsel vm6, s12, v17  }
0x6a4: {  	v14 =	vsel vm9, s8, v14;
	v12 =	vsel vm9, s1, v12;
	s26 =	sshrl.u32 s3, $0x1F;
	s8 =	sshra.s32 s16, $0x1F;
	s5 =	rddreg [dreg:$0xa];
	v17 =	vsel vm13, s15, v17  }
0x6a5: {  	v13 =	vsel vm9, s20, v13;
	v12 =	vsel vm6, s26, v12;
	s26 =	rddreg [dreg:$0xc];
	s3 =	sadd.s32 s7, s5;
	s15 =	sshrl.u32 s16, $0x1F;
	v17 =	vsel vm10, s24, v17  }
0x6a6: {  	v14 =	vcombine.low v14, v15;
	s5 =	smul.u32 $0x66666667, s14;
	s16 =	sshra.s32 s3, $0x5;
	s20 =	sshrl.u32 s3, $0x1F;
	v12 =	vsel vm10, s15, v12;
	v15 =	vsel vm8, s8, v17  }
0x6a7: {  	v13 =	vcombine.low v13, v16;
	s24 =	sshra.s32 s3, $0x1F;
	s15 =	sshra.s32 s4, $0x1F;
	v12 =	vsel vm5, s20, v12;
	s20 =	smulhi.u32 $0x66666667, s26;
	v15 =	vsel vm5, s16, v15  }
0x6a8: {  	s12 =	sshra.s32 s26, $0x1F;
	s7 =	rddreg [dreg:$0xe];
	v14 =	vperm.xlane v14, v6;
	s2 =	smul.u32 $0x66666667, s15;
	v15 =	vsel vm7, s24, v15  }
0x6a9: {  	s10 =	sshra.s32 s7, $0x1F;
	v13 =	vperm.xlane v13, v6;
	s8 =	rddreg [dreg:$0xd];
	s15 =	smulhi.u32 $0x66666667, s4;
	v12 =	vsel vm4, s13, v12;
	v15 =	vsel vm4, s0, v15  }
0x6aa: {  	s26 =	sadd.s32 s5, s6;
	s6 =	sshra.s32 s23, $0x1F;
	s16 =	smul.u32 $0x66666667, s12;
	v12 =	vperm.xlane v12, v8;
	v15 =	vperm.xlane v15, v8  }
0x6ab: {  	s5 =	sshra.s32 s18, $0x1F;
	s4 =	smul.u32 $0x66666667, s10;
	s1 =	sshra.s32 s8, $0x1F  }
0x6ac: {  	s12 =	sshra.s32 s9, $0x1F;
	s24 =	sshra.s32 s26, $0x1F;
	s0 =	sadd.s32 s16, s20;
	v12 =	vsel vm0, v12, v14;
	v13 =	vsel vm0, v15, v13  }
0x6ad: {  	s3 =	sadd.s32 s2, s15;
	v14 =	vmov s24;
	s16 =	sshra.s32 s0, $0x5;
	s24 =	smulhi.u32 $0x66666667, s7;
	v12 =	vadd.s32 v12, v13  }
.Ltmp85:
0x6ae: {  	s20 =	sshra.s32 s0, $0x1F;
	s0 =	sshrl.u32 s0, $0x1F;
	v13 =	vsel vm15, s16, v14;
	vm3 =	vgt.s32 v12, $0x0;
	(pc) =	sbr.rel @p0 .LBB2_134-.Ltmp85, $4  }
0x6af: {  	s13 =	sshra.s32 s21, $0x1F;
	s14 =	sshra.s32 s3, $0x5;
	s7 =	smul.u32 $0x66666667, s1;
	v15 =	vmov s0;
	v13 =	vsel vm14, s20, v13;
	v14 =	vnsel vm3, $0x0, v12  }
0x6b0: {  	s15 =	sshra.s32 s3, $0x1F;
	v17 =	vnsel vm15, $0x0, v15;
	s16 =	sadd.s32 s4, s24;
	s20 =	smulhi.u32 $0x66666667, s8;
	v15 =	vsel vm1, s14, v13;
	v14 =	vmin.u32 v14, $0x383  }
0x6b1: {  	s1 =	sshra.s32 s19, $0x1F;
	s0 =	smul.u32 $0x66666667, s12;
	s24 =	sshra.s32 s16, $0x5;
	v13 =	vshll.u32 v14, $0x2;
	v14 =	vsel vm12, s15, v15  }
0x6b2: {  	s4 =	sshra.s32 s16, $0x1F;
	s2 =	sadd.s32 s7, s20;
	s7 =	smulhi.u32 $0x66666667, s9;
	v16 =	vor.u32 $0x2, v13;
	v14 =	vsel vm2, s24, v14;
	v15 =	vor.u32 $0x3, v13  }
0x6b3: {  	s8 =	smul.u32 $0x66666667, s13  }
0x6b4: {  	s6 =	smul.u32 $0x66666667, s6  }
0x6b5: {  	s9 =	smulhi.u32 $0x66666667, s21  }
0x6b6: {  	s10 =	smulhi.u32 $0x66666667, s23  }
0x6b7: {  	s5 =	smul.u32 $0x66666667, s5  }
0x6b8: {  	s1 =	smul.u32 $0x66666667, s1  }
0x6b9: {  	s14 =	rddreg [dreg:$0x9];
	s25 =	smulhi.u32 $0x66666667, s18  }
0x6ba: {  	s18 =	smulhi.u32 $0x66666667, s19;
	s15 =	rddreg [dreg:$0x8];
	s21 =	sshra.s32 s2, $0x5  }
0x6bb: {  	s13 =	sshra.s32 s2, $0x1F;
	s23 =	smov.u32 s17;
	s24 =	sshra.s32 s17, $0x1F  }
0x6bc: {  	s3 =	sshrl.u32 s3, $0x1F;
	s2 =	sshrl.u32 s2, $0x1F;
	s20 =	smulhi.u32 $0x66666667, s14  }
0x6bd: {  	s12 =	sshra.s32 s14, $0x1F;
	s19 =	sshra.s32 s15, $0x1F;
	s15 =	smulhi.u32 $0x66666667, s15  }
0x6be: {  	vm11 =	vcmask $0x1714;
	s7 =	sadd.s32 s0, s7;
	s12 =	smul.u32 $0x66666667, s12;
	s8 =	sadd.s32 s8, s9  }
0x6bf: {  	v14 =	vsel vm11, s4, v14;
	s6 =	sadd.s32 s6, s10;
	s9 =	smul.u32 $0x66666667, s19;
	s5 =	sadd.s32 s5, s25  }
0x6c0: {  	s1 =	sadd.s32 s1, s18;
	s25 =	sshra.s32 s7, $0x5;
	v14 =	vsel vm9, s21, v14;
	s21 =	sshra.s32 s11, $0x1F  }
0x6c1: {  	s17 =	sshrl.u32 s8, $0x1F;
	s4 =	sshra.s32 s8, $0x5;
	s8 =	smulhi.u32 $0x66666667, s23  }
0x6c2: {  	v17 =	vsel vm1, s3, v17;
	s19 =	sshra.s32 s30, $0x1F;
	s23 =	sshra.s32 s31, $0x1F;
	s3 =	smul.u32 $0x66666667, s21  }
0x6c3: {  	vm10 =	vcmask $0x1F1C;
	s14 =	sshrl.u32 s1, $0x1F;
	s1 =	sshra.s32 s1, $0x5;
	s21 =	smulhi.u32 $0x66666667, s30  }
0x6c4: {  	vm12 =	vcmask $0x2320;
	vm8 =	vcmask $0x2724;
	vm0 =	vcmask $0x2B28;
	s30 =	sshrl.u32 s7, $0x1F;
	s31 =	smulhi.u32 $0x66666667, s31;
	s0 =	sadd.s32 s12, s20  }
0x6c5: {  	vm5 =	vcmask $0x2F2C;
	vm7 =	vcmask $0x3330;
	v14 =	vsel vm10, s13, v14;
	s9 =	sadd.s32 s9, s15;
	s15 =	sshrl.u32 s16, $0x1F;
	s16 =	smul.u32 $0x66666667, s24  }
0x6c6: {  	vm14 =	vcmask $0x3734;
	vm6 =	vcmask $0x3B38;
	s20 =	sshrl.u32 s6, $0x1F;
	s6 =	sshra.s32 s6, $0x5;
	s24 =	sshra.s32 s7, $0x1F;
	v14 =	vsel vm12, s25, v14  }
0x6c7: {  	s12 =	smul.u32 $0x66666667, s19;
	s25 =	sshrl.u32 s5, $0x1F;
	s5 =	sshra.s32 s5, $0x5;
	v18 =	vmov s17;
	v20 =	vmov s4;
	v14 =	vsel vm8, s24, v14  }
0x6c8: {  	s13 =	smul.u32 $0x66666667, s23;
	v17 =	vsel vm2, s15, v17;
	v19 =	vmov s20;
	s20 =	sshra.s32 s0, $0x5;
	v21 =	vmov s6;
	s23 =	sshrl.u32 s9, $0x1F  }
0x6c9: {  	v18 =	vsel vm1, s25, v18;
	s25 =	smulhi.u32 $0x66666667, s11;
	v20 =	vsel vm1, s5, v20;
	s9 =	sshra.s32 s9, $0x5;
	s8 =	sadd.s32 s16, s8;
	v17 =	vsel vm9, s2, v17  }
0x6ca: {  	v14 =	vsel vm0, s20, v14;
	v19 =	vsel vm1, s14, v19;
	v21 =	vsel vm1, s1, v21;
	s11 =	sadd.s32 s12, s21;
	s12 =	sshra.s32 s0, $0x1F;
	s5 =	sadd.s32 s13, s31  }
0x6cb: {  	v18 =	vsel vm2, s23, v18;
	v20 =	vsel vm2, s9, v20;
	s0 =	sshrl.u32 s0, $0x1F;
	s24 =	sshrl.u32 s8, $0x1F;
	v17 =	vsel vm12, s30, v17;
	s14 =	sshra.s32 s8, $0x5  }
0x6cc: {  	s3 =	sadd.s32 s3, s25;
	v14 =	vsel vm5, s12, v14;
	s15 =	sshrl.u32 s11, $0x1F;
	s1 =	sshra.s32 s11, $0x5;
	v19 =	vsel vm2, s24, v19;
	v21 =	vsel vm2, s14, v21  }
0x6cd: {  	s18 =	sshra.s32 s5, $0x5;
	s16 =	sshrl.u32 s3, $0x1F;
	v18 =	vsel vm9, s15, v18;
	s17 =	sshra.s32 s3, $0x5;
	v57 =	vsel vm9, s1, v20;
	v17 =	vsel vm0, s0, v17  }
0x6ce: {  	v59 =	vld [tilespmem:$0x1FFF0];
	s19 =	sshrl.u32 s5, $0x1F;
	s20 =	sshra.s32 s5, $0x1F;
	v14 =	vsel vm7, s18, v14;
	v19 =	vsel vm9, s16, v19;
	v58 =	vsel vm9, s17, v21  }
0x6cf: {  	s21 =	sshrl.u32 s26, $0x1F;
	s23 =	sshra.s32 s26, $0x5;
	v17 =	vsel vm7, s19, v17;
	v14 =	vsel vm14, s20, v14;
	v18 =	vcombine.low v19, v18  }
0x6d0: {  	v19 =	vcombine.low v58, v57;
	v17 =	vsel vm6, s21, v17;
	v14 =	vsel vm6, s23, v14  }
0x6d1: {  	v17 =	vperm.xlane v17, v8;
	v14 =	vperm.xlane v14, v8  }
0x6d2: {  	v18 =	vperm.xlane v18, v6;
	v19 =	vperm.xlane v19, v6  }
0x6d3: {  	vm4 =	vnez.u8 v59  }
0x6d4: {  	v17 =	vsel vm4, v17, v18;
	v14 =	vsel vm4, v14, v19  }
0x6d5: {  	v14 =	vadd.s32 v17, v14  }
0x6d6: {  	vm3 =	vgt.s32 v14, $0x0  }
0x6d7: {  	v60 =	vor.u32 $0x1, v13;
	s24 =	sadd.s32 $0x20, s28;
	v17 =	vnsel vm3, $0x0, v14  }
0x6d8: {  	s28 =	simm.s32 $0x11980;
	v61 =	vld [tilespmem:s24+$0x0];
	v17 =	vmin.u32 v17, $0x383  }
0x6d9: {  	s25 =	sadd.s32 $0x20, s22;
	v16 =	vld.idx.msk [tilespmem:v16+s28+$0x0], $0xffff;
	v17 =	vshll.u32 v17, $0x2  }
0x6da: {  	s26 =	sadd.s32 $0x10, s25;
	v15 =	vld.idx.msk [tilespmem:v15+s28+$0x0], $0xffff;
	v62 =	vor.u32 $0x2, v17  }
0x6db: {  	v63 =	vld.idx.msk [tilespmem:v13+s28+$0x0], $0xffff;
	v29 =	vmov s26;
	v22 =	vor.u32 $0x3, v17  }
0x6dc: {  	s30 =	rddreg [dreg:$0x3];
	v21 =	vshll.u32 v29, $0x2;
	v18 =	vld.idx.msk [tilespmem:v60+s28+$0x0], $0xffff  }
0x6dd: {  	s0 =	sadd.s32 $0x20, s30;
	v21 =	vor.u32 v10, v21;
	v23 =	vor.u32 $0x1, v17  }
0x6de: {  	v12 =	vmul.u32 $0xFFFFFFB0, v12;
	v24 =	vld [tilespmem:s24+$0xFFFFFFF0];
	v25 =	vor.u32 $0x1, v21;
	v16 =	vmul.f32 $5.000000000e-01, v16;
	[tilespmem:s0+$0x0] =	vst v61  }
0x6df: {  	v26 =	vor.u32 $0x2, v21;
	v15 =	vmul.f32 $5.000000000e-01, v15;
	s31 =	rddreg [dreg:$0x5];
	v20 =	vld.idx.msk [tilespmem:v62+s28+$0x0], $0xffff  }
0x6e0: {  	v9 =	vadd.s32 v9, v12;
	v27 =	vor.u32 $0x3, v21;
	v30 =	vsub.f32 v63, v16;
	s2 =	sadd.s32 $0x20, s31;
	v31 =	vld.idx.msk [tilespmem:v22+s28+$0x0], $0xffff  }
0x6e1: {  	v32 =	vmov s25;
	[tilespmem:s2+$0x0] =	vst v9;
	v33 =	vsub.f32 v18, v15;
	v17 =	vld.idx.msk [tilespmem:v17+s28+$0x0], $0xffff  }
0x6e2: {  	v35 =	vshll.u32 v32, $0x2;
	v34 =	vadd.f32 v16, v63;
	[tilespmem:v21+s29+$0x0] =	vst.idx.msk $0xffff, v30;
	v36 =	vld.idx.msk [tilespmem:v23+s28+$0x0], $0xffff  }
0x6e3: {  	v13 =	vor.u32 v10, v35;
	v37 =	vadd.f32 v15, v18;
	[tilespmem:v25+s29+$0x0] =	vst.idx.msk $0xffff, v33  }
0x6e4: {  	v38 =	vor.u32 $0x1, v13;
	v14 =	vmul.u32 $0xFFFFFFB0, v14;
	[tilespmem:v26+s29+$0x0] =	vst.idx.msk $0xffff, v34;
	v39 =	vmul.f32 $5.000000000e-01, v20  }
0x6e5: {  	v40 =	vor.u32 $0x2, v13;
	[tilespmem:v27+s29+$0x0] =	vst.idx.msk $0xffff, v37;
	v41 =	vmul.f32 $5.000000000e-01, v31  }
0x6e6: {  	v42 =	vor.u32 $0x3, v13;
	v11 =	vadd.s32 v11, v14;
	[tilespmem:s0+$0xFFFFFFF0] =	vst v24;
	v43 =	vsub.f32 v17, v39  }
0x6e7: {  	[tilespmem:s2+$0xFFFFFFF0] =	vst v11;
	v44 =	vsub.f32 v36, v41  }
0x6e8: {  	v15 =	vadd.f32 v39, v17;
	[tilespmem:v13+s29+$0x0] =	vst.idx.msk $0xffff, v43  }
0x6e9: {  	v45 =	vadd.f32 v41, v36;
	[tilespmem:v38+s29+$0x0] =	vst.idx.msk $0xffff, v44  }
0x6ea: {  	[tilespmem:v40+s29+$0x0] =	vst.idx.msk $0xffff, v15  }
0x6eb: {  	[tilespmem:v42+s29+$0x0] =	vst.idx.msk $0xffff, v45  }
0x6ec: {  	v9 =	vld [tilespmem:$0x15DA0];
	_ =	sdelay $0x4  }
0x6ed: {  	(v2sf) =	vpush v9, $0xD;
	_ =	sdelay $0x1  }
0x6ee: {  	(v2sf) =	vpush v9, $0xC;
	_ =	sdelay $0x1  }
0x6ef: {  	(v2sf) =	vpush v9, $0xE;
	_ =	sdelay $0x1  }
0x6f0: {  	(v2sf) =	vpush v9, $0xF;
	_ =	sdelay $0x1  }
0x6f1: {  	(v2sf) =	vpush v9, $0x9;
	_ =	sdelay $0x1  }
0x6f2: {  	(v2sf) =	vpush v9, $0x8;
	_ =	sdelay $0x1  }
0x6f3: {  	(v2sf) =	vpush v9, $0xA;
	_ =	sdelay $0x1  }
0x6f4: {  	(v2sf) =	vpush v9, $0xB  }
0x6f5: {  	s2 =	spop (v2sf)  }
0x6f6: {  	(v2sf) =	vpush v9, $0x0;
	s3 =	smulhi.u32 $0x66666667, s2;
	s0 =	sshra.s32 s2, $0x1F  }
0x6f7: {  	s4 =	spop (v2sf);
	s0 =	smul.u32 $0x66666667, s0  }
0x6f8: {  	s5 =	smulhi.u32 $0x66666667, s4;
	s2 =	sshra.s32 s4, $0x1F  }
0x6f9: {  	(v2sf) =	vpush v9, $0x1;
	s17 =	spop (v2sf);
	s2 =	smul.u32 $0x66666667, s2  }
0x6fa: {  	s18 =	smulhi.u32 $0x66666667, s17;
	s4 =	sshra.s32 s17, $0x1F  }
0x6fb: {  	(v2sf) =	vpush v9, $0x2;
	s19 =	spop (v2sf);
	s4 =	smul.u32 $0x66666667, s4  }
0x6fc: {  	(v2sf) =	vpush v9, $0x3;
	s8 =	smulhi.u32 $0x66666667, s19;
	s6 =	sshra.s32 s19, $0x1F  }
0x6fd: {  	(v2sf) =	vpush v9, $0x4;
	s20 =	spop (v2sf);
	s6 =	smul.u32 $0x66666667, s6  }
0x6fe: {  	(v2sf) =	vpush v9, $0x5;
	s9 =	smulhi.u32 $0x66666667, s20;
	s7 =	sshra.s32 s20, $0x1F  }
0x6ff: {  	(v2sf) =	vpush v9, $0x6;
	s21 =	spop (v2sf);
	s10 =	smul.u32 $0x66666667, s7  }
0x700: {  	s11 =	smulhi.u32 $0x66666667, s21;
	s7 =	sshra.s32 s21, $0x1F;
	(v2sf) =	vpush v9, $0x7  }
0x701: {  	s22 =	spop (v2sf);
	s13 =	smul.u32 $0x66666667, s7  }
0x702: {  	s14 =	smulhi.u32 $0x66666667, s22;
	s12 =	sshra.s32 s22, $0x1F  }
0x703: {  	s23 =	spop (v2sf);
	s12 =	smul.u32 $0x66666667, s12  }
0x704: {  	s17 =	smulhi.u32 $0x66666667, s23;
	s7 =	sshra.s32 s23, $0x1F  }
0x705: {  	s24 =	spop (v2sf);
	s19 =	smul.u32 $0x66666667, s7  }
0x706: {  	s1 =	sadd.s32 s0, s3;
	s0 =	sadd.s32 s6, s8;
	s21 =	smulhi.u32 $0x66666667, s24  }
0x707: {  	s30 =	sshra.s32 s24, $0x1F;
	s7 =	sadd.s32 s2, s5;
	s2 =	sadd.s32 s4, s18  }
0x708: {  	s8 =	sadd.s32 s13, s11;
	s22 =	smul.u32 $0x66666667, s30;
	s25 =	spop (v2sf)  }
0x709: {  	s4 =	sadd.s32 s12, s14;
	s23 =	smulhi.u32 $0x66666667, s25;
	s31 =	sshra.s32 s25, $0x1F  }
0x70a: {  	s3 =	sadd.s32 s19, s17;
	s26 =	spop (v2sf);
	s24 =	smul.u32 $0x66666667, s31  }
0x70b: {  	s20 =	spop (v2sf);
	s25 =	smulhi.u32 $0x66666667, s26;
	s5 =	sshra.s32 s26, $0x1F  }
0x70c: {  	s15 =	spop (v2sf);
	s6 =	smul.u32 $0x66666667, s5;
	s5 =	sadd.s32 s10, s9  }
0x70d: {  	s9 =	smulhi.u32 $0x66666667, s20;
	s26 =	sshra.s32 s20, $0x1F;
	s16 =	spop (v2sf)  }
0x70e: {  	s10 =	sshrl.u32 s1, $0x1F;
	s30 =	smul.u32 $0x66666667, s26;
	s18 =	spop (v2sf)  }
0x70f: {  	s1 =	sshra.s32 s1, $0x5;
	s31 =	smulhi.u32 $0x66666667, s15;
	s17 =	spop (v2sf)  }
0x710: {  	s15 =	sshra.s32 s15, $0x1F;
	s19 =	smulhi.u32 $0x66666667, s17;
	s14 =	sshra.s32 s17, $0x1F  }
0x711: {  	s20 =	sadd.s32 s24, s23;
	s24 =	sshrl.u32 s2, $0x1F;
	s14 =	smul.u32 $0x66666667, s14  }
0x712: {  	s23 =	sshrl.u32 s0, $0x1F;
	s13 =	smul.u32 $0x66666667, s15;
	s15 =	sadd.s32 s22, s21  }
0x713: {  	s21 =	sshrl.u32 s7, $0x1F;
	s22 =	sadd.s32 s6, s25;
	s6 =	sadd.s32 s14, s19  }
0x714: {  	s25 =	smulhi.u32 $0x66666667, s16;
	s26 =	sshra.s32 s16, $0x1F;
	s14 =	sshra.s32 s6, $0x1F  }
0x715: {  	vm13 =	vcmask $0x300;
	vm3 =	vcmask $0x704;
	s7 =	sshra.s32 s7, $0x5;
	s9 =	sadd.s32 s30, s9;
	s30 =	sshra.s32 s15, $0x5;
	v46 =	vmov s14  }
0x716: {  	v47 =	vmov s21;
	v50 =	vmov s7;
	s11 =	sadd.s32 s13, s31;
	s31 =	sshrl.u32 s15, $0x1F;
	s15 =	sshra.s32 s15, $0x1F;
	v11 =	vsel vm13, s30, v46  }
0x717: {  	s16 =	sshrl.u32 s5, $0x1F;
	s13 =	smul.u32 $0x66666667, s26;
	v12 =	vsel vm1, s10, v47;
	v15 =	vsel vm1, s1, v50;
	s19 =	sshra.s32 s20, $0x5;
	v11 =	vsel vm3, s15, v11  }
0x718: {  	s17 =	sshrl.u32 s8, $0x1F;
	s26 =	sshra.s32 s20, $0x1F;
	v12 =	vsel vm2, s24, v12;
	s24 =	smulhi.u32 $0x66666667, s18;
	vm3 =	vcmask $0xF0C;
	v11 =	vsel vm1, s19, v11  }
0x719: {  	v48 =	vmov s31;
	s31 =	sshra.s32 s22, $0x5;
	v49 =	vmov s17;
	s10 =	sadd.s32 s13, s25;
	s25 =	sshra.s32 s18, $0x1F;
	v11 =	vsel vm3, s26, v11  }
0x71a: {  	v13 =	vnsel vm13, $0x0, v48;
	v12 =	vsel vm9, s23, v12;
	s18 =	sshrl.u32 s4, $0x1F;
	s14 =	sshrl.u32 s20, $0x1F;
	s20 =	sshra.s32 s22, $0x1F;
	v11 =	vsel vm2, s31, v11  }
0x71b: {  	v14 =	vsel vm1, s16, v49;
	s23 =	sshrl.u32 s3, $0x1F;
	v13 =	vsel vm1, s14, v13;
	s30 =	sshrl.u32 s22, $0x1F;
	s22 =	sshra.s32 s9, $0x5;
	v11 =	vsel vm11, s20, v11  }
0x71c: {  	v14 =	vsel vm2, s18, v14;
	s14 =	smul.u32 $0x66666667, s25;
	v13 =	vsel vm2, s30, v13;
	s19 =	sshrl.u32 s9, $0x1F;
	s9 =	sshra.s32 s9, $0x1F;
	v11 =	vsel vm9, s22, v11  }
0x71d: {  	s21 =	sshrl.u32 s11, $0x1F;
	v14 =	vsel vm9, s23, v14;
	s30 =	sshra.s32 s8, $0x5;
	v13 =	vsel vm9, s19, v13;
	s26 =	sshra.s32 s11, $0x5;
	v11 =	vsel vm10, s9, v11  }
0x71e: {  	v12 =	vcombine.low v14, v12;
	s13 =	sadd.s32 s14, s24;
	s24 =	sshrl.u32 s10, $0x1F;
	v13 =	vsel vm12, s21, v13;
	s31 =	sshra.s32 s11, $0x1F;
	v11 =	vsel vm12, s26, v11  }
0x71f: {  	s12 =	sshra.s32 s10, $0x5;
	v51 =	vmov s30;
	s25 =	sshrl.u32 s13, $0x1F;
	s11 =	sshra.s32 s5, $0x5;
	v13 =	vsel vm0, s24, v13;
	v11 =	vsel vm8, s31, v11  }
0x720: {  	s15 =	sshra.s32 s10, $0x1F;
	s14 =	sshra.s32 s4, $0x5;
	v16 =	vsel vm1, s11, v51;
	v13 =	vsel vm7, s25, v13;
	s9 =	sshra.s32 s2, $0x5;
	v11 =	vsel vm0, s12, v11  }
0x721: {  	s0 =	sshra.s32 s0, $0x5;
	s16 =	sshra.s32 s3, $0x5;
	s17 =	sshra.s32 s13, $0x5;
	v16 =	vsel vm2, s14, v16;
	v15 =	vsel vm2, s9, v15;
	v11 =	vsel vm5, s15, v11  }
0x722: {  	s18 =	sshrl.u32 s6, $0x1F;
	s19 =	sshra.s32 s13, $0x1F;
	v16 =	vsel vm9, s16, v16;
	v15 =	vsel vm9, s0, v15;
	v11 =	vsel vm7, s17, v11  }
0x723: {  	s20 =	sshra.s32 s6, $0x5;
	v13 =	vsel vm6, s18, v13;
	v52 =	vcombine.low v16, v15;
	v11 =	vsel vm14, s19, v11  }
0x724: {  	v12 =	vperm.xlane v12, v6;
	v13 =	vperm.xlane v13, v8;
	v11 =	vsel vm6, s20, v11  }
0x725: {  	v14 =	vperm.xlane v52, v6;
	v8 =	vperm.xlane v11, v8;
	_ =	sdelay $0x1  }
0x726: {  	v53 =	vsel vm4, v13, v12;
	v8 =	vsel vm4, v8, v14  }
0x727: {  	v8 =	vadd.s32 v53, v8  }
0x728: {  	vm3 =	vgt.s32 v8, $0x0  }
0x729: {  	v11 =	vnsel vm3, $0x0, v8  }
0x72a: {  	v11 =	vmin.u32 v11, $0x383  }
0x72b: {  	v11 =	vshll.u32 v11, $0x2  }
0x72c: {  	v54 =	vor.u32 $0x2, v11  }
0x72d: {  	v55 =	vor.u32 $0x3, v11;
	_ =	sdelay $0x1  }
0x72e: {  	v56 =	vor.u32 $0x1, v11  }
0x72f: {  	v57 =	vld [tilespmem:$0x15B20]  }
0x730: {  	v12 =	vld.idx.msk [tilespmem:v54+s28+$0x0], $0xffff  }
0x731: {  	v13 =	vld.idx.msk [tilespmem:v55+s28+$0x0], $0xffff  }
0x732: {  	v11 =	vld.idx.msk [tilespmem:v11+s28+$0x0], $0xffff  }
0x733: {  	v14 =	vld.idx.msk [tilespmem:v56+s28+$0x0], $0xffff  }
0x734: {  	v58 =	vor.u32 $0x480, v10  }
0x735: {  	v59 =	vor.u32 $0x481, v10;
	v8 =	vmul.u32 $0xFFFFFFB0, v8;
	v12 =	vmul.f32 $5.000000000e-01, v12  }
0x736: {  	v60 =	vor.u32 $0x482, v10;
	s21 =	sld [smem:$0x7FA];
	v13 =	vmul.f32 $5.000000000e-01, v13  }
0x737: {  	v62 =	vor.u32 $0x483, v10;
	s22 =	sld [smem:$0x7F6];
	v8 =	vadd.s32 v9, v8;
	[tilespmem:$0x16BA0] =	vst v57;
	v61 =	vsub.f32 v11, v12  }
0x738: {  	[tilespmem:$0x16520] =	vst v8;
	v8 =	vsub.f32 v14, v13  }
0x739: {  	v63 =	vadd.f32 v12, v11;
	[tilespmem:v58+s29+$0x0] =	vst.idx.msk $0xffff, v61  }
0x73a: {  	s23 =	rddreg [dreg:$0x1];
	s0 =	sor.u32 s21, s22;
	[tilespmem:v59+s29+$0x0] =	vst.idx.msk $0xffff, v8;
	v8 =	vadd.f32 v13, v14  }
0x73b: {  	s4 =	simm.s32 $0x400;
	s5 =	simm.s32 $0x1;
	s0 =	sshrl.u32 s0, $0x3;
	[tilespmem:v60+s29+$0x0] =	vst.idx.msk $0xffff, v63  }
0x73c: {  	s24 =	simm.s32 $0x80;
	s25 =	simm.s32 $0x16400;
	s1 =	sadd.s32 s23, s0;
	[tilespmem:v62+s29+$0x0] =	vst.idx.msk $0xffff, v8  }
0x73d: {  	[hbm4b:s1+s24] =	stream.strided.scatter [tilespmem:s25], [sflag:$0x1], $0x180, s4, s24, $0x38;
	[tilespmem:$0x16C00] =	vst v63  }
0x73e: {  	_ =	swait.ge [sflag:s5], $0x180  }
0x73f: {  	s26 =	sld [smem:$0x7FC];
	_ =	sdelay $0x1  }
0x740: {  	s28 =	sld [smem:$0x7F9]  }
0x741: {  	s1 =	sor.u32 s26, s22  }
0x742: {  	[sflag:s5] =	ssyncset.done $0x0;
	s1 =	sshrl.u32 s1, $0x3  }
0x743: {  	[sflag:s5] =	ssyncadd.s32 $0xFFFFFE80;
	s1 =	sadd.s32 s28, s1  }
0x744: {  	[hbm4b:s1+s24] =	stream.strided.scatter [tilespmem:s29], [sflag:$0x1], $0x500, s4, s24, $0x38;
	[tilespmem:$0x16C00] =	vst v63  }
0x745: {  	_ =	swait.ge [sflag:s5], $0x500  }
0x746: {  	s29 =	sld [smem:$0x7FB];
	_ =	sdelay $0x1  }
0x747: {  	[sflag:s5] =	ssyncset.done $0x0  }
0x748: {  	s30 =	simm.s32 $0x16A80;
	[sflag:s5] =	ssyncadd.s32 $0xFFFFFB00;
	s0 =	sadd.s32 s29, s0  }
0x749: {  	[hbm4b:s0+s24] =	stream.strided.scatter [tilespmem:s30], [sflag:$0x1], $0x180, s4, s24, $0x38;
	[tilespmem:$0x16C00] =	vst v63  }
0x74a: {  	_ =	swait.ge [sflag:s5], $0x180  }
0x74b: {  	s31 =	sld [smem:$0x7F5];
	_ =	sdelay $0x2  }
0x74c: {  	s1 =	sadd.s32 $0x1, s31  }
0x74d: {  	p0 =	sne.s32 s1, $0x4  }
.Ltmp86:
0x74e: {  	_ = 	snop;
	(pc) =	sbr.rel @p0 .LBB2_2-.Ltmp86, $4  }
.Ltmp87:
0x74f: {  	s10 =	simm.s32 $0x0;
	(pc) =	sbr.rel @!p0 .LBB2_136-.Ltmp87, $4  }
0x750: {  	s6 =	simm.s32 $0x11980;
	s11 =	simm.s32 $0x12800;
	s14 =	simm.s32 $0x13800  }
0x751: {  	s16 =	simm.s32 $0x16180;
	s18 =	simm.s32 $0x15C80;
	[sflag:s5] =	ssyncset.done $0x0  }
0x752: {  	s15 =	simm.s32 $0x15F00;
	vm5 =	vmmov vm12;
	s17 =	simm.s32 $0x15A00;
	vm6 =	vmmov vm2;
	[sflag:s5] =	ssyncadd.s32 $0xFFFFFE80  }
0x753: {  	_ = 	snop  }
.LBB2_20:
.Ltmp88:
0x754: {  	(pc) =	sbr.rel .LBB2_51-.Ltmp88, $2  }
0x755: {  	_ =	sdelay $0x2  }
0x756: {  	s2 =	simm.s32 $0x13920  }
.LBB2_55:
.Ltmp89:
0x757: {  	_ = 	snop;
	(pc) =	sbr.rel .LBB2_62-.Ltmp89, $2  }
0x758: {  	_ =	sdelay $0x2  }
0x759: {  	s5 =	simm.s32 $0x0;
	s6 =	simm.s32 $0x149A0;
	v16 =	vmov v17  }
.LBB2_46:
.Ltmp90:
0x75a: {  	(pc) =	sbr.rel .LBB2_75-.Ltmp90, $2  }
0x75b: {  	_ =	sdelay $0x2  }
0x75c: {  	s4 =	simm.s32 $0x15A10;
	v8 =	vmov v12  }
.LBB2_113:
.Ltmp91:
0x75d: {  	(pc) =	sbr.rel .LBB2_126-.Ltmp91, $2  }
0x75e: {  	_ =	sdelay $0x2  }
0x75f: {  	s5 =	simm.s32 $0xFF;
	s7 =	simm.s32 $0x0;
	s6 =	simm.s32 $0x0  }
.LBB2_48:
.Ltmp92:
0x760: {  	(pc) =	sbr.rel .LBB2_51-.Ltmp92, $2  }
0x761: {  	_ =	sdelay $0x2  }
0x762: {  	s2 =	simm.s32 $0x13920;
	vm13 =	vmmov vm9;
	vm14 =	vcmask $0x704;
	vm12 =	vcmask $0xF0C  }
.LBB2_57:
.Ltmp93:
0x763: {  	_ = 	snop;
	(pc) =	sbr.rel .LBB2_62-.Ltmp93, $3  }
0x764: {  	_ =	sdelay $0x1  }
0x765: {  	v27 =	vmov v18;
	v21 =	vmov v14  }
0x766: {  	v22 =	vmovc v11;
	s6 =	simm.s32 $0x149A0;
	v18 =	vmovc v10;
	v14 =	vmov v12;
	v11 =	vmov v13;
	v16 =	vmov v15  }
.LBB2_64:
.Ltmp94:
0x767: {  	(pc) =	sbr.rel .LBB2_75-.Ltmp94, $2  }
0x768: {  	_ =	sdelay $0x2  }
0x769: {  	s4 =	simm.s32 $0x15A30;
	s7 =	simm.s32 $0x15A10  }
.LBB2_115:
.Ltmp95:
0x76a: {  	(pc) =	sbr.rel .LBB2_126-.Ltmp95, $2  }
0x76b: {  	_ =	sdelay $0x2  }
0x76c: {  	s5 =	simm.s32 $0xFF;
	s7 =	simm.s32 $0x0  }
.LBB2_59:
.Ltmp96:
0x76d: {  	(pc) =	sbr.rel .LBB2_62-.Ltmp96, $3  }
0x76e: {  	_ =	sdelay $0x1  }
0x76f: {  	v27 =	vmov v10;
	v18 =	vmov v21  }
0x770: {  	v21 =	vmovc v12;
	v14 =	vmovc v22;
	v22 =	vmov v13;
	v11 =	vmov v24;
	v17 =	vmov v15  }
.LBB2_66:
.Ltmp97:
0x771: {  	(pc) =	sbr.rel .LBB2_75-.Ltmp97, $2  }
0x772: {  	_ =	sdelay $0x2  }
0x773: {  	s4 =	simm.s32 $0x15A50;
	v8 =	vmov v12;
	s11 =	simm.s32 $0x15A10;
	s7 =	simm.s32 $0x15A30  }
.LBB2_117:
.Ltmp98:
0x774: {  	(pc) =	sbr.rel .LBB2_126-.Ltmp98, $2  }
0x775: {  	_ =	sdelay $0x2  }
0x776: {  	s5 =	simm.s32 $0xFF;
	s7 =	simm.s32 $0x0;
	s6 =	simm.s32 $0x20  }
.LBB2_68:
.Ltmp99:
0x777: {  	(pc) =	sbr.rel .LBB2_75-.Ltmp99, $3  }
0x778: {  	_ =	sdelay $0x1  }
0x779: {  	s4 =	simm.s32 $0x15A70  }
0x77a: {  	v16 =	vmov v12;
	s9 =	simm.s32 $0x15A10;
	s11 =	simm.s32 $0x15A30;
	s7 =	simm.s32 $0x15A50  }
.LBB2_119:
.Ltmp100:
0x77b: {  	(pc) =	sbr.rel .LBB2_126-.Ltmp100, $2  }
0x77c: {  	_ =	sdelay $0x2  }
0x77d: {  	s5 =	simm.s32 $0xFF;
	s7 =	simm.s32 $0x0;
	s6 =	simm.s32 $0x30  }
.LBB2_70:
.Ltmp101:
0x77e: {  	(pc) =	sbr.rel .LBB2_75-.Ltmp101, $3  }
0x77f: {  	_ =	sdelay $0x1  }
0x780: {  	s4 =	simm.s32 $0x15A90  }
0x781: {  	v13 =	vmov v14;
	v16 =	vmov v15;
	v8 =	vmov v17;
	s2 =	simm.s32 $0x15A10;
	s9 =	simm.s32 $0x15A30;
	s11 =	simm.s32 $0x15A50  }
.LBB2_121:
.Ltmp102:
0x782: {  	(pc) =	sbr.rel .LBB2_126-.Ltmp102, $2  }
0x783: {  	_ =	sdelay $0x2  }
0x784: {  	v12 =	vmov v11;
	s5 =	simm.s32 $0xFF;
	s7 =	simm.s32 $0x0  }
.LBB2_72:
.Ltmp103:
0x785: {  	(pc) =	sbr.rel .LBB2_75-.Ltmp103, $3  }
0x786: {  	_ =	sdelay $0x1  }
0x787: {  	s8 =	simm.s32 $0x15A10;
	s2 =	simm.s32 $0x15A30  }
0x788: {  	s9 =	simm.s32 $0x15A50;
	s11 =	simm.s32 $0x15A70;
	s7 =	simm.s32 $0x15A90  }
.LBB2_123:
.Ltmp104:
0x789: {  	(pc) =	sbr.rel .LBB2_126-.Ltmp104, $2  }
0x78a: {  	_ =	sdelay $0x2  }
0x78b: {  	s5 =	simm.s32 $0xFF;
	s7 =	simm.s32 $0x0;
	s6 =	simm.s32 $0x50  }
.LBB2_129:
.Ltmp105:
0x78c: {  	(pc) =	sbr.rel .LBB2_141-.Ltmp105, $2  }
0x78d: {  	_ =	sdelay $0x2  }
0x78e: {  	s4 =	simm.s32 $0x15CA0  }
.LBB2_139:
.Ltmp106:
0x78f: {  	(pc) =	sbr.rel .LBB2_141-.Ltmp106, $2  }
0x790: {  	_ =	sdelay $0x2  }
0x791: {  	s4 =	simm.s32 $0x15CA0  }
.LBB2_137:
0x792: {  	_ =	sfence.sel $0x180000  }
0x793: {  	[bflag:$0x0] =	sbarrier.arrive $0xFFFF  }
0x794: {  	_ =	strace $0x90000047  }
0x795: {  	s0 =	stileid.u32;
	[bflag:$0x2] =	sbarrier.arrive $0xFFFF  }
0x796: {  	p0 =	sne.s32 s0, $0x0;
	s0 =	rddreg [dreg:$0x2]  }
0x797: {  	s0 =	sadd.s32 @!p0 $0x100000, s0  }
0x798: {  	[sflag:s0] =	ssyncadd.tile.s32 @!p0 $0x1;
	_ =	shalt  }
.Lfunc_end2:
_tile_overlayer_lowered:
.L_overlay_start_2:
0x799: {  	(tag) =	ssettag $0x2  }
0x79a: {  	s0 =	rddreg [dreg:$0x0];
	s2 =	stileid.u32  }
0x79b: {  	s1 =	rddreg [dreg:$0x1];
	p0 =	sne.s32 s2, $0x0  }
0x79c: {  	s3 =	rddreg [dreg:$0x2];
	[bflag:$0x3] =	sbarrier.arrive $0xFFFF;
	s2 =	simm.s32 @!p0 $0x1C01  }
0x79d: {  	[timem:s3], [sflag:s2] =	dma.local @!p0 [hbm:s0], s1  }
0x79e: {  	s0 =	simm.s32 @!p0 $0x1  }
0x79f: {  	_ =	swait.ge @!p0 [sflag:s0], s1  }
0x7a0: {  	s1 =	ssub.s32 @!p0 $0x0, s1;
	[sflag:s0] =	ssyncset.done @!p0 $0x0  }
0x7a1: {  	[sflag:s0] =	ssyncadd.s32 @!p0 s1  }
0x7a2: {  	[bflag:$0x3] =	sbarrier.arrive $0xFFFF  }
0x7a3: {  	_ =	shalt  }

</sc_bundles>
